<compile_context>
chip_gen: v7x
topology: tpu7x:2x2x1
jax: 0.10.2.dev20260603
libtpu: 0.0.44.dev20260713+nightly
codegen_flags: <defaults>
</compile_context>

<pallas_src>
import functools

import jax
import jax.numpy as jnp
from jax.experimental import pallas as pl
from jax.experimental.pallas import tpu as pltpu
from jax.experimental.pallas import tpu_sc as plsc

N_NODES = 10000
N_EDGES = 320000
D_IN = 128
D_HID = 256
D_OUT = 64

NSUB = 16
CHUNK = 80
IDX_BLK = 25
N_CHUNKS = N_EDGES // CHUNK
N_BLKS = N_CHUNKS // IDX_BLK
N_PAD = 10240
ROWS_PER_SUB = N_PAD // NSUB
ZROWS = 32


def _fill(ref, nrows, ncols, value):
    @pl.loop(0, nrows)
    def _(r):
        @pl.loop(0, ncols, step=16)
        def _(cc):
            ref[r, pl.ds(cc, 16)] = jnp.full((16,), value, jnp.float32)


def _zero_share(zbuf, acc, sid):
    for b in range(ROWS_PER_SUB // ZROWS):
        pltpu.sync_copy(zbuf, acc.at[pl.ds(sid * ROWS_PER_SUB + b * ZROWS,
                                           ZROWS)])


def _edge_pipeline(x_hbm, srcv, dstv, rows_a, rows_b, acc, gsem, ssem):
    pltpu.async_copy(x_hbm.at[srcv.at[0]], rows_a, gsem)

    @pl.loop(0, IDX_BLK // 2)
    def _(p):
        j0 = 2 * p
        pltpu.make_async_copy(x_hbm.at[srcv.at[0]], rows_a, gsem).wait()

        @pl.when(p > 0)
        def _():
            pltpu.make_async_copy(rows_b, acc.at[dstv.at[0]], ssem).wait()

        hg_b = pltpu.async_copy(x_hbm.at[srcv.at[j0 + 1]], rows_b, gsem)
        hs_a = pltpu.async_copy(rows_a, acc.at[dstv.at[j0]], ssem, add=True)
        hg_b.wait()
        hs_a.wait()
        pltpu.async_copy(x_hbm.at[srcv.at[j0 + 2]], rows_a, gsem)
        pltpu.async_copy(rows_b, acc.at[dstv.at[j0 + 1]], ssem, add=True)

    pltpu.make_async_copy(x_hbm.at[srcv.at[0]], rows_a, gsem).wait()
    pltpu.make_async_copy(rows_b, acc.at[dstv.at[0]], ssem).wait()
    pltpu.sync_copy(rows_a, acc.at[dstv.at[IDX_BLK - 1]], add=True)


def _make_segsum1():
    mesh = plsc.VectorSubcoreMesh(core_axis_name="c", subcore_axis_name="s")
    blk_per_core = N_BLKS // 2
    n_outer = blk_per_core // NSUB

    out_type = (jax.ShapeDtypeStruct((N_PAD, D_IN), jnp.float32),
                jax.ShapeDtypeStruct((N_PAD, D_IN), jnp.float32),
                jax.ShapeDtypeStruct((N_PAD, D_IN), jnp.float32),
                jax.ShapeDtypeStruct((N_PAD, D_IN), jnp.float32))
    scratch = [
        pltpu.VMEM((IDX_BLK, CHUNK), jnp.int32),
        pltpu.VMEM((IDX_BLK, CHUNK), jnp.int32),
        pltpu.VMEM((CHUNK, D_IN), jnp.float32),
        pltpu.VMEM((CHUNK, D_IN), jnp.float32),
        pltpu.VMEM((ZROWS, D_IN), jnp.float32),
        pltpu.VMEM_SHARED((N_PAD, D_IN), jnp.float32),
        pltpu.SemaphoreType.DMA,
        pltpu.SemaphoreType.DMA,
    ]

    @functools.partial(pl.kernel, mesh=mesh, out_type=out_type,
                       scratch_types=scratch)
    def seg_kernel(src_hbm, dst_hbm, x_hbm, oa, ob, da, db,
                   srcv, dstv, rows_a, rows_b, zbuf, acc, gsem, ssem):
        cid = jax.lax.axis_index("c")
        sid = jax.lax.axis_index("s")

        _fill(zbuf, ZROWS, D_IN, 0.0)
        _fill(rows_a, CHUNK, D_IN, 1.0)
        _zero_share(zbuf, acc, sid)
        plsc.subcore_barrier()

        rs = pl.ds(sid * ROWS_PER_SUB, ROWS_PER_SUB)

        @pl.loop(0, n_outer)
        def _(t):
            blk = cid * blk_per_core + sid * n_outer + t
            pltpu.sync_copy(dst_hbm.at[blk], dstv)

            @pl.loop(0, IDX_BLK)
            def _(j):
                pltpu.async_copy(rows_a, acc.at[dstv.at[j]], ssem, add=True)

            @pl.loop(0, IDX_BLK)
            def _(j):
                pltpu.make_async_copy(rows_a, acc.at[dstv.at[0]],
                                      ssem).wait()

        plsc.subcore_barrier()

        @pl.when(cid == 0)
        def _():
            pltpu.sync_copy(acc.at[rs], da.at[rs])

        @pl.when(cid == 1)
        def _():
            pltpu.sync_copy(acc.at[rs], db.at[rs])

        plsc.subcore_barrier()
        _zero_share(zbuf, acc, sid)
        plsc.subcore_barrier()

        @pl.loop(0, n_outer)
        def _(t):
            blk = cid * blk_per_core + sid * n_outer + t
            pltpu.sync_copy(src_hbm.at[blk], srcv)
            pltpu.sync_copy(dst_hbm.at[blk], dstv)
            _edge_pipeline(x_hbm, srcv, dstv, rows_a, rows_b, acc,
                           gsem, ssem)

        plsc.subcore_barrier()

        @pl.when(cid == 0)
        def _():
            pltpu.sync_copy(acc.at[rs], oa.at[rs])

        @pl.when(cid == 1)
        def _():
            pltpu.sync_copy(acc.at[rs], ob.at[rs])

    return seg_kernel


def _make_segsum2():
    mesh = plsc.VectorSubcoreMesh(core_axis_name="c", subcore_axis_name="s")
    dh = D_HID // 2
    n_outer = N_BLKS // NSUB

    out_type = (jax.ShapeDtypeStruct((N_PAD, dh), jnp.float32),
                jax.ShapeDtypeStruct((N_PAD, dh), jnp.float32))
    scratch = [
        pltpu.VMEM((IDX_BLK, CHUNK), jnp.int32),
        pltpu.VMEM((IDX_BLK, CHUNK), jnp.int32),
        pltpu.VMEM((CHUNK, dh), jnp.float32),
        pltpu.VMEM((CHUNK, dh), jnp.float32),
        pltpu.VMEM((ZROWS, dh), jnp.float32),
        pltpu.VMEM_SHARED((N_PAD, dh), jnp.float32),
        pltpu.SemaphoreType.DMA,
        pltpu.SemaphoreType.DMA,
    ]

    @functools.partial(pl.kernel, mesh=mesh, out_type=out_type,
                       scratch_types=scratch)
    def seg_kernel(src_hbm, dst_hbm, hlo_hbm, hhi_hbm, olo, ohi,
                   srcv, dstv, rows_a, rows_b, zbuf, acc, gsem, ssem):
        cid = jax.lax.axis_index("c")
        sid = jax.lax.axis_index("s")

        _fill(zbuf, ZROWS, dh, 0.0)
        _zero_share(zbuf, acc, sid)
        plsc.subcore_barrier()

        @pl.loop(0, n_outer)
        def _(t):
            blk = sid * n_outer + t
            pltpu.sync_copy(src_hbm.at[blk], srcv)
            pltpu.sync_copy(dst_hbm.at[blk], dstv)

            @pl.when(cid == 0)
            def _():
                _edge_pipeline(hlo_hbm, srcv, dstv, rows_a, rows_b, acc,
                               gsem, ssem)

            @pl.when(cid == 1)
            def _():
                _edge_pipeline(hhi_hbm, srcv, dstv, rows_a, rows_b, acc,
                               gsem, ssem)

        plsc.subcore_barrier()

        rs = pl.ds(sid * ROWS_PER_SUB, ROWS_PER_SUB)

        @pl.when(cid == 0)
        def _():
            pltpu.sync_copy(acc.at[rs], olo.at[rs])

        @pl.when(cid == 1)
        def _():
            pltpu.sync_copy(acc.at[rs], ohi.at[rs])

    return seg_kernel


_segsum1 = _make_segsum1()
_segsum2 = _make_segsum2()

_TC_BLK = 1000


def _sage1(agg_a, agg_b, dega, degb, x, wl, wr, bl):
    def body(aa, ab, da, db, xr, wll, wrr, b, out):
        deg = jnp.maximum(da[...][:, :1] + db[...][:, :1], 1.0)
        h = jnp.dot((aa[...] + ab[...]) / deg, wll[...],
                    preferred_element_type=jnp.float32)
        h = h + jnp.dot(xr[...], wrr[...], preferred_element_type=jnp.float32)
        h = jnp.maximum(h + b[...], 0.0)
        out[0] = h[:, :D_HID // 2]
        out[1] = h[:, D_HID // 2:]

    return pl.pallas_call(
        body,
        grid=(N_NODES // _TC_BLK,),
        in_specs=[
            pl.BlockSpec((_TC_BLK, D_IN), lambda i: (i, 0)),
            pl.BlockSpec((_TC_BLK, D_IN), lambda i: (i, 0)),
            pl.BlockSpec((_TC_BLK, 128), lambda i: (i, 0)),
            pl.BlockSpec((_TC_BLK, 128), lambda i: (i, 0)),
            pl.BlockSpec((_TC_BLK, D_IN), lambda i: (i, 0)),
            pl.BlockSpec((D_IN, D_HID), lambda i: (0, 0)),
            pl.BlockSpec((D_IN, D_HID), lambda i: (0, 0)),
            pl.BlockSpec((1, D_HID), lambda i: (0, 0)),
        ],
        out_specs=pl.BlockSpec((2, _TC_BLK, D_HID // 2), lambda i: (0, i, 0)),
        out_shape=jax.ShapeDtypeStruct((2, N_NODES, D_HID // 2), jnp.float32),
    )(agg_a, agg_b, dega, degb, x, wl, wr, bl)


def _sage2_final(a2lo, a2hi, dega, degb, h1lo, h1hi,
                 wla, wlb, wra, wrb, bl, wf, bf):
    def body(alo, ahi, da, db, hlo, hhi, wa, wb, wr1, wr2, b, wff, bff, out):
        deg = jnp.maximum(da[...][:, :1] + db[...][:, :1], 1.0)
        h = jnp.dot(alo[...] / deg, wa[...], preferred_element_type=jnp.float32)
        h = h + jnp.dot(ahi[...] / deg, wb[...],
                        preferred_element_type=jnp.float32)
        h = h + jnp.dot(hlo[...], wr1[...], preferred_element_type=jnp.float32)
        h = h + jnp.dot(hhi[...], wr2[...], preferred_element_type=jnp.float32)
        h = jnp.maximum(h + b[...], 0.0)
        o = jnp.dot(h, wff[...], preferred_element_type=jnp.float32) + bff[...]
        s = o - jnp.max(o, axis=1, keepdims=True)
        out[...] = s - jnp.log(jnp.sum(jnp.exp(s), axis=1, keepdims=True))

    half = D_HID // 2
    return pl.pallas_call(
        body,
        grid=(N_NODES // _TC_BLK,),
        in_specs=[
            pl.BlockSpec((_TC_BLK, half), lambda i: (i, 0)),
            pl.BlockSpec((_TC_BLK, half), lambda i: (i, 0)),
            pl.BlockSpec((_TC_BLK, 128), lambda i: (i, 0)),
            pl.BlockSpec((_TC_BLK, 128), lambda i: (i, 0)),
            pl.BlockSpec((_TC_BLK, half), lambda i: (i, 0)),
            pl.BlockSpec((_TC_BLK, half), lambda i: (i, 0)),
            pl.BlockSpec((half, D_HID), lambda i: (0, 0)),
            pl.BlockSpec((half, D_HID), lambda i: (0, 0)),
            pl.BlockSpec((half, D_HID), lambda i: (0, 0)),
            pl.BlockSpec((half, D_HID), lambda i: (0, 0)),
            pl.BlockSpec((1, D_HID), lambda i: (0, 0)),
            pl.BlockSpec((D_HID, D_OUT), lambda i: (0, 0)),
            pl.BlockSpec((1, D_OUT), lambda i: (0, 0)),
        ],
        out_specs=pl.BlockSpec((_TC_BLK, D_OUT), lambda i: (i, 0)),
        out_shape=jax.ShapeDtypeStruct((N_NODES, D_OUT), jnp.float32),
    )(a2lo, a2hi, dega, degb, h1lo, h1hi, wla, wlb, wra, wrb, bl, wf, bf)


def kernel(x, edge_index, Wl1, bl1, Wr1, Wl2, bl2, Wr2, Wf, bf):
    src3 = edge_index[0].astype(jnp.int32).reshape(N_BLKS, IDX_BLK, CHUNK)
    dst3 = edge_index[1].astype(jnp.int32).reshape(N_BLKS, IDX_BLK, CHUNK)

    a1a, a1b, dega, degb = _segsum1(src3, dst3, x)
    h13 = _sage1(a1a, a1b, dega, degb, x, Wl1.T, Wr1.T, bl1.reshape(1, -1))
    a2lo, a2hi = _segsum2(src3, dst3, h13[0], h13[1])
    out = _sage2_final(a2lo, a2hi, dega, degb, h13[0], h13[1],
                       Wl2.T[:D_HID // 2], Wl2.T[D_HID // 2:],
                       Wr2.T[:D_HID // 2], Wr2.T[D_HID // 2:],
                       bl2.reshape(1, -1), Wf.T, bf.reshape(1, -1))
    return out

# --- scband reference (transcript-rebuilt; emitter-appended) ---
"""Pipeline reference for scband-base-gnn-75239237091329 (READ-ONLY COPY).

The authoritative reference and input builder live on the scoring server;
editing this copy changes nothing except your own understanding.
"""

import jax, jax.numpy as jnp
import numpy as np

N_NODES = 10000
N_EDGES = 320000
D_IN = 128
D_HID = 256
D_OUT = 64

def _sage_conv(x, edge_index, Wl, bl, Wr):
    # PyG SAGEConv (mean aggregation): out = lin_l(mean_{j->i} x_j) + lin_r(x_i)
    src = edge_index[0]
    dst = edge_index[1]
    msg = jnp.take(x, src, axis=0)
    agg = jax.ops.segment_sum(msg, dst, num_segments=N_NODES)
    deg = jax.ops.segment_sum(jnp.ones((msg.shape[0],), dtype=x.dtype), dst, num_segments=N_NODES)
    deg = jnp.maximum(deg, 1.0)
    agg = agg / deg[:, None]
    return agg @ Wl.T + bl + x @ Wr.T

def setup_inputs(seed: int = 0) -> dict:
    key = jax.random.key(seed)
    ks = jax.random.split(key, 10)
    x = jax.random.normal(ks[0], (N_NODES, D_IN), dtype=jnp.float32)
    edge_index = jax.random.randint(ks[1], (2, N_EDGES), 0, N_NODES, dtype=jnp.int64)
    s1 = 1.0 / np.sqrt(D_IN)
    s2 = 1.0 / np.sqrt(D_HID)
    Wl1 = jax.random.uniform(ks[2], (D_HID, D_IN), jnp.float32, -s1, s1)
    bl1 = jax.random.uniform(ks[3], (D_HID,), jnp.float32, -s1, s1)
    Wr1 = jax.random.uniform(ks[4], (D_HID, D_IN), jnp.float32, -s1, s1)
    Wl2 = jax.random.uniform(ks[5], (D_HID, D_HID), jnp.float32, -s2, s2)
    bl2 = jax.random.uniform(ks[6], (D_HID,), jnp.float32, -s2, s2)
    Wr2 = jax.random.uniform(ks[7], (D_HID, D_HID), jnp.float32, -s2, s2)
    Wf = jax.random.uniform(ks[8], (D_OUT, D_HID), jnp.float32, -s2, s2)
    bf = jax.random.uniform(ks[9], (D_OUT,), jnp.float32, -s2, s2)
    return {"x": x, "edge_index": edge_index, "Wl1": Wl1, "bl1": bl1, "Wr1": Wr1,
            "Wl2": Wl2, "bl2": bl2, "Wr2": Wr2, "Wf": Wf, "bf": bf}

def reference(x, edge_index, Wl1, bl1, Wr1, Wl2, bl2, Wr2, Wf, bf):
    # BaseGNN.forward with dropout=0.0 (no-op), linear=True
    h = x.astype(jnp.float32)
    h = _sage_conv(h, edge_index, Wl1, bl1, Wr1)
    h = jax.nn.relu(h)
    h = _sage_conv(h, edge_index, Wl2, bl2, Wr2)
    h = jax.nn.relu(h)
    h = h @ Wf.T + bf
    return jax.nn.log_softmax(h, axis=1)

if __name__ == "__main__":
    import jax
    _d = setup_inputs()
    print(jax.jit(kernel)(*tuple(_d.values())))

</pallas_src>

<mosaic_0001>
#map = affine_map<(d0, d1) -> (0, 0, 0)>
#map1 = affine_map<(d0, d1) -> (0, 0)>
module attributes {stable_mosaic.version = 14 : i64} {
  func.func @seg_kernel(%arg0: i32, %arg1: i32, %arg2: memref<160x25x80xi32, #tpu.memory_space<hbm>>, %arg3: memref<160x25x80xi32, #tpu.memory_space<hbm>>, %arg4: memref<10000x128xf32, #tpu.memory_space<hbm>>, %arg5: memref<10000x128xf32, #tpu.memory_space<hbm>>, %arg6: memref<10240x128xf32, #tpu.memory_space<hbm>>, %arg7: memref<10240x128xf32, #tpu.memory_space<hbm>>, %arg8: memref<25x80xi32, #tpu.memory_space<vmem>>, %arg9: memref<25x80xi32, #tpu.memory_space<vmem>>, %arg10: memref<80x128xf32, #tpu.memory_space<vmem>>, %arg11: memref<80x128xf32, #tpu.memory_space<vmem>>, %arg12: memref<32x128xf32, #tpu.memory_space<vmem>>, %arg13: memref<10240x128xf32, #tpu.memory_space<vmem_shared>>, %arg14: memref<!tpu.dma_semaphore, #tpu.memory_space<semaphore_mem>>, %arg15: memref<!tpu.dma_semaphore, #tpu.memory_space<semaphore_mem>>) attributes {dimension_semantics = [#tpu.dimension_semantics<core_parallel>, #tpu.dimension_semantics<subcore_parallel>], iteration_bounds = array<i64: 2, 16>, scalar_prefetch = 0 : i64, scratch_operands = 8 : i64, tpu.core_type = #tpu.core_type<sc_vector_subcore>, window_params = [{transform_indices = #map}, {transform_indices = #map}, {transform_indices = #map1}, {transform_indices = #map1}, {transform_indices = #map1}, {transform_indices = #map1}]} {
    %scan3A = arith.constant 0 : i32
    %scan3A_0 = arith.constant 32 : i32
    %scan3A_1 = arith.addi %scan3A, %scan3A_0 : i32
    %scan3A_2 = arith.constant 1 : i32
    scf.for %scan3A_97 = %scan3A to %scan3A_1 step %scan3A_2  : i32 {
      %mul3A_98 = arith.constant 1 : i32
      %mul3A_99 = arith.muli %scan3A_97, %mul3A_98 : i32
      %add3A_100 = arith.constant 0 : i32
      %add3A_101 = arith.addi %add3A_100, %mul3A_99 : i32
      %scan3A_102 = arith.constant 0 : i32
      %scan3A_103 = arith.constant 8 : i32
      %scan3A_104 = arith.addi %scan3A_102, %scan3A_103 : i32
      %scan3A_105 = arith.constant 1 : i32
      scf.for %scan3A_107 = %scan3A_102 to %scan3A_104 step %scan3A_105  : i32 {
        %mul3A_108 = arith.constant 16 : i32
        %mul3A_109 = arith.muli %scan3A_107, %mul3A_108 : i32
        %add3A_110 = arith.constant 0 : i32
        %add3A_111 = arith.addi %add3A_110, %mul3A_109 : i32
        %broadcast_in_dim3A = arith.constant 0.000000e+00 : f32
        %broadcast_in_dim3A_112 = vector.broadcast %broadcast_in_dim3A : f32 to vector<16xf32>
        %swap3A = arith.index_cast %add3A_101 : i32 to index
        %swap3A_113 = arith.index_cast %add3A_111 : i32 to index
        %swap3A_114 = tpu.vector_load %arg12[%swap3A, %swap3A_113] {strides = array<i32>} : memref<32x128xf32, #tpu.memory_space<vmem>>, vector<1x16xf32>,
        %swap3A_115 = vector.shape_cast %swap3A_114 : vector<1x16xf32> to vector<16xf32>
        %swap3A_116 = vector.shape_cast %broadcast_in_dim3A_112 : vector<16xf32> to vector<1x16xf32>
        tpu.vector_store %arg12[%swap3A, %swap3A_113], %swap3A_116 {strides = array<i32>} : memref<32x128xf32, #tpu.memory_space<vmem>>, vector<1x16xf32>,
      }
      %scan3A_106 = arith.constant 8 : i32
    }
    %scan3A_3 = arith.constant 32 : i32
    %mul3A = arith.constant 640 : i32
    %mul3A_4 = arith.muli %arg1, %mul3A : i32
    %add3A = arith.constant 0 : i32
    %add3A_5 = arith.addi %mul3A_4, %add3A : i32
    "tpu.region"() ({
      %run_scoped3A = tpu.sem_alloc : memref<!tpu.dma_semaphore, #tpu.memory_space<semaphore_mem>>
      %dma_start3A = arith.constant 0 : i32
      %dma_start3A_97 = tpu.memref_slice %arg13[%add3A_5, %dma_start3A] : memref<10240x128xf32, #tpu.memory_space<vmem_shared>> -> memref<32x128xf32, #tpu.memory_space<vmem_shared>>
      %dma_start3A_98 = arith.constant 0 : i32
      %dma_start3A_99 = tpu.memref_slice %arg13[%add3A_5, %dma_start3A_98] : memref<10240x128xf32, #tpu.memory_space<vmem_shared>> -> memref<32x128xf32, #tpu.memory_space<vmem_shared>>
      tpu.enqueue_dma source(%arg12 : memref<32x128xf32, #tpu.memory_space<vmem>>) target(%dma_start3A_99 : memref<32x128xf32, #tpu.memory_space<vmem_shared>>) target_semaphore(%run_scoped3A : memref<!tpu.dma_semaphore, #tpu.memory_space<semaphore_mem>>)
      %dma_wait3A = arith.constant 0 : i32
      %dma_wait3A_100 = tpu.memref_slice %arg13[%add3A_5, %dma_wait3A] : memref<10240x128xf32, #tpu.memory_space<vmem_shared>> -> memref<32x128xf32, #tpu.memory_space<vmem_shared>>
      %dma_wait3A_101 = arith.constant 0 : i32
      %dma_wait3A_102 = tpu.memref_slice %arg13[%add3A_5, %dma_wait3A_101] : memref<10240x128xf32, #tpu.memory_space<vmem_shared>> -> memref<32x128xf32, #tpu.memory_space<vmem_shared>>
      tpu.wait_dma2 semaphore(%run_scoped3A : memref<!tpu.dma_semaphore, #tpu.memory_space<semaphore_mem>>) src(%arg12 : memref<32x128xf32, #tpu.memory_space<vmem>>) dst(%dma_wait3A_102 : memref<32x128xf32, #tpu.memory_space<vmem_shared>>)
      tpu.yield
    }) : () -> ()
    %mul3A_6 = arith.constant 640 : i32
    %mul3A_7 = arith.muli %arg1, %mul3A_6 : i32
    %add3A_8 = arith.constant 32 : i32
    %add3A_9 = arith.addi %mul3A_7, %add3A_8 : i32
    "tpu.region"() ({
      %run_scoped3A = tpu.sem_alloc : memref<!tpu.dma_semaphore, #tpu.memory_space<semaphore_mem>>
      %dma_start3A = arith.constant 0 : i32
      %dma_start3A_97 = tpu.memref_slice %arg13[%add3A_9, %dma_start3A] : memref<10240x128xf32, #tpu.memory_space<vmem_shared>> -> memref<32x128xf32, #tpu.memory_space<vmem_shared>>
      %dma_start3A_98 = arith.constant 0 : i32
      %dma_start3A_99 = tpu.memref_slice %arg13[%add3A_9, %dma_start3A_98] : memref<10240x128xf32, #tpu.memory_space<vmem_shared>> -> memref<32x128xf32, #tpu.memory_space<vmem_shared>>
      tpu.enqueue_dma source(%arg12 : memref<32x128xf32, #tpu.memory_space<vmem>>) target(%dma_start3A_99 : memref<32x128xf32, #tpu.memory_space<vmem_shared>>) target_semaphore(%run_scoped3A : memref<!tpu.dma_semaphore, #tpu.memory_space<semaphore_mem>>)
      %dma_wait3A = arith.constant 0 : i32
      %dma_wait3A_100 = tpu.memref_slice %arg13[%add3A_9, %dma_wait3A] : memref<10240x128xf32, #tpu.memory_space<vmem_shared>> -> memref<32x128xf32, #tpu.memory_space<vmem_shared>>
      %dma_wait3A_101 = arith.constant 0 : i32
      %dma_wait3A_102 = tpu.memref_slice %arg13[%add3A_9, %dma_wait3A_101] : memref<10240x128xf32, #tpu.memory_space<vmem_shared>> -> memref<32x128xf32, #tpu.memory_space<vmem_shared>>
      tpu.wait_dma2 semaphore(%run_scoped3A : memref<!tpu.dma_semaphore, #tpu.memory_space<semaphore_mem>>) src(%arg12 : memref<32x128xf32, #tpu.memory_space<vmem>>) dst(%dma_wait3A_102 : memref<32x128xf32, #tpu.memory_space<vmem_shared>>)
      tpu.yield
    }) : () -> ()
    %mul3A_10 = arith.constant 640 : i32
    %mul3A_11 = arith.muli %arg1, %mul3A_10 : i32
    %add3A_12 = arith.constant 64 : i32
    %add3A_13 = arith.addi %mul3A_11, %add3A_12 : i32
    "tpu.region"() ({
      %run_scoped3A = tpu.sem_alloc : memref<!tpu.dma_semaphore, #tpu.memory_space<semaphore_mem>>
      %dma_start3A = arith.constant 0 : i32
      %dma_start3A_97 = tpu.memref_slice %arg13[%add3A_13, %dma_start3A] : memref<10240x128xf32, #tpu.memory_space<vmem_shared>> -> memref<32x128xf32, #tpu.memory_space<vmem_shared>>
      %dma_start3A_98 = arith.constant 0 : i32
      %dma_start3A_99 = tpu.memref_slice %arg13[%add3A_13, %dma_start3A_98] : memref<10240x128xf32, #tpu.memory_space<vmem_shared>> -> memref<32x128xf32, #tpu.memory_space<vmem_shared>>
      tpu.enqueue_dma source(%arg12 : memref<32x128xf32, #tpu.memory_space<vmem>>) target(%dma_start3A_99 : memref<32x128xf32, #tpu.memory_space<vmem_shared>>) target_semaphore(%run_scoped3A : memref<!tpu.dma_semaphore, #tpu.memory_space<semaphore_mem>>)
      %dma_wait3A = arith.constant 0 : i32
      %dma_wait3A_100 = tpu.memref_slice %arg13[%add3A_13, %dma_wait3A] : memref<10240x128xf32, #tpu.memory_space<vmem_shared>> -> memref<32x128xf32, #tpu.memory_space<vmem_shared>>
      %dma_wait3A_101 = arith.constant 0 : i32
      %dma_wait3A_102 = tpu.memref_slice %arg13[%add3A_13, %dma_wait3A_101] : memref<10240x128xf32, #tpu.memory_space<vmem_shared>> -> memref<32x128xf32, #tpu.memory_space<vmem_shared>>
      tpu.wait_dma2 semaphore(%run_scoped3A : memref<!tpu.dma_semaphore, #tpu.memory_space<semaphore_mem>>) src(%arg12 : memref<32x128xf32, #tpu.memory_space<vmem>>) dst(%dma_wait3A_102 : memref<32x128xf32, #tpu.memory_space<vmem_shared>>)
      tpu.yield
    }) : () -> ()
    %mul3A_14 = arith.constant 640 : i32
    %mul3A_15 = arith.muli %arg1, %mul3A_14 : i32
    %add3A_16 = arith.constant 96 : i32
    %add3A_17 = arith.addi %mul3A_15, %add3A_16 : i32
    "tpu.region"() ({
      %run_scoped3A = tpu.sem_alloc : memref<!tpu.dma_semaphore, #tpu.memory_space<semaphore_mem>>
      %dma_start3A = arith.constant 0 : i32
      %dma_start3A_97 = tpu.memref_slice %arg13[%add3A_17, %dma_start3A] : memref<10240x128xf32, #tpu.memory_space<vmem_shared>> -> memref<32x128xf32, #tpu.memory_space<vmem_shared>>
      %dma_start3A_98 = arith.constant 0 : i32
      %dma_start3A_99 = tpu.memref_slice %arg13[%add3A_17, %dma_start3A_98] : memref<10240x128xf32, #tpu.memory_space<vmem_shared>> -> memref<32x128xf32, #tpu.memory_space<vmem_shared>>
      tpu.enqueue_dma source(%arg12 : memref<32x128xf32, #tpu.memory_space<vmem>>) target(%dma_start3A_99 : memref<32x128xf32, #tpu.memory_space<vmem_shared>>) target_semaphore(%run_scoped3A : memref<!tpu.dma_semaphore, #tpu.memory_space<semaphore_mem>>)
      %dma_wait3A = arith.constant 0 : i32
      %dma_wait3A_100 = tpu.memref_slice %arg13[%add3A_17, %dma_wait3A] : memref<10240x128xf32, #tpu.memory_space<vmem_shared>> -> memref<32x128xf32, #tpu.memory_space<vmem_shared>>
      %dma_wait3A_101 = arith.constant 0 : i32
      %dma_wait3A_102 = tpu.memref_slice %arg13[%add3A_17, %dma_wait3A_101] : memref<10240x128xf32, #tpu.memory_space<vmem_shared>> -> memref<32x128xf32, #tpu.memory_space<vmem_shared>>
      tpu.wait_dma2 semaphore(%run_scoped3A : memref<!tpu.dma_semaphore, #tpu.memory_space<semaphore_mem>>) src(%arg12 : memref<32x128xf32, #tpu.memory_space<vmem>>) dst(%dma_wait3A_102 : memref<32x128xf32, #tpu.memory_space<vmem_shared>>)
      tpu.yield
    }) : () -> ()
    %mul3A_18 = arith.constant 640 : i32
    %mul3A_19 = arith.muli %arg1, %mul3A_18 : i32
    %add3A_20 = arith.constant 128 : i32
    %add3A_21 = arith.addi %mul3A_19, %add3A_20 : i32
    "tpu.region"() ({
      %run_scoped3A = tpu.sem_alloc : memref<!tpu.dma_semaphore, #tpu.memory_space<semaphore_mem>>
      %dma_start3A = arith.constant 0 : i32
      %dma_start3A_97 = tpu.memref_slice %arg13[%add3A_21, %dma_start3A] : memref<10240x128xf32, #tpu.memory_space<vmem_shared>> -> memref<32x128xf32, #tpu.memory_space<vmem_shared>>
      %dma_start3A_98 = arith.constant 0 : i32
      %dma_start3A_99 = tpu.memref_slice %arg13[%add3A_21, %dma_start3A_98] : memref<10240x128xf32, #tpu.memory_space<vmem_shared>> -> memref<32x128xf32, #tpu.memory_space<vmem_shared>>
      tpu.enqueue_dma source(%arg12 : memref<32x128xf32, #tpu.memory_space<vmem>>) target(%dma_start3A_99 : memref<32x128xf32, #tpu.memory_space<vmem_shared>>) target_semaphore(%run_scoped3A : memref<!tpu.dma_semaphore, #tpu.memory_space<semaphore_mem>>)
      %dma_wait3A = arith.constant 0 : i32
      %dma_wait3A_100 = tpu.memref_slice %arg13[%add3A_21, %dma_wait3A] : memref<10240x128xf32, #tpu.memory_space<vmem_shared>> -> memref<32x128xf32, #tpu.memory_space<vmem_shared>>
      %dma_wait3A_101 = arith.constant 0 : i32
      %dma_wait3A_102 = tpu.memref_slice %arg13[%add3A_21, %dma_wait3A_101] : memref<10240x128xf32, #tpu.memory_space<vmem_shared>> -> memref<32x128xf32, #tpu.memory_space<vmem_shared>>
      tpu.wait_dma2 semaphore(%run_scoped3A : memref<!tpu.dma_semaphore, #tpu.memory_space<semaphore_mem>>) src(%arg12 : memref<32x128xf32, #tpu.memory_space<vmem>>) dst(%dma_wait3A_102 : memref<32x128xf32, #tpu.memory_space<vmem_shared>>)
      tpu.yield
    }) : () -> ()
    %mul3A_22 = arith.constant 640 : i32
    %mul3A_23 = arith.muli %arg1, %mul3A_22 : i32
    %add3A_24 = arith.constant 160 : i32
    %add3A_25 = arith.addi %mul3A_23, %add3A_24 : i32
    "tpu.region"() ({
      %run_scoped3A = tpu.sem_alloc : memref<!tpu.dma_semaphore, #tpu.memory_space<semaphore_mem>>
      %dma_start3A = arith.constant 0 : i32
      %dma_start3A_97 = tpu.memref_slice %arg13[%add3A_25, %dma_start3A] : memref<10240x128xf32, #tpu.memory_space<vmem_shared>> -> memref<32x128xf32, #tpu.memory_space<vmem_shared>>
      %dma_start3A_98 = arith.constant 0 : i32
      %dma_start3A_99 = tpu.memref_slice %arg13[%add3A_25, %dma_start3A_98] : memref<10240x128xf32, #tpu.memory_space<vmem_shared>> -> memref<32x128xf32, #tpu.memory_space<vmem_shared>>
      tpu.enqueue_dma source(%arg12 : memref<32x128xf32, #tpu.memory_space<vmem>>) target(%dma_start3A_99 : memref<32x128xf32, #tpu.memory_space<vmem_shared>>) target_semaphore(%run_scoped3A : memref<!tpu.dma_semaphore, #tpu.memory_space<semaphore_mem>>)
      %dma_wait3A = arith.constant 0 : i32
      %dma_wait3A_100 = tpu.memref_slice %arg13[%add3A_25, %dma_wait3A] : memref<10240x128xf32, #tpu.memory_space<vmem_shared>> -> memref<32x128xf32, #tpu.memory_space<vmem_shared>>
      %dma_wait3A_101 = arith.constant 0 : i32
      %dma_wait3A_102 = tpu.memref_slice %arg13[%add3A_25, %dma_wait3A_101] : memref<10240x128xf32, #tpu.memory_space<vmem_shared>> -> memref<32x128xf32, #tpu.memory_space<vmem_shared>>
      tpu.wait_dma2 semaphore(%run_scoped3A : memref<!tpu.dma_semaphore, #tpu.memory_space<semaphore_mem>>) src(%arg12 : memref<32x128xf32, #tpu.memory_space<vmem>>) dst(%dma_wait3A_102 : memref<32x128xf32, #tpu.memory_space<vmem_shared>>)
      tpu.yield
    }) : () -> ()
    %mul3A_26 = arith.constant 640 : i32
    %mul3A_27 = arith.muli %arg1, %mul3A_26 : i32
    %add3A_28 = arith.constant 192 : i32
    %add3A_29 = arith.addi %mul3A_27, %add3A_28 : i32
    "tpu.region"() ({
      %run_scoped3A = tpu.sem_alloc : memref<!tpu.dma_semaphore, #tpu.memory_space<semaphore_mem>>
      %dma_start3A = arith.constant 0 : i32
      %dma_start3A_97 = tpu.memref_slice %arg13[%add3A_29, %dma_start3A] : memref<10240x128xf32, #tpu.memory_space<vmem_shared>> -> memref<32x128xf32, #tpu.memory_space<vmem_shared>>
      %dma_start3A_98 = arith.constant 0 : i32
      %dma_start3A_99 = tpu.memref_slice %arg13[%add3A_29, %dma_start3A_98] : memref<10240x128xf32, #tpu.memory_space<vmem_shared>> -> memref<32x128xf32, #tpu.memory_space<vmem_shared>>
      tpu.enqueue_dma source(%arg12 : memref<32x128xf32, #tpu.memory_space<vmem>>) target(%dma_start3A_99 : memref<32x128xf32, #tpu.memory_space<vmem_shared>>) target_semaphore(%run_scoped3A : memref<!tpu.dma_semaphore, #tpu.memory_space<semaphore_mem>>)
      %dma_wait3A = arith.constant 0 : i32
      %dma_wait3A_100 = tpu.memref_slice %arg13[%add3A_29, %dma_wait3A] : memref<10240x128xf32, #tpu.memory_space<vmem_shared>> -> memref<32x128xf32, #tpu.memory_space<vmem_shared>>
      %dma_wait3A_101 = arith.constant 0 : i32
      %dma_wait3A_102 = tpu.memref_slice %arg13[%add3A_29, %dma_wait3A_101] : memref<10240x128xf32, #tpu.memory_space<vmem_shared>> -> memref<32x128xf32, #tpu.memory_space<vmem_shared>>
      tpu.wait_dma2 semaphore(%run_scoped3A : memref<!tpu.dma_semaphore, #tpu.memory_space<semaphore_mem>>) src(%arg12 : memref<32x128xf32, #tpu.memory_space<vmem>>) dst(%dma_wait3A_102 : memref<32x128xf32, #tpu.memory_space<vmem_shared>>)
      tpu.yield
    }) : () -> ()
    %mul3A_30 = arith.constant 640 : i32
    %mul3A_31 = arith.muli %arg1, %mul3A_30 : i32
    %add3A_32 = arith.constant 224 : i32
    %add3A_33 = arith.addi %mul3A_31, %add3A_32 : i32
    "tpu.region"() ({
      %run_scoped3A = tpu.sem_alloc : memref<!tpu.dma_semaphore, #tpu.memory_space<semaphore_mem>>
      %dma_start3A = arith.constant 0 : i32
      %dma_start3A_97 = tpu.memref_slice %arg13[%add3A_33, %dma_start3A] : memref<10240x128xf32, #tpu.memory_space<vmem_shared>> -> memref<32x128xf32, #tpu.memory_space<vmem_shared>>
      %dma_start3A_98 = arith.constant 0 : i32
      %dma_start3A_99 = tpu.memref_slice %arg13[%add3A_33, %dma_start3A_98] : memref<10240x128xf32, #tpu.memory_space<vmem_shared>> -> memref<32x128xf32, #tpu.memory_space<vmem_shared>>
      tpu.enqueue_dma source(%arg12 : memref<32x128xf32, #tpu.memory_space<vmem>>) target(%dma_start3A_99 : memref<32x128xf32, #tpu.memory_space<vmem_shared>>) target_semaphore(%run_scoped3A : memref<!tpu.dma_semaphore, #tpu.memory_space<semaphore_mem>>)
      %dma_wait3A = arith.constant 0 : i32
      %dma_wait3A_100 = tpu.memref_slice %arg13[%add3A_33, %dma_wait3A] : memref<10240x128xf32, #tpu.memory_space<vmem_shared>> -> memref<32x128xf32, #tpu.memory_space<vmem_shared>>
      %dma_wait3A_101 = arith.constant 0 : i32
      %dma_wait3A_102 = tpu.memref_slice %arg13[%add3A_33, %dma_wait3A_101] : memref<10240x128xf32, #tpu.memory_space<vmem_shared>> -> memref<32x128xf32, #tpu.memory_space<vmem_shared>>
      tpu.wait_dma2 semaphore(%run_scoped3A : memref<!tpu.dma_semaphore, #tpu.memory_space<semaphore_mem>>) src(%arg12 : memref<32x128xf32, #tpu.memory_space<vmem>>) dst(%dma_wait3A_102 : memref<32x128xf32, #tpu.memory_space<vmem_shared>>)
      tpu.yield
    }) : () -> ()
    %mul3A_34 = arith.constant 640 : i32
    %mul3A_35 = arith.muli %arg1, %mul3A_34 : i32
    %add3A_36 = arith.constant 256 : i32
    %add3A_37 = arith.addi %mul3A_35, %add3A_36 : i32
    "tpu.region"() ({
      %run_scoped3A = tpu.sem_alloc : memref<!tpu.dma_semaphore, #tpu.memory_space<semaphore_mem>>
      %dma_start3A = arith.constant 0 : i32
      %dma_start3A_97 = tpu.memref_slice %arg13[%add3A_37, %dma_start3A] : memref<10240x128xf32, #tpu.memory_space<vmem_shared>> -> memref<32x128xf32, #tpu.memory_space<vmem_shared>>
      %dma_start3A_98 = arith.constant 0 : i32
      %dma_start3A_99 = tpu.memref_slice %arg13[%add3A_37, %dma_start3A_98] : memref<10240x128xf32, #tpu.memory_space<vmem_shared>> -> memref<32x128xf32, #tpu.memory_space<vmem_shared>>
      tpu.enqueue_dma source(%arg12 : memref<32x128xf32, #tpu.memory_space<vmem>>) target(%dma_start3A_99 : memref<32x128xf32, #tpu.memory_space<vmem_shared>>) target_semaphore(%run_scoped3A : memref<!tpu.dma_semaphore, #tpu.memory_space<semaphore_mem>>)
      %dma_wait3A = arith.constant 0 : i32
      %dma_wait3A_100 = tpu.memref_slice %arg13[%add3A_37, %dma_wait3A] : memref<10240x128xf32, #tpu.memory_space<vmem_shared>> -> memref<32x128xf32, #tpu.memory_space<vmem_shared>>
      %dma_wait3A_101 = arith.constant 0 : i32
      %dma_wait3A_102 = tpu.memref_slice %arg13[%add3A_37, %dma_wait3A_101] : memref<10240x128xf32, #tpu.memory_space<vmem_shared>> -> memref<32x128xf32, #tpu.memory_space<vmem_shared>>
      tpu.wait_dma2 semaphore(%run_scoped3A : memref<!tpu.dma_semaphore, #tpu.memory_space<semaphore_mem>>) src(%arg12 : memref<32x128xf32, #tpu.memory_space<vmem>>) dst(%dma_wait3A_102 : memref<32x128xf32, #tpu.memory_space<vmem_shared>>)
      tpu.yield
    }) : () -> ()
    %mul3A_38 = arith.constant 640 : i32
    %mul3A_39 = arith.muli %arg1, %mul3A_38 : i32
    %add3A_40 = arith.constant 288 : i32
    %add3A_41 = arith.addi %mul3A_39, %add3A_40 : i32
    "tpu.region"() ({
      %run_scoped3A = tpu.sem_alloc : memref<!tpu.dma_semaphore, #tpu.memory_space<semaphore_mem>>
      %dma_start3A = arith.constant 0 : i32
      %dma_start3A_97 = tpu.memref_slice %arg13[%add3A_41, %dma_start3A] : memref<10240x128xf32, #tpu.memory_space<vmem_shared>> -> memref<32x128xf32, #tpu.memory_space<vmem_shared>>
      %dma_start3A_98 = arith.constant 0 : i32
      %dma_start3A_99 = tpu.memref_slice %arg13[%add3A_41, %dma_start3A_98] : memref<10240x128xf32, #tpu.memory_space<vmem_shared>> -> memref<32x128xf32, #tpu.memory_space<vmem_shared>>
      tpu.enqueue_dma source(%arg12 : memref<32x128xf32, #tpu.memory_space<vmem>>) target(%dma_start3A_99 : memref<32x128xf32, #tpu.memory_space<vmem_shared>>) target_semaphore(%run_scoped3A : memref<!tpu.dma_semaphore, #tpu.memory_space<semaphore_mem>>)
      %dma_wait3A = arith.constant 0 : i32
      %dma_wait3A_100 = tpu.memref_slice %arg13[%add3A_41, %dma_wait3A] : memref<10240x128xf32, #tpu.memory_space<vmem_shared>> -> memref<32x128xf32, #tpu.memory_space<vmem_shared>>
      %dma_wait3A_101 = arith.constant 0 : i32
      %dma_wait3A_102 = tpu.memref_slice %arg13[%add3A_41, %dma_wait3A_101] : memref<10240x128xf32, #tpu.memory_space<vmem_shared>> -> memref<32x128xf32, #tpu.memory_space<vmem_shared>>
      tpu.wait_dma2 semaphore(%run_scoped3A : memref<!tpu.dma_semaphore, #tpu.memory_space<semaphore_mem>>) src(%arg12 : memref<32x128xf32, #tpu.memory_space<vmem>>) dst(%dma_wait3A_102 : memref<32x128xf32, #tpu.memory_space<vmem_shared>>)
      tpu.yield
    }) : () -> ()
    %mul3A_42 = arith.constant 640 : i32
    %mul3A_43 = arith.muli %arg1, %mul3A_42 : i32
    %add3A_44 = arith.constant 320 : i32
    %add3A_45 = arith.addi %mul3A_43, %add3A_44 : i32
    "tpu.region"() ({
      %run_scoped3A = tpu.sem_alloc : memref<!tpu.dma_semaphore, #tpu.memory_space<semaphore_mem>>
      %dma_start3A = arith.constant 0 : i32
      %dma_start3A_97 = tpu.memref_slice %arg13[%add3A_45, %dma_start3A] : memref<10240x128xf32, #tpu.memory_space<vmem_shared>> -> memref<32x128xf32, #tpu.memory_space<vmem_shared>>
      %dma_start3A_98 = arith.constant 0 : i32
      %dma_start3A_99 = tpu.memref_slice %arg13[%add3A_45, %dma_start3A_98] : memref<10240x128xf32, #tpu.memory_space<vmem_shared>> -> memref<32x128xf32, #tpu.memory_space<vmem_shared>>
      tpu.enqueue_dma source(%arg12 : memref<32x128xf32, #tpu.memory_space<vmem>>) target(%dma_start3A_99 : memref<32x128xf32, #tpu.memory_space<vmem_shared>>) target_semaphore(%run_scoped3A : memref<!tpu.dma_semaphore, #tpu.memory_space<semaphore_mem>>)
      %dma_wait3A = arith.constant 0 : i32
      %dma_wait3A_100 = tpu.memref_slice %arg13[%add3A_45, %dma_wait3A] : memref<10240x128xf32, #tpu.memory_space<vmem_shared>> -> memref<32x128xf32, #tpu.memory_space<vmem_shared>>
      %dma_wait3A_101 = arith.constant 0 : i32
      %dma_wait3A_102 = tpu.memref_slice %arg13[%add3A_45, %dma_wait3A_101] : memref<10240x128xf32, #tpu.memory_space<vmem_shared>> -> memref<32x128xf32, #tpu.memory_space<vmem_shared>>
      tpu.wait_dma2 semaphore(%run_scoped3A : memref<!tpu.dma_semaphore, #tpu.memory_space<semaphore_mem>>) src(%arg12 : memref<32x128xf32, #tpu.memory_space<vmem>>) dst(%dma_wait3A_102 : memref<32x128xf32, #tpu.memory_space<vmem_shared>>)
      tpu.yield
    }) : () -> ()
    %mul3A_46 = arith.constant 640 : i32
    %mul3A_47 = arith.muli %arg1, %mul3A_46 : i32
    %add3A_48 = arith.constant 352 : i32
    %add3A_49 = arith.addi %mul3A_47, %add3A_48 : i32
    "tpu.region"() ({
      %run_scoped3A = tpu.sem_alloc : memref<!tpu.dma_semaphore, #tpu.memory_space<semaphore_mem>>
      %dma_start3A = arith.constant 0 : i32
      %dma_start3A_97 = tpu.memref_slice %arg13[%add3A_49, %dma_start3A] : memref<10240x128xf32, #tpu.memory_space<vmem_shared>> -> memref<32x128xf32, #tpu.memory_space<vmem_shared>>
      %dma_start3A_98 = arith.constant 0 : i32
      %dma_start3A_99 = tpu.memref_slice %arg13[%add3A_49, %dma_start3A_98] : memref<10240x128xf32, #tpu.memory_space<vmem_shared>> -> memref<32x128xf32, #tpu.memory_space<vmem_shared>>
      tpu.enqueue_dma source(%arg12 : memref<32x128xf32, #tpu.memory_space<vmem>>) target(%dma_start3A_99 : memref<32x128xf32, #tpu.memory_space<vmem_shared>>) target_semaphore(%run_scoped3A : memref<!tpu.dma_semaphore, #tpu.memory_space<semaphore_mem>>)
      %dma_wait3A = arith.constant 0 : i32
      %dma_wait3A_100 = tpu.memref_slice %arg13[%add3A_49, %dma_wait3A] : memref<10240x128xf32, #tpu.memory_space<vmem_shared>> -> memref<32x128xf32, #tpu.memory_space<vmem_shared>>
      %dma_wait3A_101 = arith.constant 0 : i32
      %dma_wait3A_102 = tpu.memref_slice %arg13[%add3A_49, %dma_wait3A_101] : memref<10240x128xf32, #tpu.memory_space<vmem_shared>> -> memref<32x128xf32, #tpu.memory_space<vmem_shared>>
      tpu.wait_dma2 semaphore(%run_scoped3A : memref<!tpu.dma_semaphore, #tpu.memory_space<semaphore_mem>>) src(%arg12 : memref<32x128xf32, #tpu.memory_space<vmem>>) dst(%dma_wait3A_102 : memref<32x128xf32, #tpu.memory_space<vmem_shared>>)
      tpu.yield
    }) : () -> ()
    %mul3A_50 = arith.constant 640 : i32
    %mul3A_51 = arith.muli %arg1, %mul3A_50 : i32
    %add3A_52 = arith.constant 384 : i32
    %add3A_53 = arith.addi %mul3A_51, %add3A_52 : i32
    "tpu.region"() ({
      %run_scoped3A = tpu.sem_alloc : memref<!tpu.dma_semaphore, #tpu.memory_space<semaphore_mem>>
      %dma_start3A = arith.constant 0 : i32
      %dma_start3A_97 = tpu.memref_slice %arg13[%add3A_53, %dma_start3A] : memref<10240x128xf32, #tpu.memory_space<vmem_shared>> -> memref<32x128xf32, #tpu.memory_space<vmem_shared>>
      %dma_start3A_98 = arith.constant 0 : i32
      %dma_start3A_99 = tpu.memref_slice %arg13[%add3A_53, %dma_start3A_98] : memref<10240x128xf32, #tpu.memory_space<vmem_shared>> -> memref<32x128xf32, #tpu.memory_space<vmem_shared>>
      tpu.enqueue_dma source(%arg12 : memref<32x128xf32, #tpu.memory_space<vmem>>) target(%dma_start3A_99 : memref<32x128xf32, #tpu.memory_space<vmem_shared>>) target_semaphore(%run_scoped3A : memref<!tpu.dma_semaphore, #tpu.memory_space<semaphore_mem>>)
      %dma_wait3A = arith.constant 0 : i32
      %dma_wait3A_100 = tpu.memref_slice %arg13[%add3A_53, %dma_wait3A] : memref<10240x128xf32, #tpu.memory_space<vmem_shared>> -> memref<32x128xf32, #tpu.memory_space<vmem_shared>>
      %dma_wait3A_101 = arith.constant 0 : i32
      %dma_wait3A_102 = tpu.memref_slice %arg13[%add3A_53, %dma_wait3A_101] : memref<10240x128xf32, #tpu.memory_space<vmem_shared>> -> memref<32x128xf32, #tpu.memory_space<vmem_shared>>
      tpu.wait_dma2 semaphore(%run_scoped3A : memref<!tpu.dma_semaphore, #tpu.memory_space<semaphore_mem>>) src(%arg12 : memref<32x128xf32, #tpu.memory_space<vmem>>) dst(%dma_wait3A_102 : memref<32x128xf32, #tpu.memory_space<vmem_shared>>)
      tpu.yield
    }) : () -> ()
    %mul3A_54 = arith.constant 640 : i32
    %mul3A_55 = arith.muli %arg1, %mul3A_54 : i32
    %add3A_56 = arith.constant 416 : i32
    %add3A_57 = arith.addi %mul3A_55, %add3A_56 : i32
    "tpu.region"() ({
      %run_scoped3A = tpu.sem_alloc : memref<!tpu.dma_semaphore, #tpu.memory_space<semaphore_mem>>
      %dma_start3A = arith.constant 0 : i32
      %dma_start3A_97 = tpu.memref_slice %arg13[%add3A_57, %dma_start3A] : memref<10240x128xf32, #tpu.memory_space<vmem_shared>> -> memref<32x128xf32, #tpu.memory_space<vmem_shared>>
      %dma_start3A_98 = arith.constant 0 : i32
      %dma_start3A_99 = tpu.memref_slice %arg13[%add3A_57, %dma_start3A_98] : memref<10240x128xf32, #tpu.memory_space<vmem_shared>> -> memref<32x128xf32, #tpu.memory_space<vmem_shared>>
      tpu.enqueue_dma source(%arg12 : memref<32x128xf32, #tpu.memory_space<vmem>>) target(%dma_start3A_99 : memref<32x128xf32, #tpu.memory_space<vmem_shared>>) target_semaphore(%run_scoped3A : memref<!tpu.dma_semaphore, #tpu.memory_space<semaphore_mem>>)
      %dma_wait3A = arith.constant 0 : i32
      %dma_wait3A_100 = tpu.memref_slice %arg13[%add3A_57, %dma_wait3A] : memref<10240x128xf32, #tpu.memory_space<vmem_shared>> -> memref<32x128xf32, #tpu.memory_space<vmem_shared>>
      %dma_wait3A_101 = arith.constant 0 : i32
      %dma_wait3A_102 = tpu.memref_slice %arg13[%add3A_57, %dma_wait3A_101] : memref<10240x128xf32, #tpu.memory_space<vmem_shared>> -> memref<32x128xf32, #tpu.memory_space<vmem_shared>>
      tpu.wait_dma2 semaphore(%run_scoped3A : memref<!tpu.dma_semaphore, #tpu.memory_space<semaphore_mem>>) src(%arg12 : memref<32x128xf32, #tpu.memory_space<vmem>>) dst(%dma_wait3A_102 : memref<32x128xf32, #tpu.memory_space<vmem_shared>>)
      tpu.yield
    }) : () -> ()
    %mul3A_58 = arith.constant 640 : i32
    %mul3A_59 = arith.muli %arg1, %mul3A_58 : i32
    %add3A_60 = arith.constant 448 : i32
    %add3A_61 = arith.addi %mul3A_59, %add3A_60 : i32
    "tpu.region"() ({
      %run_scoped3A = tpu.sem_alloc : memref<!tpu.dma_semaphore, #tpu.memory_space<semaphore_mem>>
      %dma_start3A = arith.constant 0 : i32
      %dma_start3A_97 = tpu.memref_slice %arg13[%add3A_61, %dma_start3A] : memref<10240x128xf32, #tpu.memory_space<vmem_shared>> -> memref<32x128xf32, #tpu.memory_space<vmem_shared>>
      %dma_start3A_98 = arith.constant 0 : i32
      %dma_start3A_99 = tpu.memref_slice %arg13[%add3A_61, %dma_start3A_98] : memref<10240x128xf32, #tpu.memory_space<vmem_shared>> -> memref<32x128xf32, #tpu.memory_space<vmem_shared>>
      tpu.enqueue_dma source(%arg12 : memref<32x128xf32, #tpu.memory_space<vmem>>) target(%dma_start3A_99 : memref<32x128xf32, #tpu.memory_space<vmem_shared>>) target_semaphore(%run_scoped3A : memref<!tpu.dma_semaphore, #tpu.memory_space<semaphore_mem>>)
      %dma_wait3A = arith.constant 0 : i32
      %dma_wait3A_100 = tpu.memref_slice %arg13[%add3A_61, %dma_wait3A] : memref<10240x128xf32, #tpu.memory_space<vmem_shared>> -> memref<32x128xf32, #tpu.memory_space<vmem_shared>>
      %dma_wait3A_101 = arith.constant 0 : i32
      %dma_wait3A_102 = tpu.memref_slice %arg13[%add3A_61, %dma_wait3A_101] : memref<10240x128xf32, #tpu.memory_space<vmem_shared>> -> memref<32x128xf32, #tpu.memory_space<vmem_shared>>
      tpu.wait_dma2 semaphore(%run_scoped3A : memref<!tpu.dma_semaphore, #tpu.memory_space<semaphore_mem>>) src(%arg12 : memref<32x128xf32, #tpu.memory_space<vmem>>) dst(%dma_wait3A_102 : memref<32x128xf32, #tpu.memory_space<vmem_shared>>)
      tpu.yield
    }) : () -> ()
    %mul3A_62 = arith.constant 640 : i32
    %mul3A_63 = arith.muli %arg1, %mul3A_62 : i32
    %add3A_64 = arith.constant 480 : i32
    %add3A_65 = arith.addi %mul3A_63, %add3A_64 : i32
    "tpu.region"() ({
      %run_scoped3A = tpu.sem_alloc : memref<!tpu.dma_semaphore, #tpu.memory_space<semaphore_mem>>
      %dma_start3A = arith.constant 0 : i32
      %dma_start3A_97 = tpu.memref_slice %arg13[%add3A_65, %dma_start3A] : memref<10240x128xf32, #tpu.memory_space<vmem_shared>> -> memref<32x128xf32, #tpu.memory_space<vmem_shared>>
      %dma_start3A_98 = arith.constant 0 : i32
      %dma_start3A_99 = tpu.memref_slice %arg13[%add3A_65, %dma_start3A_98] : memref<10240x128xf32, #tpu.memory_space<vmem_shared>> -> memref<32x128xf32, #tpu.memory_space<vmem_shared>>
      tpu.enqueue_dma source(%arg12 : memref<32x128xf32, #tpu.memory_space<vmem>>) target(%dma_start3A_99 : memref<32x128xf32, #tpu.memory_space<vmem_shared>>) target_semaphore(%run_scoped3A : memref<!tpu.dma_semaphore, #tpu.memory_space<semaphore_mem>>)
      %dma_wait3A = arith.constant 0 : i32
      %dma_wait3A_100 = tpu.memref_slice %arg13[%add3A_65, %dma_wait3A] : memref<10240x128xf32, #tpu.memory_space<vmem_shared>> -> memref<32x128xf32, #tpu.memory_space<vmem_shared>>
      %dma_wait3A_101 = arith.constant 0 : i32
      %dma_wait3A_102 = tpu.memref_slice %arg13[%add3A_65, %dma_wait3A_101] : memref<10240x128xf32, #tpu.memory_space<vmem_shared>> -> memref<32x128xf32, #tpu.memory_space<vmem_shared>>
      tpu.wait_dma2 semaphore(%run_scoped3A : memref<!tpu.dma_semaphore, #tpu.memory_space<semaphore_mem>>) src(%arg12 : memref<32x128xf32, #tpu.memory_space<vmem>>) dst(%dma_wait3A_102 : memref<32x128xf32, #tpu.memory_space<vmem_shared>>)
      tpu.yield
    }) : () -> ()
    %mul3A_66 = arith.constant 640 : i32
    %mul3A_67 = arith.muli %arg1, %mul3A_66 : i32
    %add3A_68 = arith.constant 512 : i32
    %add3A_69 = arith.addi %mul3A_67, %add3A_68 : i32
    "tpu.region"() ({
      %run_scoped3A = tpu.sem_alloc : memref<!tpu.dma_semaphore, #tpu.memory_space<semaphore_mem>>
      %dma_start3A = arith.constant 0 : i32
      %dma_start3A_97 = tpu.memref_slice %arg13[%add3A_69, %dma_start3A] : memref<10240x128xf32, #tpu.memory_space<vmem_shared>> -> memref<32x128xf32, #tpu.memory_space<vmem_shared>>
      %dma_start3A_98 = arith.constant 0 : i32
      %dma_start3A_99 = tpu.memref_slice %arg13[%add3A_69, %dma_start3A_98] : memref<10240x128xf32, #tpu.memory_space<vmem_shared>> -> memref<32x128xf32, #tpu.memory_space<vmem_shared>>
      tpu.enqueue_dma source(%arg12 : memref<32x128xf32, #tpu.memory_space<vmem>>) target(%dma_start3A_99 : memref<32x128xf32, #tpu.memory_space<vmem_shared>>) target_semaphore(%run_scoped3A : memref<!tpu.dma_semaphore, #tpu.memory_space<semaphore_mem>>)
      %dma_wait3A = arith.constant 0 : i32
      %dma_wait3A_100 = tpu.memref_slice %arg13[%add3A_69, %dma_wait3A] : memref<10240x128xf32, #tpu.memory_space<vmem_shared>> -> memref<32x128xf32, #tpu.memory_space<vmem_shared>>
      %dma_wait3A_101 = arith.constant 0 : i32
      %dma_wait3A_102 = tpu.memref_slice %arg13[%add3A_69, %dma_wait3A_101] : memref<10240x128xf32, #tpu.memory_space<vmem_shared>> -> memref<32x128xf32, #tpu.memory_space<vmem_shared>>
      tpu.wait_dma2 semaphore(%run_scoped3A : memref<!tpu.dma_semaphore, #tpu.memory_space<semaphore_mem>>) src(%arg12 : memref<32x128xf32, #tpu.memory_space<vmem>>) dst(%dma_wait3A_102 : memref<32x128xf32, #tpu.memory_space<vmem_shared>>)
      tpu.yield
    }) : () -> ()
    %mul3A_70 = arith.constant 640 : i32
    %mul3A_71 = arith.muli %arg1, %mul3A_70 : i32
    %add3A_72 = arith.constant 544 : i32
    %add3A_73 = arith.addi %mul3A_71, %add3A_72 : i32
    "tpu.region"() ({
      %run_scoped3A = tpu.sem_alloc : memref<!tpu.dma_semaphore, #tpu.memory_space<semaphore_mem>>
      %dma_start3A = arith.constant 0 : i32
      %dma_start3A_97 = tpu.memref_slice %arg13[%add3A_73, %dma_start3A] : memref<10240x128xf32, #tpu.memory_space<vmem_shared>> -> memref<32x128xf32, #tpu.memory_space<vmem_shared>>
      %dma_start3A_98 = arith.constant 0 : i32
      %dma_start3A_99 = tpu.memref_slice %arg13[%add3A_73, %dma_start3A_98] : memref<10240x128xf32, #tpu.memory_space<vmem_shared>> -> memref<32x128xf32, #tpu.memory_space<vmem_shared>>
      tpu.enqueue_dma source(%arg12 : memref<32x128xf32, #tpu.memory_space<vmem>>) target(%dma_start3A_99 : memref<32x128xf32, #tpu.memory_space<vmem_shared>>) target_semaphore(%run_scoped3A : memref<!tpu.dma_semaphore, #tpu.memory_space<semaphore_mem>>)
      %dma_wait3A = arith.constant 0 : i32
      %dma_wait3A_100 = tpu.memref_slice %arg13[%add3A_73, %dma_wait3A] : memref<10240x128xf32, #tpu.memory_space<vmem_shared>> -> memref<32x128xf32, #tpu.memory_space<vmem_shared>>
      %dma_wait3A_101 = arith.constant 0 : i32
      %dma_wait3A_102 = tpu.memref_slice %arg13[%add3A_73, %dma_wait3A_101] : memref<10240x128xf32, #tpu.memory_space<vmem_shared>> -> memref<32x128xf32, #tpu.memory_space<vmem_shared>>
      tpu.wait_dma2 semaphore(%run_scoped3A : memref<!tpu.dma_semaphore, #tpu.memory_space<semaphore_mem>>) src(%arg12 : memref<32x128xf32, #tpu.memory_space<vmem>>) dst(%dma_wait3A_102 : memref<32x128xf32, #tpu.memory_space<vmem_shared>>)
      tpu.yield
    }) : () -> ()
    %mul3A_74 = arith.constant 640 : i32
    %mul3A_75 = arith.muli %arg1, %mul3A_74 : i32
    %add3A_76 = arith.constant 576 : i32
    %add3A_77 = arith.addi %mul3A_75, %add3A_76 : i32
    "tpu.region"() ({
      %run_scoped3A = tpu.sem_alloc : memref<!tpu.dma_semaphore, #tpu.memory_space<semaphore_mem>>
      %dma_start3A = arith.constant 0 : i32
      %dma_start3A_97 = tpu.memref_slice %arg13[%add3A_77, %dma_start3A] : memref<10240x128xf32, #tpu.memory_space<vmem_shared>> -> memref<32x128xf32, #tpu.memory_space<vmem_shared>>
      %dma_start3A_98 = arith.constant 0 : i32
      %dma_start3A_99 = tpu.memref_slice %arg13[%add3A_77, %dma_start3A_98] : memref<10240x128xf32, #tpu.memory_space<vmem_shared>> -> memref<32x128xf32, #tpu.memory_space<vmem_shared>>
      tpu.enqueue_dma source(%arg12 : memref<32x128xf32, #tpu.memory_space<vmem>>) target(%dma_start3A_99 : memref<32x128xf32, #tpu.memory_space<vmem_shared>>) target_semaphore(%run_scoped3A : memref<!tpu.dma_semaphore, #tpu.memory_space<semaphore_mem>>)
      %dma_wait3A = arith.constant 0 : i32
      %dma_wait3A_100 = tpu.memref_slice %arg13[%add3A_77, %dma_wait3A] : memref<10240x128xf32, #tpu.memory_space<vmem_shared>> -> memref<32x128xf32, #tpu.memory_space<vmem_shared>>
      %dma_wait3A_101 = arith.constant 0 : i32
      %dma_wait3A_102 = tpu.memref_slice %arg13[%add3A_77, %dma_wait3A_101] : memref<10240x128xf32, #tpu.memory_space<vmem_shared>> -> memref<32x128xf32, #tpu.memory_space<vmem_shared>>
      tpu.wait_dma2 semaphore(%run_scoped3A : memref<!tpu.dma_semaphore, #tpu.memory_space<semaphore_mem>>) src(%arg12 : memref<32x128xf32, #tpu.memory_space<vmem>>) dst(%dma_wait3A_102 : memref<32x128xf32, #tpu.memory_space<vmem_shared>>)
      tpu.yield
    }) : () -> ()
    %mul3A_78 = arith.constant 640 : i32
    %mul3A_79 = arith.muli %arg1, %mul3A_78 : i32
    %add3A_80 = arith.constant 608 : i32
    %add3A_81 = arith.addi %mul3A_79, %add3A_80 : i32
    "tpu.region"() ({
      %run_scoped3A = tpu.sem_alloc : memref<!tpu.dma_semaphore, #tpu.memory_space<semaphore_mem>>
      %dma_start3A = arith.constant 0 : i32
      %dma_start3A_97 = tpu.memref_slice %arg13[%add3A_81, %dma_start3A] : memref<10240x128xf32, #tpu.memory_space<vmem_shared>> -> memref<32x128xf32, #tpu.memory_space<vmem_shared>>
      %dma_start3A_98 = arith.constant 0 : i32
      %dma_start3A_99 = tpu.memref_slice %arg13[%add3A_81, %dma_start3A_98] : memref<10240x128xf32, #tpu.memory_space<vmem_shared>> -> memref<32x128xf32, #tpu.memory_space<vmem_shared>>
      tpu.enqueue_dma source(%arg12 : memref<32x128xf32, #tpu.memory_space<vmem>>) target(%dma_start3A_99 : memref<32x128xf32, #tpu.memory_space<vmem_shared>>) target_semaphore(%run_scoped3A : memref<!tpu.dma_semaphore, #tpu.memory_space<semaphore_mem>>)
      %dma_wait3A = arith.constant 0 : i32
      %dma_wait3A_100 = tpu.memref_slice %arg13[%add3A_81, %dma_wait3A] : memref<10240x128xf32, #tpu.memory_space<vmem_shared>> -> memref<32x128xf32, #tpu.memory_space<vmem_shared>>
      %dma_wait3A_101 = arith.constant 0 : i32
      %dma_wait3A_102 = tpu.memref_slice %arg13[%add3A_81, %dma_wait3A_101] : memref<10240x128xf32, #tpu.memory_space<vmem_shared>> -> memref<32x128xf32, #tpu.memory_space<vmem_shared>>
      tpu.wait_dma2 semaphore(%run_scoped3A : memref<!tpu.dma_semaphore, #tpu.memory_space<semaphore_mem>>) src(%arg12 : memref<32x128xf32, #tpu.memory_space<vmem>>) dst(%dma_wait3A_102 : memref<32x128xf32, #tpu.memory_space<vmem_shared>>)
      tpu.yield
    }) : () -> ()
    %barrier3A = arith.constant 0 : index
    tpu.barrier barrier_id(%barrier3A)
    %scan3A_82 = arith.constant 0 : i32
    %scan3A_83 = arith.constant 10 : i32
    %scan3A_84 = arith.addi %scan3A_82, %scan3A_83 : i32
    %scan3A_85 = arith.constant 1 : i32
    scf.for %scan3A_97 = %scan3A_82 to %scan3A_84 step %scan3A_85  : i32 {
      %mul3A_98 = arith.constant 1 : i32
      %mul3A_99 = arith.muli %scan3A_97, %mul3A_98 : i32
      %add3A_100 = arith.constant 0 : i32
      %add3A_101 = arith.addi %add3A_100, %mul3A_99 : i32
      %mul3A_102 = arith.constant 10 : i32
      %mul3A_103 = arith.muli %arg1, %mul3A_102 : i32
      %add3A_104 = arith.addi %mul3A_103, %add3A_101 : i32
      "tpu.region"() ({
        %run_scoped3A = tpu.sem_alloc : memref<!tpu.dma_semaphore, #tpu.memory_space<semaphore_mem>>
        %dma_start3A = arith.constant 0 : i32
        %dma_start3A_115 = arith.constant 0 : i32
        %dma_start3A_116 = tpu.memref_slice %arg2[%add3A_104, %dma_start3A, %dma_start3A_115] : memref<160x25x80xi32, #tpu.memory_space<hbm>> -> memref<1x25x80xi32, #tpu.memory_space<hbm>>
        %dma_start3A_117 = tpu.memref_squeeze %dma_start3A_116 : memref<1x25x80xi32, #tpu.memory_space<hbm>> -> memref<25x80xi32, #tpu.memory_space<hbm>>
        %dma_start3A_118 = arith.constant 0 : i32
        %dma_start3A_119 = arith.constant 0 : i32
        %dma_start3A_120 = tpu.memref_slice %arg2[%add3A_104, %dma_start3A_118, %dma_start3A_119] : memref<160x25x80xi32, #tpu.memory_space<hbm>> -> memref<1x25x80xi32, #tpu.memory_space<hbm>>
        %dma_start3A_121 = tpu.memref_squeeze %dma_start3A_120 : memref<1x25x80xi32, #tpu.memory_space<hbm>> -> memref<25x80xi32, #tpu.memory_space<hbm>>
        tpu.enqueue_dma source(%dma_start3A_121 : memref<25x80xi32, #tpu.memory_space<hbm>>) target(%arg8 : memref<25x80xi32, #tpu.memory_space<vmem>>) target_semaphore(%run_scoped3A : memref<!tpu.dma_semaphore, #tpu.memory_space<semaphore_mem>>)
        %dma_wait3A = arith.constant 0 : i32
        %dma_wait3A_122 = arith.constant 0 : i32
        %dma_wait3A_123 = tpu.memref_slice %arg2[%add3A_104, %dma_wait3A, %dma_wait3A_122] : memref<160x25x80xi32, #tpu.memory_space<hbm>> -> memref<1x25x80xi32, #tpu.memory_space<hbm>>
        %dma_wait3A_124 = tpu.memref_squeeze %dma_wait3A_123 : memref<1x25x80xi32, #tpu.memory_space<hbm>> -> memref<25x80xi32, #tpu.memory_space<hbm>>
        %dma_wait3A_125 = arith.constant 0 : i32
        %dma_wait3A_126 = arith.constant 0 : i32
        %dma_wait3A_127 = tpu.memref_slice %arg2[%add3A_104, %dma_wait3A_125, %dma_wait3A_126] : memref<160x25x80xi32, #tpu.memory_space<hbm>> -> memref<1x25x80xi32, #tpu.memory_space<hbm>>
        %dma_wait3A_128 = tpu.memref_squeeze %dma_wait3A_127 : memref<1x25x80xi32, #tpu.memory_space<hbm>> -> memref<25x80xi32, #tpu.memory_space<hbm>>
        tpu.wait_dma2 semaphore(%run_scoped3A : memref<!tpu.dma_semaphore, #tpu.memory_space<semaphore_mem>>) src(%dma_wait3A_128 : memref<25x80xi32, #tpu.memory_space<hbm>>) dst(%arg8 : memref<25x80xi32, #tpu.memory_space<vmem>>)
        tpu.yield
      }) : () -> ()
      "tpu.region"() ({
        %run_scoped3A = tpu.sem_alloc : memref<!tpu.dma_semaphore, #tpu.memory_space<semaphore_mem>>
        %dma_start3A = arith.constant 0 : i32
        %dma_start3A_115 = arith.constant 0 : i32
        %dma_start3A_116 = tpu.memref_slice %arg3[%add3A_104, %dma_start3A, %dma_start3A_115] : memref<160x25x80xi32, #tpu.memory_space<hbm>> -> memref<1x25x80xi32, #tpu.memory_space<hbm>>
        %dma_start3A_117 = tpu.memref_squeeze %dma_start3A_116 : memref<1x25x80xi32, #tpu.memory_space<hbm>> -> memref<25x80xi32, #tpu.memory_space<hbm>>
        %dma_start3A_118 = arith.constant 0 : i32
        %dma_start3A_119 = arith.constant 0 : i32
        %dma_start3A_120 = tpu.memref_slice %arg3[%add3A_104, %dma_start3A_118, %dma_start3A_119] : memref<160x25x80xi32, #tpu.memory_space<hbm>> -> memref<1x25x80xi32, #tpu.memory_space<hbm>>
        %dma_start3A_121 = tpu.memref_squeeze %dma_start3A_120 : memref<1x25x80xi32, #tpu.memory_space<hbm>> -> memref<25x80xi32, #tpu.memory_space<hbm>>
        tpu.enqueue_dma source(%dma_start3A_121 : memref<25x80xi32, #tpu.memory_space<hbm>>) target(%arg9 : memref<25x80xi32, #tpu.memory_space<vmem>>) target_semaphore(%run_scoped3A : memref<!tpu.dma_semaphore, #tpu.memory_space<semaphore_mem>>)
        %dma_wait3A = arith.constant 0 : i32
        %dma_wait3A_122 = arith.constant 0 : i32
        %dma_wait3A_123 = tpu.memref_slice %arg3[%add3A_104, %dma_wait3A, %dma_wait3A_122] : memref<160x25x80xi32, #tpu.memory_space<hbm>> -> memref<1x25x80xi32, #tpu.memory_space<hbm>>
        %dma_wait3A_124 = tpu.memref_squeeze %dma_wait3A_123 : memref<1x25x80xi32, #tpu.memory_space<hbm>> -> memref<25x80xi32, #tpu.memory_space<hbm>>
        %dma_wait3A_125 = arith.constant 0 : i32
        %dma_wait3A_126 = arith.constant 0 : i32
        %dma_wait3A_127 = tpu.memref_slice %arg3[%add3A_104, %dma_wait3A_125, %dma_wait3A_126] : memref<160x25x80xi32, #tpu.memory_space<hbm>> -> memref<1x25x80xi32, #tpu.memory_space<hbm>>
        %dma_wait3A_128 = tpu.memref_squeeze %dma_wait3A_127 : memref<1x25x80xi32, #tpu.memory_space<hbm>> -> memref<25x80xi32, #tpu.memory_space<hbm>>
        tpu.wait_dma2 semaphore(%run_scoped3A : memref<!tpu.dma_semaphore, #tpu.memory_space<semaphore_mem>>) src(%dma_wait3A_128 : memref<25x80xi32, #tpu.memory_space<hbm>>) dst(%arg9 : memref<25x80xi32, #tpu.memory_space<vmem>>)
        tpu.yield
      }) : () -> ()
      %eq3A_105 = arith.constant 0 : i32
      %eq3A_106 = arith.cmpi eq, %arg0, %eq3A_105 : i32
      %convert_element_type3A_107 = arith.extui %eq3A_106 : i1 to i32
      %cond3A_108 = arith.constant 0 : i32
      %cond3A_109 = arith.cmpi ne, %convert_element_type3A_107, %cond3A_108 : i32
      scf.if %cond3A_109 {
        %dma_start3A = arith.constant 0 : i32
        %dma_start3A_115 = arith.constant 0 : i32
        %dma_start3A_116 = tpu.memref_slice %arg8[%dma_start3A, %dma_start3A_115] : memref<25x80xi32, #tpu.memory_space<vmem>> -> memref<1x80xi32, #tpu.memory_space<vmem>>
        %dma_start3A_117 = tpu.memref_squeeze %dma_start3A_116 : memref<1x80xi32, #tpu.memory_space<vmem>> -> memref<80xi32, #tpu.memory_space<vmem>>
        %dma_start3A_118 = arith.constant 0 : i32
        %dma_start3A_119 = arith.constant 0 : i32
        %dma_start3A_120 = tpu.memref_slice %arg4[%dma_start3A_118, %dma_start3A_119] : memref<10000x128xf32, #tpu.memory_space<hbm>> -> memref<10000x128xf32, #tpu.memory_space<hbm>>
        tpu.enqueue_indirect_dma source(%dma_start3A_120 : memref<10000x128xf32, #tpu.memory_space<hbm>>) target(%arg10 : memref<80x128xf32, #tpu.memory_space<vmem>>) offsets(%dma_start3A_117 : memref<80xi32, #tpu.memory_space<vmem>>) semaphore(%arg14 : memref<!tpu.dma_semaphore, #tpu.memory_space<semaphore_mem>>)
        %scan3A_121 = arith.constant 0 : i32
        %scan3A_122 = arith.constant 12 : i32
        %scan3A_123 = arith.addi %scan3A_121, %scan3A_122 : i32
        %scan3A_124 = arith.constant 1 : i32
        scf.for %scan3A_139 = %scan3A_121 to %scan3A_123 step %scan3A_124  : i32 {
          %mul3A_140 = arith.constant 1 : i32
          %mul3A_141 = arith.muli %scan3A_139, %mul3A_140 : i32
          %add3A_142 = arith.constant 0 : i32
          %add3A_143 = arith.addi %add3A_142, %mul3A_141 : i32
          %mul3A_144 = arith.constant 2 : i32
          %mul3A_145 = arith.muli %mul3A_144, %add3A_143 : i32
          %dma_wait3A_146 = arith.constant 0 : i32
          %dma_wait3A_147 = arith.constant 0 : i32
          %dma_wait3A_148 = tpu.memref_slice %arg8[%dma_wait3A_146, %dma_wait3A_147] : memref<25x80xi32, #tpu.memory_space<vmem>> -> memref<1x80xi32, #tpu.memory_space<vmem>>
          %dma_wait3A_149 = tpu.memref_squeeze %dma_wait3A_148 : memref<1x80xi32, #tpu.memory_space<vmem>> -> memref<80xi32, #tpu.memory_space<vmem>>
          %dma_wait3A_150 = arith.constant 0 : i32
          %dma_wait3A_151 = arith.constant 0 : i32
          %dma_wait3A_152 = tpu.memref_slice %arg4[%dma_wait3A_150, %dma_wait3A_151] : memref<10000x128xf32, #tpu.memory_space<hbm>> -> memref<10000x128xf32, #tpu.memory_space<hbm>>
          tpu.wait_indirect_dma semaphore(%arg14 : memref<!tpu.dma_semaphore, #tpu.memory_space<semaphore_mem>>) src(%dma_wait3A_152 : memref<10000x128xf32, #tpu.memory_space<hbm>>) dst(%arg10 : memref<80x128xf32, #tpu.memory_space<vmem>>)
          %gt3A = arith.constant 0 : i32
          %gt3A_153 = arith.cmpi sgt, %add3A_143, %gt3A : i32
          %convert_element_type3A_154 = arith.extui %gt3A_153 : i1 to i32
          %cond3A_155 = arith.constant 0 : i32
          %cond3A_156 = arith.cmpi ne, %convert_element_type3A_154, %cond3A_155 : i32
          scf.if %cond3A_156 {
            %dma_wait3A_199 = arith.constant 0 : i32
            %dma_wait3A_200 = arith.constant 0 : i32
            %dma_wait3A_201 = tpu.memref_slice %arg9[%dma_wait3A_199, %dma_wait3A_200] : memref<25x80xi32, #tpu.memory_space<vmem>> -> memref<1x80xi32, #tpu.memory_space<vmem>>
            %dma_wait3A_202 = tpu.memref_squeeze %dma_wait3A_201 : memref<1x80xi32, #tpu.memory_space<vmem>> -> memref<80xi32, #tpu.memory_space<vmem>>
            %dma_wait3A_203 = arith.constant 0 : i32
            %dma_wait3A_204 = arith.constant 0 : i32
            %dma_wait3A_205 = tpu.memref_slice %arg13[%dma_wait3A_203, %dma_wait3A_204] : memref<10240x128xf32, #tpu.memory_space<vmem_shared>> -> memref<10240x128xf32, #tpu.memory_space<vmem_shared>>
            tpu.wait_indirect_dma semaphore(%arg15 : memref<!tpu.dma_semaphore, #tpu.memory_space<semaphore_mem>>) src(%arg11 : memref<80x128xf32, #tpu.memory_space<vmem>>) dst(%dma_wait3A_205 : memref<10240x128xf32, #tpu.memory_space<vmem_shared>>)
          } else {
          }
          %add3A_157 = arith.constant 1 : i32
          %add3A_158 = arith.addi %mul3A_145, %add3A_157 : i32
          %dma_start3A_159 = arith.constant 0 : i32
          %dma_start3A_160 = tpu.memref_slice %arg8[%add3A_158, %dma_start3A_159] : memref<25x80xi32, #tpu.memory_space<vmem>> -> memref<1x80xi32, #tpu.memory_space<vmem>>
          %dma_start3A_161 = tpu.memref_squeeze %dma_start3A_160 : memref<1x80xi32, #tpu.memory_space<vmem>> -> memref<80xi32, #tpu.memory_space<vmem>>
          %dma_start3A_162 = arith.constant 0 : i32
          %dma_start3A_163 = arith.constant 0 : i32
          %dma_start3A_164 = tpu.memref_slice %arg4[%dma_start3A_162, %dma_start3A_163] : memref<10000x128xf32, #tpu.memory_space<hbm>> -> memref<10000x128xf32, #tpu.memory_space<hbm>>
          tpu.enqueue_indirect_dma source(%dma_start3A_164 : memref<10000x128xf32, #tpu.memory_space<hbm>>) target(%arg11 : memref<80x128xf32, #tpu.memory_space<vmem>>) offsets(%dma_start3A_161 : memref<80xi32, #tpu.memory_space<vmem>>) semaphore(%arg14 : memref<!tpu.dma_semaphore, #tpu.memory_space<semaphore_mem>>)
          %dma_start3A_165 = arith.constant 0 : i32
          %dma_start3A_166 = tpu.memref_slice %arg9[%mul3A_145, %dma_start3A_165] : memref<25x80xi32, #tpu.memory_space<vmem>> -> memref<1x80xi32, #tpu.memory_space<vmem>>
          %dma_start3A_167 = tpu.memref_squeeze %dma_start3A_166 : memref<1x80xi32, #tpu.memory_space<vmem>> -> memref<80xi32, #tpu.memory_space<vmem>>
          %dma_start3A_168 = arith.constant 0 : i32
          %dma_start3A_169 = arith.constant 0 : i32
          %dma_start3A_170 = tpu.memref_slice %arg13[%dma_start3A_168, %dma_start3A_169] : memref<10240x128xf32, #tpu.memory_space<vmem_shared>> -> memref<10240x128xf32, #tpu.memory_space<vmem_shared>>
          tpu.enqueue_indirect_dma source(%arg10 : memref<80x128xf32, #tpu.memory_space<vmem>>) target(%dma_start3A_170 : memref<10240x128xf32, #tpu.memory_space<vmem_shared>>) offsets(%dma_start3A_167 : memref<80xi32, #tpu.memory_space<vmem>>) semaphore(%arg15 : memref<!tpu.dma_semaphore, #tpu.memory_space<semaphore_mem>>) {add = true}
          %dma_wait3A_171 = arith.constant 0 : i32
          %dma_wait3A_172 = tpu.memref_slice %arg8[%add3A_158, %dma_wait3A_171] : memref<25x80xi32, #tpu.memory_space<vmem>> -> memref<1x80xi32, #tpu.memory_space<vmem>>
          %dma_wait3A_173 = tpu.memref_squeeze %dma_wait3A_172 : memref<1x80xi32, #tpu.memory_space<vmem>> -> memref<80xi32, #tpu.memory_space<vmem>>
          %dma_wait3A_174 = arith.constant 0 : i32
          %dma_wait3A_175 = arith.constant 0 : i32
          %dma_wait3A_176 = tpu.memref_slice %arg4[%dma_wait3A_174, %dma_wait3A_175] : memref<10000x128xf32, #tpu.memory_space<hbm>> -> memref<10000x128xf32, #tpu.memory_space<hbm>>
          tpu.wait_indirect_dma semaphore(%arg14 : memref<!tpu.dma_semaphore, #tpu.memory_space<semaphore_mem>>) src(%dma_wait3A_176 : memref<10000x128xf32, #tpu.memory_space<hbm>>) dst(%arg11 : memref<80x128xf32, #tpu.memory_space<vmem>>)
          %dma_wait3A_177 = arith.constant 0 : i32
          %dma_wait3A_178 = tpu.memref_slice %arg9[%mul3A_145, %dma_wait3A_177] : memref<25x80xi32, #tpu.memory_space<vmem>> -> memref<1x80xi32, #tpu.memory_space<vmem>>
          %dma_wait3A_179 = tpu.memref_squeeze %dma_wait3A_178 : memref<1x80xi32, #tpu.memory_space<vmem>> -> memref<80xi32, #tpu.memory_space<vmem>>
          %dma_wait3A_180 = arith.constant 0 : i32
          %dma_wait3A_181 = arith.constant 0 : i32
          %dma_wait3A_182 = tpu.memref_slice %arg13[%dma_wait3A_180, %dma_wait3A_181] : memref<10240x128xf32, #tpu.memory_space<vmem_shared>> -> memref<10240x128xf32, #tpu.memory_space<vmem_shared>>
          tpu.wait_indirect_dma semaphore(%arg15 : memref<!tpu.dma_semaphore, #tpu.memory_space<semaphore_mem>>) src(%arg10 : memref<80x128xf32, #tpu.memory_space<vmem>>) dst(%dma_wait3A_182 : memref<10240x128xf32, #tpu.memory_space<vmem_shared>>)
          %add3A_183 = arith.constant 2 : i32
          %add3A_184 = arith.addi %mul3A_145, %add3A_183 : i32
          %dma_start3A_185 = arith.constant 0 : i32
          %dma_start3A_186 = tpu.memref_slice %arg8[%add3A_184, %dma_start3A_185] : memref<25x80xi32, #tpu.memory_space<vmem>> -> memref<1x80xi32, #tpu.memory_space<vmem>>
          %dma_start3A_187 = tpu.memref_squeeze %dma_start3A_186 : memref<1x80xi32, #tpu.memory_space<vmem>> -> memref<80xi32, #tpu.memory_space<vmem>>
          %dma_start3A_188 = arith.constant 0 : i32
          %dma_start3A_189 = arith.constant 0 : i32
          %dma_start3A_190 = tpu.memref_slice %arg4[%dma_start3A_188, %dma_start3A_189] : memref<10000x128xf32, #tpu.memory_space<hbm>> -> memref<10000x128xf32, #tpu.memory_space<hbm>>
          tpu.enqueue_indirect_dma source(%dma_start3A_190 : memref<10000x128xf32, #tpu.memory_space<hbm>>) target(%arg10 : memref<80x128xf32, #tpu.memory_space<vmem>>) offsets(%dma_start3A_187 : memref<80xi32, #tpu.memory_space<vmem>>) semaphore(%arg14 : memref<!tpu.dma_semaphore, #tpu.memory_space<semaphore_mem>>)
          %add3A_191 = arith.constant 1 : i32
          %add3A_192 = arith.addi %mul3A_145, %add3A_191 : i32
          %dma_start3A_193 = arith.constant 0 : i32
          %dma_start3A_194 = tpu.memref_slice %arg9[%add3A_192, %dma_start3A_193] : memref<25x80xi32, #tpu.memory_space<vmem>> -> memref<1x80xi32, #tpu.memory_space<vmem>>
          %dma_start3A_195 = tpu.memref_squeeze %dma_start3A_194 : memref<1x80xi32, #tpu.memory_space<vmem>> -> memref<80xi32, #tpu.memory_space<vmem>>
          %dma_start3A_196 = arith.constant 0 : i32
          %dma_start3A_197 = arith.constant 0 : i32
          %dma_start3A_198 = tpu.memref_slice %arg13[%dma_start3A_196, %dma_start3A_197] : memref<10240x128xf32, #tpu.memory_space<vmem_shared>> -> memref<10240x128xf32, #tpu.memory_space<vmem_shared>>
          tpu.enqueue_indirect_dma source(%arg11 : memref<80x128xf32, #tpu.memory_space<vmem>>) target(%dma_start3A_198 : memref<10240x128xf32, #tpu.memory_space<vmem_shared>>) offsets(%dma_start3A_195 : memref<80xi32, #tpu.memory_space<vmem>>) semaphore(%arg15 : memref<!tpu.dma_semaphore, #tpu.memory_space<semaphore_mem>>) {add = true}
        }
        %scan3A_125 = arith.constant 12 : i32
        %dma_wait3A = arith.constant 0 : i32
        %dma_wait3A_126 = arith.constant 0 : i32
        %dma_wait3A_127 = tpu.memref_slice %arg8[%dma_wait3A, %dma_wait3A_126] : memref<25x80xi32, #tpu.memory_space<vmem>> -> memref<1x80xi32, #tpu.memory_space<vmem>>
        %dma_wait3A_128 = tpu.memref_squeeze %dma_wait3A_127 : memref<1x80xi32, #tpu.memory_space<vmem>> -> memref<80xi32, #tpu.memory_space<vmem>>
        %dma_wait3A_129 = arith.constant 0 : i32
        %dma_wait3A_130 = arith.constant 0 : i32
        %dma_wait3A_131 = tpu.memref_slice %arg4[%dma_wait3A_129, %dma_wait3A_130] : memref<10000x128xf32, #tpu.memory_space<hbm>> -> memref<10000x128xf32, #tpu.memory_space<hbm>>
        tpu.wait_indirect_dma semaphore(%arg14 : memref<!tpu.dma_semaphore, #tpu.memory_space<semaphore_mem>>) src(%dma_wait3A_131 : memref<10000x128xf32, #tpu.memory_space<hbm>>) dst(%arg10 : memref<80x128xf32, #tpu.memory_space<vmem>>)
        %dma_wait3A_132 = arith.constant 0 : i32
        %dma_wait3A_133 = arith.constant 0 : i32
        %dma_wait3A_134 = tpu.memref_slice %arg9[%dma_wait3A_132, %dma_wait3A_133] : memref<25x80xi32, #tpu.memory_space<vmem>> -> memref<1x80xi32, #tpu.memory_space<vmem>>
        %dma_wait3A_135 = tpu.memref_squeeze %dma_wait3A_134 : memref<1x80xi32, #tpu.memory_space<vmem>> -> memref<80xi32, #tpu.memory_space<vmem>>
        %dma_wait3A_136 = arith.constant 0 : i32
        %dma_wait3A_137 = arith.constant 0 : i32
        %dma_wait3A_138 = tpu.memref_slice %arg13[%dma_wait3A_136, %dma_wait3A_137] : memref<10240x128xf32, #tpu.memory_space<vmem_shared>> -> memref<10240x128xf32, #tpu.memory_space<vmem_shared>>
        tpu.wait_indirect_dma semaphore(%arg15 : memref<!tpu.dma_semaphore, #tpu.memory_space<semaphore_mem>>) src(%arg11 : memref<80x128xf32, #tpu.memory_space<vmem>>) dst(%dma_wait3A_138 : memref<10240x128xf32, #tpu.memory_space<vmem_shared>>)
        %run_scoped3A = arith.constant 24 : i32
        "tpu.region"() ({
          %run_scoped3A_139 = tpu.sem_alloc : memref<!tpu.dma_semaphore, #tpu.memory_space<semaphore_mem>>
          %dma_start3A_140 = arith.constant 0 : i32
          %dma_start3A_141 = tpu.memref_slice %arg9[%run_scoped3A, %dma_start3A_140] : memref<25x80xi32, #tpu.memory_space<vmem>> -> memref<1x80xi32, #tpu.memory_space<vmem>>
          %dma_start3A_142 = tpu.memref_squeeze %dma_start3A_141 : memref<1x80xi32, #tpu.memory_space<vmem>> -> memref<80xi32, #tpu.memory_space<vmem>>
          %dma_start3A_143 = arith.constant 0 : i32
          %dma_start3A_144 = arith.constant 0 : i32
          %dma_start3A_145 = tpu.memref_slice %arg13[%dma_start3A_143, %dma_start3A_144] : memref<10240x128xf32, #tpu.memory_space<vmem_shared>> -> memref<10240x128xf32, #tpu.memory_space<vmem_shared>>
          tpu.enqueue_indirect_dma source(%arg10 : memref<80x128xf32, #tpu.memory_space<vmem>>) target(%dma_start3A_145 : memref<10240x128xf32, #tpu.memory_space<vmem_shared>>) offsets(%dma_start3A_142 : memref<80xi32, #tpu.memory_space<vmem>>) semaphore(%run_scoped3A_139 : memref<!tpu.dma_semaphore, #tpu.memory_space<semaphore_mem>>) {add = true}
          %dma_wait3A_146 = arith.constant 0 : i32
          %dma_wait3A_147 = tpu.memref_slice %arg9[%run_scoped3A, %dma_wait3A_146] : memref<25x80xi32, #tpu.memory_space<vmem>> -> memref<1x80xi32, #tpu.memory_space<vmem>>
          %dma_wait3A_148 = tpu.memref_squeeze %dma_wait3A_147 : memref<1x80xi32, #tpu.memory_space<vmem>> -> memref<80xi32, #tpu.memory_space<vmem>>
          %dma_wait3A_149 = arith.constant 0 : i32
          %dma_wait3A_150 = arith.constant 0 : i32
          %dma_wait3A_151 = tpu.memref_slice %arg13[%dma_wait3A_149, %dma_wait3A_150] : memref<10240x128xf32, #tpu.memory_space<vmem_shared>> -> memref<10240x128xf32, #tpu.memory_space<vmem_shared>>
          tpu.wait_indirect_dma semaphore(%run_scoped3A_139 : memref<!tpu.dma_semaphore, #tpu.memory_space<semaphore_mem>>) src(%arg10 : memref<80x128xf32, #tpu.memory_space<vmem>>) dst(%dma_wait3A_151 : memref<10240x128xf32, #tpu.memory_space<vmem_shared>>)
          tpu.yield
        }) : () -> ()
      } else {
      }
      %eq3A_110 = arith.constant 1 : i32
      %eq3A_111 = arith.cmpi eq, %arg0, %eq3A_110 : i32
      %convert_element_type3A_112 = arith.extui %eq3A_111 : i1 to i32
      %cond3A_113 = arith.constant 0 : i32
      %cond3A_114 = arith.cmpi ne, %convert_element_type3A_112, %cond3A_113 : i32
      scf.if %cond3A_114 {
        %dma_start3A = arith.constant 0 : i32
        %dma_start3A_115 = arith.constant 0 : i32
        %dma_start3A_116 = tpu.memref_slice %arg8[%dma_start3A, %dma_start3A_115] : memref<25x80xi32, #tpu.memory_space<vmem>> -> memref<1x80xi32, #tpu.memory_space<vmem>>
        %dma_start3A_117 = tpu.memref_squeeze %dma_start3A_116 : memref<1x80xi32, #tpu.memory_space<vmem>> -> memref<80xi32, #tpu.memory_space<vmem>>
        %dma_start3A_118 = arith.constant 0 : i32
        %dma_start3A_119 = arith.constant 0 : i32
        %dma_start3A_120 = tpu.memref_slice %arg5[%dma_start3A_118, %dma_start3A_119] : memref<10000x128xf32, #tpu.memory_space<hbm>> -> memref<10000x128xf32, #tpu.memory_space<hbm>>
        tpu.enqueue_indirect_dma source(%dma_start3A_120 : memref<10000x128xf32, #tpu.memory_space<hbm>>) target(%arg10 : memref<80x128xf32, #tpu.memory_space<vmem>>) offsets(%dma_start3A_117 : memref<80xi32, #tpu.memory_space<vmem>>) semaphore(%arg14 : memref<!tpu.dma_semaphore, #tpu.memory_space<semaphore_mem>>)
        %scan3A_121 = arith.constant 0 : i32
        %scan3A_122 = arith.constant 12 : i32
        %scan3A_123 = arith.addi %scan3A_121, %scan3A_122 : i32
        %scan3A_124 = arith.constant 1 : i32
        scf.for %scan3A_139 = %scan3A_121 to %scan3A_123 step %scan3A_124  : i32 {
          %mul3A_140 = arith.constant 1 : i32
          %mul3A_141 = arith.muli %scan3A_139, %mul3A_140 : i32
          %add3A_142 = arith.constant 0 : i32
          %add3A_143 = arith.addi %add3A_142, %mul3A_141 : i32
          %mul3A_144 = arith.constant 2 : i32
          %mul3A_145 = arith.muli %mul3A_144, %add3A_143 : i32
          %dma_wait3A_146 = arith.constant 0 : i32
          %dma_wait3A_147 = arith.constant 0 : i32
          %dma_wait3A_148 = tpu.memref_slice %arg8[%dma_wait3A_146, %dma_wait3A_147] : memref<25x80xi32, #tpu.memory_space<vmem>> -> memref<1x80xi32, #tpu.memory_space<vmem>>
          %dma_wait3A_149 = tpu.memref_squeeze %dma_wait3A_148 : memref<1x80xi32, #tpu.memory_space<vmem>> -> memref<80xi32, #tpu.memory_space<vmem>>
          %dma_wait3A_150 = arith.constant 0 : i32
          %dma_wait3A_151 = arith.constant 0 : i32
          %dma_wait3A_152 = tpu.memref_slice %arg5[%dma_wait3A_150, %dma_wait3A_151] : memref<10000x128xf32, #tpu.memory_space<hbm>> -> memref<10000x128xf32, #tpu.memory_space<hbm>>
          tpu.wait_indirect_dma semaphore(%arg14 : memref<!tpu.dma_semaphore, #tpu.memory_space<semaphore_mem>>) src(%dma_wait3A_152 : memref<10000x128xf32, #tpu.memory_space<hbm>>) dst(%arg10 : memref<80x128xf32, #tpu.memory_space<vmem>>)
          %gt3A = arith.constant 0 : i32
          %gt3A_153 = arith.cmpi sgt, %add3A_143, %gt3A : i32
          %convert_element_type3A_154 = arith.extui %gt3A_153 : i1 to i32
          %cond3A_155 = arith.constant 0 : i32
          %cond3A_156 = arith.cmpi ne, %convert_element_type3A_154, %cond3A_155 : i32
          scf.if %cond3A_156 {
            %dma_wait3A_199 = arith.constant 0 : i32
            %dma_wait3A_200 = arith.constant 0 : i32
            %dma_wait3A_201 = tpu.memref_slice %arg9[%dma_wait3A_199, %dma_wait3A_200] : memref<25x80xi32, #tpu.memory_space<vmem>> -> memref<1x80xi32, #tpu.memory_space<vmem>>
            %dma_wait3A_202 = tpu.memref_squeeze %dma_wait3A_201 : memref<1x80xi32, #tpu.memory_space<vmem>> -> memref<80xi32, #tpu.memory_space<vmem>>
            %dma_wait3A_203 = arith.constant 0 : i32
            %dma_wait3A_204 = arith.constant 0 : i32
            %dma_wait3A_205 = tpu.memref_slice %arg13[%dma_wait3A_203, %dma_wait3A_204] : memref<10240x128xf32, #tpu.memory_space<vmem_shared>> -> memref<10240x128xf32, #tpu.memory_space<vmem_shared>>
            tpu.wait_indirect_dma semaphore(%arg15 : memref<!tpu.dma_semaphore, #tpu.memory_space<semaphore_mem>>) src(%arg11 : memref<80x128xf32, #tpu.memory_space<vmem>>) dst(%dma_wait3A_205 : memref<10240x128xf32, #tpu.memory_space<vmem_shared>>)
          } else {
          }
          %add3A_157 = arith.constant 1 : i32
          %add3A_158 = arith.addi %mul3A_145, %add3A_157 : i32
          %dma_start3A_159 = arith.constant 0 : i32
          %dma_start3A_160 = tpu.memref_slice %arg8[%add3A_158, %dma_start3A_159] : memref<25x80xi32, #tpu.memory_space<vmem>> -> memref<1x80xi32, #tpu.memory_space<vmem>>
          %dma_start3A_161 = tpu.memref_squeeze %dma_start3A_160 : memref<1x80xi32, #tpu.memory_space<vmem>> -> memref<80xi32, #tpu.memory_space<vmem>>
          %dma_start3A_162 = arith.constant 0 : i32
          %dma_start3A_163 = arith.constant 0 : i32
          %dma_start3A_164 = tpu.memref_slice %arg5[%dma_start3A_162, %dma_start3A_163] : memref<10000x128xf32, #tpu.memory_space<hbm>> -> memref<10000x128xf32, #tpu.memory_space<hbm>>
          tpu.enqueue_indirect_dma source(%dma_start3A_164 : memref<10000x128xf32, #tpu.memory_space<hbm>>) target(%arg11 : memref<80x128xf32, #tpu.memory_space<vmem>>) offsets(%dma_start3A_161 : memref<80xi32, #tpu.memory_space<vmem>>) semaphore(%arg14 : memref<!tpu.dma_semaphore, #tpu.memory_space<semaphore_mem>>)
          %dma_start3A_165 = arith.constant 0 : i32
          %dma_start3A_166 = tpu.memref_slice %arg9[%mul3A_145, %dma_start3A_165] : memref<25x80xi32, #tpu.memory_space<vmem>> -> memref<1x80xi32, #tpu.memory_space<vmem>>
          %dma_start3A_167 = tpu.memref_squeeze %dma_start3A_166 : memref<1x80xi32, #tpu.memory_space<vmem>> -> memref<80xi32, #tpu.memory_space<vmem>>
          %dma_start3A_168 = arith.constant 0 : i32
          %dma_start3A_169 = arith.constant 0 : i32
          %dma_start3A_170 = tpu.memref_slice %arg13[%dma_start3A_168, %dma_start3A_169] : memref<10240x128xf32, #tpu.memory_space<vmem_shared>> -> memref<10240x128xf32, #tpu.memory_space<vmem_shared>>
          tpu.enqueue_indirect_dma source(%arg10 : memref<80x128xf32, #tpu.memory_space<vmem>>) target(%dma_start3A_170 : memref<10240x128xf32, #tpu.memory_space<vmem_shared>>) offsets(%dma_start3A_167 : memref<80xi32, #tpu.memory_space<vmem>>) semaphore(%arg15 : memref<!tpu.dma_semaphore, #tpu.memory_space<semaphore_mem>>) {add = true}
          %dma_wait3A_171 = arith.constant 0 : i32
          %dma_wait3A_172 = tpu.memref_slice %arg8[%add3A_158, %dma_wait3A_171] : memref<25x80xi32, #tpu.memory_space<vmem>> -> memref<1x80xi32, #tpu.memory_space<vmem>>
          %dma_wait3A_173 = tpu.memref_squeeze %dma_wait3A_172 : memref<1x80xi32, #tpu.memory_space<vmem>> -> memref<80xi32, #tpu.memory_space<vmem>>
          %dma_wait3A_174 = arith.constant 0 : i32
          %dma_wait3A_175 = arith.constant 0 : i32
          %dma_wait3A_176 = tpu.memref_slice %arg5[%dma_wait3A_174, %dma_wait3A_175] : memref<10000x128xf32, #tpu.memory_space<hbm>> -> memref<10000x128xf32, #tpu.memory_space<hbm>>
          tpu.wait_indirect_dma semaphore(%arg14 : memref<!tpu.dma_semaphore, #tpu.memory_space<semaphore_mem>>) src(%dma_wait3A_176 : memref<10000x128xf32, #tpu.memory_space<hbm>>) dst(%arg11 : memref<80x128xf32, #tpu.memory_space<vmem>>)
          %dma_wait3A_177 = arith.constant 0 : i32
          %dma_wait3A_178 = tpu.memref_slice %arg9[%mul3A_145, %dma_wait3A_177] : memref<25x80xi32, #tpu.memory_space<vmem>> -> memref<1x80xi32, #tpu.memory_space<vmem>>
          %dma_wait3A_179 = tpu.memref_squeeze %dma_wait3A_178 : memref<1x80xi32, #tpu.memory_space<vmem>> -> memref<80xi32, #tpu.memory_space<vmem>>
          %dma_wait3A_180 = arith.constant 0 : i32
          %dma_wait3A_181 = arith.constant 0 : i32
          %dma_wait3A_182 = tpu.memref_slice %arg13[%dma_wait3A_180, %dma_wait3A_181] : memref<10240x128xf32, #tpu.memory_space<vmem_shared>> -> memref<10240x128xf32, #tpu.memory_space<vmem_shared>>
          tpu.wait_indirect_dma semaphore(%arg15 : memref<!tpu.dma_semaphore, #tpu.memory_space<semaphore_mem>>) src(%arg10 : memref<80x128xf32, #tpu.memory_space<vmem>>) dst(%dma_wait3A_182 : memref<10240x128xf32, #tpu.memory_space<vmem_shared>>)
          %add3A_183 = arith.constant 2 : i32
          %add3A_184 = arith.addi %mul3A_145, %add3A_183 : i32
          %dma_start3A_185 = arith.constant 0 : i32
          %dma_start3A_186 = tpu.memref_slice %arg8[%add3A_184, %dma_start3A_185] : memref<25x80xi32, #tpu.memory_space<vmem>> -> memref<1x80xi32, #tpu.memory_space<vmem>>
          %dma_start3A_187 = tpu.memref_squeeze %dma_start3A_186 : memref<1x80xi32, #tpu.memory_space<vmem>> -> memref<80xi32, #tpu.memory_space<vmem>>
          %dma_start3A_188 = arith.constant 0 : i32
          %dma_start3A_189 = arith.constant 0 : i32
          %dma_start3A_190 = tpu.memref_slice %arg5[%dma_start3A_188, %dma_start3A_189] : memref<10000x128xf32, #tpu.memory_space<hbm>> -> memref<10000x128xf32, #tpu.memory_space<hbm>>
          tpu.enqueue_indirect_dma source(%dma_start3A_190 : memref<10000x128xf32, #tpu.memory_space<hbm>>) target(%arg10 : memref<80x128xf32, #tpu.memory_space<vmem>>) offsets(%dma_start3A_187 : memref<80xi32, #tpu.memory_space<vmem>>) semaphore(%arg14 : memref<!tpu.dma_semaphore, #tpu.memory_space<semaphore_mem>>)
          %add3A_191 = arith.constant 1 : i32
          %add3A_192 = arith.addi %mul3A_145, %add3A_191 : i32
          %dma_start3A_193 = arith.constant 0 : i32
          %dma_start3A_194 = tpu.memref_slice %arg9[%add3A_192, %dma_start3A_193] : memref<25x80xi32, #tpu.memory_space<vmem>> -> memref<1x80xi32, #tpu.memory_space<vmem>>
          %dma_start3A_195 = tpu.memref_squeeze %dma_start3A_194 : memref<1x80xi32, #tpu.memory_space<vmem>> -> memref<80xi32, #tpu.memory_space<vmem>>
          %dma_start3A_196 = arith.constant 0 : i32
          %dma_start3A_197 = arith.constant 0 : i32
          %dma_start3A_198 = tpu.memref_slice %arg13[%dma_start3A_196, %dma_start3A_197] : memref<10240x128xf32, #tpu.memory_space<vmem_shared>> -> memref<10240x128xf32, #tpu.memory_space<vmem_shared>>
          tpu.enqueue_indirect_dma source(%arg11 : memref<80x128xf32, #tpu.memory_space<vmem>>) target(%dma_start3A_198 : memref<10240x128xf32, #tpu.memory_space<vmem_shared>>) offsets(%dma_start3A_195 : memref<80xi32, #tpu.memory_space<vmem>>) semaphore(%arg15 : memref<!tpu.dma_semaphore, #tpu.memory_space<semaphore_mem>>) {add = true}
        }
        %scan3A_125 = arith.constant 12 : i32
        %dma_wait3A = arith.constant 0 : i32
        %dma_wait3A_126 = arith.constant 0 : i32
        %dma_wait3A_127 = tpu.memref_slice %arg8[%dma_wait3A, %dma_wait3A_126] : memref<25x80xi32, #tpu.memory_space<vmem>> -> memref<1x80xi32, #tpu.memory_space<vmem>>
        %dma_wait3A_128 = tpu.memref_squeeze %dma_wait3A_127 : memref<1x80xi32, #tpu.memory_space<vmem>> -> memref<80xi32, #tpu.memory_space<vmem>>
        %dma_wait3A_129 = arith.constant 0 : i32
        %dma_wait3A_130 = arith.constant 0 : i32
        %dma_wait3A_131 = tpu.memref_slice %arg5[%dma_wait3A_129, %dma_wait3A_130] : memref<10000x128xf32, #tpu.memory_space<hbm>> -> memref<10000x128xf32, #tpu.memory_space<hbm>>
        tpu.wait_indirect_dma semaphore(%arg14 : memref<!tpu.dma_semaphore, #tpu.memory_space<semaphore_mem>>) src(%dma_wait3A_131 : memref<10000x128xf32, #tpu.memory_space<hbm>>) dst(%arg10 : memref<80x128xf32, #tpu.memory_space<vmem>>)
        %dma_wait3A_132 = arith.constant 0 : i32
        %dma_wait3A_133 = arith.constant 0 : i32
        %dma_wait3A_134 = tpu.memref_slice %arg9[%dma_wait3A_132, %dma_wait3A_133] : memref<25x80xi32, #tpu.memory_space<vmem>> -> memref<1x80xi32, #tpu.memory_space<vmem>>
        %dma_wait3A_135 = tpu.memref_squeeze %dma_wait3A_134 : memref<1x80xi32, #tpu.memory_space<vmem>> -> memref<80xi32, #tpu.memory_space<vmem>>
        %dma_wait3A_136 = arith.constant 0 : i32
        %dma_wait3A_137 = arith.constant 0 : i32
        %dma_wait3A_138 = tpu.memref_slice %arg13[%dma_wait3A_136, %dma_wait3A_137] : memref<10240x128xf32, #tpu.memory_space<vmem_shared>> -> memref<10240x128xf32, #tpu.memory_space<vmem_shared>>
        tpu.wait_indirect_dma semaphore(%arg15 : memref<!tpu.dma_semaphore, #tpu.memory_space<semaphore_mem>>) src(%arg11 : memref<80x128xf32, #tpu.memory_space<vmem>>) dst(%dma_wait3A_138 : memref<10240x128xf32, #tpu.memory_space<vmem_shared>>)
        %run_scoped3A = arith.constant 24 : i32
        "tpu.region"() ({
          %run_scoped3A_139 = tpu.sem_alloc : memref<!tpu.dma_semaphore, #tpu.memory_space<semaphore_mem>>
          %dma_start3A_140 = arith.constant 0 : i32
          %dma_start3A_141 = tpu.memref_slice %arg9[%run_scoped3A, %dma_start3A_140] : memref<25x80xi32, #tpu.memory_space<vmem>> -> memref<1x80xi32, #tpu.memory_space<vmem>>
          %dma_start3A_142 = tpu.memref_squeeze %dma_start3A_141 : memref<1x80xi32, #tpu.memory_space<vmem>> -> memref<80xi32, #tpu.memory_space<vmem>>
          %dma_start3A_143 = arith.constant 0 : i32
          %dma_start3A_144 = arith.constant 0 : i32
          %dma_start3A_145 = tpu.memref_slice %arg13[%dma_start3A_143, %dma_start3A_144] : memref<10240x128xf32, #tpu.memory_space<vmem_shared>> -> memref<10240x128xf32, #tpu.memory_space<vmem_shared>>
          tpu.enqueue_indirect_dma source(%arg10 : memref<80x128xf32, #tpu.memory_space<vmem>>) target(%dma_start3A_145 : memref<10240x128xf32, #tpu.memory_space<vmem_shared>>) offsets(%dma_start3A_142 : memref<80xi32, #tpu.memory_space<vmem>>) semaphore(%run_scoped3A_139 : memref<!tpu.dma_semaphore, #tpu.memory_space<semaphore_mem>>) {add = true}
          %dma_wait3A_146 = arith.constant 0 : i32
          %dma_wait3A_147 = tpu.memref_slice %arg9[%run_scoped3A, %dma_wait3A_146] : memref<25x80xi32, #tpu.memory_space<vmem>> -> memref<1x80xi32, #tpu.memory_space<vmem>>
          %dma_wait3A_148 = tpu.memref_squeeze %dma_wait3A_147 : memref<1x80xi32, #tpu.memory_space<vmem>> -> memref<80xi32, #tpu.memory_space<vmem>>
          %dma_wait3A_149 = arith.constant 0 : i32
          %dma_wait3A_150 = arith.constant 0 : i32
          %dma_wait3A_151 = tpu.memref_slice %arg13[%dma_wait3A_149, %dma_wait3A_150] : memref<10240x128xf32, #tpu.memory_space<vmem_shared>> -> memref<10240x128xf32, #tpu.memory_space<vmem_shared>>
          tpu.wait_indirect_dma semaphore(%run_scoped3A_139 : memref<!tpu.dma_semaphore, #tpu.memory_space<semaphore_mem>>) src(%arg10 : memref<80x128xf32, #tpu.memory_space<vmem>>) dst(%dma_wait3A_151 : memref<10240x128xf32, #tpu.memory_space<vmem_shared>>)
          tpu.yield
        }) : () -> ()
      } else {
      }
    }
    %scan3A_86 = arith.constant 10 : i32
    %barrier3A_87 = arith.constant 0 : index
    tpu.barrier barrier_id(%barrier3A_87)
    %mul3A_88 = arith.constant 640 : i32
    %mul3A_89 = arith.muli %arg1, %mul3A_88 : i32
    %eq3A = arith.constant 0 : i32
    %eq3A_90 = arith.cmpi eq, %arg0, %eq3A : i32
    %convert_element_type3A = arith.extui %eq3A_90 : i1 to i32
    %cond3A = arith.constant 0 : i32
    %cond3A_91 = arith.cmpi ne, %convert_element_type3A, %cond3A : i32
    scf.if %cond3A_91 {
      "tpu.region"() ({
        %run_scoped3A = tpu.sem_alloc : memref<!tpu.dma_semaphore, #tpu.memory_space<semaphore_mem>>
        %dma_start3A = arith.constant 0 : i32
        %dma_start3A_97 = tpu.memref_slice %arg6[%mul3A_89, %dma_start3A] : memref<10240x128xf32, #tpu.memory_space<hbm>> -> memref<640x128xf32, #tpu.memory_space<hbm>>
        %dma_start3A_98 = arith.constant 0 : i32
        %dma_start3A_99 = tpu.memref_slice %arg13[%mul3A_89, %dma_start3A_98] : memref<10240x128xf32, #tpu.memory_space<vmem_shared>> -> memref<640x128xf32, #tpu.memory_space<vmem_shared>>
        tpu.enqueue_dma source(%dma_start3A_99 : memref<640x128xf32, #tpu.memory_space<vmem_shared>>) target(%dma_start3A_97 : memref<640x128xf32, #tpu.memory_space<hbm>>) target_semaphore(%run_scoped3A : memref<!tpu.dma_semaphore, #tpu.memory_space<semaphore_mem>>)
        %dma_wait3A = arith.constant 0 : i32
        %dma_wait3A_100 = tpu.memref_slice %arg6[%mul3A_89, %dma_wait3A] : memref<10240x128xf32, #tpu.memory_space<hbm>> -> memref<640x128xf32, #tpu.memory_space<hbm>>
        %dma_wait3A_101 = arith.constant 0 : i32
        %dma_wait3A_102 = tpu.memref_slice %arg13[%mul3A_89, %dma_wait3A_101] : memref<10240x128xf32, #tpu.memory_space<vmem_shared>> -> memref<640x128xf32, #tpu.memory_space<vmem_shared>>
        tpu.wait_dma2 semaphore(%run_scoped3A : memref<!tpu.dma_semaphore, #tpu.memory_space<semaphore_mem>>) src(%dma_wait3A_102 : memref<640x128xf32, #tpu.memory_space<vmem_shared>>) dst(%dma_wait3A_100 : memref<640x128xf32, #tpu.memory_space<hbm>>)
        tpu.yield
      }) : () -> ()
    } else {
    }
    %eq3A_92 = arith.constant 1 : i32
    %eq3A_93 = arith.cmpi eq, %arg0, %eq3A_92 : i32
    %convert_element_type3A_94 = arith.extui %eq3A_93 : i1 to i32
    %cond3A_95 = arith.constant 0 : i32
    %cond3A_96 = arith.cmpi ne, %convert_element_type3A_94, %cond3A_95 : i32
    scf.if %cond3A_96 {
      "tpu.region"() ({
        %run_scoped3A = tpu.sem_alloc : memref<!tpu.dma_semaphore, #tpu.memory_space<semaphore_mem>>
        %dma_start3A = arith.constant 0 : i32
        %dma_start3A_97 = tpu.memref_slice %arg7[%mul3A_89, %dma_start3A] : memref<10240x128xf32, #tpu.memory_space<hbm>> -> memref<640x128xf32, #tpu.memory_space<hbm>>
        %dma_start3A_98 = arith.constant 0 : i32
        %dma_start3A_99 = tpu.memref_slice %arg13[%mul3A_89, %dma_start3A_98] : memref<10240x128xf32, #tpu.memory_space<vmem_shared>> -> memref<640x128xf32, #tpu.memory_space<vmem_shared>>
        tpu.enqueue_dma source(%dma_start3A_99 : memref<640x128xf32, #tpu.memory_space<vmem_shared>>) target(%dma_start3A_97 : memref<640x128xf32, #tpu.memory_space<hbm>>) target_semaphore(%run_scoped3A : memref<!tpu.dma_semaphore, #tpu.memory_space<semaphore_mem>>)
        %dma_wait3A = arith.constant 0 : i32
        %dma_wait3A_100 = tpu.memref_slice %arg7[%mul3A_89, %dma_wait3A] : memref<10240x128xf32, #tpu.memory_space<hbm>> -> memref<640x128xf32, #tpu.memory_space<hbm>>
        %dma_wait3A_101 = arith.constant 0 : i32
        %dma_wait3A_102 = tpu.memref_slice %arg13[%mul3A_89, %dma_wait3A_101] : memref<10240x128xf32, #tpu.memory_space<vmem_shared>> -> memref<640x128xf32, #tpu.memory_space<vmem_shared>>
        tpu.wait_dma2 semaphore(%run_scoped3A : memref<!tpu.dma_semaphore, #tpu.memory_space<semaphore_mem>>) src(%dma_wait3A_102 : memref<640x128xf32, #tpu.memory_space<vmem_shared>>) dst(%dma_wait3A_100 : memref<640x128xf32, #tpu.memory_space<hbm>>)
        tpu.yield
      }) : () -> ()
    } else {
    }
    return
  }
}

#map = affine_map<(d0, d1) -> (0, 0, 0)>
#map1 = affine_map<(d0, d1) -> (0, 0)>
module attributes {stable_mosaic.version = 14 : i64} {
  func.func @seg_kernel(%arg0: i32, %arg1: i32, %arg2: memref<160x25x80xi32, #tpu.memory_space<hbm>>, %arg3: memref<160x25x80xi32, #tpu.memory_space<hbm>>, %arg4: memref<10000x128xf32, #tpu.memory_space<hbm>>, %arg5: memref<10240x128xf32, #tpu.memory_space<hbm>>, %arg6: memref<10240x128xf32, #tpu.memory_space<hbm>>, %arg7: memref<10240x128xf32, #tpu.memory_space<hbm>>, %arg8: memref<10240x128xf32, #tpu.memory_space<hbm>>, %arg9: memref<25x80xi32, #tpu.memory_space<vmem>>, %arg10: memref<25x80xi32, #tpu.memory_space<vmem>>, %arg11: memref<80x128xf32, #tpu.memory_space<vmem>>, %arg12: memref<80x128xf32, #tpu.memory_space<vmem>>, %arg13: memref<32x128xf32, #tpu.memory_space<vmem>>, %arg14: memref<10240x128xf32, #tpu.memory_space<vmem_shared>>, %arg15: memref<!tpu.dma_semaphore, #tpu.memory_space<semaphore_mem>>, %arg16: memref<!tpu.dma_semaphore, #tpu.memory_space<semaphore_mem>>) attributes {dimension_semantics = [#tpu.dimension_semantics<core_parallel>, #tpu.dimension_semantics<subcore_parallel>], iteration_bounds = array<i64: 2, 16>, scalar_prefetch = 0 : i64, scratch_operands = 8 : i64, tpu.core_type = #tpu.core_type<sc_vector_subcore>, window_params = [{transform_indices = #map}, {transform_indices = #map}, {transform_indices = #map1}, {transform_indices = #map1}, {transform_indices = #map1}, {transform_indices = #map1}, {transform_indices = #map1}]} {
    %scan3A = arith.constant 0 : i32
    %scan3A_0 = arith.constant 32 : i32
    %scan3A_1 = arith.addi %scan3A, %scan3A_0 : i32
    %scan3A_2 = arith.constant 1 : i32
    scf.for %scan3A_200 = %scan3A to %scan3A_1 step %scan3A_2  : i32 {
      %mul3A_201 = arith.constant 1 : i32
      %mul3A_202 = arith.muli %scan3A_200, %mul3A_201 : i32
      %add3A_203 = arith.constant 0 : i32
      %add3A_204 = arith.addi %add3A_203, %mul3A_202 : i32
      %scan3A_205 = arith.constant 0 : i32
      %scan3A_206 = arith.constant 8 : i32
      %scan3A_207 = arith.addi %scan3A_205, %scan3A_206 : i32
      %scan3A_208 = arith.constant 1 : i32
      scf.for %scan3A_210 = %scan3A_205 to %scan3A_207 step %scan3A_208  : i32 {
        %mul3A_211 = arith.constant 16 : i32
        %mul3A_212 = arith.muli %scan3A_210, %mul3A_211 : i32
        %add3A_213 = arith.constant 0 : i32
        %add3A_214 = arith.addi %add3A_213, %mul3A_212 : i32
        %broadcast_in_dim3A = arith.constant 0.000000e+00 : f32
        %broadcast_in_dim3A_215 = vector.broadcast %broadcast_in_dim3A : f32 to vector<16xf32>
        %swap3A = arith.index_cast %add3A_204 : i32 to index
        %swap3A_216 = arith.index_cast %add3A_214 : i32 to index
        %swap3A_217 = tpu.vector_load %arg13[%swap3A, %swap3A_216] {strides = array<i32>} : memref<32x128xf32, #tpu.memory_space<vmem>>, vector<1x16xf32>,
        %swap3A_218 = vector.shape_cast %swap3A_217 : vector<1x16xf32> to vector<16xf32>
        %swap3A_219 = vector.shape_cast %broadcast_in_dim3A_215 : vector<16xf32> to vector<1x16xf32>
        tpu.vector_store %arg13[%swap3A, %swap3A_216], %swap3A_219 {strides = array<i32>} : memref<32x128xf32, #tpu.memory_space<vmem>>, vector<1x16xf32>,
      }
      %scan3A_209 = arith.constant 8 : i32
    }
    %scan3A_3 = arith.constant 32 : i32
    %scan3A_4 = arith.constant 0 : i32
    %scan3A_5 = arith.constant 80 : i32
    %scan3A_6 = arith.addi %scan3A_4, %scan3A_5 : i32
    %scan3A_7 = arith.constant 1 : i32
    scf.for %scan3A_200 = %scan3A_4 to %scan3A_6 step %scan3A_7  : i32 {
      %mul3A_201 = arith.constant 1 : i32
      %mul3A_202 = arith.muli %scan3A_200, %mul3A_201 : i32
      %add3A_203 = arith.constant 0 : i32
      %add3A_204 = arith.addi %add3A_203, %mul3A_202 : i32
      %scan3A_205 = arith.constant 0 : i32
      %scan3A_206 = arith.constant 8 : i32
      %scan3A_207 = arith.addi %scan3A_205, %scan3A_206 : i32
      %scan3A_208 = arith.constant 1 : i32
      scf.for %scan3A_210 = %scan3A_205 to %scan3A_207 step %scan3A_208  : i32 {
        %mul3A_211 = arith.constant 16 : i32
        %mul3A_212 = arith.muli %scan3A_210, %mul3A_211 : i32
        %add3A_213 = arith.constant 0 : i32
        %add3A_214 = arith.addi %add3A_213, %mul3A_212 : i32
        %broadcast_in_dim3A = arith.constant 1.000000e+00 : f32
        %broadcast_in_dim3A_215 = vector.broadcast %broadcast_in_dim3A : f32 to vector<16xf32>
        %swap3A = arith.index_cast %add3A_204 : i32 to index
        %swap3A_216 = arith.index_cast %add3A_214 : i32 to index
        %swap3A_217 = tpu.vector_load %arg11[%swap3A, %swap3A_216] {strides = array<i32>} : memref<80x128xf32, #tpu.memory_space<vmem>>, vector<1x16xf32>,
        %swap3A_218 = vector.shape_cast %swap3A_217 : vector<1x16xf32> to vector<16xf32>
        %swap3A_219 = vector.shape_cast %broadcast_in_dim3A_215 : vector<16xf32> to vector<1x16xf32>
        tpu.vector_store %arg11[%swap3A, %swap3A_216], %swap3A_219 {strides = array<i32>} : memref<80x128xf32, #tpu.memory_space<vmem>>, vector<1x16xf32>,
      }
      %scan3A_209 = arith.constant 8 : i32
    }
    %scan3A_8 = arith.constant 80 : i32
    %mul3A = arith.constant 640 : i32
    %mul3A_9 = arith.muli %arg1, %mul3A : i32
    %add3A = arith.constant 0 : i32
    %add3A_10 = arith.addi %mul3A_9, %add3A : i32
    "tpu.region"() ({
      %run_scoped3A = tpu.sem_alloc : memref<!tpu.dma_semaphore, #tpu.memory_space<semaphore_mem>>
      %dma_start3A = arith.constant 0 : i32
      %dma_start3A_200 = tpu.memref_slice %arg14[%add3A_10, %dma_start3A] : memref<10240x128xf32, #tpu.memory_space<vmem_shared>> -> memref<32x128xf32, #tpu.memory_space<vmem_shared>>
      %dma_start3A_201 = arith.constant 0 : i32
      %dma_start3A_202 = tpu.memref_slice %arg14[%add3A_10, %dma_start3A_201] : memref<10240x128xf32, #tpu.memory_space<vmem_shared>> -> memref<32x128xf32, #tpu.memory_space<vmem_shared>>
      tpu.enqueue_dma source(%arg13 : memref<32x128xf32, #tpu.memory_space<vmem>>) target(%dma_start3A_202 : memref<32x128xf32, #tpu.memory_space<vmem_shared>>) target_semaphore(%run_scoped3A : memref<!tpu.dma_semaphore, #tpu.memory_space<semaphore_mem>>)
      %dma_wait3A = arith.constant 0 : i32
      %dma_wait3A_203 = tpu.memref_slice %arg14[%add3A_10, %dma_wait3A] : memref<10240x128xf32, #tpu.memory_space<vmem_shared>> -> memref<32x128xf32, #tpu.memory_space<vmem_shared>>
      %dma_wait3A_204 = arith.constant 0 : i32
      %dma_wait3A_205 = tpu.memref_slice %arg14[%add3A_10, %dma_wait3A_204] : memref<10240x128xf32, #tpu.memory_space<vmem_shared>> -> memref<32x128xf32, #tpu.memory_space<vmem_shared>>
      tpu.wait_dma2 semaphore(%run_scoped3A : memref<!tpu.dma_semaphore, #tpu.memory_space<semaphore_mem>>) src(%arg13 : memref<32x128xf32, #tpu.memory_space<vmem>>) dst(%dma_wait3A_205 : memref<32x128xf32, #tpu.memory_space<vmem_shared>>)
      tpu.yield
    }) : () -> ()
    %mul3A_11 = arith.constant 640 : i32
    %mul3A_12 = arith.muli %arg1, %mul3A_11 : i32
    %add3A_13 = arith.constant 32 : i32
    %add3A_14 = arith.addi %mul3A_12, %add3A_13 : i32
    "tpu.region"() ({
      %run_scoped3A = tpu.sem_alloc : memref<!tpu.dma_semaphore, #tpu.memory_space<semaphore_mem>>
      %dma_start3A = arith.constant 0 : i32
      %dma_start3A_200 = tpu.memref_slice %arg14[%add3A_14, %dma_start3A] : memref<10240x128xf32, #tpu.memory_space<vmem_shared>> -> memref<32x128xf32, #tpu.memory_space<vmem_shared>>
      %dma_start3A_201 = arith.constant 0 : i32
      %dma_start3A_202 = tpu.memref_slice %arg14[%add3A_14, %dma_start3A_201] : memref<10240x128xf32, #tpu.memory_space<vmem_shared>> -> memref<32x128xf32, #tpu.memory_space<vmem_shared>>
      tpu.enqueue_dma source(%arg13 : memref<32x128xf32, #tpu.memory_space<vmem>>) target(%dma_start3A_202 : memref<32x128xf32, #tpu.memory_space<vmem_shared>>) target_semaphore(%run_scoped3A : memref<!tpu.dma_semaphore, #tpu.memory_space<semaphore_mem>>)
      %dma_wait3A = arith.constant 0 : i32
      %dma_wait3A_203 = tpu.memref_slice %arg14[%add3A_14, %dma_wait3A] : memref<10240x128xf32, #tpu.memory_space<vmem_shared>> -> memref<32x128xf32, #tpu.memory_space<vmem_shared>>
      %dma_wait3A_204 = arith.constant 0 : i32
      %dma_wait3A_205 = tpu.memref_slice %arg14[%add3A_14, %dma_wait3A_204] : memref<10240x128xf32, #tpu.memory_space<vmem_shared>> -> memref<32x128xf32, #tpu.memory_space<vmem_shared>>
      tpu.wait_dma2 semaphore(%run_scoped3A : memref<!tpu.dma_semaphore, #tpu.memory_space<semaphore_mem>>) src(%arg13 : memref<32x128xf32, #tpu.memory_space<vmem>>) dst(%dma_wait3A_205 : memref<32x128xf32, #tpu.memory_space<vmem_shared>>)
      tpu.yield
    }) : () -> ()
    %mul3A_15 = arith.constant 640 : i32
    %mul3A_16 = arith.muli %arg1, %mul3A_15 : i32
    %add3A_17 = arith.constant 64 : i32
    %add3A_18 = arith.addi %mul3A_16, %add3A_17 : i32
    "tpu.region"() ({
      %run_scoped3A = tpu.sem_alloc : memref<!tpu.dma_semaphore, #tpu.memory_space<semaphore_mem>>
      %dma_start3A = arith.constant 0 : i32
      %dma_start3A_200 = tpu.memref_slice %arg14[%add3A_18, %dma_start3A] : memref<10240x128xf32, #tpu.memory_space<vmem_shared>> -> memref<32x128xf32, #tpu.memory_space<vmem_shared>>
      %dma_start3A_201 = arith.constant 0 : i32
      %dma_start3A_202 = tpu.memref_slice %arg14[%add3A_18, %dma_start3A_201] : memref<10240x128xf32, #tpu.memory_space<vmem_shared>> -> memref<32x128xf32, #tpu.memory_space<vmem_shared>>
      tpu.enqueue_dma source(%arg13 : memref<32x128xf32, #tpu.memory_space<vmem>>) target(%dma_start3A_202 : memref<32x128xf32, #tpu.memory_space<vmem_shared>>) target_semaphore(%run_scoped3A : memref<!tpu.dma_semaphore, #tpu.memory_space<semaphore_mem>>)
      %dma_wait3A = arith.constant 0 : i32
      %dma_wait3A_203 = tpu.memref_slice %arg14[%add3A_18, %dma_wait3A] : memref<10240x128xf32, #tpu.memory_space<vmem_shared>> -> memref<32x128xf32, #tpu.memory_space<vmem_shared>>
      %dma_wait3A_204 = arith.constant 0 : i32
      %dma_wait3A_205 = tpu.memref_slice %arg14[%add3A_18, %dma_wait3A_204] : memref<10240x128xf32, #tpu.memory_space<vmem_shared>> -> memref<32x128xf32, #tpu.memory_space<vmem_shared>>
      tpu.wait_dma2 semaphore(%run_scoped3A : memref<!tpu.dma_semaphore, #tpu.memory_space<semaphore_mem>>) src(%arg13 : memref<32x128xf32, #tpu.memory_space<vmem>>) dst(%dma_wait3A_205 : memref<32x128xf32, #tpu.memory_space<vmem_shared>>)
      tpu.yield
    }) : () -> ()
    %mul3A_19 = arith.constant 640 : i32
    %mul3A_20 = arith.muli %arg1, %mul3A_19 : i32
    %add3A_21 = arith.constant 96 : i32
    %add3A_22 = arith.addi %mul3A_20, %add3A_21 : i32
    "tpu.region"() ({
      %run_scoped3A = tpu.sem_alloc : memref<!tpu.dma_semaphore, #tpu.memory_space<semaphore_mem>>
      %dma_start3A = arith.constant 0 : i32
      %dma_start3A_200 = tpu.memref_slice %arg14[%add3A_22, %dma_start3A] : memref<10240x128xf32, #tpu.memory_space<vmem_shared>> -> memref<32x128xf32, #tpu.memory_space<vmem_shared>>
      %dma_start3A_201 = arith.constant 0 : i32
      %dma_start3A_202 = tpu.memref_slice %arg14[%add3A_22, %dma_start3A_201] : memref<10240x128xf32, #tpu.memory_space<vmem_shared>> -> memref<32x128xf32, #tpu.memory_space<vmem_shared>>
      tpu.enqueue_dma source(%arg13 : memref<32x128xf32, #tpu.memory_space<vmem>>) target(%dma_start3A_202 : memref<32x128xf32, #tpu.memory_space<vmem_shared>>) target_semaphore(%run_scoped3A : memref<!tpu.dma_semaphore, #tpu.memory_space<semaphore_mem>>)
      %dma_wait3A = arith.constant 0 : i32
      %dma_wait3A_203 = tpu.memref_slice %arg14[%add3A_22, %dma_wait3A] : memref<10240x128xf32, #tpu.memory_space<vmem_shared>> -> memref<32x128xf32, #tpu.memory_space<vmem_shared>>
      %dma_wait3A_204 = arith.constant 0 : i32
      %dma_wait3A_205 = tpu.memref_slice %arg14[%add3A_22, %dma_wait3A_204] : memref<10240x128xf32, #tpu.memory_space<vmem_shared>> -> memref<32x128xf32, #tpu.memory_space<vmem_shared>>
      tpu.wait_dma2 semaphore(%run_scoped3A : memref<!tpu.dma_semaphore, #tpu.memory_space<semaphore_mem>>) src(%arg13 : memref<32x128xf32, #tpu.memory_space<vmem>>) dst(%dma_wait3A_205 : memref<32x128xf32, #tpu.memory_space<vmem_shared>>)
      tpu.yield
    }) : () -> ()
    %mul3A_23 = arith.constant 640 : i32
    %mul3A_24 = arith.muli %arg1, %mul3A_23 : i32
    %add3A_25 = arith.constant 128 : i32
    %add3A_26 = arith.addi %mul3A_24, %add3A_25 : i32
    "tpu.region"() ({
      %run_scoped3A = tpu.sem_alloc : memref<!tpu.dma_semaphore, #tpu.memory_space<semaphore_mem>>
      %dma_start3A = arith.constant 0 : i32
      %dma_start3A_200 = tpu.memref_slice %arg14[%add3A_26, %dma_start3A] : memref<10240x128xf32, #tpu.memory_space<vmem_shared>> -> memref<32x128xf32, #tpu.memory_space<vmem_shared>>
      %dma_start3A_201 = arith.constant 0 : i32
      %dma_start3A_202 = tpu.memref_slice %arg14[%add3A_26, %dma_start3A_201] : memref<10240x128xf32, #tpu.memory_space<vmem_shared>> -> memref<32x128xf32, #tpu.memory_space<vmem_shared>>
      tpu.enqueue_dma source(%arg13 : memref<32x128xf32, #tpu.memory_space<vmem>>) target(%dma_start3A_202 : memref<32x128xf32, #tpu.memory_space<vmem_shared>>) target_semaphore(%run_scoped3A : memref<!tpu.dma_semaphore, #tpu.memory_space<semaphore_mem>>)
      %dma_wait3A = arith.constant 0 : i32
      %dma_wait3A_203 = tpu.memref_slice %arg14[%add3A_26, %dma_wait3A] : memref<10240x128xf32, #tpu.memory_space<vmem_shared>> -> memref<32x128xf32, #tpu.memory_space<vmem_shared>>
      %dma_wait3A_204 = arith.constant 0 : i32
      %dma_wait3A_205 = tpu.memref_slice %arg14[%add3A_26, %dma_wait3A_204] : memref<10240x128xf32, #tpu.memory_space<vmem_shared>> -> memref<32x128xf32, #tpu.memory_space<vmem_shared>>
      tpu.wait_dma2 semaphore(%run_scoped3A : memref<!tpu.dma_semaphore, #tpu.memory_space<semaphore_mem>>) src(%arg13 : memref<32x128xf32, #tpu.memory_space<vmem>>) dst(%dma_wait3A_205 : memref<32x128xf32, #tpu.memory_space<vmem_shared>>)
      tpu.yield
    }) : () -> ()
    %mul3A_27 = arith.constant 640 : i32
    %mul3A_28 = arith.muli %arg1, %mul3A_27 : i32
    %add3A_29 = arith.constant 160 : i32
    %add3A_30 = arith.addi %mul3A_28, %add3A_29 : i32
    "tpu.region"() ({
      %run_scoped3A = tpu.sem_alloc : memref<!tpu.dma_semaphore, #tpu.memory_space<semaphore_mem>>
      %dma_start3A = arith.constant 0 : i32
      %dma_start3A_200 = tpu.memref_slice %arg14[%add3A_30, %dma_start3A] : memref<10240x128xf32, #tpu.memory_space<vmem_shared>> -> memref<32x128xf32, #tpu.memory_space<vmem_shared>>
      %dma_start3A_201 = arith.constant 0 : i32
      %dma_start3A_202 = tpu.memref_slice %arg14[%add3A_30, %dma_start3A_201] : memref<10240x128xf32, #tpu.memory_space<vmem_shared>> -> memref<32x128xf32, #tpu.memory_space<vmem_shared>>
      tpu.enqueue_dma source(%arg13 : memref<32x128xf32, #tpu.memory_space<vmem>>) target(%dma_start3A_202 : memref<32x128xf32, #tpu.memory_space<vmem_shared>>) target_semaphore(%run_scoped3A : memref<!tpu.dma_semaphore, #tpu.memory_space<semaphore_mem>>)
      %dma_wait3A = arith.constant 0 : i32
      %dma_wait3A_203 = tpu.memref_slice %arg14[%add3A_30, %dma_wait3A] : memref<10240x128xf32, #tpu.memory_space<vmem_shared>> -> memref<32x128xf32, #tpu.memory_space<vmem_shared>>
      %dma_wait3A_204 = arith.constant 0 : i32
      %dma_wait3A_205 = tpu.memref_slice %arg14[%add3A_30, %dma_wait3A_204] : memref<10240x128xf32, #tpu.memory_space<vmem_shared>> -> memref<32x128xf32, #tpu.memory_space<vmem_shared>>
      tpu.wait_dma2 semaphore(%run_scoped3A : memref<!tpu.dma_semaphore, #tpu.memory_space<semaphore_mem>>) src(%arg13 : memref<32x128xf32, #tpu.memory_space<vmem>>) dst(%dma_wait3A_205 : memref<32x128xf32, #tpu.memory_space<vmem_shared>>)
      tpu.yield
    }) : () -> ()
    %mul3A_31 = arith.constant 640 : i32
    %mul3A_32 = arith.muli %arg1, %mul3A_31 : i32
    %add3A_33 = arith.constant 192 : i32
    %add3A_34 = arith.addi %mul3A_32, %add3A_33 : i32
    "tpu.region"() ({
      %run_scoped3A = tpu.sem_alloc : memref<!tpu.dma_semaphore, #tpu.memory_space<semaphore_mem>>
      %dma_start3A = arith.constant 0 : i32
      %dma_start3A_200 = tpu.memref_slice %arg14[%add3A_34, %dma_start3A] : memref<10240x128xf32, #tpu.memory_space<vmem_shared>> -> memref<32x128xf32, #tpu.memory_space<vmem_shared>>
      %dma_start3A_201 = arith.constant 0 : i32
      %dma_start3A_202 = tpu.memref_slice %arg14[%add3A_34, %dma_start3A_201] : memref<10240x128xf32, #tpu.memory_space<vmem_shared>> -> memref<32x128xf32, #tpu.memory_space<vmem_shared>>
      tpu.enqueue_dma source(%arg13 : memref<32x128xf32, #tpu.memory_space<vmem>>) target(%dma_start3A_202 : memref<32x128xf32, #tpu.memory_space<vmem_shared>>) target_semaphore(%run_scoped3A : memref<!tpu.dma_semaphore, #tpu.memory_space<semaphore_mem>>)
      %dma_wait3A = arith.constant 0 : i32
      %dma_wait3A_203 = tpu.memref_slice %arg14[%add3A_34, %dma_wait3A] : memref<10240x128xf32, #tpu.memory_space<vmem_shared>> -> memref<32x128xf32, #tpu.memory_space<vmem_shared>>
      %dma_wait3A_204 = arith.constant 0 : i32
      %dma_wait3A_205 = tpu.memref_slice %arg14[%add3A_34, %dma_wait3A_204] : memref<10240x128xf32, #tpu.memory_space<vmem_shared>> -> memref<32x128xf32, #tpu.memory_space<vmem_shared>>
      tpu.wait_dma2 semaphore(%run_scoped3A : memref<!tpu.dma_semaphore, #tpu.memory_space<semaphore_mem>>) src(%arg13 : memref<32x128xf32, #tpu.memory_space<vmem>>) dst(%dma_wait3A_205 : memref<32x128xf32, #tpu.memory_space<vmem_shared>>)
      tpu.yield
    }) : () -> ()
    %mul3A_35 = arith.constant 640 : i32
    %mul3A_36 = arith.muli %arg1, %mul3A_35 : i32
    %add3A_37 = arith.constant 224 : i32
    %add3A_38 = arith.addi %mul3A_36, %add3A_37 : i32
    "tpu.region"() ({
      %run_scoped3A = tpu.sem_alloc : memref<!tpu.dma_semaphore, #tpu.memory_space<semaphore_mem>>
      %dma_start3A = arith.constant 0 : i32
      %dma_start3A_200 = tpu.memref_slice %arg14[%add3A_38, %dma_start3A] : memref<10240x128xf32, #tpu.memory_space<vmem_shared>> -> memref<32x128xf32, #tpu.memory_space<vmem_shared>>
      %dma_start3A_201 = arith.constant 0 : i32
      %dma_start3A_202 = tpu.memref_slice %arg14[%add3A_38, %dma_start3A_201] : memref<10240x128xf32, #tpu.memory_space<vmem_shared>> -> memref<32x128xf32, #tpu.memory_space<vmem_shared>>
      tpu.enqueue_dma source(%arg13 : memref<32x128xf32, #tpu.memory_space<vmem>>) target(%dma_start3A_202 : memref<32x128xf32, #tpu.memory_space<vmem_shared>>) target_semaphore(%run_scoped3A : memref<!tpu.dma_semaphore, #tpu.memory_space<semaphore_mem>>)
      %dma_wait3A = arith.constant 0 : i32
      %dma_wait3A_203 = tpu.memref_slice %arg14[%add3A_38, %dma_wait3A] : memref<10240x128xf32, #tpu.memory_space<vmem_shared>> -> memref<32x128xf32, #tpu.memory_space<vmem_shared>>
      %dma_wait3A_204 = arith.constant 0 : i32
      %dma_wait3A_205 = tpu.memref_slice %arg14[%add3A_38, %dma_wait3A_204] : memref<10240x128xf32, #tpu.memory_space<vmem_shared>> -> memref<32x128xf32, #tpu.memory_space<vmem_shared>>
      tpu.wait_dma2 semaphore(%run_scoped3A : memref<!tpu.dma_semaphore, #tpu.memory_space<semaphore_mem>>) src(%arg13 : memref<32x128xf32, #tpu.memory_space<vmem>>) dst(%dma_wait3A_205 : memref<32x128xf32, #tpu.memory_space<vmem_shared>>)
      tpu.yield
    }) : () -> ()
    %mul3A_39 = arith.constant 640 : i32
    %mul3A_40 = arith.muli %arg1, %mul3A_39 : i32
    %add3A_41 = arith.constant 256 : i32
    %add3A_42 = arith.addi %mul3A_40, %add3A_41 : i32
    "tpu.region"() ({
      %run_scoped3A = tpu.sem_alloc : memref<!tpu.dma_semaphore, #tpu.memory_space<semaphore_mem>>
      %dma_start3A = arith.constant 0 : i32
      %dma_start3A_200 = tpu.memref_slice %arg14[%add3A_42, %dma_start3A] : memref<10240x128xf32, #tpu.memory_space<vmem_shared>> -> memref<32x128xf32, #tpu.memory_space<vmem_shared>>
      %dma_start3A_201 = arith.constant 0 : i32
      %dma_start3A_202 = tpu.memref_slice %arg14[%add3A_42, %dma_start3A_201] : memref<10240x128xf32, #tpu.memory_space<vmem_shared>> -> memref<32x128xf32, #tpu.memory_space<vmem_shared>>
      tpu.enqueue_dma source(%arg13 : memref<32x128xf32, #tpu.memory_space<vmem>>) target(%dma_start3A_202 : memref<32x128xf32, #tpu.memory_space<vmem_shared>>) target_semaphore(%run_scoped3A : memref<!tpu.dma_semaphore, #tpu.memory_space<semaphore_mem>>)
      %dma_wait3A = arith.constant 0 : i32
      %dma_wait3A_203 = tpu.memref_slice %arg14[%add3A_42, %dma_wait3A] : memref<10240x128xf32, #tpu.memory_space<vmem_shared>> -> memref<32x128xf32, #tpu.memory_space<vmem_shared>>
      %dma_wait3A_204 = arith.constant 0 : i32
      %dma_wait3A_205 = tpu.memref_slice %arg14[%add3A_42, %dma_wait3A_204] : memref<10240x128xf32, #tpu.memory_space<vmem_shared>> -> memref<32x128xf32, #tpu.memory_space<vmem_shared>>
      tpu.wait_dma2 semaphore(%run_scoped3A : memref<!tpu.dma_semaphore, #tpu.memory_space<semaphore_mem>>) src(%arg13 : memref<32x128xf32, #tpu.memory_space<vmem>>) dst(%dma_wait3A_205 : memref<32x128xf32, #tpu.memory_space<vmem_shared>>)
      tpu.yield
    }) : () -> ()
    %mul3A_43 = arith.constant 640 : i32
    %mul3A_44 = arith.muli %arg1, %mul3A_43 : i32
    %add3A_45 = arith.constant 288 : i32
    %add3A_46 = arith.addi %mul3A_44, %add3A_45 : i32
    "tpu.region"() ({
      %run_scoped3A = tpu.sem_alloc : memref<!tpu.dma_semaphore, #tpu.memory_space<semaphore_mem>>
      %dma_start3A = arith.constant 0 : i32
      %dma_start3A_200 = tpu.memref_slice %arg14[%add3A_46, %dma_start3A] : memref<10240x128xf32, #tpu.memory_space<vmem_shared>> -> memref<32x128xf32, #tpu.memory_space<vmem_shared>>
      %dma_start3A_201 = arith.constant 0 : i32
      %dma_start3A_202 = tpu.memref_slice %arg14[%add3A_46, %dma_start3A_201] : memref<10240x128xf32, #tpu.memory_space<vmem_shared>> -> memref<32x128xf32, #tpu.memory_space<vmem_shared>>
      tpu.enqueue_dma source(%arg13 : memref<32x128xf32, #tpu.memory_space<vmem>>) target(%dma_start3A_202 : memref<32x128xf32, #tpu.memory_space<vmem_shared>>) target_semaphore(%run_scoped3A : memref<!tpu.dma_semaphore, #tpu.memory_space<semaphore_mem>>)
      %dma_wait3A = arith.constant 0 : i32
      %dma_wait3A_203 = tpu.memref_slice %arg14[%add3A_46, %dma_wait3A] : memref<10240x128xf32, #tpu.memory_space<vmem_shared>> -> memref<32x128xf32, #tpu.memory_space<vmem_shared>>
      %dma_wait3A_204 = arith.constant 0 : i32
      %dma_wait3A_205 = tpu.memref_slice %arg14[%add3A_46, %dma_wait3A_204] : memref<10240x128xf32, #tpu.memory_space<vmem_shared>> -> memref<32x128xf32, #tpu.memory_space<vmem_shared>>
      tpu.wait_dma2 semaphore(%run_scoped3A : memref<!tpu.dma_semaphore, #tpu.memory_space<semaphore_mem>>) src(%arg13 : memref<32x128xf32, #tpu.memory_space<vmem>>) dst(%dma_wait3A_205 : memref<32x128xf32, #tpu.memory_space<vmem_shared>>)
      tpu.yield
    }) : () -> ()
    %mul3A_47 = arith.constant 640 : i32
    %mul3A_48 = arith.muli %arg1, %mul3A_47 : i32
    %add3A_49 = arith.constant 320 : i32
    %add3A_50 = arith.addi %mul3A_48, %add3A_49 : i32
    "tpu.region"() ({
      %run_scoped3A = tpu.sem_alloc : memref<!tpu.dma_semaphore, #tpu.memory_space<semaphore_mem>>
      %dma_start3A = arith.constant 0 : i32
      %dma_start3A_200 = tpu.memref_slice %arg14[%add3A_50, %dma_start3A] : memref<10240x128xf32, #tpu.memory_space<vmem_shared>> -> memref<32x128xf32, #tpu.memory_space<vmem_shared>>
      %dma_start3A_201 = arith.constant 0 : i32
      %dma_start3A_202 = tpu.memref_slice %arg14[%add3A_50, %dma_start3A_201] : memref<10240x128xf32, #tpu.memory_space<vmem_shared>> -> memref<32x128xf32, #tpu.memory_space<vmem_shared>>
      tpu.enqueue_dma source(%arg13 : memref<32x128xf32, #tpu.memory_space<vmem>>) target(%dma_start3A_202 : memref<32x128xf32, #tpu.memory_space<vmem_shared>>) target_semaphore(%run_scoped3A : memref<!tpu.dma_semaphore, #tpu.memory_space<semaphore_mem>>)
      %dma_wait3A = arith.constant 0 : i32
      %dma_wait3A_203 = tpu.memref_slice %arg14[%add3A_50, %dma_wait3A] : memref<10240x128xf32, #tpu.memory_space<vmem_shared>> -> memref<32x128xf32, #tpu.memory_space<vmem_shared>>
      %dma_wait3A_204 = arith.constant 0 : i32
      %dma_wait3A_205 = tpu.memref_slice %arg14[%add3A_50, %dma_wait3A_204] : memref<10240x128xf32, #tpu.memory_space<vmem_shared>> -> memref<32x128xf32, #tpu.memory_space<vmem_shared>>
      tpu.wait_dma2 semaphore(%run_scoped3A : memref<!tpu.dma_semaphore, #tpu.memory_space<semaphore_mem>>) src(%arg13 : memref<32x128xf32, #tpu.memory_space<vmem>>) dst(%dma_wait3A_205 : memref<32x128xf32, #tpu.memory_space<vmem_shared>>)
      tpu.yield
    }) : () -> ()
    %mul3A_51 = arith.constant 640 : i32
    %mul3A_52 = arith.muli %arg1, %mul3A_51 : i32
    %add3A_53 = arith.constant 352 : i32
    %add3A_54 = arith.addi %mul3A_52, %add3A_53 : i32
    "tpu.region"() ({
      %run_scoped3A = tpu.sem_alloc : memref<!tpu.dma_semaphore, #tpu.memory_space<semaphore_mem>>
      %dma_start3A = arith.constant 0 : i32
      %dma_start3A_200 = tpu.memref_slice %arg14[%add3A_54, %dma_start3A] : memref<10240x128xf32, #tpu.memory_space<vmem_shared>> -> memref<32x128xf32, #tpu.memory_space<vmem_shared>>
      %dma_start3A_201 = arith.constant 0 : i32
      %dma_start3A_202 = tpu.memref_slice %arg14[%add3A_54, %dma_start3A_201] : memref<10240x128xf32, #tpu.memory_space<vmem_shared>> -> memref<32x128xf32, #tpu.memory_space<vmem_shared>>
      tpu.enqueue_dma source(%arg13 : memref<32x128xf32, #tpu.memory_space<vmem>>) target(%dma_start3A_202 : memref<32x128xf32, #tpu.memory_space<vmem_shared>>) target_semaphore(%run_scoped3A : memref<!tpu.dma_semaphore, #tpu.memory_space<semaphore_mem>>)
      %dma_wait3A = arith.constant 0 : i32
      %dma_wait3A_203 = tpu.memref_slice %arg14[%add3A_54, %dma_wait3A] : memref<10240x128xf32, #tpu.memory_space<vmem_shared>> -> memref<32x128xf32, #tpu.memory_space<vmem_shared>>
      %dma_wait3A_204 = arith.constant 0 : i32
      %dma_wait3A_205 = tpu.memref_slice %arg14[%add3A_54, %dma_wait3A_204] : memref<10240x128xf32, #tpu.memory_space<vmem_shared>> -> memref<32x128xf32, #tpu.memory_space<vmem_shared>>
      tpu.wait_dma2 semaphore(%run_scoped3A : memref<!tpu.dma_semaphore, #tpu.memory_space<semaphore_mem>>) src(%arg13 : memref<32x128xf32, #tpu.memory_space<vmem>>) dst(%dma_wait3A_205 : memref<32x128xf32, #tpu.memory_space<vmem_shared>>)
      tpu.yield
    }) : () -> ()
    %mul3A_55 = arith.constant 640 : i32
    %mul3A_56 = arith.muli %arg1, %mul3A_55 : i32
    %add3A_57 = arith.constant 384 : i32
    %add3A_58 = arith.addi %mul3A_56, %add3A_57 : i32
    "tpu.region"() ({
      %run_scoped3A = tpu.sem_alloc : memref<!tpu.dma_semaphore, #tpu.memory_space<semaphore_mem>>
      %dma_start3A = arith.constant 0 : i32
      %dma_start3A_200 = tpu.memref_slice %arg14[%add3A_58, %dma_start3A] : memref<10240x128xf32, #tpu.memory_space<vmem_shared>> -> memref<32x128xf32, #tpu.memory_space<vmem_shared>>
      %dma_start3A_201 = arith.constant 0 : i32
      %dma_start3A_202 = tpu.memref_slice %arg14[%add3A_58, %dma_start3A_201] : memref<10240x128xf32, #tpu.memory_space<vmem_shared>> -> memref<32x128xf32, #tpu.memory_space<vmem_shared>>
      tpu.enqueue_dma source(%arg13 : memref<32x128xf32, #tpu.memory_space<vmem>>) target(%dma_start3A_202 : memref<32x128xf32, #tpu.memory_space<vmem_shared>>) target_semaphore(%run_scoped3A : memref<!tpu.dma_semaphore, #tpu.memory_space<semaphore_mem>>)
      %dma_wait3A = arith.constant 0 : i32
      %dma_wait3A_203 = tpu.memref_slice %arg14[%add3A_58, %dma_wait3A] : memref<10240x128xf32, #tpu.memory_space<vmem_shared>> -> memref<32x128xf32, #tpu.memory_space<vmem_shared>>
      %dma_wait3A_204 = arith.constant 0 : i32
      %dma_wait3A_205 = tpu.memref_slice %arg14[%add3A_58, %dma_wait3A_204] : memref<10240x128xf32, #tpu.memory_space<vmem_shared>> -> memref<32x128xf32, #tpu.memory_space<vmem_shared>>
      tpu.wait_dma2 semaphore(%run_scoped3A : memref<!tpu.dma_semaphore, #tpu.memory_space<semaphore_mem>>) src(%arg13 : memref<32x128xf32, #tpu.memory_space<vmem>>) dst(%dma_wait3A_205 : memref<32x128xf32, #tpu.memory_space<vmem_shared>>)
      tpu.yield
    }) : () -> ()
    %mul3A_59 = arith.constant 640 : i32
    %mul3A_60 = arith.muli %arg1, %mul3A_59 : i32
    %add3A_61 = arith.constant 416 : i32
    %add3A_62 = arith.addi %mul3A_60, %add3A_61 : i32
    "tpu.region"() ({
      %run_scoped3A = tpu.sem_alloc : memref<!tpu.dma_semaphore, #tpu.memory_space<semaphore_mem>>
      %dma_start3A = arith.constant 0 : i32
      %dma_start3A_200 = tpu.memref_slice %arg14[%add3A_62, %dma_start3A] : memref<10240x128xf32, #tpu.memory_space<vmem_shared>> -> memref<32x128xf32, #tpu.memory_space<vmem_shared>>
      %dma_start3A_201 = arith.constant 0 : i32
      %dma_start3A_202 = tpu.memref_slice %arg14[%add3A_62, %dma_start3A_201] : memref<10240x128xf32, #tpu.memory_space<vmem_shared>> -> memref<32x128xf32, #tpu.memory_space<vmem_shared>>
      tpu.enqueue_dma source(%arg13 : memref<32x128xf32, #tpu.memory_space<vmem>>) target(%dma_start3A_202 : memref<32x128xf32, #tpu.memory_space<vmem_shared>>) target_semaphore(%run_scoped3A : memref<!tpu.dma_semaphore, #tpu.memory_space<semaphore_mem>>)
      %dma_wait3A = arith.constant 0 : i32
      %dma_wait3A_203 = tpu.memref_slice %arg14[%add3A_62, %dma_wait3A] : memref<10240x128xf32, #tpu.memory_space<vmem_shared>> -> memref<32x128xf32, #tpu.memory_space<vmem_shared>>
      %dma_wait3A_204 = arith.constant 0 : i32
      %dma_wait3A_205 = tpu.memref_slice %arg14[%add3A_62, %dma_wait3A_204] : memref<10240x128xf32, #tpu.memory_space<vmem_shared>> -> memref<32x128xf32, #tpu.memory_space<vmem_shared>>
      tpu.wait_dma2 semaphore(%run_scoped3A : memref<!tpu.dma_semaphore, #tpu.memory_space<semaphore_mem>>) src(%arg13 : memref<32x128xf32, #tpu.memory_space<vmem>>) dst(%dma_wait3A_205 : memref<32x128xf32, #tpu.memory_space<vmem_shared>>)
      tpu.yield
    }) : () -> ()
    %mul3A_63 = arith.constant 640 : i32
    %mul3A_64 = arith.muli %arg1, %mul3A_63 : i32
    %add3A_65 = arith.constant 448 : i32
    %add3A_66 = arith.addi %mul3A_64, %add3A_65 : i32
    "tpu.region"() ({
      %run_scoped3A = tpu.sem_alloc : memref<!tpu.dma_semaphore, #tpu.memory_space<semaphore_mem>>
      %dma_start3A = arith.constant 0 : i32
      %dma_start3A_200 = tpu.memref_slice %arg14[%add3A_66, %dma_start3A] : memref<10240x128xf32, #tpu.memory_space<vmem_shared>> -> memref<32x128xf32, #tpu.memory_space<vmem_shared>>
      %dma_start3A_201 = arith.constant 0 : i32
      %dma_start3A_202 = tpu.memref_slice %arg14[%add3A_66, %dma_start3A_201] : memref<10240x128xf32, #tpu.memory_space<vmem_shared>> -> memref<32x128xf32, #tpu.memory_space<vmem_shared>>
      tpu.enqueue_dma source(%arg13 : memref<32x128xf32, #tpu.memory_space<vmem>>) target(%dma_start3A_202 : memref<32x128xf32, #tpu.memory_space<vmem_shared>>) target_semaphore(%run_scoped3A : memref<!tpu.dma_semaphore, #tpu.memory_space<semaphore_mem>>)
      %dma_wait3A = arith.constant 0 : i32
      %dma_wait3A_203 = tpu.memref_slice %arg14[%add3A_66, %dma_wait3A] : memref<10240x128xf32, #tpu.memory_space<vmem_shared>> -> memref<32x128xf32, #tpu.memory_space<vmem_shared>>
      %dma_wait3A_204 = arith.constant 0 : i32
      %dma_wait3A_205 = tpu.memref_slice %arg14[%add3A_66, %dma_wait3A_204] : memref<10240x128xf32, #tpu.memory_space<vmem_shared>> -> memref<32x128xf32, #tpu.memory_space<vmem_shared>>
      tpu.wait_dma2 semaphore(%run_scoped3A : memref<!tpu.dma_semaphore, #tpu.memory_space<semaphore_mem>>) src(%arg13 : memref<32x128xf32, #tpu.memory_space<vmem>>) dst(%dma_wait3A_205 : memref<32x128xf32, #tpu.memory_space<vmem_shared>>)
      tpu.yield
    }) : () -> ()
    %mul3A_67 = arith.constant 640 : i32
    %mul3A_68 = arith.muli %arg1, %mul3A_67 : i32
    %add3A_69 = arith.constant 480 : i32
    %add3A_70 = arith.addi %mul3A_68, %add3A_69 : i32
    "tpu.region"() ({
      %run_scoped3A = tpu.sem_alloc : memref<!tpu.dma_semaphore, #tpu.memory_space<semaphore_mem>>
      %dma_start3A = arith.constant 0 : i32
      %dma_start3A_200 = tpu.memref_slice %arg14[%add3A_70, %dma_start3A] : memref<10240x128xf32, #tpu.memory_space<vmem_shared>> -> memref<32x128xf32, #tpu.memory_space<vmem_shared>>
      %dma_start3A_201 = arith.constant 0 : i32
      %dma_start3A_202 = tpu.memref_slice %arg14[%add3A_70, %dma_start3A_201] : memref<10240x128xf32, #tpu.memory_space<vmem_shared>> -> memref<32x128xf32, #tpu.memory_space<vmem_shared>>
      tpu.enqueue_dma source(%arg13 : memref<32x128xf32, #tpu.memory_space<vmem>>) target(%dma_start3A_202 : memref<32x128xf32, #tpu.memory_space<vmem_shared>>) target_semaphore(%run_scoped3A : memref<!tpu.dma_semaphore, #tpu.memory_space<semaphore_mem>>)
      %dma_wait3A = arith.constant 0 : i32
      %dma_wait3A_203 = tpu.memref_slice %arg14[%add3A_70, %dma_wait3A] : memref<10240x128xf32, #tpu.memory_space<vmem_shared>> -> memref<32x128xf32, #tpu.memory_space<vmem_shared>>
      %dma_wait3A_204 = arith.constant 0 : i32
      %dma_wait3A_205 = tpu.memref_slice %arg14[%add3A_70, %dma_wait3A_204] : memref<10240x128xf32, #tpu.memory_space<vmem_shared>> -> memref<32x128xf32, #tpu.memory_space<vmem_shared>>
      tpu.wait_dma2 semaphore(%run_scoped3A : memref<!tpu.dma_semaphore, #tpu.memory_space<semaphore_mem>>) src(%arg13 : memref<32x128xf32, #tpu.memory_space<vmem>>) dst(%dma_wait3A_205 : memref<32x128xf32, #tpu.memory_space<vmem_shared>>)
      tpu.yield
    }) : () -> ()
    %mul3A_71 = arith.constant 640 : i32
    %mul3A_72 = arith.muli %arg1, %mul3A_71 : i32
    %add3A_73 = arith.constant 512 : i32
    %add3A_74 = arith.addi %mul3A_72, %add3A_73 : i32
    "tpu.region"() ({
      %run_scoped3A = tpu.sem_alloc : memref<!tpu.dma_semaphore, #tpu.memory_space<semaphore_mem>>
      %dma_start3A = arith.constant 0 : i32
      %dma_start3A_200 = tpu.memref_slice %arg14[%add3A_74, %dma_start3A] : memref<10240x128xf32, #tpu.memory_space<vmem_shared>> -> memref<32x128xf32, #tpu.memory_space<vmem_shared>>
      %dma_start3A_201 = arith.constant 0 : i32
      %dma_start3A_202 = tpu.memref_slice %arg14[%add3A_74, %dma_start3A_201] : memref<10240x128xf32, #tpu.memory_space<vmem_shared>> -> memref<32x128xf32, #tpu.memory_space<vmem_shared>>
      tpu.enqueue_dma source(%arg13 : memref<32x128xf32, #tpu.memory_space<vmem>>) target(%dma_start3A_202 : memref<32x128xf32, #tpu.memory_space<vmem_shared>>) target_semaphore(%run_scoped3A : memref<!tpu.dma_semaphore, #tpu.memory_space<semaphore_mem>>)
      %dma_wait3A = arith.constant 0 : i32
      %dma_wait3A_203 = tpu.memref_slice %arg14[%add3A_74, %dma_wait3A] : memref<10240x128xf32, #tpu.memory_space<vmem_shared>> -> memref<32x128xf32, #tpu.memory_space<vmem_shared>>
      %dma_wait3A_204 = arith.constant 0 : i32
      %dma_wait3A_205 = tpu.memref_slice %arg14[%add3A_74, %dma_wait3A_204] : memref<10240x128xf32, #tpu.memory_space<vmem_shared>> -> memref<32x128xf32, #tpu.memory_space<vmem_shared>>
      tpu.wait_dma2 semaphore(%run_scoped3A : memref<!tpu.dma_semaphore, #tpu.memory_space<semaphore_mem>>) src(%arg13 : memref<32x128xf32, #tpu.memory_space<vmem>>) dst(%dma_wait3A_205 : memref<32x128xf32, #tpu.memory_space<vmem_shared>>)
      tpu.yield
    }) : () -> ()
    %mul3A_75 = arith.constant 640 : i32
    %mul3A_76 = arith.muli %arg1, %mul3A_75 : i32
    %add3A_77 = arith.constant 544 : i32
    %add3A_78 = arith.addi %mul3A_76, %add3A_77 : i32
    "tpu.region"() ({
      %run_scoped3A = tpu.sem_alloc : memref<!tpu.dma_semaphore, #tpu.memory_space<semaphore_mem>>
      %dma_start3A = arith.constant 0 : i32
      %dma_start3A_200 = tpu.memref_slice %arg14[%add3A_78, %dma_start3A] : memref<10240x128xf32, #tpu.memory_space<vmem_shared>> -> memref<32x128xf32, #tpu.memory_space<vmem_shared>>
      %dma_start3A_201 = arith.constant 0 : i32
      %dma_start3A_202 = tpu.memref_slice %arg14[%add3A_78, %dma_start3A_201] : memref<10240x128xf32, #tpu.memory_space<vmem_shared>> -> memref<32x128xf32, #tpu.memory_space<vmem_shared>>
      tpu.enqueue_dma source(%arg13 : memref<32x128xf32, #tpu.memory_space<vmem>>) target(%dma_start3A_202 : memref<32x128xf32, #tpu.memory_space<vmem_shared>>) target_semaphore(%run_scoped3A : memref<!tpu.dma_semaphore, #tpu.memory_space<semaphore_mem>>)
      %dma_wait3A = arith.constant 0 : i32
      %dma_wait3A_203 = tpu.memref_slice %arg14[%add3A_78, %dma_wait3A] : memref<10240x128xf32, #tpu.memory_space<vmem_shared>> -> memref<32x128xf32, #tpu.memory_space<vmem_shared>>
      %dma_wait3A_204 = arith.constant 0 : i32
      %dma_wait3A_205 = tpu.memref_slice %arg14[%add3A_78, %dma_wait3A_204] : memref<10240x128xf32, #tpu.memory_space<vmem_shared>> -> memref<32x128xf32, #tpu.memory_space<vmem_shared>>
      tpu.wait_dma2 semaphore(%run_scoped3A : memref<!tpu.dma_semaphore, #tpu.memory_space<semaphore_mem>>) src(%arg13 : memref<32x128xf32, #tpu.memory_space<vmem>>) dst(%dma_wait3A_205 : memref<32x128xf32, #tpu.memory_space<vmem_shared>>)
      tpu.yield
    }) : () -> ()
    %mul3A_79 = arith.constant 640 : i32
    %mul3A_80 = arith.muli %arg1, %mul3A_79 : i32
    %add3A_81 = arith.constant 576 : i32
    %add3A_82 = arith.addi %mul3A_80, %add3A_81 : i32
    "tpu.region"() ({
      %run_scoped3A = tpu.sem_alloc : memref<!tpu.dma_semaphore, #tpu.memory_space<semaphore_mem>>
      %dma_start3A = arith.constant 0 : i32
      %dma_start3A_200 = tpu.memref_slice %arg14[%add3A_82, %dma_start3A] : memref<10240x128xf32, #tpu.memory_space<vmem_shared>> -> memref<32x128xf32, #tpu.memory_space<vmem_shared>>
      %dma_start3A_201 = arith.constant 0 : i32
      %dma_start3A_202 = tpu.memref_slice %arg14[%add3A_82, %dma_start3A_201] : memref<10240x128xf32, #tpu.memory_space<vmem_shared>> -> memref<32x128xf32, #tpu.memory_space<vmem_shared>>
      tpu.enqueue_dma source(%arg13 : memref<32x128xf32, #tpu.memory_space<vmem>>) target(%dma_start3A_202 : memref<32x128xf32, #tpu.memory_space<vmem_shared>>) target_semaphore(%run_scoped3A : memref<!tpu.dma_semaphore, #tpu.memory_space<semaphore_mem>>)
      %dma_wait3A = arith.constant 0 : i32
      %dma_wait3A_203 = tpu.memref_slice %arg14[%add3A_82, %dma_wait3A] : memref<10240x128xf32, #tpu.memory_space<vmem_shared>> -> memref<32x128xf32, #tpu.memory_space<vmem_shared>>
      %dma_wait3A_204 = arith.constant 0 : i32
      %dma_wait3A_205 = tpu.memref_slice %arg14[%add3A_82, %dma_wait3A_204] : memref<10240x128xf32, #tpu.memory_space<vmem_shared>> -> memref<32x128xf32, #tpu.memory_space<vmem_shared>>
      tpu.wait_dma2 semaphore(%run_scoped3A : memref<!tpu.dma_semaphore, #tpu.memory_space<semaphore_mem>>) src(%arg13 : memref<32x128xf32, #tpu.memory_space<vmem>>) dst(%dma_wait3A_205 : memref<32x128xf32, #tpu.memory_space<vmem_shared>>)
      tpu.yield
    }) : () -> ()
    %mul3A_83 = arith.constant 640 : i32
    %mul3A_84 = arith.muli %arg1, %mul3A_83 : i32
    %add3A_85 = arith.constant 608 : i32
    %add3A_86 = arith.addi %mul3A_84, %add3A_85 : i32
    "tpu.region"() ({
      %run_scoped3A = tpu.sem_alloc : memref<!tpu.dma_semaphore, #tpu.memory_space<semaphore_mem>>
      %dma_start3A = arith.constant 0 : i32
      %dma_start3A_200 = tpu.memref_slice %arg14[%add3A_86, %dma_start3A] : memref<10240x128xf32, #tpu.memory_space<vmem_shared>> -> memref<32x128xf32, #tpu.memory_space<vmem_shared>>
      %dma_start3A_201 = arith.constant 0 : i32
      %dma_start3A_202 = tpu.memref_slice %arg14[%add3A_86, %dma_start3A_201] : memref<10240x128xf32, #tpu.memory_space<vmem_shared>> -> memref<32x128xf32, #tpu.memory_space<vmem_shared>>
      tpu.enqueue_dma source(%arg13 : memref<32x128xf32, #tpu.memory_space<vmem>>) target(%dma_start3A_202 : memref<32x128xf32, #tpu.memory_space<vmem_shared>>) target_semaphore(%run_scoped3A : memref<!tpu.dma_semaphore, #tpu.memory_space<semaphore_mem>>)
      %dma_wait3A = arith.constant 0 : i32
      %dma_wait3A_203 = tpu.memref_slice %arg14[%add3A_86, %dma_wait3A] : memref<10240x128xf32, #tpu.memory_space<vmem_shared>> -> memref<32x128xf32, #tpu.memory_space<vmem_shared>>
      %dma_wait3A_204 = arith.constant 0 : i32
      %dma_wait3A_205 = tpu.memref_slice %arg14[%add3A_86, %dma_wait3A_204] : memref<10240x128xf32, #tpu.memory_space<vmem_shared>> -> memref<32x128xf32, #tpu.memory_space<vmem_shared>>
      tpu.wait_dma2 semaphore(%run_scoped3A : memref<!tpu.dma_semaphore, #tpu.memory_space<semaphore_mem>>) src(%arg13 : memref<32x128xf32, #tpu.memory_space<vmem>>) dst(%dma_wait3A_205 : memref<32x128xf32, #tpu.memory_space<vmem_shared>>)
      tpu.yield
    }) : () -> ()
    %barrier3A = arith.constant 0 : index
    tpu.barrier barrier_id(%barrier3A)
    %mul3A_87 = arith.constant 640 : i32
    %mul3A_88 = arith.muli %arg1, %mul3A_87 : i32
    %scan3A_89 = arith.constant 0 : i32
    %scan3A_90 = arith.constant 5 : i32
    %scan3A_91 = arith.addi %scan3A_89, %scan3A_90 : i32
    %scan3A_92 = arith.constant 1 : i32
    scf.for %scan3A_200 = %scan3A_89 to %scan3A_91 step %scan3A_92  : i32 {
      %mul3A_201 = arith.constant 1 : i32
      %mul3A_202 = arith.muli %scan3A_200, %mul3A_201 : i32
      %add3A_203 = arith.constant 0 : i32
      %add3A_204 = arith.addi %add3A_203, %mul3A_202 : i32
      %mul3A_205 = arith.constant 80 : i32
      %mul3A_206 = arith.muli %arg0, %mul3A_205 : i32
      %mul3A_207 = arith.constant 5 : i32
      %mul3A_208 = arith.muli %arg1, %mul3A_207 : i32
      %add3A_209 = arith.addi %mul3A_206, %mul3A_208 : i32
      %add3A_210 = arith.addi %add3A_209, %add3A_204 : i32
      "tpu.region"() ({
        %run_scoped3A = tpu.sem_alloc : memref<!tpu.dma_semaphore, #tpu.memory_space<semaphore_mem>>
        %dma_start3A = arith.constant 0 : i32
        %dma_start3A_221 = arith.constant 0 : i32
        %dma_start3A_222 = tpu.memref_slice %arg3[%add3A_210, %dma_start3A, %dma_start3A_221] : memref<160x25x80xi32, #tpu.memory_space<hbm>> -> memref<1x25x80xi32, #tpu.memory_space<hbm>>
        %dma_start3A_223 = tpu.memref_squeeze %dma_start3A_222 : memref<1x25x80xi32, #tpu.memory_space<hbm>> -> memref<25x80xi32, #tpu.memory_space<hbm>>
        %dma_start3A_224 = arith.constant 0 : i32
        %dma_start3A_225 = arith.constant 0 : i32
        %dma_start3A_226 = tpu.memref_slice %arg3[%add3A_210, %dma_start3A_224, %dma_start3A_225] : memref<160x25x80xi32, #tpu.memory_space<hbm>> -> memref<1x25x80xi32, #tpu.memory_space<hbm>>
        %dma_start3A_227 = tpu.memref_squeeze %dma_start3A_226 : memref<1x25x80xi32, #tpu.memory_space<hbm>> -> memref<25x80xi32, #tpu.memory_space<hbm>>
        tpu.enqueue_dma source(%dma_start3A_227 : memref<25x80xi32, #tpu.memory_space<hbm>>) target(%arg10 : memref<25x80xi32, #tpu.memory_space<vmem>>) target_semaphore(%run_scoped3A : memref<!tpu.dma_semaphore, #tpu.memory_space<semaphore_mem>>)
        %dma_wait3A = arith.constant 0 : i32
        %dma_wait3A_228 = arith.constant 0 : i32
        %dma_wait3A_229 = tpu.memref_slice %arg3[%add3A_210, %dma_wait3A, %dma_wait3A_228] : memref<160x25x80xi32, #tpu.memory_space<hbm>> -> memref<1x25x80xi32, #tpu.memory_space<hbm>>
        %dma_wait3A_230 = tpu.memref_squeeze %dma_wait3A_229 : memref<1x25x80xi32, #tpu.memory_space<hbm>> -> memref<25x80xi32, #tpu.memory_space<hbm>>
        %dma_wait3A_231 = arith.constant 0 : i32
        %dma_wait3A_232 = arith.constant 0 : i32
        %dma_wait3A_233 = tpu.memref_slice %arg3[%add3A_210, %dma_wait3A_231, %dma_wait3A_232] : memref<160x25x80xi32, #tpu.memory_space<hbm>> -> memref<1x25x80xi32, #tpu.memory_space<hbm>>
        %dma_wait3A_234 = tpu.memref_squeeze %dma_wait3A_233 : memref<1x25x80xi32, #tpu.memory_space<hbm>> -> memref<25x80xi32, #tpu.memory_space<hbm>>
        tpu.wait_dma2 semaphore(%run_scoped3A : memref<!tpu.dma_semaphore, #tpu.memory_space<semaphore_mem>>) src(%dma_wait3A_234 : memref<25x80xi32, #tpu.memory_space<hbm>>) dst(%arg10 : memref<25x80xi32, #tpu.memory_space<vmem>>)
        tpu.yield
      }) : () -> ()
      %scan3A_211 = arith.constant 0 : i32
      %scan3A_212 = arith.constant 25 : i32
      %scan3A_213 = arith.addi %scan3A_211, %scan3A_212 : i32
      %scan3A_214 = arith.constant 1 : i32
      scf.for %scan3A_221 = %scan3A_211 to %scan3A_213 step %scan3A_214  : i32 {
        %mul3A_222 = arith.constant 1 : i32
        %mul3A_223 = arith.muli %scan3A_221, %mul3A_222 : i32
        %add3A_224 = arith.constant 0 : i32
        %add3A_225 = arith.addi %add3A_224, %mul3A_223 : i32
        %dma_start3A = arith.constant 0 : i32
        %dma_start3A_226 = tpu.memref_slice %arg10[%add3A_225, %dma_start3A] : memref<25x80xi32, #tpu.memory_space<vmem>> -> memref<1x80xi32, #tpu.memory_space<vmem>>
        %dma_start3A_227 = tpu.memref_squeeze %dma_start3A_226 : memref<1x80xi32, #tpu.memory_space<vmem>> -> memref<80xi32, #tpu.memory_space<vmem>>
        %dma_start3A_228 = arith.constant 0 : i32
        %dma_start3A_229 = arith.constant 0 : i32
        %dma_start3A_230 = tpu.memref_slice %arg14[%dma_start3A_228, %dma_start3A_229] : memref<10240x128xf32, #tpu.memory_space<vmem_shared>> -> memref<10240x128xf32, #tpu.memory_space<vmem_shared>>
        tpu.enqueue_indirect_dma source(%arg11 : memref<80x128xf32, #tpu.memory_space<vmem>>) target(%dma_start3A_230 : memref<10240x128xf32, #tpu.memory_space<vmem_shared>>) offsets(%dma_start3A_227 : memref<80xi32, #tpu.memory_space<vmem>>) semaphore(%arg16 : memref<!tpu.dma_semaphore, #tpu.memory_space<semaphore_mem>>) {add = true}
      }
      %scan3A_215 = arith.constant 25 : i32
      %scan3A_216 = arith.constant 0 : i32
      %scan3A_217 = arith.constant 25 : i32
      %scan3A_218 = arith.addi %scan3A_216, %scan3A_217 : i32
      %scan3A_219 = arith.constant 1 : i32
      scf.for %scan3A_221 = %scan3A_216 to %scan3A_218 step %scan3A_219  : i32 {
        %mul3A_222 = arith.constant 1 : i32
        %mul3A_223 = arith.muli %scan3A_221, %mul3A_222 : i32
        %add3A_224 = arith.constant 0 : i32
        %add3A_225 = arith.addi %add3A_224, %mul3A_223 : i32
        %dma_wait3A = arith.constant 0 : i32
        %dma_wait3A_226 = arith.constant 0 : i32
        %dma_wait3A_227 = tpu.memref_slice %arg10[%dma_wait3A, %dma_wait3A_226] : memref<25x80xi32, #tpu.memory_space<vmem>> -> memref<1x80xi32, #tpu.memory_space<vmem>>
        %dma_wait3A_228 = tpu.memref_squeeze %dma_wait3A_227 : memref<1x80xi32, #tpu.memory_space<vmem>> -> memref<80xi32, #tpu.memory_space<vmem>>
        %dma_wait3A_229 = arith.constant 0 : i32
        %dma_wait3A_230 = arith.constant 0 : i32
        %dma_wait3A_231 = tpu.memref_slice %arg14[%dma_wait3A_229, %dma_wait3A_230] : memref<10240x128xf32, #tpu.memory_space<vmem_shared>> -> memref<10240x128xf32, #tpu.memory_space<vmem_shared>>
        tpu.wait_indirect_dma semaphore(%arg16 : memref<!tpu.dma_semaphore, #tpu.memory_space<semaphore_mem>>) src(%arg11 : memref<80x128xf32, #tpu.memory_space<vmem>>) dst(%dma_wait3A_231 : memref<10240x128xf32, #tpu.memory_space<vmem_shared>>)
      }
      %scan3A_220 = arith.constant 25 : i32
    }
    %scan3A_93 = arith.constant 5 : i32
    %barrier3A_94 = arith.constant 0 : index
    tpu.barrier barrier_id(%barrier3A_94)
    %eq3A = arith.constant 0 : i32
    %eq3A_95 = arith.cmpi eq, %arg0, %eq3A : i32
    %convert_element_type3A = arith.extui %eq3A_95 : i1 to i32
    %cond3A = arith.constant 0 : i32
    %cond3A_96 = arith.cmpi ne, %convert_element_type3A, %cond3A : i32
    scf.if %cond3A_96 {
      "tpu.region"() ({
        %run_scoped3A = tpu.sem_alloc : memref<!tpu.dma_semaphore, #tpu.memory_space<semaphore_mem>>
        %dma_start3A = arith.constant 0 : i32
        %dma_start3A_200 = tpu.memref_slice %arg7[%mul3A_88, %dma_start3A] : memref<10240x128xf32, #tpu.memory_space<hbm>> -> memref<640x128xf32, #tpu.memory_space<hbm>>
        %dma_start3A_201 = arith.constant 0 : i32
        %dma_start3A_202 = tpu.memref_slice %arg14[%mul3A_88, %dma_start3A_201] : memref<10240x128xf32, #tpu.memory_space<vmem_shared>> -> memref<640x128xf32, #tpu.memory_space<vmem_shared>>
        tpu.enqueue_dma source(%dma_start3A_202 : memref<640x128xf32, #tpu.memory_space<vmem_shared>>) target(%dma_start3A_200 : memref<640x128xf32, #tpu.memory_space<hbm>>) target_semaphore(%run_scoped3A : memref<!tpu.dma_semaphore, #tpu.memory_space<semaphore_mem>>)
        %dma_wait3A = arith.constant 0 : i32
        %dma_wait3A_203 = tpu.memref_slice %arg7[%mul3A_88, %dma_wait3A] : memref<10240x128xf32, #tpu.memory_space<hbm>> -> memref<640x128xf32, #tpu.memory_space<hbm>>
        %dma_wait3A_204 = arith.constant 0 : i32
        %dma_wait3A_205 = tpu.memref_slice %arg14[%mul3A_88, %dma_wait3A_204] : memref<10240x128xf32, #tpu.memory_space<vmem_shared>> -> memref<640x128xf32, #tpu.memory_space<vmem_shared>>
        tpu.wait_dma2 semaphore(%run_scoped3A : memref<!tpu.dma_semaphore, #tpu.memory_space<semaphore_mem>>) src(%dma_wait3A_205 : memref<640x128xf32, #tpu.memory_space<vmem_shared>>) dst(%dma_wait3A_203 : memref<640x128xf32, #tpu.memory_space<hbm>>)
        tpu.yield
      }) : () -> ()
    } else {
    }
    %eq3A_97 = arith.constant 1 : i32
    %eq3A_98 = arith.cmpi eq, %arg0, %eq3A_97 : i32
    %convert_element_type3A_99 = arith.extui %eq3A_98 : i1 to i32
    %cond3A_100 = arith.constant 0 : i32
    %cond3A_101 = arith.cmpi ne, %convert_element_type3A_99, %cond3A_100 : i32
    scf.if %cond3A_101 {
      "tpu.region"() ({
        %run_scoped3A = tpu.sem_alloc : memref<!tpu.dma_semaphore, #tpu.memory_space<semaphore_mem>>
        %dma_start3A = arith.constant 0 : i32
        %dma_start3A_200 = tpu.memref_slice %arg8[%mul3A_88, %dma_start3A] : memref<10240x128xf32, #tpu.memory_space<hbm>> -> memref<640x128xf32, #tpu.memory_space<hbm>>
        %dma_start3A_201 = arith.constant 0 : i32
        %dma_start3A_202 = tpu.memref_slice %arg14[%mul3A_88, %dma_start3A_201] : memref<10240x128xf32, #tpu.memory_space<vmem_shared>> -> memref<640x128xf32, #tpu.memory_space<vmem_shared>>
        tpu.enqueue_dma source(%dma_start3A_202 : memref<640x128xf32, #tpu.memory_space<vmem_shared>>) target(%dma_start3A_200 : memref<640x128xf32, #tpu.memory_space<hbm>>) target_semaphore(%run_scoped3A : memref<!tpu.dma_semaphore, #tpu.memory_space<semaphore_mem>>)
        %dma_wait3A = arith.constant 0 : i32
        %dma_wait3A_203 = tpu.memref_slice %arg8[%mul3A_88, %dma_wait3A] : memref<10240x128xf32, #tpu.memory_space<hbm>> -> memref<640x128xf32, #tpu.memory_space<hbm>>
        %dma_wait3A_204 = arith.constant 0 : i32
        %dma_wait3A_205 = tpu.memref_slice %arg14[%mul3A_88, %dma_wait3A_204] : memref<10240x128xf32, #tpu.memory_space<vmem_shared>> -> memref<640x128xf32, #tpu.memory_space<vmem_shared>>
        tpu.wait_dma2 semaphore(%run_scoped3A : memref<!tpu.dma_semaphore, #tpu.memory_space<semaphore_mem>>) src(%dma_wait3A_205 : memref<640x128xf32, #tpu.memory_space<vmem_shared>>) dst(%dma_wait3A_203 : memref<640x128xf32, #tpu.memory_space<hbm>>)
        tpu.yield
      }) : () -> ()
    } else {
    }
    %barrier3A_102 = arith.constant 0 : index
    tpu.barrier barrier_id(%barrier3A_102)
    %mul3A_103 = arith.constant 640 : i32
    %mul3A_104 = arith.muli %arg1, %mul3A_103 : i32
    %add3A_105 = arith.constant 0 : i32
    %add3A_106 = arith.addi %mul3A_104, %add3A_105 : i32
    "tpu.region"() ({
      %run_scoped3A = tpu.sem_alloc : memref<!tpu.dma_semaphore, #tpu.memory_space<semaphore_mem>>
      %dma_start3A = arith.constant 0 : i32
      %dma_start3A_200 = tpu.memref_slice %arg14[%add3A_106, %dma_start3A] : memref<10240x128xf32, #tpu.memory_space<vmem_shared>> -> memref<32x128xf32, #tpu.memory_space<vmem_shared>>
      %dma_start3A_201 = arith.constant 0 : i32
      %dma_start3A_202 = tpu.memref_slice %arg14[%add3A_106, %dma_start3A_201] : memref<10240x128xf32, #tpu.memory_space<vmem_shared>> -> memref<32x128xf32, #tpu.memory_space<vmem_shared>>
      tpu.enqueue_dma source(%arg13 : memref<32x128xf32, #tpu.memory_space<vmem>>) target(%dma_start3A_202 : memref<32x128xf32, #tpu.memory_space<vmem_shared>>) target_semaphore(%run_scoped3A : memref<!tpu.dma_semaphore, #tpu.memory_space<semaphore_mem>>)
      %dma_wait3A = arith.constant 0 : i32
      %dma_wait3A_203 = tpu.memref_slice %arg14[%add3A_106, %dma_wait3A] : memref<10240x128xf32, #tpu.memory_space<vmem_shared>> -> memref<32x128xf32, #tpu.memory_space<vmem_shared>>
      %dma_wait3A_204 = arith.constant 0 : i32
      %dma_wait3A_205 = tpu.memref_slice %arg14[%add3A_106, %dma_wait3A_204] : memref<10240x128xf32, #tpu.memory_space<vmem_shared>> -> memref<32x128xf32, #tpu.memory_space<vmem_shared>>
      tpu.wait_dma2 semaphore(%run_scoped3A : memref<!tpu.dma_semaphore, #tpu.memory_space<semaphore_mem>>) src(%arg13 : memref<32x128xf32, #tpu.memory_space<vmem>>) dst(%dma_wait3A_205 : memref<32x128xf32, #tpu.memory_space<vmem_shared>>)
      tpu.yield
    }) : () -> ()
    %mul3A_107 = arith.constant 640 : i32
    %mul3A_108 = arith.muli %arg1, %mul3A_107 : i32
    %add3A_109 = arith.constant 32 : i32
    %add3A_110 = arith.addi %mul3A_108, %add3A_109 : i32
    "tpu.region"() ({
      %run_scoped3A = tpu.sem_alloc : memref<!tpu.dma_semaphore, #tpu.memory_space<semaphore_mem>>
      %dma_start3A = arith.constant 0 : i32
      %dma_start3A_200 = tpu.memref_slice %arg14[%add3A_110, %dma_start3A] : memref<10240x128xf32, #tpu.memory_space<vmem_shared>> -> memref<32x128xf32, #tpu.memory_space<vmem_shared>>
      %dma_start3A_201 = arith.constant 0 : i32
      %dma_start3A_202 = tpu.memref_slice %arg14[%add3A_110, %dma_start3A_201] : memref<10240x128xf32, #tpu.memory_space<vmem_shared>> -> memref<32x128xf32, #tpu.memory_space<vmem_shared>>
      tpu.enqueue_dma source(%arg13 : memref<32x128xf32, #tpu.memory_space<vmem>>) target(%dma_start3A_202 : memref<32x128xf32, #tpu.memory_space<vmem_shared>>) target_semaphore(%run_scoped3A : memref<!tpu.dma_semaphore, #tpu.memory_space<semaphore_mem>>)
      %dma_wait3A = arith.constant 0 : i32
      %dma_wait3A_203 = tpu.memref_slice %arg14[%add3A_110, %dma_wait3A] : memref<10240x128xf32, #tpu.memory_space<vmem_shared>> -> memref<32x128xf32, #tpu.memory_space<vmem_shared>>
      %dma_wait3A_204 = arith.constant 0 : i32
      %dma_wait3A_205 = tpu.memref_slice %arg14[%add3A_110, %dma_wait3A_204] : memref<10240x128xf32, #tpu.memory_space<vmem_shared>> -> memref<32x128xf32, #tpu.memory_space<vmem_shared>>
      tpu.wait_dma2 semaphore(%run_scoped3A : memref<!tpu.dma_semaphore, #tpu.memory_space<semaphore_mem>>) src(%arg13 : memref<32x128xf32, #tpu.memory_space<vmem>>) dst(%dma_wait3A_205 : memref<32x128xf32, #tpu.memory_space<vmem_shared>>)
      tpu.yield
    }) : () -> ()
    %mul3A_111 = arith.constant 640 : i32
    %mul3A_112 = arith.muli %arg1, %mul3A_111 : i32
    %add3A_113 = arith.constant 64 : i32
    %add3A_114 = arith.addi %mul3A_112, %add3A_113 : i32
    "tpu.region"() ({
      %run_scoped3A = tpu.sem_alloc : memref<!tpu.dma_semaphore, #tpu.memory_space<semaphore_mem>>
      %dma_start3A = arith.constant 0 : i32
      %dma_start3A_200 = tpu.memref_slice %arg14[%add3A_114, %dma_start3A] : memref<10240x128xf32, #tpu.memory_space<vmem_shared>> -> memref<32x128xf32, #tpu.memory_space<vmem_shared>>
      %dma_start3A_201 = arith.constant 0 : i32
      %dma_start3A_202 = tpu.memref_slice %arg14[%add3A_114, %dma_start3A_201] : memref<10240x128xf32, #tpu.memory_space<vmem_shared>> -> memref<32x128xf32, #tpu.memory_space<vmem_shared>>
      tpu.enqueue_dma source(%arg13 : memref<32x128xf32, #tpu.memory_space<vmem>>) target(%dma_start3A_202 : memref<32x128xf32, #tpu.memory_space<vmem_shared>>) target_semaphore(%run_scoped3A : memref<!tpu.dma_semaphore, #tpu.memory_space<semaphore_mem>>)
      %dma_wait3A = arith.constant 0 : i32
      %dma_wait3A_203 = tpu.memref_slice %arg14[%add3A_114, %dma_wait3A] : memref<10240x128xf32, #tpu.memory_space<vmem_shared>> -> memref<32x128xf32, #tpu.memory_space<vmem_shared>>
      %dma_wait3A_204 = arith.constant 0 : i32
      %dma_wait3A_205 = tpu.memref_slice %arg14[%add3A_114, %dma_wait3A_204] : memref<10240x128xf32, #tpu.memory_space<vmem_shared>> -> memref<32x128xf32, #tpu.memory_space<vmem_shared>>
      tpu.wait_dma2 semaphore(%run_scoped3A : memref<!tpu.dma_semaphore, #tpu.memory_space<semaphore_mem>>) src(%arg13 : memref<32x128xf32, #tpu.memory_space<vmem>>) dst(%dma_wait3A_205 : memref<32x128xf32, #tpu.memory_space<vmem_shared>>)
      tpu.yield
    }) : () -> ()
    %mul3A_115 = arith.constant 640 : i32
    %mul3A_116 = arith.muli %arg1, %mul3A_115 : i32
    %add3A_117 = arith.constant 96 : i32
    %add3A_118 = arith.addi %mul3A_116, %add3A_117 : i32
    "tpu.region"() ({
      %run_scoped3A = tpu.sem_alloc : memref<!tpu.dma_semaphore, #tpu.memory_space<semaphore_mem>>
      %dma_start3A = arith.constant 0 : i32
      %dma_start3A_200 = tpu.memref_slice %arg14[%add3A_118, %dma_start3A] : memref<10240x128xf32, #tpu.memory_space<vmem_shared>> -> memref<32x128xf32, #tpu.memory_space<vmem_shared>>
      %dma_start3A_201 = arith.constant 0 : i32
      %dma_start3A_202 = tpu.memref_slice %arg14[%add3A_118, %dma_start3A_201] : memref<10240x128xf32, #tpu.memory_space<vmem_shared>> -> memref<32x128xf32, #tpu.memory_space<vmem_shared>>
      tpu.enqueue_dma source(%arg13 : memref<32x128xf32, #tpu.memory_space<vmem>>) target(%dma_start3A_202 : memref<32x128xf32, #tpu.memory_space<vmem_shared>>) target_semaphore(%run_scoped3A : memref<!tpu.dma_semaphore, #tpu.memory_space<semaphore_mem>>)
      %dma_wait3A = arith.constant 0 : i32
      %dma_wait3A_203 = tpu.memref_slice %arg14[%add3A_118, %dma_wait3A] : memref<10240x128xf32, #tpu.memory_space<vmem_shared>> -> memref<32x128xf32, #tpu.memory_space<vmem_shared>>
      %dma_wait3A_204 = arith.constant 0 : i32
      %dma_wait3A_205 = tpu.memref_slice %arg14[%add3A_118, %dma_wait3A_204] : memref<10240x128xf32, #tpu.memory_space<vmem_shared>> -> memref<32x128xf32, #tpu.memory_space<vmem_shared>>
      tpu.wait_dma2 semaphore(%run_scoped3A : memref<!tpu.dma_semaphore, #tpu.memory_space<semaphore_mem>>) src(%arg13 : memref<32x128xf32, #tpu.memory_space<vmem>>) dst(%dma_wait3A_205 : memref<32x128xf32, #tpu.memory_space<vmem_shared>>)
      tpu.yield
    }) : () -> ()
    %mul3A_119 = arith.constant 640 : i32
    %mul3A_120 = arith.muli %arg1, %mul3A_119 : i32
    %add3A_121 = arith.constant 128 : i32
    %add3A_122 = arith.addi %mul3A_120, %add3A_121 : i32
    "tpu.region"() ({
      %run_scoped3A = tpu.sem_alloc : memref<!tpu.dma_semaphore, #tpu.memory_space<semaphore_mem>>
      %dma_start3A = arith.constant 0 : i32
      %dma_start3A_200 = tpu.memref_slice %arg14[%add3A_122, %dma_start3A] : memref<10240x128xf32, #tpu.memory_space<vmem_shared>> -> memref<32x128xf32, #tpu.memory_space<vmem_shared>>
      %dma_start3A_201 = arith.constant 0 : i32
      %dma_start3A_202 = tpu.memref_slice %arg14[%add3A_122, %dma_start3A_201] : memref<10240x128xf32, #tpu.memory_space<vmem_shared>> -> memref<32x128xf32, #tpu.memory_space<vmem_shared>>
      tpu.enqueue_dma source(%arg13 : memref<32x128xf32, #tpu.memory_space<vmem>>) target(%dma_start3A_202 : memref<32x128xf32, #tpu.memory_space<vmem_shared>>) target_semaphore(%run_scoped3A : memref<!tpu.dma_semaphore, #tpu.memory_space<semaphore_mem>>)
      %dma_wait3A = arith.constant 0 : i32
      %dma_wait3A_203 = tpu.memref_slice %arg14[%add3A_122, %dma_wait3A] : memref<10240x128xf32, #tpu.memory_space<vmem_shared>> -> memref<32x128xf32, #tpu.memory_space<vmem_shared>>
      %dma_wait3A_204 = arith.constant 0 : i32
      %dma_wait3A_205 = tpu.memref_slice %arg14[%add3A_122, %dma_wait3A_204] : memref<10240x128xf32, #tpu.memory_space<vmem_shared>> -> memref<32x128xf32, #tpu.memory_space<vmem_shared>>
      tpu.wait_dma2 semaphore(%run_scoped3A : memref<!tpu.dma_semaphore, #tpu.memory_space<semaphore_mem>>) src(%arg13 : memref<32x128xf32, #tpu.memory_space<vmem>>) dst(%dma_wait3A_205 : memref<32x128xf32, #tpu.memory_space<vmem_shared>>)
      tpu.yield
    }) : () -> ()
    %mul3A_123 = arith.constant 640 : i32
    %mul3A_124 = arith.muli %arg1, %mul3A_123 : i32
    %add3A_125 = arith.constant 160 : i32
    %add3A_126 = arith.addi %mul3A_124, %add3A_125 : i32
    "tpu.region"() ({
      %run_scoped3A = tpu.sem_alloc : memref<!tpu.dma_semaphore, #tpu.memory_space<semaphore_mem>>
      %dma_start3A = arith.constant 0 : i32
      %dma_start3A_200 = tpu.memref_slice %arg14[%add3A_126, %dma_start3A] : memref<10240x128xf32, #tpu.memory_space<vmem_shared>> -> memref<32x128xf32, #tpu.memory_space<vmem_shared>>
      %dma_start3A_201 = arith.constant 0 : i32
      %dma_start3A_202 = tpu.memref_slice %arg14[%add3A_126, %dma_start3A_201] : memref<10240x128xf32, #tpu.memory_space<vmem_shared>> -> memref<32x128xf32, #tpu.memory_space<vmem_shared>>
      tpu.enqueue_dma source(%arg13 : memref<32x128xf32, #tpu.memory_space<vmem>>) target(%dma_start3A_202 : memref<32x128xf32, #tpu.memory_space<vmem_shared>>) target_semaphore(%run_scoped3A : memref<!tpu.dma_semaphore, #tpu.memory_space<semaphore_mem>>)
      %dma_wait3A = arith.constant 0 : i32
      %dma_wait3A_203 = tpu.memref_slice %arg14[%add3A_126, %dma_wait3A] : memref<10240x128xf32, #tpu.memory_space<vmem_shared>> -> memref<32x128xf32, #tpu.memory_space<vmem_shared>>
      %dma_wait3A_204 = arith.constant 0 : i32
      %dma_wait3A_205 = tpu.memref_slice %arg14[%add3A_126, %dma_wait3A_204] : memref<10240x128xf32, #tpu.memory_space<vmem_shared>> -> memref<32x128xf32, #tpu.memory_space<vmem_shared>>
      tpu.wait_dma2 semaphore(%run_scoped3A : memref<!tpu.dma_semaphore, #tpu.memory_space<semaphore_mem>>) src(%arg13 : memref<32x128xf32, #tpu.memory_space<vmem>>) dst(%dma_wait3A_205 : memref<32x128xf32, #tpu.memory_space<vmem_shared>>)
      tpu.yield
    }) : () -> ()
    %mul3A_127 = arith.constant 640 : i32
    %mul3A_128 = arith.muli %arg1, %mul3A_127 : i32
    %add3A_129 = arith.constant 192 : i32
    %add3A_130 = arith.addi %mul3A_128, %add3A_129 : i32
    "tpu.region"() ({
      %run_scoped3A = tpu.sem_alloc : memref<!tpu.dma_semaphore, #tpu.memory_space<semaphore_mem>>
      %dma_start3A = arith.constant 0 : i32
      %dma_start3A_200 = tpu.memref_slice %arg14[%add3A_130, %dma_start3A] : memref<10240x128xf32, #tpu.memory_space<vmem_shared>> -> memref<32x128xf32, #tpu.memory_space<vmem_shared>>
      %dma_start3A_201 = arith.constant 0 : i32
      %dma_start3A_202 = tpu.memref_slice %arg14[%add3A_130, %dma_start3A_201] : memref<10240x128xf32, #tpu.memory_space<vmem_shared>> -> memref<32x128xf32, #tpu.memory_space<vmem_shared>>
      tpu.enqueue_dma source(%arg13 : memref<32x128xf32, #tpu.memory_space<vmem>>) target(%dma_start3A_202 : memref<32x128xf32, #tpu.memory_space<vmem_shared>>) target_semaphore(%run_scoped3A : memref<!tpu.dma_semaphore, #tpu.memory_space<semaphore_mem>>)
      %dma_wait3A = arith.constant 0 : i32
      %dma_wait3A_203 = tpu.memref_slice %arg14[%add3A_130, %dma_wait3A] : memref<10240x128xf32, #tpu.memory_space<vmem_shared>> -> memref<32x128xf32, #tpu.memory_space<vmem_shared>>
      %dma_wait3A_204 = arith.constant 0 : i32
      %dma_wait3A_205 = tpu.memref_slice %arg14[%add3A_130, %dma_wait3A_204] : memref<10240x128xf32, #tpu.memory_space<vmem_shared>> -> memref<32x128xf32, #tpu.memory_space<vmem_shared>>
      tpu.wait_dma2 semaphore(%run_scoped3A : memref<!tpu.dma_semaphore, #tpu.memory_space<semaphore_mem>>) src(%arg13 : memref<32x128xf32, #tpu.memory_space<vmem>>) dst(%dma_wait3A_205 : memref<32x128xf32, #tpu.memory_space<vmem_shared>>)
      tpu.yield
    }) : () -> ()
    %mul3A_131 = arith.constant 640 : i32
    %mul3A_132 = arith.muli %arg1, %mul3A_131 : i32
    %add3A_133 = arith.constant 224 : i32
    %add3A_134 = arith.addi %mul3A_132, %add3A_133 : i32
    "tpu.region"() ({
      %run_scoped3A = tpu.sem_alloc : memref<!tpu.dma_semaphore, #tpu.memory_space<semaphore_mem>>
      %dma_start3A = arith.constant 0 : i32
      %dma_start3A_200 = tpu.memref_slice %arg14[%add3A_134, %dma_start3A] : memref<10240x128xf32, #tpu.memory_space<vmem_shared>> -> memref<32x128xf32, #tpu.memory_space<vmem_shared>>
      %dma_start3A_201 = arith.constant 0 : i32
      %dma_start3A_202 = tpu.memref_slice %arg14[%add3A_134, %dma_start3A_201] : memref<10240x128xf32, #tpu.memory_space<vmem_shared>> -> memref<32x128xf32, #tpu.memory_space<vmem_shared>>
      tpu.enqueue_dma source(%arg13 : memref<32x128xf32, #tpu.memory_space<vmem>>) target(%dma_start3A_202 : memref<32x128xf32, #tpu.memory_space<vmem_shared>>) target_semaphore(%run_scoped3A : memref<!tpu.dma_semaphore, #tpu.memory_space<semaphore_mem>>)
      %dma_wait3A = arith.constant 0 : i32
      %dma_wait3A_203 = tpu.memref_slice %arg14[%add3A_134, %dma_wait3A] : memref<10240x128xf32, #tpu.memory_space<vmem_shared>> -> memref<32x128xf32, #tpu.memory_space<vmem_shared>>
      %dma_wait3A_204 = arith.constant 0 : i32
      %dma_wait3A_205 = tpu.memref_slice %arg14[%add3A_134, %dma_wait3A_204] : memref<10240x128xf32, #tpu.memory_space<vmem_shared>> -> memref<32x128xf32, #tpu.memory_space<vmem_shared>>
      tpu.wait_dma2 semaphore(%run_scoped3A : memref<!tpu.dma_semaphore, #tpu.memory_space<semaphore_mem>>) src(%arg13 : memref<32x128xf32, #tpu.memory_space<vmem>>) dst(%dma_wait3A_205 : memref<32x128xf32, #tpu.memory_space<vmem_shared>>)
      tpu.yield
    }) : () -> ()
    %mul3A_135 = arith.constant 640 : i32
    %mul3A_136 = arith.muli %arg1, %mul3A_135 : i32
    %add3A_137 = arith.constant 256 : i32
    %add3A_138 = arith.addi %mul3A_136, %add3A_137 : i32
    "tpu.region"() ({
      %run_scoped3A = tpu.sem_alloc : memref<!tpu.dma_semaphore, #tpu.memory_space<semaphore_mem>>
      %dma_start3A = arith.constant 0 : i32
      %dma_start3A_200 = tpu.memref_slice %arg14[%add3A_138, %dma_start3A] : memref<10240x128xf32, #tpu.memory_space<vmem_shared>> -> memref<32x128xf32, #tpu.memory_space<vmem_shared>>
      %dma_start3A_201 = arith.constant 0 : i32
      %dma_start3A_202 = tpu.memref_slice %arg14[%add3A_138, %dma_start3A_201] : memref<10240x128xf32, #tpu.memory_space<vmem_shared>> -> memref<32x128xf32, #tpu.memory_space<vmem_shared>>
      tpu.enqueue_dma source(%arg13 : memref<32x128xf32, #tpu.memory_space<vmem>>) target(%dma_start3A_202 : memref<32x128xf32, #tpu.memory_space<vmem_shared>>) target_semaphore(%run_scoped3A : memref<!tpu.dma_semaphore, #tpu.memory_space<semaphore_mem>>)
      %dma_wait3A = arith.constant 0 : i32
      %dma_wait3A_203 = tpu.memref_slice %arg14[%add3A_138, %dma_wait3A] : memref<10240x128xf32, #tpu.memory_space<vmem_shared>> -> memref<32x128xf32, #tpu.memory_space<vmem_shared>>
      %dma_wait3A_204 = arith.constant 0 : i32
      %dma_wait3A_205 = tpu.memref_slice %arg14[%add3A_138, %dma_wait3A_204] : memref<10240x128xf32, #tpu.memory_space<vmem_shared>> -> memref<32x128xf32, #tpu.memory_space<vmem_shared>>
      tpu.wait_dma2 semaphore(%run_scoped3A : memref<!tpu.dma_semaphore, #tpu.memory_space<semaphore_mem>>) src(%arg13 : memref<32x128xf32, #tpu.memory_space<vmem>>) dst(%dma_wait3A_205 : memref<32x128xf32, #tpu.memory_space<vmem_shared>>)
      tpu.yield
    }) : () -> ()
    %mul3A_139 = arith.constant 640 : i32
    %mul3A_140 = arith.muli %arg1, %mul3A_139 : i32
    %add3A_141 = arith.constant 288 : i32
    %add3A_142 = arith.addi %mul3A_140, %add3A_141 : i32
    "tpu.region"() ({
      %run_scoped3A = tpu.sem_alloc : memref<!tpu.dma_semaphore, #tpu.memory_space<semaphore_mem>>
      %dma_start3A = arith.constant 0 : i32
      %dma_start3A_200 = tpu.memref_slice %arg14[%add3A_142, %dma_start3A] : memref<10240x128xf32, #tpu.memory_space<vmem_shared>> -> memref<32x128xf32, #tpu.memory_space<vmem_shared>>
      %dma_start3A_201 = arith.constant 0 : i32
      %dma_start3A_202 = tpu.memref_slice %arg14[%add3A_142, %dma_start3A_201] : memref<10240x128xf32, #tpu.memory_space<vmem_shared>> -> memref<32x128xf32, #tpu.memory_space<vmem_shared>>
      tpu.enqueue_dma source(%arg13 : memref<32x128xf32, #tpu.memory_space<vmem>>) target(%dma_start3A_202 : memref<32x128xf32, #tpu.memory_space<vmem_shared>>) target_semaphore(%run_scoped3A : memref<!tpu.dma_semaphore, #tpu.memory_space<semaphore_mem>>)
      %dma_wait3A = arith.constant 0 : i32
      %dma_wait3A_203 = tpu.memref_slice %arg14[%add3A_142, %dma_wait3A] : memref<10240x128xf32, #tpu.memory_space<vmem_shared>> -> memref<32x128xf32, #tpu.memory_space<vmem_shared>>
      %dma_wait3A_204 = arith.constant 0 : i32
      %dma_wait3A_205 = tpu.memref_slice %arg14[%add3A_142, %dma_wait3A_204] : memref<10240x128xf32, #tpu.memory_space<vmem_shared>> -> memref<32x128xf32, #tpu.memory_space<vmem_shared>>
      tpu.wait_dma2 semaphore(%run_scoped3A : memref<!tpu.dma_semaphore, #tpu.memory_space<semaphore_mem>>) src(%arg13 : memref<32x128xf32, #tpu.memory_space<vmem>>) dst(%dma_wait3A_205 : memref<32x128xf32, #tpu.memory_space<vmem_shared>>)
      tpu.yield
    }) : () -> ()
    %mul3A_143 = arith.constant 640 : i32
    %mul3A_144 = arith.muli %arg1, %mul3A_143 : i32
    %add3A_145 = arith.constant 320 : i32
    %add3A_146 = arith.addi %mul3A_144, %add3A_145 : i32
    "tpu.region"() ({
      %run_scoped3A = tpu.sem_alloc : memref<!tpu.dma_semaphore, #tpu.memory_space<semaphore_mem>>
      %dma_start3A = arith.constant 0 : i32
      %dma_start3A_200 = tpu.memref_slice %arg14[%add3A_146, %dma_start3A] : memref<10240x128xf32, #tpu.memory_space<vmem_shared>> -> memref<32x128xf32, #tpu.memory_space<vmem_shared>>
      %dma_start3A_201 = arith.constant 0 : i32
      %dma_start3A_202 = tpu.memref_slice %arg14[%add3A_146, %dma_start3A_201] : memref<10240x128xf32, #tpu.memory_space<vmem_shared>> -> memref<32x128xf32, #tpu.memory_space<vmem_shared>>
      tpu.enqueue_dma source(%arg13 : memref<32x128xf32, #tpu.memory_space<vmem>>) target(%dma_start3A_202 : memref<32x128xf32, #tpu.memory_space<vmem_shared>>) target_semaphore(%run_scoped3A : memref<!tpu.dma_semaphore, #tpu.memory_space<semaphore_mem>>)
      %dma_wait3A = arith.constant 0 : i32
      %dma_wait3A_203 = tpu.memref_slice %arg14[%add3A_146, %dma_wait3A] : memref<10240x128xf32, #tpu.memory_space<vmem_shared>> -> memref<32x128xf32, #tpu.memory_space<vmem_shared>>
      %dma_wait3A_204 = arith.constant 0 : i32
      %dma_wait3A_205 = tpu.memref_slice %arg14[%add3A_146, %dma_wait3A_204] : memref<10240x128xf32, #tpu.memory_space<vmem_shared>> -> memref<32x128xf32, #tpu.memory_space<vmem_shared>>
      tpu.wait_dma2 semaphore(%run_scoped3A : memref<!tpu.dma_semaphore, #tpu.memory_space<semaphore_mem>>) src(%arg13 : memref<32x128xf32, #tpu.memory_space<vmem>>) dst(%dma_wait3A_205 : memref<32x128xf32, #tpu.memory_space<vmem_shared>>)
      tpu.yield
    }) : () -> ()
    %mul3A_147 = arith.constant 640 : i32
    %mul3A_148 = arith.muli %arg1, %mul3A_147 : i32
    %add3A_149 = arith.constant 352 : i32
    %add3A_150 = arith.addi %mul3A_148, %add3A_149 : i32
    "tpu.region"() ({
      %run_scoped3A = tpu.sem_alloc : memref<!tpu.dma_semaphore, #tpu.memory_space<semaphore_mem>>
      %dma_start3A = arith.constant 0 : i32
      %dma_start3A_200 = tpu.memref_slice %arg14[%add3A_150, %dma_start3A] : memref<10240x128xf32, #tpu.memory_space<vmem_shared>> -> memref<32x128xf32, #tpu.memory_space<vmem_shared>>
      %dma_start3A_201 = arith.constant 0 : i32
      %dma_start3A_202 = tpu.memref_slice %arg14[%add3A_150, %dma_start3A_201] : memref<10240x128xf32, #tpu.memory_space<vmem_shared>> -> memref<32x128xf32, #tpu.memory_space<vmem_shared>>
      tpu.enqueue_dma source(%arg13 : memref<32x128xf32, #tpu.memory_space<vmem>>) target(%dma_start3A_202 : memref<32x128xf32, #tpu.memory_space<vmem_shared>>) target_semaphore(%run_scoped3A : memref<!tpu.dma_semaphore, #tpu.memory_space<semaphore_mem>>)
      %dma_wait3A = arith.constant 0 : i32
      %dma_wait3A_203 = tpu.memref_slice %arg14[%add3A_150, %dma_wait3A] : memref<10240x128xf32, #tpu.memory_space<vmem_shared>> -> memref<32x128xf32, #tpu.memory_space<vmem_shared>>
      %dma_wait3A_204 = arith.constant 0 : i32
      %dma_wait3A_205 = tpu.memref_slice %arg14[%add3A_150, %dma_wait3A_204] : memref<10240x128xf32, #tpu.memory_space<vmem_shared>> -> memref<32x128xf32, #tpu.memory_space<vmem_shared>>
      tpu.wait_dma2 semaphore(%run_scoped3A : memref<!tpu.dma_semaphore, #tpu.memory_space<semaphore_mem>>) src(%arg13 : memref<32x128xf32, #tpu.memory_space<vmem>>) dst(%dma_wait3A_205 : memref<32x128xf32, #tpu.memory_space<vmem_shared>>)
      tpu.yield
    }) : () -> ()
    %mul3A_151 = arith.constant 640 : i32
    %mul3A_152 = arith.muli %arg1, %mul3A_151 : i32
    %add3A_153 = arith.constant 384 : i32
    %add3A_154 = arith.addi %mul3A_152, %add3A_153 : i32
    "tpu.region"() ({
      %run_scoped3A = tpu.sem_alloc : memref<!tpu.dma_semaphore, #tpu.memory_space<semaphore_mem>>
      %dma_start3A = arith.constant 0 : i32
      %dma_start3A_200 = tpu.memref_slice %arg14[%add3A_154, %dma_start3A] : memref<10240x128xf32, #tpu.memory_space<vmem_shared>> -> memref<32x128xf32, #tpu.memory_space<vmem_shared>>
      %dma_start3A_201 = arith.constant 0 : i32
      %dma_start3A_202 = tpu.memref_slice %arg14[%add3A_154, %dma_start3A_201] : memref<10240x128xf32, #tpu.memory_space<vmem_shared>> -> memref<32x128xf32, #tpu.memory_space<vmem_shared>>
      tpu.enqueue_dma source(%arg13 : memref<32x128xf32, #tpu.memory_space<vmem>>) target(%dma_start3A_202 : memref<32x128xf32, #tpu.memory_space<vmem_shared>>) target_semaphore(%run_scoped3A : memref<!tpu.dma_semaphore, #tpu.memory_space<semaphore_mem>>)
      %dma_wait3A = arith.constant 0 : i32
      %dma_wait3A_203 = tpu.memref_slice %arg14[%add3A_154, %dma_wait3A] : memref<10240x128xf32, #tpu.memory_space<vmem_shared>> -> memref<32x128xf32, #tpu.memory_space<vmem_shared>>
      %dma_wait3A_204 = arith.constant 0 : i32
      %dma_wait3A_205 = tpu.memref_slice %arg14[%add3A_154, %dma_wait3A_204] : memref<10240x128xf32, #tpu.memory_space<vmem_shared>> -> memref<32x128xf32, #tpu.memory_space<vmem_shared>>
      tpu.wait_dma2 semaphore(%run_scoped3A : memref<!tpu.dma_semaphore, #tpu.memory_space<semaphore_mem>>) src(%arg13 : memref<32x128xf32, #tpu.memory_space<vmem>>) dst(%dma_wait3A_205 : memref<32x128xf32, #tpu.memory_space<vmem_shared>>)
      tpu.yield
    }) : () -> ()
    %mul3A_155 = arith.constant 640 : i32
    %mul3A_156 = arith.muli %arg1, %mul3A_155 : i32
    %add3A_157 = arith.constant 416 : i32
    %add3A_158 = arith.addi %mul3A_156, %add3A_157 : i32
    "tpu.region"() ({
      %run_scoped3A = tpu.sem_alloc : memref<!tpu.dma_semaphore, #tpu.memory_space<semaphore_mem>>
      %dma_start3A = arith.constant 0 : i32
      %dma_start3A_200 = tpu.memref_slice %arg14[%add3A_158, %dma_start3A] : memref<10240x128xf32, #tpu.memory_space<vmem_shared>> -> memref<32x128xf32, #tpu.memory_space<vmem_shared>>
      %dma_start3A_201 = arith.constant 0 : i32
      %dma_start3A_202 = tpu.memref_slice %arg14[%add3A_158, %dma_start3A_201] : memref<10240x128xf32, #tpu.memory_space<vmem_shared>> -> memref<32x128xf32, #tpu.memory_space<vmem_shared>>
      tpu.enqueue_dma source(%arg13 : memref<32x128xf32, #tpu.memory_space<vmem>>) target(%dma_start3A_202 : memref<32x128xf32, #tpu.memory_space<vmem_shared>>) target_semaphore(%run_scoped3A : memref<!tpu.dma_semaphore, #tpu.memory_space<semaphore_mem>>)
      %dma_wait3A = arith.constant 0 : i32
      %dma_wait3A_203 = tpu.memref_slice %arg14[%add3A_158, %dma_wait3A] : memref<10240x128xf32, #tpu.memory_space<vmem_shared>> -> memref<32x128xf32, #tpu.memory_space<vmem_shared>>
      %dma_wait3A_204 = arith.constant 0 : i32
      %dma_wait3A_205 = tpu.memref_slice %arg14[%add3A_158, %dma_wait3A_204] : memref<10240x128xf32, #tpu.memory_space<vmem_shared>> -> memref<32x128xf32, #tpu.memory_space<vmem_shared>>
      tpu.wait_dma2 semaphore(%run_scoped3A : memref<!tpu.dma_semaphore, #tpu.memory_space<semaphore_mem>>) src(%arg13 : memref<32x128xf32, #tpu.memory_space<vmem>>) dst(%dma_wait3A_205 : memref<32x128xf32, #tpu.memory_space<vmem_shared>>)
      tpu.yield
    }) : () -> ()
    %mul3A_159 = arith.constant 640 : i32
    %mul3A_160 = arith.muli %arg1, %mul3A_159 : i32
    %add3A_161 = arith.constant 448 : i32
    %add3A_162 = arith.addi %mul3A_160, %add3A_161 : i32
    "tpu.region"() ({
      %run_scoped3A = tpu.sem_alloc : memref<!tpu.dma_semaphore, #tpu.memory_space<semaphore_mem>>
      %dma_start3A = arith.constant 0 : i32
      %dma_start3A_200 = tpu.memref_slice %arg14[%add3A_162, %dma_start3A] : memref<10240x128xf32, #tpu.memory_space<vmem_shared>> -> memref<32x128xf32, #tpu.memory_space<vmem_shared>>
      %dma_start3A_201 = arith.constant 0 : i32
      %dma_start3A_202 = tpu.memref_slice %arg14[%add3A_162, %dma_start3A_201] : memref<10240x128xf32, #tpu.memory_space<vmem_shared>> -> memref<32x128xf32, #tpu.memory_space<vmem_shared>>
      tpu.enqueue_dma source(%arg13 : memref<32x128xf32, #tpu.memory_space<vmem>>) target(%dma_start3A_202 : memref<32x128xf32, #tpu.memory_space<vmem_shared>>) target_semaphore(%run_scoped3A : memref<!tpu.dma_semaphore, #tpu.memory_space<semaphore_mem>>)
      %dma_wait3A = arith.constant 0 : i32
      %dma_wait3A_203 = tpu.memref_slice %arg14[%add3A_162, %dma_wait3A] : memref<10240x128xf32, #tpu.memory_space<vmem_shared>> -> memref<32x128xf32, #tpu.memory_space<vmem_shared>>
      %dma_wait3A_204 = arith.constant 0 : i32
      %dma_wait3A_205 = tpu.memref_slice %arg14[%add3A_162, %dma_wait3A_204] : memref<10240x128xf32, #tpu.memory_space<vmem_shared>> -> memref<32x128xf32, #tpu.memory_space<vmem_shared>>
      tpu.wait_dma2 semaphore(%run_scoped3A : memref<!tpu.dma_semaphore, #tpu.memory_space<semaphore_mem>>) src(%arg13 : memref<32x128xf32, #tpu.memory_space<vmem>>) dst(%dma_wait3A_205 : memref<32x128xf32, #tpu.memory_space<vmem_shared>>)
      tpu.yield
    }) : () -> ()
    %mul3A_163 = arith.constant 640 : i32
    %mul3A_164 = arith.muli %arg1, %mul3A_163 : i32
    %add3A_165 = arith.constant 480 : i32
    %add3A_166 = arith.addi %mul3A_164, %add3A_165 : i32
    "tpu.region"() ({
      %run_scoped3A = tpu.sem_alloc : memref<!tpu.dma_semaphore, #tpu.memory_space<semaphore_mem>>
      %dma_start3A = arith.constant 0 : i32
      %dma_start3A_200 = tpu.memref_slice %arg14[%add3A_166, %dma_start3A] : memref<10240x128xf32, #tpu.memory_space<vmem_shared>> -> memref<32x128xf32, #tpu.memory_space<vmem_shared>>
      %dma_start3A_201 = arith.constant 0 : i32
      %dma_start3A_202 = tpu.memref_slice %arg14[%add3A_166, %dma_start3A_201] : memref<10240x128xf32, #tpu.memory_space<vmem_shared>> -> memref<32x128xf32, #tpu.memory_space<vmem_shared>>
      tpu.enqueue_dma source(%arg13 : memref<32x128xf32, #tpu.memory_space<vmem>>) target(%dma_start3A_202 : memref<32x128xf32, #tpu.memory_space<vmem_shared>>) target_semaphore(%run_scoped3A : memref<!tpu.dma_semaphore, #tpu.memory_space<semaphore_mem>>)
      %dma_wait3A = arith.constant 0 : i32
      %dma_wait3A_203 = tpu.memref_slice %arg14[%add3A_166, %dma_wait3A] : memref<10240x128xf32, #tpu.memory_space<vmem_shared>> -> memref<32x128xf32, #tpu.memory_space<vmem_shared>>
      %dma_wait3A_204 = arith.constant 0 : i32
      %dma_wait3A_205 = tpu.memref_slice %arg14[%add3A_166, %dma_wait3A_204] : memref<10240x128xf32, #tpu.memory_space<vmem_shared>> -> memref<32x128xf32, #tpu.memory_space<vmem_shared>>
      tpu.wait_dma2 semaphore(%run_scoped3A : memref<!tpu.dma_semaphore, #tpu.memory_space<semaphore_mem>>) src(%arg13 : memref<32x128xf32, #tpu.memory_space<vmem>>) dst(%dma_wait3A_205 : memref<32x128xf32, #tpu.memory_space<vmem_shared>>)
      tpu.yield
    }) : () -> ()
    %mul3A_167 = arith.constant 640 : i32
    %mul3A_168 = arith.muli %arg1, %mul3A_167 : i32
    %add3A_169 = arith.constant 512 : i32
    %add3A_170 = arith.addi %mul3A_168, %add3A_169 : i32
    "tpu.region"() ({
      %run_scoped3A = tpu.sem_alloc : memref<!tpu.dma_semaphore, #tpu.memory_space<semaphore_mem>>
      %dma_start3A = arith.constant 0 : i32
      %dma_start3A_200 = tpu.memref_slice %arg14[%add3A_170, %dma_start3A] : memref<10240x128xf32, #tpu.memory_space<vmem_shared>> -> memref<32x128xf32, #tpu.memory_space<vmem_shared>>
      %dma_start3A_201 = arith.constant 0 : i32
      %dma_start3A_202 = tpu.memref_slice %arg14[%add3A_170, %dma_start3A_201] : memref<10240x128xf32, #tpu.memory_space<vmem_shared>> -> memref<32x128xf32, #tpu.memory_space<vmem_shared>>
      tpu.enqueue_dma source(%arg13 : memref<32x128xf32, #tpu.memory_space<vmem>>) target(%dma_start3A_202 : memref<32x128xf32, #tpu.memory_space<vmem_shared>>) target_semaphore(%run_scoped3A : memref<!tpu.dma_semaphore, #tpu.memory_space<semaphore_mem>>)
      %dma_wait3A = arith.constant 0 : i32
      %dma_wait3A_203 = tpu.memref_slice %arg14[%add3A_170, %dma_wait3A] : memref<10240x128xf32, #tpu.memory_space<vmem_shared>> -> memref<32x128xf32, #tpu.memory_space<vmem_shared>>
      %dma_wait3A_204 = arith.constant 0 : i32
      %dma_wait3A_205 = tpu.memref_slice %arg14[%add3A_170, %dma_wait3A_204] : memref<10240x128xf32, #tpu.memory_space<vmem_shared>> -> memref<32x128xf32, #tpu.memory_space<vmem_shared>>
      tpu.wait_dma2 semaphore(%run_scoped3A : memref<!tpu.dma_semaphore, #tpu.memory_space<semaphore_mem>>) src(%arg13 : memref<32x128xf32, #tpu.memory_space<vmem>>) dst(%dma_wait3A_205 : memref<32x128xf32, #tpu.memory_space<vmem_shared>>)
      tpu.yield
    }) : () -> ()
    %mul3A_171 = arith.constant 640 : i32
    %mul3A_172 = arith.muli %arg1, %mul3A_171 : i32
    %add3A_173 = arith.constant 544 : i32
    %add3A_174 = arith.addi %mul3A_172, %add3A_173 : i32
    "tpu.region"() ({
      %run_scoped3A = tpu.sem_alloc : memref<!tpu.dma_semaphore, #tpu.memory_space<semaphore_mem>>
      %dma_start3A = arith.constant 0 : i32
      %dma_start3A_200 = tpu.memref_slice %arg14[%add3A_174, %dma_start3A] : memref<10240x128xf32, #tpu.memory_space<vmem_shared>> -> memref<32x128xf32, #tpu.memory_space<vmem_shared>>
      %dma_start3A_201 = arith.constant 0 : i32
      %dma_start3A_202 = tpu.memref_slice %arg14[%add3A_174, %dma_start3A_201] : memref<10240x128xf32, #tpu.memory_space<vmem_shared>> -> memref<32x128xf32, #tpu.memory_space<vmem_shared>>
      tpu.enqueue_dma source(%arg13 : memref<32x128xf32, #tpu.memory_space<vmem>>) target(%dma_start3A_202 : memref<32x128xf32, #tpu.memory_space<vmem_shared>>) target_semaphore(%run_scoped3A : memref<!tpu.dma_semaphore, #tpu.memory_space<semaphore_mem>>)
      %dma_wait3A = arith.constant 0 : i32
      %dma_wait3A_203 = tpu.memref_slice %arg14[%add3A_174, %dma_wait3A] : memref<10240x128xf32, #tpu.memory_space<vmem_shared>> -> memref<32x128xf32, #tpu.memory_space<vmem_shared>>
      %dma_wait3A_204 = arith.constant 0 : i32
      %dma_wait3A_205 = tpu.memref_slice %arg14[%add3A_174, %dma_wait3A_204] : memref<10240x128xf32, #tpu.memory_space<vmem_shared>> -> memref<32x128xf32, #tpu.memory_space<vmem_shared>>
      tpu.wait_dma2 semaphore(%run_scoped3A : memref<!tpu.dma_semaphore, #tpu.memory_space<semaphore_mem>>) src(%arg13 : memref<32x128xf32, #tpu.memory_space<vmem>>) dst(%dma_wait3A_205 : memref<32x128xf32, #tpu.memory_space<vmem_shared>>)
      tpu.yield
    }) : () -> ()
    %mul3A_175 = arith.constant 640 : i32
    %mul3A_176 = arith.muli %arg1, %mul3A_175 : i32
    %add3A_177 = arith.constant 576 : i32
    %add3A_178 = arith.addi %mul3A_176, %add3A_177 : i32
    "tpu.region"() ({
      %run_scoped3A = tpu.sem_alloc : memref<!tpu.dma_semaphore, #tpu.memory_space<semaphore_mem>>
      %dma_start3A = arith.constant 0 : i32
      %dma_start3A_200 = tpu.memref_slice %arg14[%add3A_178, %dma_start3A] : memref<10240x128xf32, #tpu.memory_space<vmem_shared>> -> memref<32x128xf32, #tpu.memory_space<vmem_shared>>
      %dma_start3A_201 = arith.constant 0 : i32
      %dma_start3A_202 = tpu.memref_slice %arg14[%add3A_178, %dma_start3A_201] : memref<10240x128xf32, #tpu.memory_space<vmem_shared>> -> memref<32x128xf32, #tpu.memory_space<vmem_shared>>
      tpu.enqueue_dma source(%arg13 : memref<32x128xf32, #tpu.memory_space<vmem>>) target(%dma_start3A_202 : memref<32x128xf32, #tpu.memory_space<vmem_shared>>) target_semaphore(%run_scoped3A : memref<!tpu.dma_semaphore, #tpu.memory_space<semaphore_mem>>)
      %dma_wait3A = arith.constant 0 : i32
      %dma_wait3A_203 = tpu.memref_slice %arg14[%add3A_178, %dma_wait3A] : memref<10240x128xf32, #tpu.memory_space<vmem_shared>> -> memref<32x128xf32, #tpu.memory_space<vmem_shared>>
      %dma_wait3A_204 = arith.constant 0 : i32
      %dma_wait3A_205 = tpu.memref_slice %arg14[%add3A_178, %dma_wait3A_204] : memref<10240x128xf32, #tpu.memory_space<vmem_shared>> -> memref<32x128xf32, #tpu.memory_space<vmem_shared>>
      tpu.wait_dma2 semaphore(%run_scoped3A : memref<!tpu.dma_semaphore, #tpu.memory_space<semaphore_mem>>) src(%arg13 : memref<32x128xf32, #tpu.memory_space<vmem>>) dst(%dma_wait3A_205 : memref<32x128xf32, #tpu.memory_space<vmem_shared>>)
      tpu.yield
    }) : () -> ()
    %mul3A_179 = arith.constant 640 : i32
    %mul3A_180 = arith.muli %arg1, %mul3A_179 : i32
    %add3A_181 = arith.constant 608 : i32
    %add3A_182 = arith.addi %mul3A_180, %add3A_181 : i32
    "tpu.region"() ({
      %run_scoped3A = tpu.sem_alloc : memref<!tpu.dma_semaphore, #tpu.memory_space<semaphore_mem>>
      %dma_start3A = arith.constant 0 : i32
      %dma_start3A_200 = tpu.memref_slice %arg14[%add3A_182, %dma_start3A] : memref<10240x128xf32, #tpu.memory_space<vmem_shared>> -> memref<32x128xf32, #tpu.memory_space<vmem_shared>>
      %dma_start3A_201 = arith.constant 0 : i32
      %dma_start3A_202 = tpu.memref_slice %arg14[%add3A_182, %dma_start3A_201] : memref<10240x128xf32, #tpu.memory_space<vmem_shared>> -> memref<32x128xf32, #tpu.memory_space<vmem_shared>>
      tpu.enqueue_dma source(%arg13 : memref<32x128xf32, #tpu.memory_space<vmem>>) target(%dma_start3A_202 : memref<32x128xf32, #tpu.memory_space<vmem_shared>>) target_semaphore(%run_scoped3A : memref<!tpu.dma_semaphore, #tpu.memory_space<semaphore_mem>>)
      %dma_wait3A = arith.constant 0 : i32
      %dma_wait3A_203 = tpu.memref_slice %arg14[%add3A_182, %dma_wait3A] : memref<10240x128xf32, #tpu.memory_space<vmem_shared>> -> memref<32x128xf32, #tpu.memory_space<vmem_shared>>
      %dma_wait3A_204 = arith.constant 0 : i32
      %dma_wait3A_205 = tpu.memref_slice %arg14[%add3A_182, %dma_wait3A_204] : memref<10240x128xf32, #tpu.memory_space<vmem_shared>> -> memref<32x128xf32, #tpu.memory_space<vmem_shared>>
      tpu.wait_dma2 semaphore(%run_scoped3A : memref<!tpu.dma_semaphore, #tpu.memory_space<semaphore_mem>>) src(%arg13 : memref<32x128xf32, #tpu.memory_space<vmem>>) dst(%dma_wait3A_205 : memref<32x128xf32, #tpu.memory_space<vmem_shared>>)
      tpu.yield
    }) : () -> ()
    %barrier3A_183 = arith.constant 0 : index
    tpu.barrier barrier_id(%barrier3A_183)
    %scan3A_184 = arith.constant 0 : i32
    %scan3A_185 = arith.constant 5 : i32
    %scan3A_186 = arith.addi %scan3A_184, %scan3A_185 : i32
    %scan3A_187 = arith.constant 1 : i32
    scf.for %scan3A_200 = %scan3A_184 to %scan3A_186 step %scan3A_187  : i32 {
      %mul3A_201 = arith.constant 1 : i32
      %mul3A_202 = arith.muli %scan3A_200, %mul3A_201 : i32
      %add3A_203 = arith.constant 0 : i32
      %add3A_204 = arith.addi %add3A_203, %mul3A_202 : i32
      %mul3A_205 = arith.constant 80 : i32
      %mul3A_206 = arith.muli %arg0, %mul3A_205 : i32
      %mul3A_207 = arith.constant 5 : i32
      %mul3A_208 = arith.muli %arg1, %mul3A_207 : i32
      %add3A_209 = arith.addi %mul3A_206, %mul3A_208 : i32
      %add3A_210 = arith.addi %add3A_209, %add3A_204 : i32
      "tpu.region"() ({
        %run_scoped3A_235 = tpu.sem_alloc : memref<!tpu.dma_semaphore, #tpu.memory_space<semaphore_mem>>
        %dma_start3A_236 = arith.constant 0 : i32
        %dma_start3A_237 = arith.constant 0 : i32
        %dma_start3A_238 = tpu.memref_slice %arg2[%add3A_210, %dma_start3A_236, %dma_start3A_237] : memref<160x25x80xi32, #tpu.memory_space<hbm>> -> memref<1x25x80xi32, #tpu.memory_space<hbm>>
        %dma_start3A_239 = tpu.memref_squeeze %dma_start3A_238 : memref<1x25x80xi32, #tpu.memory_space<hbm>> -> memref<25x80xi32, #tpu.memory_space<hbm>>
        %dma_start3A_240 = arith.constant 0 : i32
        %dma_start3A_241 = arith.constant 0 : i32
        %dma_start3A_242 = tpu.memref_slice %arg2[%add3A_210, %dma_start3A_240, %dma_start3A_241] : memref<160x25x80xi32, #tpu.memory_space<hbm>> -> memref<1x25x80xi32, #tpu.memory_space<hbm>>
        %dma_start3A_243 = tpu.memref_squeeze %dma_start3A_242 : memref<1x25x80xi32, #tpu.memory_space<hbm>> -> memref<25x80xi32, #tpu.memory_space<hbm>>
        tpu.enqueue_dma source(%dma_start3A_243 : memref<25x80xi32, #tpu.memory_space<hbm>>) target(%arg9 : memref<25x80xi32, #tpu.memory_space<vmem>>) target_semaphore(%run_scoped3A_235 : memref<!tpu.dma_semaphore, #tpu.memory_space<semaphore_mem>>)
        %dma_wait3A_244 = arith.constant 0 : i32
        %dma_wait3A_245 = arith.constant 0 : i32
        %dma_wait3A_246 = tpu.memref_slice %arg2[%add3A_210, %dma_wait3A_244, %dma_wait3A_245] : memref<160x25x80xi32, #tpu.memory_space<hbm>> -> memref<1x25x80xi32, #tpu.memory_space<hbm>>
        %dma_wait3A_247 = tpu.memref_squeeze %dma_wait3A_246 : memref<1x25x80xi32, #tpu.memory_space<hbm>> -> memref<25x80xi32, #tpu.memory_space<hbm>>
        %dma_wait3A_248 = arith.constant 0 : i32
        %dma_wait3A_249 = arith.constant 0 : i32
        %dma_wait3A_250 = tpu.memref_slice %arg2[%add3A_210, %dma_wait3A_248, %dma_wait3A_249] : memref<160x25x80xi32, #tpu.memory_space<hbm>> -> memref<1x25x80xi32, #tpu.memory_space<hbm>>
        %dma_wait3A_251 = tpu.memref_squeeze %dma_wait3A_250 : memref<1x25x80xi32, #tpu.memory_space<hbm>> -> memref<25x80xi32, #tpu.memory_space<hbm>>
        tpu.wait_dma2 semaphore(%run_scoped3A_235 : memref<!tpu.dma_semaphore, #tpu.memory_space<semaphore_mem>>) src(%dma_wait3A_251 : memref<25x80xi32, #tpu.memory_space<hbm>>) dst(%arg9 : memref<25x80xi32, #tpu.memory_space<vmem>>)
        tpu.yield
      }) : () -> ()
      "tpu.region"() ({
        %run_scoped3A_235 = tpu.sem_alloc : memref<!tpu.dma_semaphore, #tpu.memory_space<semaphore_mem>>
        %dma_start3A_236 = arith.constant 0 : i32
        %dma_start3A_237 = arith.constant 0 : i32
        %dma_start3A_238 = tpu.memref_slice %arg3[%add3A_210, %dma_start3A_236, %dma_start3A_237] : memref<160x25x80xi32, #tpu.memory_space<hbm>> -> memref<1x25x80xi32, #tpu.memory_space<hbm>>
        %dma_start3A_239 = tpu.memref_squeeze %dma_start3A_238 : memref<1x25x80xi32, #tpu.memory_space<hbm>> -> memref<25x80xi32, #tpu.memory_space<hbm>>
        %dma_start3A_240 = arith.constant 0 : i32
        %dma_start3A_241 = arith.constant 0 : i32
        %dma_start3A_242 = tpu.memref_slice %arg3[%add3A_210, %dma_start3A_240, %dma_start3A_241] : memref<160x25x80xi32, #tpu.memory_space<hbm>> -> memref<1x25x80xi32, #tpu.memory_space<hbm>>
        %dma_start3A_243 = tpu.memref_squeeze %dma_start3A_242 : memref<1x25x80xi32, #tpu.memory_space<hbm>> -> memref<25x80xi32, #tpu.memory_space<hbm>>
        tpu.enqueue_dma source(%dma_start3A_243 : memref<25x80xi32, #tpu.memory_space<hbm>>) target(%arg10 : memref<25x80xi32, #tpu.memory_space<vmem>>) target_semaphore(%run_scoped3A_235 : memref<!tpu.dma_semaphore, #tpu.memory_space<semaphore_mem>>)
        %dma_wait3A_244 = arith.constant 0 : i32
        %dma_wait3A_245 = arith.constant 0 : i32
        %dma_wait3A_246 = tpu.memref_slice %arg3[%add3A_210, %dma_wait3A_244, %dma_wait3A_245] : memref<160x25x80xi32, #tpu.memory_space<hbm>> -> memref<1x25x80xi32, #tpu.memory_space<hbm>>
        %dma_wait3A_247 = tpu.memref_squeeze %dma_wait3A_246 : memref<1x25x80xi32, #tpu.memory_space<hbm>> -> memref<25x80xi32, #tpu.memory_space<hbm>>
        %dma_wait3A_248 = arith.constant 0 : i32
        %dma_wait3A_249 = arith.constant 0 : i32
        %dma_wait3A_250 = tpu.memref_slice %arg3[%add3A_210, %dma_wait3A_248, %dma_wait3A_249] : memref<160x25x80xi32, #tpu.memory_space<hbm>> -> memref<1x25x80xi32, #tpu.memory_space<hbm>>
        %dma_wait3A_251 = tpu.memref_squeeze %dma_wait3A_250 : memref<1x25x80xi32, #tpu.memory_space<hbm>> -> memref<25x80xi32, #tpu.memory_space<hbm>>
        tpu.wait_dma2 semaphore(%run_scoped3A_235 : memref<!tpu.dma_semaphore, #tpu.memory_space<semaphore_mem>>) src(%dma_wait3A_251 : memref<25x80xi32, #tpu.memory_space<hbm>>) dst(%arg10 : memref<25x80xi32, #tpu.memory_space<vmem>>)
        tpu.yield
      }) : () -> ()
      %dma_start3A = arith.constant 0 : i32
      %dma_start3A_211 = arith.constant 0 : i32
      %dma_start3A_212 = tpu.memref_slice %arg9[%dma_start3A, %dma_start3A_211] : memref<25x80xi32, #tpu.memory_space<vmem>> -> memref<1x80xi32, #tpu.memory_space<vmem>>
      %dma_start3A_213 = tpu.memref_squeeze %dma_start3A_212 : memref<1x80xi32, #tpu.memory_space<vmem>> -> memref<80xi32, #tpu.memory_space<vmem>>
      %dma_start3A_214 = arith.constant 0 : i32
      %dma_start3A_215 = arith.constant 0 : i32
      %dma_start3A_216 = tpu.memref_slice %arg4[%dma_start3A_214, %dma_start3A_215] : memref<10000x128xf32, #tpu.memory_space<hbm>> -> memref<10000x128xf32, #tpu.memory_space<hbm>>
      tpu.enqueue_indirect_dma source(%dma_start3A_216 : memref<10000x128xf32, #tpu.memory_space<hbm>>) target(%arg11 : memref<80x128xf32, #tpu.memory_space<vmem>>) offsets(%dma_start3A_213 : memref<80xi32, #tpu.memory_space<vmem>>) semaphore(%arg15 : memref<!tpu.dma_semaphore, #tpu.memory_space<semaphore_mem>>)
      %scan3A_217 = arith.constant 0 : i32
      %scan3A_218 = arith.constant 12 : i32
      %scan3A_219 = arith.addi %scan3A_217, %scan3A_218 : i32
      %scan3A_220 = arith.constant 1 : i32
      scf.for %scan3A_235 = %scan3A_217 to %scan3A_219 step %scan3A_220  : i32 {
        %mul3A_236 = arith.constant 1 : i32
        %mul3A_237 = arith.muli %scan3A_235, %mul3A_236 : i32
        %add3A_238 = arith.constant 0 : i32
        %add3A_239 = arith.addi %add3A_238, %mul3A_237 : i32
        %mul3A_240 = arith.constant 2 : i32
        %mul3A_241 = arith.muli %mul3A_240, %add3A_239 : i32
        %dma_wait3A_242 = arith.constant 0 : i32
        %dma_wait3A_243 = arith.constant 0 : i32
        %dma_wait3A_244 = tpu.memref_slice %arg9[%dma_wait3A_242, %dma_wait3A_243] : memref<25x80xi32, #tpu.memory_space<vmem>> -> memref<1x80xi32, #tpu.memory_space<vmem>>
        %dma_wait3A_245 = tpu.memref_squeeze %dma_wait3A_244 : memref<1x80xi32, #tpu.memory_space<vmem>> -> memref<80xi32, #tpu.memory_space<vmem>>
        %dma_wait3A_246 = arith.constant 0 : i32
        %dma_wait3A_247 = arith.constant 0 : i32
        %dma_wait3A_248 = tpu.memref_slice %arg4[%dma_wait3A_246, %dma_wait3A_247] : memref<10000x128xf32, #tpu.memory_space<hbm>> -> memref<10000x128xf32, #tpu.memory_space<hbm>>
        tpu.wait_indirect_dma semaphore(%arg15 : memref<!tpu.dma_semaphore, #tpu.memory_space<semaphore_mem>>) src(%dma_wait3A_248 : memref<10000x128xf32, #tpu.memory_space<hbm>>) dst(%arg11 : memref<80x128xf32, #tpu.memory_space<vmem>>)
        %gt3A = arith.constant 0 : i32
        %gt3A_249 = arith.cmpi sgt, %add3A_239, %gt3A : i32
        %convert_element_type3A_250 = arith.extui %gt3A_249 : i1 to i32
        %cond3A_251 = arith.constant 0 : i32
        %cond3A_252 = arith.cmpi ne, %convert_element_type3A_250, %cond3A_251 : i32
        scf.if %cond3A_252 {
          %dma_wait3A_295 = arith.constant 0 : i32
          %dma_wait3A_296 = arith.constant 0 : i32
          %dma_wait3A_297 = tpu.memref_slice %arg10[%dma_wait3A_295, %dma_wait3A_296] : memref<25x80xi32, #tpu.memory_space<vmem>> -> memref<1x80xi32, #tpu.memory_space<vmem>>
          %dma_wait3A_298 = tpu.memref_squeeze %dma_wait3A_297 : memref<1x80xi32, #tpu.memory_space<vmem>> -> memref<80xi32, #tpu.memory_space<vmem>>
          %dma_wait3A_299 = arith.constant 0 : i32
          %dma_wait3A_300 = arith.constant 0 : i32
          %dma_wait3A_301 = tpu.memref_slice %arg14[%dma_wait3A_299, %dma_wait3A_300] : memref<10240x128xf32, #tpu.memory_space<vmem_shared>> -> memref<10240x128xf32, #tpu.memory_space<vmem_shared>>
          tpu.wait_indirect_dma semaphore(%arg16 : memref<!tpu.dma_semaphore, #tpu.memory_space<semaphore_mem>>) src(%arg12 : memref<80x128xf32, #tpu.memory_space<vmem>>) dst(%dma_wait3A_301 : memref<10240x128xf32, #tpu.memory_space<vmem_shared>>)
        } else {
        }
        %add3A_253 = arith.constant 1 : i32
        %add3A_254 = arith.addi %mul3A_241, %add3A_253 : i32
        %dma_start3A_255 = arith.constant 0 : i32
        %dma_start3A_256 = tpu.memref_slice %arg9[%add3A_254, %dma_start3A_255] : memref<25x80xi32, #tpu.memory_space<vmem>> -> memref<1x80xi32, #tpu.memory_space<vmem>>
        %dma_start3A_257 = tpu.memref_squeeze %dma_start3A_256 : memref<1x80xi32, #tpu.memory_space<vmem>> -> memref<80xi32, #tpu.memory_space<vmem>>
        %dma_start3A_258 = arith.constant 0 : i32
        %dma_start3A_259 = arith.constant 0 : i32
        %dma_start3A_260 = tpu.memref_slice %arg4[%dma_start3A_258, %dma_start3A_259] : memref<10000x128xf32, #tpu.memory_space<hbm>> -> memref<10000x128xf32, #tpu.memory_space<hbm>>
        tpu.enqueue_indirect_dma source(%dma_start3A_260 : memref<10000x128xf32, #tpu.memory_space<hbm>>) target(%arg12 : memref<80x128xf32, #tpu.memory_space<vmem>>) offsets(%dma_start3A_257 : memref<80xi32, #tpu.memory_space<vmem>>) semaphore(%arg15 : memref<!tpu.dma_semaphore, #tpu.memory_space<semaphore_mem>>)
        %dma_start3A_261 = arith.constant 0 : i32
        %dma_start3A_262 = tpu.memref_slice %arg10[%mul3A_241, %dma_start3A_261] : memref<25x80xi32, #tpu.memory_space<vmem>> -> memref<1x80xi32, #tpu.memory_space<vmem>>
        %dma_start3A_263 = tpu.memref_squeeze %dma_start3A_262 : memref<1x80xi32, #tpu.memory_space<vmem>> -> memref<80xi32, #tpu.memory_space<vmem>>
        %dma_start3A_264 = arith.constant 0 : i32
        %dma_start3A_265 = arith.constant 0 : i32
        %dma_start3A_266 = tpu.memref_slice %arg14[%dma_start3A_264, %dma_start3A_265] : memref<10240x128xf32, #tpu.memory_space<vmem_shared>> -> memref<10240x128xf32, #tpu.memory_space<vmem_shared>>
        tpu.enqueue_indirect_dma source(%arg11 : memref<80x128xf32, #tpu.memory_space<vmem>>) target(%dma_start3A_266 : memref<10240x128xf32, #tpu.memory_space<vmem_shared>>) offsets(%dma_start3A_263 : memref<80xi32, #tpu.memory_space<vmem>>) semaphore(%arg16 : memref<!tpu.dma_semaphore, #tpu.memory_space<semaphore_mem>>) {add = true}
        %dma_wait3A_267 = arith.constant 0 : i32
        %dma_wait3A_268 = tpu.memref_slice %arg9[%add3A_254, %dma_wait3A_267] : memref<25x80xi32, #tpu.memory_space<vmem>> -> memref<1x80xi32, #tpu.memory_space<vmem>>
        %dma_wait3A_269 = tpu.memref_squeeze %dma_wait3A_268 : memref<1x80xi32, #tpu.memory_space<vmem>> -> memref<80xi32, #tpu.memory_space<vmem>>
        %dma_wait3A_270 = arith.constant 0 : i32
        %dma_wait3A_271 = arith.constant 0 : i32
        %dma_wait3A_272 = tpu.memref_slice %arg4[%dma_wait3A_270, %dma_wait3A_271] : memref<10000x128xf32, #tpu.memory_space<hbm>> -> memref<10000x128xf32, #tpu.memory_space<hbm>>
        tpu.wait_indirect_dma semaphore(%arg15 : memref<!tpu.dma_semaphore, #tpu.memory_space<semaphore_mem>>) src(%dma_wait3A_272 : memref<10000x128xf32, #tpu.memory_space<hbm>>) dst(%arg12 : memref<80x128xf32, #tpu.memory_space<vmem>>)
        %dma_wait3A_273 = arith.constant 0 : i32
        %dma_wait3A_274 = tpu.memref_slice %arg10[%mul3A_241, %dma_wait3A_273] : memref<25x80xi32, #tpu.memory_space<vmem>> -> memref<1x80xi32, #tpu.memory_space<vmem>>
        %dma_wait3A_275 = tpu.memref_squeeze %dma_wait3A_274 : memref<1x80xi32, #tpu.memory_space<vmem>> -> memref<80xi32, #tpu.memory_space<vmem>>
        %dma_wait3A_276 = arith.constant 0 : i32
        %dma_wait3A_277 = arith.constant 0 : i32
        %dma_wait3A_278 = tpu.memref_slice %arg14[%dma_wait3A_276, %dma_wait3A_277] : memref<10240x128xf32, #tpu.memory_space<vmem_shared>> -> memref<10240x128xf32, #tpu.memory_space<vmem_shared>>
        tpu.wait_indirect_dma semaphore(%arg16 : memref<!tpu.dma_semaphore, #tpu.memory_space<semaphore_mem>>) src(%arg11 : memref<80x128xf32, #tpu.memory_space<vmem>>) dst(%dma_wait3A_278 : memref<10240x128xf32, #tpu.memory_space<vmem_shared>>)
        %add3A_279 = arith.constant 2 : i32
        %add3A_280 = arith.addi %mul3A_241, %add3A_279 : i32
        %dma_start3A_281 = arith.constant 0 : i32
        %dma_start3A_282 = tpu.memref_slice %arg9[%add3A_280, %dma_start3A_281] : memref<25x80xi32, #tpu.memory_space<vmem>> -> memref<1x80xi32, #tpu.memory_space<vmem>>
        %dma_start3A_283 = tpu.memref_squeeze %dma_start3A_282 : memref<1x80xi32, #tpu.memory_space<vmem>> -> memref<80xi32, #tpu.memory_space<vmem>>
        %dma_start3A_284 = arith.constant 0 : i32
        %dma_start3A_285 = arith.constant 0 : i32
        %dma_start3A_286 = tpu.memref_slice %arg4[%dma_start3A_284, %dma_start3A_285] : memref<10000x128xf32, #tpu.memory_space<hbm>> -> memref<10000x128xf32, #tpu.memory_space<hbm>>
        tpu.enqueue_indirect_dma source(%dma_start3A_286 : memref<10000x128xf32, #tpu.memory_space<hbm>>) target(%arg11 : memref<80x128xf32, #tpu.memory_space<vmem>>) offsets(%dma_start3A_283 : memref<80xi32, #tpu.memory_space<vmem>>) semaphore(%arg15 : memref<!tpu.dma_semaphore, #tpu.memory_space<semaphore_mem>>)
        %add3A_287 = arith.constant 1 : i32
        %add3A_288 = arith.addi %mul3A_241, %add3A_287 : i32
        %dma_start3A_289 = arith.constant 0 : i32
        %dma_start3A_290 = tpu.memref_slice %arg10[%add3A_288, %dma_start3A_289] : memref<25x80xi32, #tpu.memory_space<vmem>> -> memref<1x80xi32, #tpu.memory_space<vmem>>
        %dma_start3A_291 = tpu.memref_squeeze %dma_start3A_290 : memref<1x80xi32, #tpu.memory_space<vmem>> -> memref<80xi32, #tpu.memory_space<vmem>>
        %dma_start3A_292 = arith.constant 0 : i32
        %dma_start3A_293 = arith.constant 0 : i32
        %dma_start3A_294 = tpu.memref_slice %arg14[%dma_start3A_292, %dma_start3A_293] : memref<10240x128xf32, #tpu.memory_space<vmem_shared>> -> memref<10240x128xf32, #tpu.memory_space<vmem_shared>>
        tpu.enqueue_indirect_dma source(%arg12 : memref<80x128xf32, #tpu.memory_space<vmem>>) target(%dma_start3A_294 : memref<10240x128xf32, #tpu.memory_space<vmem_shared>>) offsets(%dma_start3A_291 : memref<80xi32, #tpu.memory_space<vmem>>) semaphore(%arg16 : memref<!tpu.dma_semaphore, #tpu.memory_space<semaphore_mem>>) {add = true}
      }
      %scan3A_221 = arith.constant 12 : i32
      %dma_wait3A = arith.constant 0 : i32
      %dma_wait3A_222 = arith.constant 0 : i32
      %dma_wait3A_223 = tpu.memref_slice %arg9[%dma_wait3A, %dma_wait3A_222] : memref<25x80xi32, #tpu.memory_space<vmem>> -> memref<1x80xi32, #tpu.memory_space<vmem>>
      %dma_wait3A_224 = tpu.memref_squeeze %dma_wait3A_223 : memref<1x80xi32, #tpu.memory_space<vmem>> -> memref<80xi32, #tpu.memory_space<vmem>>
      %dma_wait3A_225 = arith.constant 0 : i32
      %dma_wait3A_226 = arith.constant 0 : i32
      %dma_wait3A_227 = tpu.memref_slice %arg4[%dma_wait3A_225, %dma_wait3A_226] : memref<10000x128xf32, #tpu.memory_space<hbm>> -> memref<10000x128xf32, #tpu.memory_space<hbm>>
      tpu.wait_indirect_dma semaphore(%arg15 : memref<!tpu.dma_semaphore, #tpu.memory_space<semaphore_mem>>) src(%dma_wait3A_227 : memref<10000x128xf32, #tpu.memory_space<hbm>>) dst(%arg11 : memref<80x128xf32, #tpu.memory_space<vmem>>)
      %dma_wait3A_228 = arith.constant 0 : i32
      %dma_wait3A_229 = arith.constant 0 : i32
      %dma_wait3A_230 = tpu.memref_slice %arg10[%dma_wait3A_228, %dma_wait3A_229] : memref<25x80xi32, #tpu.memory_space<vmem>> -> memref<1x80xi32, #tpu.memory_space<vmem>>
      %dma_wait3A_231 = tpu.memref_squeeze %dma_wait3A_230 : memref<1x80xi32, #tpu.memory_space<vmem>> -> memref<80xi32, #tpu.memory_space<vmem>>
      %dma_wait3A_232 = arith.constant 0 : i32
      %dma_wait3A_233 = arith.constant 0 : i32
      %dma_wait3A_234 = tpu.memref_slice %arg14[%dma_wait3A_232, %dma_wait3A_233] : memref<10240x128xf32, #tpu.memory_space<vmem_shared>> -> memref<10240x128xf32, #tpu.memory_space<vmem_shared>>
      tpu.wait_indirect_dma semaphore(%arg16 : memref<!tpu.dma_semaphore, #tpu.memory_space<semaphore_mem>>) src(%arg12 : memref<80x128xf32, #tpu.memory_space<vmem>>) dst(%dma_wait3A_234 : memref<10240x128xf32, #tpu.memory_space<vmem_shared>>)
      %run_scoped3A = arith.constant 24 : i32
      "tpu.region"() ({
        %run_scoped3A_235 = tpu.sem_alloc : memref<!tpu.dma_semaphore, #tpu.memory_space<semaphore_mem>>
        %dma_start3A_236 = arith.constant 0 : i32
        %dma_start3A_237 = tpu.memref_slice %arg10[%run_scoped3A, %dma_start3A_236] : memref<25x80xi32, #tpu.memory_space<vmem>> -> memref<1x80xi32, #tpu.memory_space<vmem>>
        %dma_start3A_238 = tpu.memref_squeeze %dma_start3A_237 : memref<1x80xi32, #tpu.memory_space<vmem>> -> memref<80xi32, #tpu.memory_space<vmem>>
        %dma_start3A_239 = arith.constant 0 : i32
        %dma_start3A_240 = arith.constant 0 : i32
        %dma_start3A_241 = tpu.memref_slice %arg14[%dma_start3A_239, %dma_start3A_240] : memref<10240x128xf32, #tpu.memory_space<vmem_shared>> -> memref<10240x128xf32, #tpu.memory_space<vmem_shared>>
        tpu.enqueue_indirect_dma source(%arg11 : memref<80x128xf32, #tpu.memory_space<vmem>>) target(%dma_start3A_241 : memref<10240x128xf32, #tpu.memory_space<vmem_shared>>) offsets(%dma_start3A_238 : memref<80xi32, #tpu.memory_space<vmem>>) semaphore(%run_scoped3A_235 : memref<!tpu.dma_semaphore, #tpu.memory_space<semaphore_mem>>) {add = true}
        %dma_wait3A_242 = arith.constant 0 : i32
        %dma_wait3A_243 = tpu.memref_slice %arg10[%run_scoped3A, %dma_wait3A_242] : memref<25x80xi32, #tpu.memory_space<vmem>> -> memref<1x80xi32, #tpu.memory_space<vmem>>
        %dma_wait3A_244 = tpu.memref_squeeze %dma_wait3A_243 : memref<1x80xi32, #tpu.memory_space<vmem>> -> memref<80xi32, #tpu.memory_space<vmem>>
        %dma_wait3A_245 = arith.constant 0 : i32
        %dma_wait3A_246 = arith.constant 0 : i32
        %dma_wait3A_247 = tpu.memref_slice %arg14[%dma_wait3A_245, %dma_wait3A_246] : memref<10240x128xf32, #tpu.memory_space<vmem_shared>> -> memref<10240x128xf32, #tpu.memory_space<vmem_shared>>
        tpu.wait_indirect_dma semaphore(%run_scoped3A_235 : memref<!tpu.dma_semaphore, #tpu.memory_space<semaphore_mem>>) src(%arg11 : memref<80x128xf32, #tpu.memory_space<vmem>>) dst(%dma_wait3A_247 : memref<10240x128xf32, #tpu.memory_space<vmem_shared>>)
        tpu.yield
      }) : () -> ()
    }
    %scan3A_188 = arith.constant 5 : i32
    %barrier3A_189 = arith.constant 0 : index
    tpu.barrier barrier_id(%barrier3A_189)
    %eq3A_190 = arith.constant 0 : i32
    %eq3A_191 = arith.cmpi eq, %arg0, %eq3A_190 : i32
    %convert_element_type3A_192 = arith.extui %eq3A_191 : i1 to i32
    %cond3A_193 = arith.constant 0 : i32
    %cond3A_194 = arith.cmpi ne, %convert_element_type3A_192, %cond3A_193 : i32
    scf.if %cond3A_194 {
      "tpu.region"() ({
        %run_scoped3A = tpu.sem_alloc : memref<!tpu.dma_semaphore, #tpu.memory_space<semaphore_mem>>
        %dma_start3A = arith.constant 0 : i32
        %dma_start3A_200 = tpu.memref_slice %arg5[%mul3A_88, %dma_start3A] : memref<10240x128xf32, #tpu.memory_space<hbm>> -> memref<640x128xf32, #tpu.memory_space<hbm>>
        %dma_start3A_201 = arith.constant 0 : i32
        %dma_start3A_202 = tpu.memref_slice %arg14[%mul3A_88, %dma_start3A_201] : memref<10240x128xf32, #tpu.memory_space<vmem_shared>> -> memref<640x128xf32, #tpu.memory_space<vmem_shared>>
        tpu.enqueue_dma source(%dma_start3A_202 : memref<640x128xf32, #tpu.memory_space<vmem_shared>>) target(%dma_start3A_200 : memref<640x128xf32, #tpu.memory_space<hbm>>) target_semaphore(%run_scoped3A : memref<!tpu.dma_semaphore, #tpu.memory_space<semaphore_mem>>)
        %dma_wait3A = arith.constant 0 : i32
        %dma_wait3A_203 = tpu.memref_slice %arg5[%mul3A_88, %dma_wait3A] : memref<10240x128xf32, #tpu.memory_space<hbm>> -> memref<640x128xf32, #tpu.memory_space<hbm>>
        %dma_wait3A_204 = arith.constant 0 : i32
        %dma_wait3A_205 = tpu.memref_slice %arg14[%mul3A_88, %dma_wait3A_204] : memref<10240x128xf32, #tpu.memory_space<vmem_shared>> -> memref<640x128xf32, #tpu.memory_space<vmem_shared>>
        tpu.wait_dma2 semaphore(%run_scoped3A : memref<!tpu.dma_semaphore, #tpu.memory_space<semaphore_mem>>) src(%dma_wait3A_205 : memref<640x128xf32, #tpu.memory_space<vmem_shared>>) dst(%dma_wait3A_203 : memref<640x128xf32, #tpu.memory_space<hbm>>)
        tpu.yield
      }) : () -> ()
    } else {
    }
    %eq3A_195 = arith.constant 1 : i32
    %eq3A_196 = arith.cmpi eq, %arg0, %eq3A_195 : i32
    %convert_element_type3A_197 = arith.extui %eq3A_196 : i1 to i32
    %cond3A_198 = arith.constant 0 : i32
    %cond3A_199 = arith.cmpi ne, %convert_element_type3A_197, %cond3A_198 : i32
    scf.if %cond3A_199 {
      "tpu.region"() ({
        %run_scoped3A = tpu.sem_alloc : memref<!tpu.dma_semaphore, #tpu.memory_space<semaphore_mem>>
        %dma_start3A = arith.constant 0 : i32
        %dma_start3A_200 = tpu.memref_slice %arg6[%mul3A_88, %dma_start3A] : memref<10240x128xf32, #tpu.memory_space<hbm>> -> memref<640x128xf32, #tpu.memory_space<hbm>>
        %dma_start3A_201 = arith.constant 0 : i32
        %dma_start3A_202 = tpu.memref_slice %arg14[%mul3A_88, %dma_start3A_201] : memref<10240x128xf32, #tpu.memory_space<vmem_shared>> -> memref<640x128xf32, #tpu.memory_space<vmem_shared>>
        tpu.enqueue_dma source(%dma_start3A_202 : memref<640x128xf32, #tpu.memory_space<vmem_shared>>) target(%dma_start3A_200 : memref<640x128xf32, #tpu.memory_space<hbm>>) target_semaphore(%run_scoped3A : memref<!tpu.dma_semaphore, #tpu.memory_space<semaphore_mem>>)
        %dma_wait3A = arith.constant 0 : i32
        %dma_wait3A_203 = tpu.memref_slice %arg6[%mul3A_88, %dma_wait3A] : memref<10240x128xf32, #tpu.memory_space<hbm>> -> memref<640x128xf32, #tpu.memory_space<hbm>>
        %dma_wait3A_204 = arith.constant 0 : i32
        %dma_wait3A_205 = tpu.memref_slice %arg14[%mul3A_88, %dma_wait3A_204] : memref<10240x128xf32, #tpu.memory_space<vmem_shared>> -> memref<640x128xf32, #tpu.memory_space<vmem_shared>>
        tpu.wait_dma2 semaphore(%run_scoped3A : memref<!tpu.dma_semaphore, #tpu.memory_space<semaphore_mem>>) src(%dma_wait3A_205 : memref<640x128xf32, #tpu.memory_space<vmem_shared>>) dst(%dma_wait3A_203 : memref<640x128xf32, #tpu.memory_space<hbm>>)
        tpu.yield
      }) : () -> ()
    } else {
    }
    return
  }
}

module attributes {stable_mosaic.version = 14 : i64} {
  func.func @body(%arg0: i32, %arg1: memref<1000x128xf32, #tpu.memory_space<vmem>>, %arg2: memref<1000x128xf32, #tpu.memory_space<vmem>>, %arg3: memref<1000x128xf32, #tpu.memory_space<vmem>>, %arg4: memref<1000x128xf32, #tpu.memory_space<vmem>>, %arg5: memref<1000x128xf32, #tpu.memory_space<vmem>>, %arg6: memref<128x256xf32, #tpu.memory_space<vmem>>, %arg7: memref<128x256xf32, #tpu.memory_space<vmem>>, %arg8: memref<1x256xf32, #tpu.memory_space<vmem>>, %arg9: memref<2x1000x128xf32, #tpu.memory_space<vmem>>) attributes {dimension_semantics = [#tpu.dimension_semantics<arbitrary>], iteration_bounds = array<i64: 10>, scalar_prefetch = 0 : i64, scratch_operands = 0 : i64, tpu.core_type = #tpu.core_type<tc>, window_params = [{transform_indices = @transform_0, window_bounds = array<i64: 1000, 128>}, {transform_indices = @transform_1, window_bounds = array<i64: 1000, 128>}, {transform_indices = @transform_2, window_bounds = array<i64: 1000, 128>}, {transform_indices = @transform_3, window_bounds = array<i64: 1000, 128>}, {transform_indices = @transform_4, window_bounds = array<i64: 1000, 128>}, {pipeline_mode = #tpu.pipeline_mode<synchronous>, transform_indices = @transform_5, window_bounds = array<i64: 128, 256>}, {pipeline_mode = #tpu.pipeline_mode<synchronous>, transform_indices = @transform_6, window_bounds = array<i64: 128, 256>}, {pipeline_mode = #tpu.pipeline_mode<synchronous>, transform_indices = @transform_7, window_bounds = array<i64: 1, 256>}, {transform_indices = @transform_8, window_bounds = array<i64: 2, 1000, 128>}]} {
    %get3A = arith.constant 0 : index
    %get3A_0 = arith.constant 0 : index
    %get3A_1 = vector.load %arg3[%get3A, %get3A_0] : memref<1000x128xf32, #tpu.memory_space<vmem>>, vector<1000x128xf32>
    %slice3A = vector.extract_strided_slice %get3A_1 {offsets = [0, 0], sizes = [1000, 1], strides = [1, 1]} : vector<1000x128xf32> to vector<1000x1xf32>
    %get3A_2 = arith.constant 0 : index
    %get3A_3 = arith.constant 0 : index
    %get3A_4 = vector.load %arg4[%get3A_2, %get3A_3] : memref<1000x128xf32, #tpu.memory_space<vmem>>, vector<1000x128xf32>
    %slice3A_5 = vector.extract_strided_slice %get3A_4 {offsets = [0, 0], sizes = [1000, 1], strides = [1, 1]} : vector<1000x128xf32> to vector<1000x1xf32>
    %add3A = arith.addf %slice3A, %slice3A_5 : vector<1000x1xf32>
    %max3A = arith.constant 1.000000e+00 : f32
    %max3A_6 = vector.broadcast %max3A : f32 to vector<1000x1xf32>
    %max3A_7 = arith.maximumf %add3A, %max3A_6 : vector<1000x1xf32>
    %get3A_8 = arith.constant 0 : index
    %get3A_9 = arith.constant 0 : index
    %get3A_10 = vector.load %arg1[%get3A_8, %get3A_9] : memref<1000x128xf32, #tpu.memory_space<vmem>>, vector<1000x128xf32>
    %get3A_11 = arith.constant 0 : index
    %get3A_12 = arith.constant 0 : index
    %get3A_13 = vector.load %arg2[%get3A_11, %get3A_12] : memref<1000x128xf32, #tpu.memory_space<vmem>>, vector<1000x128xf32>
    %add3A_14 = arith.addf %get3A_10, %get3A_13 : vector<1000x128xf32>
    %div3A = vector.broadcast %max3A_7 : vector<1000x1xf32> to vector<1000x128xf32>
    %div3A_15 = arith.divf %add3A_14, %div3A : vector<1000x128xf32>
    %get3A_16 = arith.constant 0 : index
    %get3A_17 = arith.constant 0 : index
    %get3A_18 = vector.load %arg6[%get3A_16, %get3A_17] : memref<128x256xf32, #tpu.memory_space<vmem>>, vector<128x256xf32>
    %dot_general3A = arith.constant dense<0.000000e+00> : vector<1000x256xf32>
    %dot_general3A_19 = tpu.matmul %div3A_15, %get3A_18, %dot_general3A {dimension_numbers = #tpu.dot_dimension_numbers<[1], [0], [0], [1], [0, 0, 1, 1], [], []>, transpose_lhs_hint = false} : vector<1000x128xf32>, vector<128x256xf32>, vector<1000x256xf32> -> vector<1000x256xf32>
    %get3A_20 = arith.constant 0 : index
    %get3A_21 = arith.constant 0 : index
    %get3A_22 = vector.load %arg5[%get3A_20, %get3A_21] : memref<1000x128xf32, #tpu.memory_space<vmem>>, vector<1000x128xf32>
    %get3A_23 = arith.constant 0 : index
    %get3A_24 = arith.constant 0 : index
    %get3A_25 = vector.load %arg7[%get3A_23, %get3A_24] : memref<128x256xf32, #tpu.memory_space<vmem>>, vector<128x256xf32>
    %dot_general3A_26 = arith.constant dense<0.000000e+00> : vector<1000x256xf32>
    %dot_general3A_27 = tpu.matmul %get3A_22, %get3A_25, %dot_general3A_26 {dimension_numbers = #tpu.dot_dimension_numbers<[1], [0], [0], [1], [0, 0, 1, 1], [], []>, transpose_lhs_hint = false} : vector<1000x128xf32>, vector<128x256xf32>, vector<1000x256xf32> -> vector<1000x256xf32>
    %add3A_28 = arith.addf %dot_general3A_19, %dot_general3A_27 : vector<1000x256xf32>
    %get3A_29 = arith.constant 0 : index
    %get3A_30 = arith.constant 0 : index
    %get3A_31 = vector.load %arg8[%get3A_29, %get3A_30] : memref<1x256xf32, #tpu.memory_space<vmem>>, vector<1x256xf32>
    %add3A_32 = vector.broadcast %get3A_31 : vector<1x256xf32> to vector<1000x256xf32>
    %add3A_33 = arith.addf %add3A_28, %add3A_32 : vector<1000x256xf32>
    %max3A_34 = arith.constant 0.000000e+00 : f32
    %max3A_35 = vector.broadcast %max3A_34 : f32 to vector<1000x256xf32>
    %max3A_36 = arith.maximumf %add3A_33, %max3A_35 : vector<1000x256xf32>
    %slice3A_37 = vector.extract_strided_slice %max3A_36 {offsets = [0, 0], sizes = [1000, 128], strides = [1, 1]} : vector<1000x256xf32> to vector<1000x128xf32>
    %swap3A = arith.constant 0 : index
    %swap3A_38 = arith.constant 0 : index
    %swap3A_39 = arith.constant 0 : index
    %swap3A_40 = vector.load %arg9[%swap3A, %swap3A_38, %swap3A_39] : memref<2x1000x128xf32, #tpu.memory_space<vmem>>, vector<1x1000x128xf32>
    %swap3A_41 = vector.shape_cast %swap3A_40 : vector<1x1000x128xf32> to vector<1000x128xf32>
    %swap3A_42 = vector.shape_cast %slice3A_37 : vector<1000x128xf32> to vector<1x1000x128xf32>
    tpu.vector_store %arg9[%swap3A, %swap3A_38, %swap3A_39], %swap3A_42 {strides = array<i32>} : memref<2x1000x128xf32, #tpu.memory_space<vmem>>, vector<1x1000x128xf32>,
    %slice3A_43 = vector.extract_strided_slice %max3A_36 {offsets = [0, 128], sizes = [1000, 128], strides = [1, 1]} : vector<1000x256xf32> to vector<1000x128xf32>
    %swap3A_44 = arith.constant 1 : index
    %swap3A_45 = arith.constant 0 : index
    %swap3A_46 = arith.constant 0 : index
    %swap3A_47 = vector.load %arg9[%swap3A_44, %swap3A_45, %swap3A_46] : memref<2x1000x128xf32, #tpu.memory_space<vmem>>, vector<1x1000x128xf32>
    %swap3A_48 = vector.shape_cast %swap3A_47 : vector<1x1000x128xf32> to vector<1000x128xf32>
    %swap3A_49 = vector.shape_cast %slice3A_43 : vector<1000x128xf32> to vector<1x1000x128xf32>
    tpu.vector_store %arg9[%swap3A_44, %swap3A_45, %swap3A_46], %swap3A_49 {strides = array<i32>} : memref<2x1000x128xf32, #tpu.memory_space<vmem>>, vector<1x1000x128xf32>,
    return
  }
  func.func @transform_0(%arg0: i32) -> (i32, i32) {
    %c0_i32 = arith.constant 0 : i32
    %c0_i32_0 = arith.constant 0 : i32
    return %arg0, %c0_i32 : i32, i32
  }
  func.func @transform_1(%arg0: i32) -> (i32, i32) {
    %c0_i32 = arith.constant 0 : i32
    %c0_i32_0 = arith.constant 0 : i32
    return %arg0, %c0_i32 : i32, i32
  }
  func.func @transform_2(%arg0: i32) -> (i32, i32) {
    %c0_i32 = arith.constant 0 : i32
    %c0_i32_0 = arith.constant 0 : i32
    return %arg0, %c0_i32 : i32, i32
  }
  func.func @transform_3(%arg0: i32) -> (i32, i32) {
    %c0_i32 = arith.constant 0 : i32
    %c0_i32_0 = arith.constant 0 : i32
    return %arg0, %c0_i32 : i32, i32
  }
  func.func @transform_4(%arg0: i32) -> (i32, i32) {
    %c0_i32 = arith.constant 0 : i32
    %c0_i32_0 = arith.constant 0 : i32
    return %arg0, %c0_i32 : i32, i32
  }
  func.func @transform_5(%arg0: i32) -> (i32, i32) {
    %c0_i32 = arith.constant 0 : i32
    %c0_i32_0 = arith.constant 0 : i32
    %c0_i32_1 = arith.constant 0 : i32
    return %c0_i32, %c0_i32_0 : i32, i32
  }
  func.func @transform_6(%arg0: i32) -> (i32, i32) {
    %c0_i32 = arith.constant 0 : i32
    %c0_i32_0 = arith.constant 0 : i32
    %c0_i32_1 = arith.constant 0 : i32
    return %c0_i32, %c0_i32_0 : i32, i32
  }
  func.func @transform_7(%arg0: i32) -> (i32, i32) {
    %c0_i32 = arith.constant 0 : i32
    %c0_i32_0 = arith.constant 0 : i32
    %c0_i32_1 = arith.constant 0 : i32
    return %c0_i32, %c0_i32_0 : i32, i32
  }
  func.func @transform_8(%arg0: i32) -> (i32, i32, i32) {
    %c0_i32 = arith.constant 0 : i32
    %c0_i32_0 = arith.constant 0 : i32
    %c0_i32_1 = arith.constant 0 : i32
    return %c0_i32, %arg0, %c0_i32_0 : i32, i32, i32
  }
}

module attributes {stable_mosaic.version = 14 : i64} {
  func.func @body(%arg0: i32, %arg1: memref<1000x128xf32, #tpu.memory_space<vmem>>, %arg2: memref<1000x128xf32, #tpu.memory_space<vmem>>, %arg3: memref<1000x128xf32, #tpu.memory_space<vmem>>, %arg4: memref<1000x128xf32, #tpu.memory_space<vmem>>, %arg5: memref<1000x128xf32, #tpu.memory_space<vmem>>, %arg6: memref<1000x128xf32, #tpu.memory_space<vmem>>, %arg7: memref<128x256xf32, #tpu.memory_space<vmem>>, %arg8: memref<128x256xf32, #tpu.memory_space<vmem>>, %arg9: memref<128x256xf32, #tpu.memory_space<vmem>>, %arg10: memref<128x256xf32, #tpu.memory_space<vmem>>, %arg11: memref<1x256xf32, #tpu.memory_space<vmem>>, %arg12: memref<256x64xf32, #tpu.memory_space<vmem>>, %arg13: memref<1x64xf32, #tpu.memory_space<vmem>>, %arg14: memref<1000x64xf32, #tpu.memory_space<vmem>>) attributes {dimension_semantics = [#tpu.dimension_semantics<arbitrary>], iteration_bounds = array<i64: 10>, scalar_prefetch = 0 : i64, scratch_operands = 0 : i64, tpu.core_type = #tpu.core_type<tc>, window_params = [{transform_indices = @transform_0, window_bounds = array<i64: 1000, 128>}, {transform_indices = @transform_1, window_bounds = array<i64: 1000, 128>}, {transform_indices = @transform_2, window_bounds = array<i64: 1000, 128>}, {transform_indices = @transform_3, window_bounds = array<i64: 1000, 128>}, {transform_indices = @transform_4, window_bounds = array<i64: 1000, 128>}, {transform_indices = @transform_5, window_bounds = array<i64: 1000, 128>}, {pipeline_mode = #tpu.pipeline_mode<synchronous>, transform_indices = @transform_6, window_bounds = array<i64: 128, 256>}, {pipeline_mode = #tpu.pipeline_mode<synchronous>, transform_indices = @transform_7, window_bounds = array<i64: 128, 256>}, {pipeline_mode = #tpu.pipeline_mode<synchronous>, transform_indices = @transform_8, window_bounds = array<i64: 128, 256>}, {pipeline_mode = #tpu.pipeline_mode<synchronous>, transform_indices = @transform_9, window_bounds = array<i64: 128, 256>}, {pipeline_mode = #tpu.pipeline_mode<synchronous>, transform_indices = @transform_10, window_bounds = array<i64: 1, 256>}, {pipeline_mode = #tpu.pipeline_mode<synchronous>, transform_indices = @transform_11, window_bounds = array<i64: 256, 64>}, {pipeline_mode = #tpu.pipeline_mode<synchronous>, transform_indices = @transform_12, window_bounds = array<i64: 1, 64>}, {transform_indices = @transform_13, window_bounds = array<i64: 1000, 64>}]} {
    %get3A = arith.constant 0 : index
    %get3A_0 = arith.constant 0 : index
    %get3A_1 = vector.load %arg3[%get3A, %get3A_0] : memref<1000x128xf32, #tpu.memory_space<vmem>>, vector<1000x128xf32>
    %slice3A = vector.extract_strided_slice %get3A_1 {offsets = [0, 0], sizes = [1000, 1], strides = [1, 1]} : vector<1000x128xf32> to vector<1000x1xf32>
    %get3A_2 = arith.constant 0 : index
    %get3A_3 = arith.constant 0 : index
    %get3A_4 = vector.load %arg4[%get3A_2, %get3A_3] : memref<1000x128xf32, #tpu.memory_space<vmem>>, vector<1000x128xf32>
    %slice3A_5 = vector.extract_strided_slice %get3A_4 {offsets = [0, 0], sizes = [1000, 1], strides = [1, 1]} : vector<1000x128xf32> to vector<1000x1xf32>
    %add3A = arith.addf %slice3A, %slice3A_5 : vector<1000x1xf32>
    %max3A = arith.constant 1.000000e+00 : f32
    %max3A_6 = vector.broadcast %max3A : f32 to vector<1000x1xf32>
    %max3A_7 = arith.maximumf %add3A, %max3A_6 : vector<1000x1xf32>
    %get3A_8 = arith.constant 0 : index
    %get3A_9 = arith.constant 0 : index
    %get3A_10 = vector.load %arg1[%get3A_8, %get3A_9] : memref<1000x128xf32, #tpu.memory_space<vmem>>, vector<1000x128xf32>
    %div3A = vector.broadcast %max3A_7 : vector<1000x1xf32> to vector<1000x128xf32>
    %div3A_11 = arith.divf %get3A_10, %div3A : vector<1000x128xf32>
    %get3A_12 = arith.constant 0 : index
    %get3A_13 = arith.constant 0 : index
    %get3A_14 = vector.load %arg7[%get3A_12, %get3A_13] : memref<128x256xf32, #tpu.memory_space<vmem>>, vector<128x256xf32>
    %dot_general3A = arith.constant dense<0.000000e+00> : vector<1000x256xf32>
    %dot_general3A_15 = tpu.matmul %div3A_11, %get3A_14, %dot_general3A {dimension_numbers = #tpu.dot_dimension_numbers<[1], [0], [0], [1], [0, 0, 1, 1], [], []>, transpose_lhs_hint = false} : vector<1000x128xf32>, vector<128x256xf32>, vector<1000x256xf32> -> vector<1000x256xf32>
    %get3A_16 = arith.constant 0 : index
    %get3A_17 = arith.constant 0 : index
    %get3A_18 = vector.load %arg2[%get3A_16, %get3A_17] : memref<1000x128xf32, #tpu.memory_space<vmem>>, vector<1000x128xf32>
    %div3A_19 = vector.broadcast %max3A_7 : vector<1000x1xf32> to vector<1000x128xf32>
    %div3A_20 = arith.divf %get3A_18, %div3A_19 : vector<1000x128xf32>
    %get3A_21 = arith.constant 0 : index
    %get3A_22 = arith.constant 0 : index
    %get3A_23 = vector.load %arg8[%get3A_21, %get3A_22] : memref<128x256xf32, #tpu.memory_space<vmem>>, vector<128x256xf32>
    %dot_general3A_24 = arith.constant dense<0.000000e+00> : vector<1000x256xf32>
    %dot_general3A_25 = tpu.matmul %div3A_20, %get3A_23, %dot_general3A_24 {dimension_numbers = #tpu.dot_dimension_numbers<[1], [0], [0], [1], [0, 0, 1, 1], [], []>, transpose_lhs_hint = false} : vector<1000x128xf32>, vector<128x256xf32>, vector<1000x256xf32> -> vector<1000x256xf32>
    %add3A_26 = arith.addf %dot_general3A_15, %dot_general3A_25 : vector<1000x256xf32>
    %get3A_27 = arith.constant 0 : index
    %get3A_28 = arith.constant 0 : index
    %get3A_29 = vector.load %arg5[%get3A_27, %get3A_28] : memref<1000x128xf32, #tpu.memory_space<vmem>>, vector<1000x128xf32>
    %get3A_30 = arith.constant 0 : index
    %get3A_31 = arith.constant 0 : index
    %get3A_32 = vector.load %arg9[%get3A_30, %get3A_31] : memref<128x256xf32, #tpu.memory_space<vmem>>, vector<128x256xf32>
    %dot_general3A_33 = arith.constant dense<0.000000e+00> : vector<1000x256xf32>
    %dot_general3A_34 = tpu.matmul %get3A_29, %get3A_32, %dot_general3A_33 {dimension_numbers = #tpu.dot_dimension_numbers<[1], [0], [0], [1], [0, 0, 1, 1], [], []>, transpose_lhs_hint = false} : vector<1000x128xf32>, vector<128x256xf32>, vector<1000x256xf32> -> vector<1000x256xf32>
    %add3A_35 = arith.addf %add3A_26, %dot_general3A_34 : vector<1000x256xf32>
    %get3A_36 = arith.constant 0 : index
    %get3A_37 = arith.constant 0 : index
    %get3A_38 = vector.load %arg6[%get3A_36, %get3A_37] : memref<1000x128xf32, #tpu.memory_space<vmem>>, vector<1000x128xf32>
    %get3A_39 = arith.constant 0 : index
    %get3A_40 = arith.constant 0 : index
    %get3A_41 = vector.load %arg10[%get3A_39, %get3A_40] : memref<128x256xf32, #tpu.memory_space<vmem>>, vector<128x256xf32>
    %dot_general3A_42 = arith.constant dense<0.000000e+00> : vector<1000x256xf32>
    %dot_general3A_43 = tpu.matmul %get3A_38, %get3A_41, %dot_general3A_42 {dimension_numbers = #tpu.dot_dimension_numbers<[1], [0], [0], [1], [0, 0, 1, 1], [], []>, transpose_lhs_hint = false} : vector<1000x128xf32>, vector<128x256xf32>, vector<1000x256xf32> -> vector<1000x256xf32>
    %add3A_44 = arith.addf %add3A_35, %dot_general3A_43 : vector<1000x256xf32>
    %get3A_45 = arith.constant 0 : index
    %get3A_46 = arith.constant 0 : index
    %get3A_47 = vector.load %arg11[%get3A_45, %get3A_46] : memref<1x256xf32, #tpu.memory_space<vmem>>, vector<1x256xf32>
    %add3A_48 = vector.broadcast %get3A_47 : vector<1x256xf32> to vector<1000x256xf32>
    %add3A_49 = arith.addf %add3A_44, %add3A_48 : vector<1000x256xf32>
    %max3A_50 = arith.constant 0.000000e+00 : f32
    %max3A_51 = vector.broadcast %max3A_50 : f32 to vector<1000x256xf32>
    %max3A_52 = arith.maximumf %add3A_49, %max3A_51 : vector<1000x256xf32>
    %get3A_53 = arith.constant 0 : index
    %get3A_54 = arith.constant 0 : index
    %get3A_55 = vector.load %arg12[%get3A_53, %get3A_54] : memref<256x64xf32, #tpu.memory_space<vmem>>, vector<256x64xf32>
    %dot_general3A_56 = arith.constant dense<0.000000e+00> : vector<1000x64xf32>
    %dot_general3A_57 = tpu.matmul %max3A_52, %get3A_55, %dot_general3A_56 {dimension_numbers = #tpu.dot_dimension_numbers<[1], [0], [0], [1], [0, 0, 1, 1], [], []>, transpose_lhs_hint = false} : vector<1000x256xf32>, vector<256x64xf32>, vector<1000x64xf32> -> vector<1000x64xf32>
    %get3A_58 = arith.constant 0 : index
    %get3A_59 = arith.constant 0 : index
    %get3A_60 = vector.load %arg13[%get3A_58, %get3A_59] : memref<1x64xf32, #tpu.memory_space<vmem>>, vector<1x64xf32>
    %add3A_61 = vector.broadcast %get3A_60 : vector<1x64xf32> to vector<1000x64xf32>
    %add3A_62 = arith.addf %dot_general3A_57, %add3A_61 : vector<1000x64xf32>
    %reduce_max3A = arith.constant dense<0xFF800000> : vector<1000xf32>
    %reduce_max3A_63 = vector.multi_reduction <maximumf>, %add3A_62, %reduce_max3A [1] : vector<1000x64xf32> to vector<1000xf32>
    %broadcast_in_dim3A = vector.shape_cast %reduce_max3A_63 : vector<1000xf32> to vector<1000x1xf32>
    %sub3A = vector.broadcast %broadcast_in_dim3A : vector<1000x1xf32> to vector<1000x64xf32>
    %sub3A_64 = arith.subf %add3A_62, %sub3A : vector<1000x64xf32>
    %exp3A = math.exp %sub3A_64 : vector<1000x64xf32>
    %reduce_sum3A = arith.constant dense<0.000000e+00> : vector<1000xf32>
    %reduce_sum3A_65 = vector.multi_reduction <add>, %exp3A, %reduce_sum3A [1] : vector<1000x64xf32> to vector<1000xf32>
    %broadcast_in_dim3A_66 = vector.shape_cast %reduce_sum3A_65 : vector<1000xf32> to vector<1000x1xf32>
    %log3A = math.log %broadcast_in_dim3A_66 : vector<1000x1xf32>
    %sub3A_67 = vector.broadcast %log3A : vector<1000x1xf32> to vector<1000x64xf32>
    %sub3A_68 = arith.subf %sub3A_64, %sub3A_67 : vector<1000x64xf32>
    %swap3A = arith.constant 0 : index
    %swap3A_69 = arith.constant 0 : index
    %swap3A_70 = vector.load %arg14[%swap3A, %swap3A_69] : memref<1000x64xf32, #tpu.memory_space<vmem>>, vector<1000x64xf32>
    tpu.vector_store %arg14[%swap3A, %swap3A_69], %sub3A_68 {strides = array<i32>} : memref<1000x64xf32, #tpu.memory_space<vmem>>, vector<1000x64xf32>,
    return
  }
  func.func @transform_0(%arg0: i32) -> (i32, i32) {
    %c0_i32 = arith.constant 0 : i32
    %c0_i32_0 = arith.constant 0 : i32
    return %arg0, %c0_i32 : i32, i32
  }
  func.func @transform_1(%arg0: i32) -> (i32, i32) {
    %c0_i32 = arith.constant 0 : i32
    %c0_i32_0 = arith.constant 0 : i32
    return %arg0, %c0_i32 : i32, i32
  }
  func.func @transform_2(%arg0: i32) -> (i32, i32) {
    %c0_i32 = arith.constant 0 : i32
    %c0_i32_0 = arith.constant 0 : i32
    return %arg0, %c0_i32 : i32, i32
  }
  func.func @transform_3(%arg0: i32) -> (i32, i32) {
    %c0_i32 = arith.constant 0 : i32
    %c0_i32_0 = arith.constant 0 : i32
    return %arg0, %c0_i32 : i32, i32
  }
  func.func @transform_4(%arg0: i32) -> (i32, i32) {
    %c0_i32 = arith.constant 0 : i32
    %c0_i32_0 = arith.constant 0 : i32
    return %arg0, %c0_i32 : i32, i32
  }
  func.func @transform_5(%arg0: i32) -> (i32, i32) {
    %c0_i32 = arith.constant 0 : i32
    %c0_i32_0 = arith.constant 0 : i32
    return %arg0, %c0_i32 : i32, i32
  }
  func.func @transform_6(%arg0: i32) -> (i32, i32) {
    %c0_i32 = arith.constant 0 : i32
    %c0_i32_0 = arith.constant 0 : i32
    %c0_i32_1 = arith.constant 0 : i32
    return %c0_i32, %c0_i32_0 : i32, i32
  }
  func.func @transform_7(%arg0: i32) -> (i32, i32) {
    %c0_i32 = arith.constant 0 : i32
    %c0_i32_0 = arith.constant 0 : i32
    %c0_i32_1 = arith.constant 0 : i32
    return %c0_i32, %c0_i32_0 : i32, i32
  }
  func.func @transform_8(%arg0: i32) -> (i32, i32) {
    %c0_i32 = arith.constant 0 : i32
    %c0_i32_0 = arith.constant 0 : i32
    %c0_i32_1 = arith.constant 0 : i32
    return %c0_i32, %c0_i32_0 : i32, i32
  }
  func.func @transform_9(%arg0: i32) -> (i32, i32) {
    %c0_i32 = arith.constant 0 : i32
    %c0_i32_0 = arith.constant 0 : i32
    %c0_i32_1 = arith.constant 0 : i32
    return %c0_i32, %c0_i32_0 : i32, i32
  }
  func.func @transform_10(%arg0: i32) -> (i32, i32) {
    %c0_i32 = arith.constant 0 : i32
    %c0_i32_0 = arith.constant 0 : i32
    %c0_i32_1 = arith.constant 0 : i32
    return %c0_i32, %c0_i32_0 : i32, i32
  }
  func.func @transform_11(%arg0: i32) -> (i32, i32) {
    %c0_i32 = arith.constant 0 : i32
    %c0_i32_0 = arith.constant 0 : i32
    %c0_i32_1 = arith.constant 0 : i32
    return %c0_i32, %c0_i32_0 : i32, i32
  }
  func.func @transform_12(%arg0: i32) -> (i32, i32) {
    %c0_i32 = arith.constant 0 : i32
    %c0_i32_0 = arith.constant 0 : i32
    %c0_i32_1 = arith.constant 0 : i32
    return %c0_i32, %c0_i32_0 : i32, i32
  }
  func.func @transform_13(%arg0: i32) -> (i32, i32) {
    %c0_i32 = arith.constant 0 : i32
    %c0_i32_0 = arith.constant 0 : i32
    return %arg0, %c0_i32 : i32, i32
  }
}

</mosaic_0001>

<sc_bundles>
// kernel: kernel.6.cloned.1.call-start
scs
__scs_entry_jumppad:
0x0: {  	(pc) =	sbr.rel $0x88, $3  }
0x1: {  	(tag) =	ssettag $0x0;
	lr =	simm.s32 $0x1  }
0x2: {  	[smem:$0x3F97] =	sst lr;
	_ =	strace $0xD0000000  }
0x3: {  	_ = 	snop  }
0x4: {  	_ = 	snop  }
0x5: {  	_ = 	snop  }
0x6: {  	_ = 	snop  }
0x7: {  	_ = 	snop  }
__scs_overlays_trampoline_lowered:
0x8: {  	[smem:$0x3FA6] =	sst s0  }
0x9: {  	[smem:$0x3FA7] =	sst s1  }
0xa: {  	[smem:$0x3FA8] =	sst s2  }
0xb: {  	[smem:$0x3FA9] =	sst s3  }
0xc: {  	[smem:$0x3FAA] =	sst s4  }
0xd: {  	[smem:$0x3FAB] =	sst s5  }
0xe: {  	[smem:$0x3FAC] =	sst s6  }
0xf: {  	[smem:$0x3FAD] =	sst s7  }
0x10: {  	[smem:$0x3FAE] =	sst s8  }
0x11: {  	[smem:$0x3FAF] =	sst s9;
	s0 =	simm.s32 @!p0 $0x0  }
0x12: {  	s1 =	sld [smem:$0x3F95];
	s0 =	simm.s32 @p0 $0x1  }
0x13: {  	[smem:$0x3FB0] =	sst s0;
	s0 =	simm.s32 @!p1 $0x0  }
0x14: {  	s2 =	sld [smem:$0x3F94];
	s0 =	simm.s32 @p1 $0x1  }
0x15: {  	[smem:$0x3FB1] =	sst s0;
	s0 =	simm.s32 @!p2 $0x0  }
0x16: {  	s3 =	sld [smem:$0x3FDB];
	s0 =	simm.s32 @p2 $0x1  }
0x17: {  	s4 =	simm.s32 $0x1BF5;
	[smem:$0x3FB3] =	sst s0  }
0x18: {  	s0 =	sld [smem:$0x3F96];
	_ =	swait.ge [sflag:s4], $0x0  }
0x19: {  	s7 =	sld [smem:$0x3F97]  }
0x1a: {  	s8 =	sadd.s32 $0xFFFFE003, lr  }
0x1b: {  	s9 =	sadd.s32 $0xFFFFFEF7, lr;
	s5 =	simm.s32 $0xFFFFFFFF;
	p2 =	slt.u32 s8, $0xFFFFF086  }
0x1c: {  	p1 =	slt.u32 s9, $0xF7A;
	s5 =	simm.s32 @!p2 $0x0  }
0x1d: {  	s5 =	simm.s32 @p1 $0x1;
	p0 =	seq.s32 s7, s2  }
0x1e: {  	s7 =	smul.u32 @!p0 $0xF7A, s2;
	p2 =	seq.s32 @!p0 s5, $0x0  }
0x1f: {  	s9 =	smul.u32 $0xF7A, s1;
	s8 =	simm.s32 @!p0 $0x1BF5;
	p2 =	por !p2, p0  }
0x20: {  	[sflag:s8] =	ssyncset.s32 @!p0 $0xFFFFF086;
	s6 =	sadd.s32 @!p0 s3, s7;
	s7 =	simm.s32 @!p0 $0x108  }
0x21: {  	s3 =	sadd.s32 s3, s9;
	s6 =	sadd.s32 @!p0 $0x88, s6;
	s7 =	simm.s32 @p2 $0x1082  }
0x22: {  	[simem:s7], [sflag:s8] =	dma.local @!p0 [hbm:s6], $0xF7A  }
0x23: {  	s9 =	sor.u32 $0xD0000000, s2;
	s6 =	simm.s32 $0x108;
	_ =	swait.ge @!p0 [sflag:s8], $0x0  }
0x24: {  	s3 =	sadd.s32 $0x88, s3;
	s6 =	simm.s32 @!p1 $0x1082;
	[sflag:s4] =	ssyncset.s32 $0xFFFFF086  }
0x25: {  	[simem:s6], [sflag:s4] =	dma.local [hbm:s3], $0xF7A  }
0x26: {  	[smem:$0x3F97] =	sst s1;
	(tag) =	ssettag s2;
	_ =	strace s9  }
0x27: {  	s1 =	sld [smem:$0x3FA7]  }
0x28: {  	s2 =	sld [smem:$0x3FA8]  }
0x29: {  	s4 =	sld [smem:$0x3FAA]  }
0x2a: {  	p0 =	seq.s32 s5, $0x0;
	s5 =	sld [smem:$0x3FAB]  }
0x2b: {  	s6 =	sld [smem:$0x3FAC]  }
0x2c: {  	s7 =	sld [smem:$0x3FAD]  }
0x2d: {  	s3 =	simm.s32 $0x108;
	s8 =	sld [smem:$0x3FAE]  }
0x2e: {  	s3 =	simm.s32 @!p0 $0x1082;
	s9 =	sld [smem:$0x3FAF]  }
0x2f: {  	lr =	sadd.s32 s0, s3;
	s0 =	sld [smem:$0x3FA6]  }
0x30: {  	s3 =	sld [smem:$0x3FA9]  }
0x31: {  	[smem:$0x3FB2] =	sst s10  }
0x32: {  	s10 =	sld [smem:$0x3FB0];
	_ =	sdelay $0x3  }
0x33: {  	p0 =	seq.s32 s10, $0x1;
	s10 =	sld [smem:$0x3FB2];
	_ =	sdelay $0x3  }
0x34: {  	[smem:$0x3FB2] =	sst s10  }
0x35: {  	s10 =	sld [smem:$0x3FB1];
	_ =	sdelay $0x3  }
0x36: {  	p1 =	seq.s32 s10, $0x1;
	s10 =	sld [smem:$0x3FB2];
	_ =	sdelay $0x3  }
0x37: {  	[smem:$0x3FB2] =	sst s10  }
0x38: {  	s10 =	sld [smem:$0x3FB3]  }
0x39: {  	_ = 	snop;
	(pc) =	sbr.ind lr, $3  }
0x3a: {  	_ = 	snop  }
0x3b: {  	_ = 	snop  }
0x3c: {  	p2 =	seq.s32 s10, $0x1;
	s10 =	sld [smem:$0x3FB2]  }
0x3d: {  	_ =	shalt  }
0x3e: {  	_ =	shalt  }
0x3f: {  	_ =	shalt  }
0x40: {  	_ =	shalt  }
0x41: {  	_ =	shalt  }
0x42: {  	_ =	shalt  }
0x43: {  	_ =	shalt  }
0x44: {  	_ =	shalt  }
0x45: {  	_ =	shalt  }
0x46: {  	_ =	shalt  }
0x47: {  	_ =	shalt  }
0x48: {  	_ =	shalt  }
0x49: {  	_ =	shalt  }
0x4a: {  	_ =	shalt  }
0x4b: {  	_ =	shalt  }
0x4c: {  	_ =	shalt  }
0x4d: {  	_ =	shalt  }
0x4e: {  	_ =	shalt  }
0x4f: {  	_ =	shalt  }
0x50: {  	_ =	shalt  }
0x51: {  	_ =	shalt  }
0x52: {  	_ =	shalt  }
0x53: {  	_ =	shalt  }
0x54: {  	_ =	shalt  }
0x55: {  	_ =	shalt  }
0x56: {  	_ =	shalt  }
0x57: {  	_ =	shalt  }
0x58: {  	_ =	shalt  }
0x59: {  	_ =	shalt  }
0x5a: {  	_ =	shalt  }
0x5b: {  	_ =	shalt  }
0x5c: {  	_ =	shalt  }
0x5d: {  	_ =	shalt  }
0x5e: {  	_ =	shalt  }
0x5f: {  	_ =	shalt  }
0x60: {  	_ =	shalt  }
0x61: {  	_ =	shalt  }
0x62: {  	_ =	shalt  }
0x63: {  	_ =	shalt  }
0x64: {  	_ =	shalt  }
0x65: {  	_ =	shalt  }
0x66: {  	_ =	shalt  }
0x67: {  	_ =	shalt  }
0x68: {  	_ =	shalt  }
0x69: {  	_ =	shalt  }
0x6a: {  	_ =	shalt  }
0x6b: {  	_ =	shalt  }
0x6c: {  	_ =	shalt  }
0x6d: {  	_ =	shalt  }
0x6e: {  	_ =	shalt  }
0x6f: {  	_ =	shalt  }
0x70: {  	_ =	shalt  }
0x71: {  	_ =	shalt  }
0x72: {  	_ =	shalt  }
0x73: {  	_ =	shalt  }
0x74: {  	_ =	shalt  }
0x75: {  	_ =	shalt  }
0x76: {  	_ =	shalt  }
0x77: {  	_ =	shalt  }
0x78: {  	_ =	shalt  }
0x79: {  	_ =	shalt  }
0x7a: {  	_ =	shalt  }
0x7b: {  	_ =	shalt  }
0x7c: {  	_ =	shalt  }
0x7d: {  	_ =	shalt  }
0x7e: {  	_ =	shalt  }
0x7f: {  	_ =	shalt  }
0x80: {  	_ =	shalt  }
0x81: {  	_ =	shalt  }
0x82: {  	_ =	shalt  }
0x83: {  	_ =	shalt  }
0x84: {  	_ =	shalt  }
0x85: {  	_ =	shalt  }
0x86: {  	_ =	shalt  }
0x87: {  	_ =	shalt  }
.Lfunc_end0:
.L_simem_size_0:
called_computation_lowered:
.L_overlay_start_0:
0x88: {  	s2 =	sld [smem:$0x3FD9]  }
0x89: {  	s3 =	sld [smem:$0x3FFE];
	_ =	sdelay $0x1  }
0x8a: {  	s1 =	srdreg.scid  }
0x8b: {  	s0 =	sand.u32 $0x1, s1  }
0x8c: {  	s17 =	sshll.u32 s0, $0xA;
	s2 =	sadd.s32 s3, s2  }
0x8d: {  	s2 =	sadd.s32 s2, s17  }
0x8e: {  	[smem:$0x3FBE] =	sst s2  }
0x8f: {  	_ = 	snop  }
0x90: {  	s2 =	sld [smem:$0x3FC9];
	(tm) =	ssettm $0x1  }
0x91: {  	s18 =	sld [smem:$0x3FFB];
	_ =	sdelay $0x3  }
0x92: {  	_ =	strace s18  }
0x93: {  	s3 =	sld [smem:$0x3FFC];
	_ =	sdelay $0x3  }
0x94: {  	_ =	strace s3  }
0x95: {  	s3 =	sld [smem:$0x3FFD];
	_ =	sdelay $0x3  }
0x96: {  	_ =	strace s3  }
0x97: {  	_ =	strace $0x8FFFFFFF  }
0x98: {  	s19 =	sld [smem:$0x3FDB];
	_ =	sdelay $0x1  }
0x99: {  	s4 =	simm.s32 $_scs_section_size  }
0x9a: {  	s5 =	simm.s32 $_size__tile_overlayer_lowered;
	s6 =	simm.s32 $_tile_overlayer_lowered  }
0x9b: {  	s22 =	simm.s32 $0x1BFF;
	s21 =	sshll.u32 s6, $0x1;
	s3 =	sadd.s32 s4, s19  }
0x9c: {  	s7 =	simm.s32 $0x0;
	s20 =	sshll.u32 s5, $0x1;
	s5 =	sadd.s32 s21, s3  }
0x9d: {  	[timem:s7], [sflag:s22] =	dma.local [hbm:s5], s20  }
0x9e: {  	_ =	swait.ge [sflag:s22], s20  }
0x9f: {  	s4 =	ssub.s32 $0x0, s20;
	[sflag:s22] =	ssyncset.done $0x0  }
0xa0: {  	[sflag:s22] =	ssyncadd.s32 s4;
	_ =	sdelay $0x1  }
0xa1: {  	s23 =	simm.s32 $0x1B8B  }
0xa2: {  	_ =	swait.ge [sflag:s23], $0x1  }
0xa3: {  	[sflag:s23] =	ssyncset.done $0x0  }
0xa4: {  	s25 =	simm.s32 $0x1B8E;
	s24 =	sld [smem:$0x3FFE];
	[sflag:s23] =	ssyncadd.s32 $0xFFFFFFFF  }
0xa5: {  	s26 =	simm.s32 $execute0_lowered;
	[smem:$0x3FD2] =	sst s25  }
0xa6: {  	s5 =	sshll.u32 s26, $0x1;
	_ =	strace $0x80000046;
	[dreg:$0x1] =	wrdreg $0xFFFFFFFF  }
0xa7: {  	s28 =	simm.s32 $_size_execute0_lowered;
	s3 =	sadd.s32 s3, s5;
	[dreg:$0x0] =	wrdreg $0x0  }
0xa8: {  	s5 =	sshll.u32 s28, $0x1;
	[dreg:$0x2] =	wrdreg s3  }
0xa9: {  	[dreg:$0x3] =	wrdreg s5  }
0xaa: {  	[dreg:$0x4] =	wrdreg $0xC0  }
0xab: {  	_ =	task [dreg:s7], $0x5FFFF  }
0xac: {  	[dreg:$0x1] =	wrdreg $0xFFFFFFFF  }
0xad: {  	[dreg:$0x0] =	wrdreg $0x60  }
0xae: {  	[dreg:$0x2] =	wrdreg s24  }
0xaf: {  	[dreg:$0x3] =	wrdreg s2  }
0xb0: {  	[dreg:$0x4] =	wrdreg $0x80000  }
0xb1: {  	[dreg:$0x5] =	wrdreg $0x9  }
0xb2: {  	_ =	task.clear_ibuf [dreg:s7], $0x6FFFF;
	_ =	strace $0x90000046  }
0xb3: {  	s29 =	simm.s32 $0x9;
	_ =	strace $0x80000048  }
0xb4: {  	_ =	swait.ge [sflag:s29], $0x1  }
0xb5: {  	[sflag:s29] =	ssyncadd.s32 $0xFFFFFFFF  }
0xb6: {  	_ =	strace $0x90000048  }
0xb7: {  	_ =	sfence  }
0xb8: {  	s30 =	sld [smem:$0x0];
	_ =	sdelay $0x2  }
0xb9: {  	s31 =	sshll.u32 s1, $0xD;
	s1 =	sshrl.u32 s1, $0x2  }
0xba: {  	s3 =	sand.u32 $0x4000, s31;
	s1 =	sadd.s32 s1, s30  }
0xbb: {  	s0 =	sor.u32 s3, s0;
	s1 =	sshll.u32 s1, $0x11  }
0xbc: {  	s0 =	sor.u32 s1, s0  }
0xbd: {  	s0 =	sadd.s32 $0x8F2B, s0  }
0xbe: {  	[sflag:s0] =	ssyncadd.remote.s32 $0x1  }
0xbf: {  	_ =	sfence.sel $0xFFFF  }
0xc0: {  	[dreg:$0x0] =	wrdreg $0xFFFFFFFF;
	(pc) =	sbr.abs _section_cstart, $3  }
0xc1: {  	[dreg:$0x1] =	wrdreg $0xFFFFFFFF  }
0xc2: {  	_ =	task.clear_ibuf [dreg:s7], $0x2FFFF;
	_ =	strace $0x9FFFFFFF  }
0xc3: {  	(tm) =	ssettm $0x7FFFFFFF  }
tec
execute0_lowered:
.L_overlay_start_1:
0x0: {  	(tag) =	ssettag $0x1  }
0x1: {  	s0 =	rddreg [dreg:$0x0]  }
0x2: {  	s1 =	rddreg [dreg:$0x1]  }
0x3: {  	s2 =	rddreg [dreg:$0x2];
	s3 =	simm.s32 $0x0;
	s14 =	srdreg.scid  }
0x4: {  	s12 =	stileid.u32;
	[smem:$0x7FF] =	sst s3  }
0x5: {  	s4 =	sadd.s32 $0x3000, s0;
	s13 =	sadd.s32 $0x17000, s0;
	s5 =	smul.u32 $0x50000, s12  }
0x6: {  	s6 =	sadd.s32 $0x2B000, s0;
	s7 =	sadd.s32 $0x53000, s0;
	s9 =	sadd.s32 $0x7B000, s0  }
0x7: {  	_ =	strace $0x80000047;
	[dreg:$0x8] =	wrdreg s4;
	s5 =	sshrl.u32 s5, $0x2  }
0x8: {  	s4 =	sand.u32 $0x1, s14;
	[dreg:$0x9] =	wrdreg s13;
	s14 =	sadd.s32 s5, s2  }
0x9: {  	s0 =	sadd.s32 $0xA3000, s0;
	s5 =	sadd.s32 $0x1000, s14;
	[dreg:$0xa] =	wrdreg s14  }
0xa: {  	s22 =	smul.u32 $0x5, s12;
	s15 =	sadd.s32 $0x2000, s14;
	[dreg:$0xb] =	wrdreg s5  }
0xb: {  	s25 =	smul.u32 $0xA00, s12;
	s16 =	sadd.s32 $0x3000, s14;
	[dreg:$0xc] =	wrdreg s15  }
0xc: {  	s12 =	smul.u32 $0x2800, s12;
	s17 =	sadd.s32 $0x4000, s14;
	[dreg:$0xd] =	wrdreg s16  }
0xd: {  	s8 =	ssub.s32 $0x2, s4;
	s18 =	sadd.s32 $0x5000, s14;
	[dreg:$0xe] =	wrdreg s17  }
0xe: {  	s24 =	smul.u32 $0xA000, s4;
	s20 =	sadd.s32 $0x6000, s14;
	[dreg:$0xf] =	wrdreg s18  }
0xf: {  	p0 =	seq.s32 s4, $0x0;
	s21 =	sadd.s32 $0x7000, s14;
	[dreg:$0x10] =	wrdreg s20  }
0x10: {  	s10 =	sshrl.u32 s8, $0x1;
	s11 =	sadd.s32 $0x8000, s14;
	[dreg:$0x11] =	wrdreg s21  }
0x11: {  	s0 =	smov.u32 @p0 s9;
	s23 =	sadd.s32 $0x9000, s14;
	[dreg:$0x12] =	wrdreg s11  }
0x12: {  	s8 =	ssub.s32 s8, s10;
	s26 =	sadd.s32 $0xA000, s14;
	[dreg:$0x13] =	wrdreg s23  }
0x13: {  	s10 =	sadd.s32 s24, s13;
	s13 =	simm.s32 $0x1100;
	[dreg:$0x15] =	wrdreg s26  }
0x14: {  	s19 =	smul.u32 $0x50, s4;
	s0 =	sadd.s32 s0, s12;
	[dreg:$0x5] =	wrdreg s13  }
0x15: {  	s24 =	sadd.s32 $0x11000, s14;
	[dreg:$0x18] =	wrdreg s0  }
0x16: {  	s28 =	simm.s32 $0x1880;
	s5 =	sadd.s32 s22, s19;
	[dreg:$0x1f] =	wrdreg s24  }
0x17: {  	s29 =	simm.s32 $0x1900;
	s11 =	sadd.s32 $0xB000, s14;
	[dreg:$0x14] =	wrdreg s5  }
0x18: {  	s30 =	simm.s32 $0x1980;
	s4 =	sadd.s32 s25, s10;
	[dreg:$0x16] =	wrdreg s11  }
0x19: {  	s31 =	simm.s32 $0x1A00;
	s15 =	sadd.s32 $0xC000, s14;
	[dreg:$0x4] =	wrdreg s4  }
0x1a: {  	s7 =	smov.u32 @p0 s6;
	s16 =	simm.s32 $0x1180;
	[dreg:$0x17] =	wrdreg s15  }
0x1b: {  	s6 =	simm.s32 $0x1;
	s18 =	sadd.s32 s7, s12;
	[dreg:$0x6] =	wrdreg s16  }
0x1c: {  	s17 =	simm.s32 $0x1200;
	s19 =	sadd.s32 $0xD000, s14;
	[dreg:$0x19] =	wrdreg s18  }
0x1d: {  	s20 =	sadd.s32 $0xE000, s14;
	s21 =	smax.u32 s8, $0x1;
	[dreg:$0x1a] =	wrdreg s19  }
0x1e: {  	s22 =	sadd.s32 $0xF000, s14;
	s23 =	sadd.s32 $0x10000, s14;
	[dreg:$0x7] =	wrdreg s17  }
0x1f: {  	s25 =	sadd.s32 $0x12000, s14;
	s26 =	sadd.s32 $0x13000, s14;
	[dreg:$0x1b] =	wrdreg s20  }
0x20: {  	s8 =	simm.s32 $0x1080;
	s12 =	simm.s32 $0x1300;
	[dreg:$0x1c] =	wrdreg s21  }
0x21: {  	s13 =	simm.s32 $0x1380;
	s14 =	simm.s32 $0x1400;
	[dreg:$0x1d] =	wrdreg s22  }
0x22: {  	s24 =	simm.s32 $0x1780;
	s7 =	simm.s32 $0x1A80;
	[dreg:$0x1e] =	wrdreg s23  }
0x23: {  	s0 =	simm.s32 $0x1B00;
	s10 =	simm.s32 $0x0;
	[smem:$0x7FC] =	sst s25  }
0x24: {  	[smem:$0x7FD] =	sst s26;
	s4 =	simm.s32 $0x3;
	s21 =	simm.s32 $0x1000  }
0x25: {  	s22 =	simm.s32 $0x50;
	s25 =	simm.s32 $0x2000;
	s11 =	simm.s32 $0x1280  }
0x26: {  	s15 =	simm.s32 $0x1480;
	s16 =	simm.s32 $0x1500;
	s18 =	simm.s32 $0x1580  }
0x27: {  	s19 =	simm.s32 $0x1600;
	s20 =	simm.s32 $0x1680;
	s23 =	simm.s32 $0x1700  }
0x28: {  	v0 =	vimm.f32 $0.0e+00;
	v1 =	vimm.f32 $1.000000000e+00;
	s26 =	simm.s32 $0x1800;
	s5 =	simm.s32 $0x2;
	s17 =	simm.s32 $0x4800  }
.LBB2_1:
0x29: {  	[smem:$0x7FB] =	sst s10;
	s9 =	simm.s32 $0x0;
	s10 =	simm.s32 $0x200  }
.LBB2_2:
0x2a: {  	p0 =	sne.s32 s10, $0x3E00;
	[tilespmem:s9+$0x7070] =	vst v0  }
0x2b: {  	[tilespmem:s9+$0x7000] =	vst v0  }
0x2c: {  	[tilespmem:s9+$0x7010] =	vst v0  }
.Ltmp0:
0x2d: {  	[tilespmem:s9+$0x7020] =	vst v0;
	(pc) =	sbr.rel @p0 .LBB2_2-.Ltmp0, $4  }
0x2e: {  	[tilespmem:s9+$0x7030] =	vst v0  }
0x2f: {  	[tilespmem:s9+$0x7040] =	vst v0  }
0x30: {  	[tilespmem:s9+$0x7050] =	vst v0  }
0x31: {  	[tilespmem:s9+$0x7060] =	vst v0;
	s9 =	sshra.s32 s10, $0x2;
	s10 =	sadd.s32 $0x200, s10  }
0x32: {  	[tilespmem:s9+$0x7070] =	vst v0  }
0x33: {  	[tilespmem:s9+$0x7000] =	vst v0  }
0x34: {  	[tilespmem:s9+$0x7010] =	vst v0  }
0x35: {  	[tilespmem:s9+$0x7020] =	vst v0  }
0x36: {  	[tilespmem:s9+$0x7030] =	vst v0  }
0x37: {  	[tilespmem:s9+$0x7040] =	vst v0  }
0x38: {  	[tilespmem:s9+$0x7050] =	vst v0  }
0x39: {  	[tilespmem:s9+$0x7060] =	vst v0;
	s9 =	simm.s32 $0x70;
	s10 =	simm.s32 $0x3C0  }
.LBB2_4:
0x3a: {  	p0 =	sne.s32 s10, $0x9FC0;
	[tilespmem:s9+$0x2000] =	vst v1  }
0x3b: {  	[tilespmem:s9+$0x1F90] =	vst v1  }
0x3c: {  	[tilespmem:s9+$0x1FA0] =	vst v1  }
.Ltmp1:
0x3d: {  	[tilespmem:s9+$0x1FB0] =	vst v1;
	(pc) =	sbr.rel @p0 .LBB2_4-.Ltmp1, $4  }
0x3e: {  	[tilespmem:s9+$0x1FC0] =	vst v1  }
0x3f: {  	[tilespmem:s9+$0x1FD0] =	vst v1  }
0x40: {  	[tilespmem:s9+$0x1FE0] =	vst v1  }
0x41: {  	[tilespmem:s9+$0x1FF0] =	vst v1;
	s9 =	sshra.s32 s10, $0x2;
	s10 =	sadd.s32 $0x200, s10  }
0x42: {  	[tilespmem:s9+$0x2000] =	vst v1  }
0x43: {  	[tilespmem:s9+$0x1F90] =	vst v1  }
0x44: {  	[tilespmem:s9+$0x1FA0] =	vst v1  }
0x45: {  	[tilespmem:s9+$0x1FB0] =	vst v1  }
0x46: {  	[tilespmem:s9+$0x1FC0] =	vst v1  }
0x47: {  	[tilespmem:s9+$0x1FD0] =	vst v1  }
0x48: {  	[tilespmem:s9+$0x1FE0] =	vst v1  }
0x49: {  	[tilespmem:s9+$0x1FF0] =	vst v1;
	s9 =	rddreg [dreg:$0xa];
	s10 =	simm.s32 $0x7000  }
0x4a: {  	[spmem:s9] =	stream.linear.scatter [tilespmem:s10], [sflag:$0x3], $0x1000, $0x38;
	[tilespmem:$0x1C000] =	vst v63  }
0x4b: {  	_ =	swait.ge [sflag:s4], $0x1000  }
0x4c: {  	[sflag:s4] =	ssyncset.done $0x0  }
0x4d: {  	s9 =	rddreg [dreg:$0xb];
	[sflag:s4] =	ssyncadd.s32 $0xFFFFF000  }
0x4e: {  	[spmem:s9] =	stream.linear.scatter [tilespmem:s10], [sflag:$0x3], $0x1000, $0x38;
	[tilespmem:$0x1C000] =	vst v63  }
0x4f: {  	_ =	swait.ge [sflag:s4], $0x1000  }
0x50: {  	[sflag:s4] =	ssyncset.done $0x0  }
0x51: {  	s9 =	rddreg [dreg:$0xc];
	[sflag:s4] =	ssyncadd.s32 $0xFFFFF000  }
0x52: {  	[spmem:s9] =	stream.linear.scatter [tilespmem:s10], [sflag:$0x3], $0x1000, $0x38;
	[tilespmem:$0x1C000] =	vst v63  }
0x53: {  	_ =	swait.ge [sflag:s4], $0x1000  }
0x54: {  	[sflag:s4] =	ssyncset.done $0x0  }
0x55: {  	s9 =	rddreg [dreg:$0xd];
	[sflag:s4] =	ssyncadd.s32 $0xFFFFF000  }
0x56: {  	[spmem:s9] =	stream.linear.scatter [tilespmem:s10], [sflag:$0x3], $0x1000, $0x38;
	[tilespmem:$0x1C000] =	vst v63  }
0x57: {  	_ =	swait.ge [sflag:s4], $0x1000  }
0x58: {  	[sflag:s4] =	ssyncset.done $0x0  }
0x59: {  	s9 =	rddreg [dreg:$0xe];
	[sflag:s4] =	ssyncadd.s32 $0xFFFFF000  }
0x5a: {  	[spmem:s9] =	stream.linear.scatter [tilespmem:s10], [sflag:$0x3], $0x1000, $0x38;
	[tilespmem:$0x1C000] =	vst v63  }
0x5b: {  	_ =	swait.ge [sflag:s4], $0x1000  }
0x5c: {  	[sflag:s4] =	ssyncset.done $0x0  }
0x5d: {  	s9 =	rddreg [dreg:$0xf];
	[sflag:s4] =	ssyncadd.s32 $0xFFFFF000  }
0x5e: {  	[spmem:s9] =	stream.linear.scatter [tilespmem:s10], [sflag:$0x3], $0x1000, $0x38;
	[tilespmem:$0x1C000] =	vst v63  }
0x5f: {  	_ =	swait.ge [sflag:s4], $0x1000  }
0x60: {  	[sflag:s4] =	ssyncset.done $0x0  }
0x61: {  	s9 =	rddreg [dreg:$0x10];
	[sflag:s4] =	ssyncadd.s32 $0xFFFFF000  }
0x62: {  	[spmem:s9] =	stream.linear.scatter [tilespmem:s10], [sflag:$0x3], $0x1000, $0x38;
	[tilespmem:$0x1C000] =	vst v63  }
0x63: {  	_ =	swait.ge [sflag:s4], $0x1000  }
0x64: {  	[sflag:s4] =	ssyncset.done $0x0  }
0x65: {  	s9 =	rddreg [dreg:$0x11];
	[sflag:s4] =	ssyncadd.s32 $0xFFFFF000  }
0x66: {  	[spmem:s9] =	stream.linear.scatter [tilespmem:s10], [sflag:$0x3], $0x1000, $0x38;
	[tilespmem:$0x1C000] =	vst v63  }
0x67: {  	_ =	swait.ge [sflag:s4], $0x1000  }
0x68: {  	[sflag:s4] =	ssyncset.done $0x0  }
0x69: {  	s9 =	rddreg [dreg:$0x12];
	[sflag:s4] =	ssyncadd.s32 $0xFFFFF000  }
0x6a: {  	[spmem:s9] =	stream.linear.scatter [tilespmem:s10], [sflag:$0x3], $0x1000, $0x38;
	[tilespmem:$0x1C000] =	vst v63  }
0x6b: {  	_ =	swait.ge [sflag:s4], $0x1000  }
0x6c: {  	[sflag:s4] =	ssyncset.done $0x0  }
0x6d: {  	s9 =	rddreg [dreg:$0x13];
	[sflag:s4] =	ssyncadd.s32 $0xFFFFF000  }
0x6e: {  	[spmem:s9] =	stream.linear.scatter [tilespmem:s10], [sflag:$0x3], $0x1000, $0x38;
	[tilespmem:$0x1C000] =	vst v63  }
0x6f: {  	_ =	swait.ge [sflag:s4], $0x1000  }
0x70: {  	[sflag:s4] =	ssyncset.done $0x0  }
0x71: {  	s9 =	rddreg [dreg:$0x15];
	[sflag:s4] =	ssyncadd.s32 $0xFFFFF000  }
0x72: {  	[spmem:s9] =	stream.linear.scatter [tilespmem:s10], [sflag:$0x3], $0x1000, $0x38;
	[tilespmem:$0x1C000] =	vst v63  }
0x73: {  	_ =	swait.ge [sflag:s4], $0x1000  }
0x74: {  	[sflag:s4] =	ssyncset.done $0x0  }
0x75: {  	s9 =	rddreg [dreg:$0x16];
	[sflag:s4] =	ssyncadd.s32 $0xFFFFF000  }
0x76: {  	[spmem:s9] =	stream.linear.scatter [tilespmem:s10], [sflag:$0x3], $0x1000, $0x38;
	[tilespmem:$0x1C000] =	vst v63  }
0x77: {  	_ =	swait.ge [sflag:s4], $0x1000  }
0x78: {  	[sflag:s4] =	ssyncset.done $0x0  }
0x79: {  	s9 =	rddreg [dreg:$0x17];
	[sflag:s4] =	ssyncadd.s32 $0xFFFFF000  }
0x7a: {  	[spmem:s9] =	stream.linear.scatter [tilespmem:s10], [sflag:$0x3], $0x1000, $0x38;
	[tilespmem:$0x1C000] =	vst v63  }
0x7b: {  	_ =	swait.ge [sflag:s4], $0x1000  }
0x7c: {  	[sflag:s4] =	ssyncset.done $0x0  }
0x7d: {  	s9 =	rddreg [dreg:$0x1a];
	[sflag:s4] =	ssyncadd.s32 $0xFFFFF000  }
0x7e: {  	[spmem:s9] =	stream.linear.scatter [tilespmem:s10], [sflag:$0x3], $0x1000, $0x38;
	[tilespmem:$0x1C000] =	vst v63  }
0x7f: {  	_ =	swait.ge [sflag:s4], $0x1000  }
0x80: {  	[sflag:s4] =	ssyncset.done $0x0  }
0x81: {  	s9 =	rddreg [dreg:$0x1b];
	[sflag:s4] =	ssyncadd.s32 $0xFFFFF000  }
0x82: {  	[spmem:s9] =	stream.linear.scatter [tilespmem:s10], [sflag:$0x3], $0x1000, $0x38;
	[tilespmem:$0x1C000] =	vst v63  }
0x83: {  	_ =	swait.ge [sflag:s4], $0x1000  }
0x84: {  	[sflag:s4] =	ssyncset.done $0x0  }
0x85: {  	s9 =	rddreg [dreg:$0x1d];
	[sflag:s4] =	ssyncadd.s32 $0xFFFFF000  }
0x86: {  	[spmem:s9] =	stream.linear.scatter [tilespmem:s10], [sflag:$0x3], $0x1000, $0x38;
	[tilespmem:$0x1C000] =	vst v63  }
0x87: {  	_ =	swait.ge [sflag:s4], $0x1000  }
0x88: {  	[sflag:s4] =	ssyncset.done $0x0  }
0x89: {  	s9 =	rddreg [dreg:$0x1e];
	[sflag:s4] =	ssyncadd.s32 $0xFFFFF000  }
0x8a: {  	[spmem:s9] =	stream.linear.scatter [tilespmem:s10], [sflag:$0x3], $0x1000, $0x38;
	[tilespmem:$0x1C000] =	vst v63  }
0x8b: {  	_ =	swait.ge [sflag:s4], $0x1000  }
0x8c: {  	[sflag:s4] =	ssyncset.done $0x0  }
0x8d: {  	s9 =	rddreg [dreg:$0x1f];
	[sflag:s4] =	ssyncadd.s32 $0xFFFFF000  }
0x8e: {  	[spmem:s9] =	stream.linear.scatter [tilespmem:s10], [sflag:$0x3], $0x1000, $0x38;
	[tilespmem:$0x1C000] =	vst v63  }
0x8f: {  	_ =	swait.ge [sflag:s4], $0x1000  }
0x90: {  	s9 =	sld [smem:$0x7FC]  }
0x91: {  	[sflag:s4] =	ssyncset.done $0x0  }
0x92: {  	[sflag:s4] =	ssyncadd.s32 $0xFFFFF000  }
0x93: {  	[spmem:s9] =	stream.linear.scatter [tilespmem:s10], [sflag:$0x3], $0x1000, $0x38;
	[tilespmem:$0x1C000] =	vst v63  }
0x94: {  	_ =	swait.ge [sflag:s4], $0x1000  }
0x95: {  	s9 =	sld [smem:$0x7FD]  }
0x96: {  	[sflag:s4] =	ssyncset.done $0x0  }
0x97: {  	[sflag:s4] =	ssyncadd.s32 $0xFFFFF000  }
0x98: {  	[spmem:s9] =	stream.linear.scatter [tilespmem:s10], [sflag:$0x3], $0x1000, $0x38;
	[tilespmem:$0x1C000] =	vst v63  }
0x99: {  	_ =	swait.ge [sflag:s4], $0x1000  }
0x9a: {  	[sflag:s4] =	ssyncset.done $0x0  }
0x9b: {  	[sflag:s4] =	ssyncadd.s32 $0xFFFFF000  }
0x9c: {  	[bflag:$0x0] =	sbarrier.arrive $0xFFFF  }
0x9d: {  	s10 =	rddreg [dreg:$0x4]  }
0x9e: {  	s9 =	sadd.s32 $0x0, s10  }
0x9f: {  	[tilespmem:s21], [sflag:$0x3] =	stream.linear.gather [hbm4b:s9+s3], $0xC80, $0x38;
	[tilespmem:$0x1C000] =	vst v63  }
0xa0: {  	_ =	swait.ge [sflag:s4], $0xC80  }
0xa1: {  	[sflag:s4] =	ssyncset.done $0x0  }
0xa2: {  	[sflag:s4] =	ssyncadd.s32 $0xFFFFF380  }
0xa3: {  	[spmem:s2] =	stream.indirect.scatter.add.f32 [tilespmem:s25], [sflag:$0x2], $0x80, s21, s22, $0xb8;
	[tilespmem:$0x1C000] =	vst v63  }
0xa4: {  	_ = 	snop  }
0xa5: {  	[spmem:s2] =	stream.indirect.scatter.add.f32 [tilespmem:s25], [sflag:$0x2], $0x80, s8, s22, $0xb8;
	[tilespmem:$0x1C000] =	vst v63  }
0xa6: {  	s3 =	rddreg [dreg:$0x5]  }
0xa7: {  	[spmem:s2] =	stream.indirect.scatter.add.f32 [tilespmem:s25], [sflag:$0x2], $0x80, s3, s22, $0xb8;
	[tilespmem:$0x1C000] =	vst v63  }
0xa8: {  	s8 =	rddreg [dreg:$0x6]  }
0xa9: {  	[spmem:s2] =	stream.indirect.scatter.add.f32 [tilespmem:s25], [sflag:$0x2], $0x80, s8, s22, $0xb8;
	[tilespmem:$0x1C000] =	vst v63  }
0xaa: {  	s21 =	rddreg [dreg:$0x7]  }
0xab: {  	[spmem:s2] =	stream.indirect.scatter.add.f32 [tilespmem:s25], [sflag:$0x2], $0x80, s21, s22, $0xb8;
	[tilespmem:$0x1C000] =	vst v63  }
0xac: {  	_ = 	snop  }
0xad: {  	[spmem:s2] =	stream.indirect.scatter.add.f32 [tilespmem:s25], [sflag:$0x2], $0x80, s11, s22, $0xb8;
	[tilespmem:$0x1C000] =	vst v63  }
0xae: {  	_ = 	snop  }
0xaf: {  	[spmem:s2] =	stream.indirect.scatter.add.f32 [tilespmem:s25], [sflag:$0x2], $0x80, s12, s22, $0xb8;
	[tilespmem:$0x1C000] =	vst v63  }
0xb0: {  	_ = 	snop  }
0xb1: {  	[spmem:s2] =	stream.indirect.scatter.add.f32 [tilespmem:s25], [sflag:$0x2], $0x80, s13, s22, $0xb8;
	[tilespmem:$0x1C000] =	vst v63  }
0xb2: {  	_ = 	snop  }
0xb3: {  	[spmem:s2] =	stream.indirect.scatter.add.f32 [tilespmem:s25], [sflag:$0x2], $0x80, s14, s22, $0xb8;
	[tilespmem:$0x1C000] =	vst v63  }
0xb4: {  	_ = 	snop  }
0xb5: {  	[spmem:s2] =	stream.indirect.scatter.add.f32 [tilespmem:s25], [sflag:$0x2], $0x80, s15, s22, $0xb8;
	[tilespmem:$0x1C000] =	vst v63  }
0xb6: {  	_ = 	snop  }
0xb7: {  	[spmem:s2] =	stream.indirect.scatter.add.f32 [tilespmem:s25], [sflag:$0x2], $0x80, s16, s22, $0xb8;
	[tilespmem:$0x1C000] =	vst v63  }
0xb8: {  	_ = 	snop  }
0xb9: {  	[spmem:s2] =	stream.indirect.scatter.add.f32 [tilespmem:s25], [sflag:$0x2], $0x80, s18, s22, $0xb8;
	[tilespmem:$0x1C000] =	vst v63  }
0xba: {  	_ = 	snop  }
0xbb: {  	[spmem:s2] =	stream.indirect.scatter.add.f32 [tilespmem:s25], [sflag:$0x2], $0x80, s19, s22, $0xb8;
	[tilespmem:$0x1C000] =	vst v63  }
0xbc: {  	_ = 	snop  }
0xbd: {  	[spmem:s2] =	stream.indirect.scatter.add.f32 [tilespmem:s25], [sflag:$0x2], $0x80, s20, s22, $0xb8;
	[tilespmem:$0x1C000] =	vst v63  }
0xbe: {  	_ = 	snop  }
0xbf: {  	[spmem:s2] =	stream.indirect.scatter.add.f32 [tilespmem:s25], [sflag:$0x2], $0x80, s23, s22, $0xb8;
	[tilespmem:$0x1C000] =	vst v63  }
0xc0: {  	_ = 	snop  }
0xc1: {  	[spmem:s2] =	stream.indirect.scatter.add.f32 [tilespmem:s25], [sflag:$0x2], $0x80, s24, s22, $0xb8;
	[tilespmem:$0x1C000] =	vst v63  }
0xc2: {  	_ = 	snop  }
0xc3: {  	[spmem:s2] =	stream.indirect.scatter.add.f32 [tilespmem:s25], [sflag:$0x2], $0x80, s26, s22, $0xb8;
	[tilespmem:$0x1C000] =	vst v63  }
0xc4: {  	_ = 	snop  }
0xc5: {  	[spmem:s2] =	stream.indirect.scatter.add.f32 [tilespmem:s25], [sflag:$0x2], $0x80, s28, s22, $0xb8;
	[tilespmem:$0x1C000] =	vst v63  }
0xc6: {  	_ = 	snop  }
0xc7: {  	[spmem:s2] =	stream.indirect.scatter.add.f32 [tilespmem:s25], [sflag:$0x2], $0x80, s29, s22, $0xb8;
	[tilespmem:$0x1C000] =	vst v63  }
0xc8: {  	_ = 	snop  }
0xc9: {  	[spmem:s2] =	stream.indirect.scatter.add.f32 [tilespmem:s25], [sflag:$0x2], $0x80, s30, s22, $0xb8;
	[tilespmem:$0x1C000] =	vst v63  }
0xca: {  	_ = 	snop  }
0xcb: {  	[spmem:s2] =	stream.indirect.scatter.add.f32 [tilespmem:s25], [sflag:$0x2], $0x80, s31, s22, $0xb8;
	[tilespmem:$0x1C000] =	vst v63  }
0xcc: {  	_ = 	snop  }
0xcd: {  	[spmem:s2] =	stream.indirect.scatter.add.f32 [tilespmem:s25], [sflag:$0x2], $0x80, s7, s22, $0xb8;
	[tilespmem:$0x1C000] =	vst v63  }
0xce: {  	_ = 	snop  }
0xcf: {  	[spmem:s2] =	stream.indirect.scatter.add.f32 [tilespmem:s25], [sflag:$0x2], $0x80, s0, s22, $0xb8;
	[tilespmem:$0x1C000] =	vst v63  }
0xd0: {  	s24 =	simm.s32 $0x1B80  }
0xd1: {  	[spmem:s2] =	stream.indirect.scatter.add.f32 [tilespmem:s25], [sflag:$0x2], $0x80, s24, s22, $0xb8;
	[tilespmem:$0x1C000] =	vst v63  }
0xd2: {  	s26 =	simm.s32 $0x1C00  }
0xd3: {  	[spmem:s2] =	stream.indirect.scatter.add.f32 [tilespmem:s25], [sflag:$0x2], $0x80, s26, s22, $0xb8;
	[tilespmem:$0x1C000] =	vst v63  }
0xd4: {  	_ =	swait.ge [sflag:s5], $0x2800  }
0xd5: {  	[sflag:s5] =	ssyncset.done $0x0  }
0xd6: {  	[sflag:s5] =	ssyncadd.s32 $0xFFFFD800  }
0xd7: {  	_ =	swait.ge [sflag:s5], $0x2800  }
0xd8: {  	[sflag:s5] =	ssyncset.done $0x0  }
0xd9: {  	[sflag:s5] =	ssyncadd.s32 $0xFFFFD800  }
0xda: {  	_ =	swait.ge [sflag:s5], $0x2800  }
0xdb: {  	[sflag:s5] =	ssyncset.done $0x0  }
0xdc: {  	[sflag:s5] =	ssyncadd.s32 $0xFFFFD800  }
0xdd: {  	_ =	swait.ge [sflag:s5], $0x2800  }
0xde: {  	[sflag:s5] =	ssyncset.done $0x0  }
0xdf: {  	[sflag:s5] =	ssyncadd.s32 $0xFFFFD800  }
0xe0: {  	_ =	swait.ge [sflag:s5], $0x2800  }
0xe1: {  	[sflag:s5] =	ssyncset.done $0x0  }
0xe2: {  	[sflag:s5] =	ssyncadd.s32 $0xFFFFD800  }
0xe3: {  	_ =	swait.ge [sflag:s5], $0x2800  }
0xe4: {  	[sflag:s5] =	ssyncset.done $0x0  }
0xe5: {  	[sflag:s5] =	ssyncadd.s32 $0xFFFFD800  }
0xe6: {  	_ =	swait.ge [sflag:s5], $0x2800  }
0xe7: {  	[sflag:s5] =	ssyncset.done $0x0  }
0xe8: {  	[sflag:s5] =	ssyncadd.s32 $0xFFFFD800  }
0xe9: {  	_ =	swait.ge [sflag:s5], $0x2800  }
0xea: {  	[sflag:s5] =	ssyncset.done $0x0  }
0xeb: {  	[sflag:s5] =	ssyncadd.s32 $0xFFFFD800  }
0xec: {  	_ =	swait.ge [sflag:s5], $0x2800  }
0xed: {  	[sflag:s5] =	ssyncset.done $0x0  }
0xee: {  	[sflag:s5] =	ssyncadd.s32 $0xFFFFD800  }
0xef: {  	_ =	swait.ge [sflag:s5], $0x2800  }
0xf0: {  	[sflag:s5] =	ssyncset.done $0x0  }
0xf1: {  	[sflag:s5] =	ssyncadd.s32 $0xFFFFD800  }
0xf2: {  	_ =	swait.ge [sflag:s5], $0x2800  }
0xf3: {  	[sflag:s5] =	ssyncset.done $0x0  }
0xf4: {  	[sflag:s5] =	ssyncadd.s32 $0xFFFFD800  }
0xf5: {  	_ =	swait.ge [sflag:s5], $0x2800  }
0xf6: {  	[sflag:s5] =	ssyncset.done $0x0  }
0xf7: {  	[sflag:s5] =	ssyncadd.s32 $0xFFFFD800  }
0xf8: {  	_ =	swait.ge [sflag:s5], $0x2800  }
0xf9: {  	[sflag:s5] =	ssyncset.done $0x0  }
0xfa: {  	[sflag:s5] =	ssyncadd.s32 $0xFFFFD800  }
0xfb: {  	_ =	swait.ge [sflag:s5], $0x2800  }
0xfc: {  	[sflag:s5] =	ssyncset.done $0x0  }
0xfd: {  	[sflag:s5] =	ssyncadd.s32 $0xFFFFD800  }
0xfe: {  	_ =	swait.ge [sflag:s5], $0x2800  }
0xff: {  	[sflag:s5] =	ssyncset.done $0x0  }
0x100: {  	[sflag:s5] =	ssyncadd.s32 $0xFFFFD800  }
0x101: {  	_ =	swait.ge [sflag:s5], $0x2800  }
0x102: {  	[sflag:s5] =	ssyncset.done $0x0  }
0x103: {  	[sflag:s5] =	ssyncadd.s32 $0xFFFFD800  }
0x104: {  	_ =	swait.ge [sflag:s5], $0x2800  }
0x105: {  	[sflag:s5] =	ssyncset.done $0x0  }
0x106: {  	[sflag:s5] =	ssyncadd.s32 $0xFFFFD800  }
0x107: {  	_ =	swait.ge [sflag:s5], $0x2800  }
0x108: {  	[sflag:s5] =	ssyncset.done $0x0  }
0x109: {  	[sflag:s5] =	ssyncadd.s32 $0xFFFFD800  }
0x10a: {  	_ =	swait.ge [sflag:s5], $0x2800  }
0x10b: {  	[sflag:s5] =	ssyncset.done $0x0  }
0x10c: {  	[sflag:s5] =	ssyncadd.s32 $0xFFFFD800  }
0x10d: {  	_ =	swait.ge [sflag:s5], $0x2800  }
0x10e: {  	[sflag:s5] =	ssyncset.done $0x0  }
0x10f: {  	[sflag:s5] =	ssyncadd.s32 $0xFFFFD800  }
0x110: {  	_ =	swait.ge [sflag:s5], $0x2800  }
0x111: {  	[sflag:s5] =	ssyncset.done $0x0  }
0x112: {  	[sflag:s5] =	ssyncadd.s32 $0xFFFFD800  }
0x113: {  	s10 =	simm.s32 $0x400;
	s9 =	simm.s32 $0x200;
	_ =	swait.ge [sflag:s5], $0x2800  }
0x114: {  	s3 =	simm.s32 $0x1A80;
	s8 =	simm.s32 $0x0;
	[sflag:s5] =	ssyncset.done $0x0  }
0x115: {  	s21 =	simm.s32 $0x1000;
	s13 =	simm.s32 $0x1300;
	[sflag:s5] =	ssyncadd.s32 $0xFFFFD800  }
0x116: {  	s14 =	simm.s32 $0x1380;
	s15 =	simm.s32 $0x1400;
	_ =	swait.ge [sflag:s5], $0x2800  }
0x117: {  	s16 =	simm.s32 $0x1480;
	s18 =	simm.s32 $0x1500;
	[sflag:s5] =	ssyncset.done $0x0  }
0x118: {  	s19 =	simm.s32 $0x1580;
	s20 =	simm.s32 $0x1600;
	[sflag:s5] =	ssyncadd.s32 $0xFFFFD800  }
0x119: {  	s23 =	simm.s32 $0x1680;
	s28 =	simm.s32 $0x1800;
	_ =	swait.ge [sflag:s5], $0x2800  }
0x11a: {  	s29 =	simm.s32 $0x1880;
	s30 =	simm.s32 $0x1900;
	[sflag:s5] =	ssyncset.done $0x0  }
0x11b: {  	s31 =	simm.s32 $0x1980;
	s7 =	simm.s32 $0x1A00;
	[sflag:s5] =	ssyncadd.s32 $0xFFFFD800  }
0x11c: {  	s0 =	simm.s32 $0x1080;
	s24 =	simm.s32 $0x1700;
	_ =	swait.ge [sflag:s5], $0x2800  }
0x11d: {  	s26 =	simm.s32 $0x1780;
	s11 =	rddreg [dreg:$0x4];
	[sflag:s5] =	ssyncset.done $0x0  }
.LBB2_6:
0x11e: {  	[sflag:s5] =	ssyncadd.s32 $0xFFFFD800;
	s11 =	sadd.s32 s9, s11  }
0x11f: {  	[tilespmem:s21], [sflag:$0x3] =	stream.linear.gather [hbm4b:s11+s8], $0xC80, $0x38;
	[tilespmem:$0x1C000] =	vst v63  }
0x120: {  	_ =	swait.ge [sflag:s4], $0xC80  }
0x121: {  	[sflag:s4] =	ssyncset.done $0x0  }
0x122: {  	[sflag:s4] =	ssyncadd.s32 $0xFFFFF380  }
0x123: {  	[spmem:s2] =	stream.indirect.scatter.add.f32 [tilespmem:s25], [sflag:$0x2], $0x80, s21, s22, $0xb8;
	[tilespmem:$0x1C000] =	vst v63  }
0x124: {  	_ = 	snop  }
0x125: {  	[spmem:s2] =	stream.indirect.scatter.add.f32 [tilespmem:s25], [sflag:$0x2], $0x80, s0, s22, $0xb8;
	[tilespmem:$0x1C000] =	vst v63  }
0x126: {  	s12 =	smov.u32 s10;
	s11 =	rddreg [dreg:$0x5]  }
0x127: {  	[spmem:s2] =	stream.indirect.scatter.add.f32 [tilespmem:s25], [sflag:$0x2], $0x80, s11, s22, $0xb8;
	[tilespmem:$0x1C000] =	vst v63  }
0x128: {  	s9 =	smov.u32 s12;
	s12 =	rddreg [dreg:$0x6]  }
0x129: {  	[spmem:s2] =	stream.indirect.scatter.add.f32 [tilespmem:s25], [sflag:$0x2], $0x80, s12, s22, $0xb8;
	[tilespmem:$0x1C000] =	vst v63  }
0x12a: {  	s11 =	rddreg [dreg:$0x7]  }
0x12b: {  	[spmem:s2] =	stream.indirect.scatter.add.f32 [tilespmem:s25], [sflag:$0x2], $0x80, s11, s22, $0xb8;
	[tilespmem:$0x1C000] =	vst v63  }
0x12c: {  	s12 =	simm.s32 $0x1280  }
0x12d: {  	[spmem:s2] =	stream.indirect.scatter.add.f32 [tilespmem:s25], [sflag:$0x2], $0x80, s12, s22, $0xb8;
	[tilespmem:$0x1C000] =	vst v63  }
0x12e: {  	_ = 	snop  }
0x12f: {  	[spmem:s2] =	stream.indirect.scatter.add.f32 [tilespmem:s25], [sflag:$0x2], $0x80, s13, s22, $0xb8;
	[tilespmem:$0x1C000] =	vst v63  }
0x130: {  	_ = 	snop  }
0x131: {  	[spmem:s2] =	stream.indirect.scatter.add.f32 [tilespmem:s25], [sflag:$0x2], $0x80, s14, s22, $0xb8;
	[tilespmem:$0x1C000] =	vst v63  }
0x132: {  	_ = 	snop  }
0x133: {  	[spmem:s2] =	stream.indirect.scatter.add.f32 [tilespmem:s25], [sflag:$0x2], $0x80, s15, s22, $0xb8;
	[tilespmem:$0x1C000] =	vst v63  }
0x134: {  	_ = 	snop  }
0x135: {  	[spmem:s2] =	stream.indirect.scatter.add.f32 [tilespmem:s25], [sflag:$0x2], $0x80, s16, s22, $0xb8;
	[tilespmem:$0x1C000] =	vst v63  }
0x136: {  	_ = 	snop  }
0x137: {  	[spmem:s2] =	stream.indirect.scatter.add.f32 [tilespmem:s25], [sflag:$0x2], $0x80, s18, s22, $0xb8;
	[tilespmem:$0x1C000] =	vst v63  }
0x138: {  	_ = 	snop  }
0x139: {  	[spmem:s2] =	stream.indirect.scatter.add.f32 [tilespmem:s25], [sflag:$0x2], $0x80, s19, s22, $0xb8;
	[tilespmem:$0x1C000] =	vst v63  }
0x13a: {  	_ = 	snop  }
0x13b: {  	[spmem:s2] =	stream.indirect.scatter.add.f32 [tilespmem:s25], [sflag:$0x2], $0x80, s20, s22, $0xb8;
	[tilespmem:$0x1C000] =	vst v63  }
0x13c: {  	_ = 	snop  }
0x13d: {  	[spmem:s2] =	stream.indirect.scatter.add.f32 [tilespmem:s25], [sflag:$0x2], $0x80, s23, s22, $0xb8;
	[tilespmem:$0x1C000] =	vst v63  }
0x13e: {  	_ = 	snop  }
0x13f: {  	[spmem:s2] =	stream.indirect.scatter.add.f32 [tilespmem:s25], [sflag:$0x2], $0x80, s24, s22, $0xb8;
	[tilespmem:$0x1C000] =	vst v63  }
0x140: {  	_ = 	snop  }
0x141: {  	[spmem:s2] =	stream.indirect.scatter.add.f32 [tilespmem:s25], [sflag:$0x2], $0x80, s26, s22, $0xb8;
	[tilespmem:$0x1C000] =	vst v63  }
0x142: {  	_ = 	snop  }
0x143: {  	[spmem:s2] =	stream.indirect.scatter.add.f32 [tilespmem:s25], [sflag:$0x2], $0x80, s28, s22, $0xb8;
	[tilespmem:$0x1C000] =	vst v63  }
0x144: {  	_ = 	snop  }
0x145: {  	[spmem:s2] =	stream.indirect.scatter.add.f32 [tilespmem:s25], [sflag:$0x2], $0x80, s29, s22, $0xb8;
	[tilespmem:$0x1C000] =	vst v63  }
0x146: {  	_ = 	snop  }
0x147: {  	[spmem:s2] =	stream.indirect.scatter.add.f32 [tilespmem:s25], [sflag:$0x2], $0x80, s30, s22, $0xb8;
	[tilespmem:$0x1C000] =	vst v63  }
0x148: {  	_ = 	snop  }
0x149: {  	[spmem:s2] =	stream.indirect.scatter.add.f32 [tilespmem:s25], [sflag:$0x2], $0x80, s31, s22, $0xb8;
	[tilespmem:$0x1C000] =	vst v63  }
0x14a: {  	_ = 	snop  }
0x14b: {  	[spmem:s2] =	stream.indirect.scatter.add.f32 [tilespmem:s25], [sflag:$0x2], $0x80, s7, s22, $0xb8;
	[tilespmem:$0x1C000] =	vst v63  }
0x14c: {  	_ = 	snop  }
0x14d: {  	[spmem:s2] =	stream.indirect.scatter.add.f32 [tilespmem:s25], [sflag:$0x2], $0x80, s3, s22, $0xb8;
	[tilespmem:$0x1C000] =	vst v63  }
0x14e: {  	s11 =	simm.s32 $0x1B00  }
0x14f: {  	[spmem:s2] =	stream.indirect.scatter.add.f32 [tilespmem:s25], [sflag:$0x2], $0x80, s11, s22, $0xb8;
	[tilespmem:$0x1C000] =	vst v63  }
0x150: {  	s11 =	simm.s32 $0x1B80  }
0x151: {  	[spmem:s2] =	stream.indirect.scatter.add.f32 [tilespmem:s25], [sflag:$0x2], $0x80, s11, s22, $0xb8;
	[tilespmem:$0x1C000] =	vst v63  }
0x152: {  	s11 =	simm.s32 $0x1C00  }
0x153: {  	[spmem:s2] =	stream.indirect.scatter.add.f32 [tilespmem:s25], [sflag:$0x2], $0x80, s11, s22, $0xb8;
	[tilespmem:$0x1C000] =	vst v63  }
0x154: {  	_ =	swait.ge [sflag:s5], $0x2800  }
0x155: {  	[sflag:s5] =	ssyncset.done $0x0  }
0x156: {  	[sflag:s5] =	ssyncadd.s32 $0xFFFFD800  }
0x157: {  	_ =	swait.ge [sflag:s5], $0x2800  }
0x158: {  	[sflag:s5] =	ssyncset.done $0x0  }
0x159: {  	[sflag:s5] =	ssyncadd.s32 $0xFFFFD800  }
0x15a: {  	_ =	swait.ge [sflag:s5], $0x2800  }
0x15b: {  	[sflag:s5] =	ssyncset.done $0x0  }
0x15c: {  	[sflag:s5] =	ssyncadd.s32 $0xFFFFD800  }
0x15d: {  	_ =	swait.ge [sflag:s5], $0x2800  }
0x15e: {  	[sflag:s5] =	ssyncset.done $0x0  }
0x15f: {  	[sflag:s5] =	ssyncadd.s32 $0xFFFFD800  }
0x160: {  	_ =	swait.ge [sflag:s5], $0x2800  }
0x161: {  	[sflag:s5] =	ssyncset.done $0x0  }
0x162: {  	[sflag:s5] =	ssyncadd.s32 $0xFFFFD800  }
0x163: {  	_ =	swait.ge [sflag:s5], $0x2800  }
0x164: {  	[sflag:s5] =	ssyncset.done $0x0  }
0x165: {  	[sflag:s5] =	ssyncadd.s32 $0xFFFFD800  }
0x166: {  	_ =	swait.ge [sflag:s5], $0x2800  }
0x167: {  	[sflag:s5] =	ssyncset.done $0x0  }
0x168: {  	[sflag:s5] =	ssyncadd.s32 $0xFFFFD800  }
0x169: {  	_ =	swait.ge [sflag:s5], $0x2800  }
0x16a: {  	[sflag:s5] =	ssyncset.done $0x0  }
0x16b: {  	[sflag:s5] =	ssyncadd.s32 $0xFFFFD800  }
0x16c: {  	_ =	swait.ge [sflag:s5], $0x2800  }
0x16d: {  	[sflag:s5] =	ssyncset.done $0x0  }
0x16e: {  	[sflag:s5] =	ssyncadd.s32 $0xFFFFD800  }
0x16f: {  	_ =	swait.ge [sflag:s5], $0x2800  }
0x170: {  	[sflag:s5] =	ssyncset.done $0x0  }
0x171: {  	[sflag:s5] =	ssyncadd.s32 $0xFFFFD800  }
0x172: {  	_ =	swait.ge [sflag:s5], $0x2800  }
0x173: {  	[sflag:s5] =	ssyncset.done $0x0  }
0x174: {  	[sflag:s5] =	ssyncadd.s32 $0xFFFFD800  }
0x175: {  	_ =	swait.ge [sflag:s5], $0x2800  }
0x176: {  	[sflag:s5] =	ssyncset.done $0x0  }
0x177: {  	[sflag:s5] =	ssyncadd.s32 $0xFFFFD800  }
0x178: {  	_ =	swait.ge [sflag:s5], $0x2800  }
0x179: {  	[sflag:s5] =	ssyncset.done $0x0  }
0x17a: {  	[sflag:s5] =	ssyncadd.s32 $0xFFFFD800  }
0x17b: {  	_ =	swait.ge [sflag:s5], $0x2800  }
0x17c: {  	[sflag:s5] =	ssyncset.done $0x0  }
0x17d: {  	[sflag:s5] =	ssyncadd.s32 $0xFFFFD800  }
0x17e: {  	_ =	swait.ge [sflag:s5], $0x2800  }
0x17f: {  	[sflag:s5] =	ssyncset.done $0x0  }
0x180: {  	[sflag:s5] =	ssyncadd.s32 $0xFFFFD800  }
0x181: {  	_ =	swait.ge [sflag:s5], $0x2800  }
0x182: {  	[sflag:s5] =	ssyncset.done $0x0  }
0x183: {  	[sflag:s5] =	ssyncadd.s32 $0xFFFFD800  }
0x184: {  	_ =	swait.ge [sflag:s5], $0x2800  }
0x185: {  	[sflag:s5] =	ssyncset.done $0x0  }
0x186: {  	[sflag:s5] =	ssyncadd.s32 $0xFFFFD800  }
0x187: {  	_ =	swait.ge [sflag:s5], $0x2800  }
0x188: {  	[sflag:s5] =	ssyncset.done $0x0  }
0x189: {  	[sflag:s5] =	ssyncadd.s32 $0xFFFFD800  }
0x18a: {  	_ =	swait.ge [sflag:s5], $0x2800  }
0x18b: {  	[sflag:s5] =	ssyncset.done $0x0  }
0x18c: {  	[sflag:s5] =	ssyncadd.s32 $0xFFFFD800  }
0x18d: {  	_ =	swait.ge [sflag:s5], $0x2800  }
0x18e: {  	[sflag:s5] =	ssyncset.done $0x0  }
0x18f: {  	[sflag:s5] =	ssyncadd.s32 $0xFFFFD800  }
0x190: {  	_ =	swait.ge [sflag:s5], $0x2800  }
0x191: {  	[sflag:s5] =	ssyncset.done $0x0  }
0x192: {  	[sflag:s5] =	ssyncadd.s32 $0xFFFFD800  }
0x193: {  	_ =	swait.ge [sflag:s5], $0x2800  }
0x194: {  	[sflag:s5] =	ssyncset.done $0x0  }
0x195: {  	[sflag:s5] =	ssyncadd.s32 $0xFFFFD800  }
0x196: {  	_ =	swait.ge [sflag:s5], $0x2800  }
0x197: {  	[sflag:s5] =	ssyncset.done $0x0  }
0x198: {  	p0 =	sne.s32 s10, $0x800;
	[sflag:s5] =	ssyncadd.s32 $0xFFFFD800  }
.Ltmp2:
0x199: {  	_ =	swait.ge [sflag:s5], $0x2800;
	(pc) =	sbr.rel @p0 .LBB2_6-.Ltmp2, $4  }
0x19a: {  	[sflag:s5] =	ssyncset.done $0x0  }
0x19b: {  	[sflag:s5] =	ssyncadd.s32 $0xFFFFD800  }
0x19c: {  	_ =	swait.ge [sflag:s5], $0x2800  }
0x19d: {  	s10 =	sadd.s32 $0x200, s10;
	s11 =	rddreg [dreg:$0x4];
	[sflag:s5] =	ssyncset.done $0x0  }
0x19e: {  	[sflag:s5] =	ssyncadd.s32 $0xFFFFD800;
	s9 =	sadd.s32 s9, s11  }
0x19f: {  	[tilespmem:s21], [sflag:$0x3] =	stream.linear.gather [hbm4b:s9+s8], $0xC80, $0x38;
	[tilespmem:$0x1C000] =	vst v63  }
0x1a0: {  	_ =	swait.ge [sflag:s4], $0xC80  }
0x1a1: {  	[sflag:s4] =	ssyncset.done $0x0  }
0x1a2: {  	[sflag:s4] =	ssyncadd.s32 $0xFFFFF380  }
0x1a3: {  	[spmem:s2] =	stream.indirect.scatter.add.f32 [tilespmem:s25], [sflag:$0x2], $0x80, s21, s22, $0xb8;
	[tilespmem:$0x1C000] =	vst v63  }
0x1a4: {  	_ = 	snop  }
0x1a5: {  	[spmem:s2] =	stream.indirect.scatter.add.f32 [tilespmem:s25], [sflag:$0x2], $0x80, s0, s22, $0xb8;
	[tilespmem:$0x1C000] =	vst v63  }
0x1a6: {  	s21 =	rddreg [dreg:$0x5]  }
0x1a7: {  	[spmem:s2] =	stream.indirect.scatter.add.f32 [tilespmem:s25], [sflag:$0x2], $0x80, s21, s22, $0xb8;
	[tilespmem:$0x1C000] =	vst v63  }
0x1a8: {  	s10 =	rddreg [dreg:$0x6]  }
0x1a9: {  	[spmem:s2] =	stream.indirect.scatter.add.f32 [tilespmem:s25], [sflag:$0x2], $0x80, s10, s22, $0xb8;
	[tilespmem:$0x1C000] =	vst v63  }
0x1aa: {  	s0 =	rddreg [dreg:$0x7]  }
0x1ab: {  	[spmem:s2] =	stream.indirect.scatter.add.f32 [tilespmem:s25], [sflag:$0x2], $0x80, s0, s22, $0xb8;
	[tilespmem:$0x1C000] =	vst v63  }
0x1ac: {  	_ = 	snop  }
0x1ad: {  	[spmem:s2] =	stream.indirect.scatter.add.f32 [tilespmem:s25], [sflag:$0x2], $0x80, s12, s22, $0xb8;
	[tilespmem:$0x1C000] =	vst v63  }
0x1ae: {  	_ = 	snop  }
0x1af: {  	[spmem:s2] =	stream.indirect.scatter.add.f32 [tilespmem:s25], [sflag:$0x2], $0x80, s13, s22, $0xb8;
	[tilespmem:$0x1C000] =	vst v63  }
0x1b0: {  	_ = 	snop  }
0x1b1: {  	[spmem:s2] =	stream.indirect.scatter.add.f32 [tilespmem:s25], [sflag:$0x2], $0x80, s14, s22, $0xb8;
	[tilespmem:$0x1C000] =	vst v63  }
0x1b2: {  	_ = 	snop  }
0x1b3: {  	[spmem:s2] =	stream.indirect.scatter.add.f32 [tilespmem:s25], [sflag:$0x2], $0x80, s15, s22, $0xb8;
	[tilespmem:$0x1C000] =	vst v63  }
0x1b4: {  	_ = 	snop  }
0x1b5: {  	[spmem:s2] =	stream.indirect.scatter.add.f32 [tilespmem:s25], [sflag:$0x2], $0x80, s16, s22, $0xb8;
	[tilespmem:$0x1C000] =	vst v63  }
0x1b6: {  	_ = 	snop  }
0x1b7: {  	[spmem:s2] =	stream.indirect.scatter.add.f32 [tilespmem:s25], [sflag:$0x2], $0x80, s18, s22, $0xb8;
	[tilespmem:$0x1C000] =	vst v63  }
0x1b8: {  	_ = 	snop  }
0x1b9: {  	[spmem:s2] =	stream.indirect.scatter.add.f32 [tilespmem:s25], [sflag:$0x2], $0x80, s19, s22, $0xb8;
	[tilespmem:$0x1C000] =	vst v63  }
0x1ba: {  	_ = 	snop  }
0x1bb: {  	[spmem:s2] =	stream.indirect.scatter.add.f32 [tilespmem:s25], [sflag:$0x2], $0x80, s20, s22, $0xb8;
	[tilespmem:$0x1C000] =	vst v63  }
0x1bc: {  	_ = 	snop  }
0x1bd: {  	[spmem:s2] =	stream.indirect.scatter.add.f32 [tilespmem:s25], [sflag:$0x2], $0x80, s23, s22, $0xb8;
	[tilespmem:$0x1C000] =	vst v63  }
0x1be: {  	_ = 	snop  }
0x1bf: {  	[spmem:s2] =	stream.indirect.scatter.add.f32 [tilespmem:s25], [sflag:$0x2], $0x80, s24, s22, $0xb8;
	[tilespmem:$0x1C000] =	vst v63  }
0x1c0: {  	_ = 	snop  }
0x1c1: {  	[spmem:s2] =	stream.indirect.scatter.add.f32 [tilespmem:s25], [sflag:$0x2], $0x80, s26, s22, $0xb8;
	[tilespmem:$0x1C000] =	vst v63  }
0x1c2: {  	_ = 	snop  }
0x1c3: {  	[spmem:s2] =	stream.indirect.scatter.add.f32 [tilespmem:s25], [sflag:$0x2], $0x80, s28, s22, $0xb8;
	[tilespmem:$0x1C000] =	vst v63  }
0x1c4: {  	_ = 	snop  }
0x1c5: {  	[spmem:s2] =	stream.indirect.scatter.add.f32 [tilespmem:s25], [sflag:$0x2], $0x80, s29, s22, $0xb8;
	[tilespmem:$0x1C000] =	vst v63  }
0x1c6: {  	_ = 	snop  }
0x1c7: {  	[spmem:s2] =	stream.indirect.scatter.add.f32 [tilespmem:s25], [sflag:$0x2], $0x80, s30, s22, $0xb8;
	[tilespmem:$0x1C000] =	vst v63  }
0x1c8: {  	_ = 	snop  }
0x1c9: {  	[spmem:s2] =	stream.indirect.scatter.add.f32 [tilespmem:s25], [sflag:$0x2], $0x80, s31, s22, $0xb8;
	[tilespmem:$0x1C000] =	vst v63  }
0x1ca: {  	_ = 	snop  }
0x1cb: {  	[spmem:s2] =	stream.indirect.scatter.add.f32 [tilespmem:s25], [sflag:$0x2], $0x80, s7, s22, $0xb8;
	[tilespmem:$0x1C000] =	vst v63  }
0x1cc: {  	_ = 	snop  }
0x1cd: {  	[spmem:s2] =	stream.indirect.scatter.add.f32 [tilespmem:s25], [sflag:$0x2], $0x80, s3, s22, $0xb8;
	[tilespmem:$0x1C000] =	vst v63  }
0x1ce: {  	s8 =	simm.s32 $0x1B00  }
0x1cf: {  	[spmem:s2] =	stream.indirect.scatter.add.f32 [tilespmem:s25], [sflag:$0x2], $0x80, s8, s22, $0xb8;
	[tilespmem:$0x1C000] =	vst v63  }
0x1d0: {  	s9 =	simm.s32 $0x1B80  }
0x1d1: {  	[spmem:s2] =	stream.indirect.scatter.add.f32 [tilespmem:s25], [sflag:$0x2], $0x80, s9, s22, $0xb8;
	[tilespmem:$0x1C000] =	vst v63  }
0x1d2: {  	s10 =	simm.s32 $0x1C00  }
0x1d3: {  	[spmem:s2] =	stream.indirect.scatter.add.f32 [tilespmem:s25], [sflag:$0x2], $0x80, s10, s22, $0xb8;
	[tilespmem:$0x1C000] =	vst v63  }
0x1d4: {  	_ =	swait.ge [sflag:s5], $0x2800  }
0x1d5: {  	[sflag:s5] =	ssyncset.done $0x0  }
0x1d6: {  	[sflag:s5] =	ssyncadd.s32 $0xFFFFD800  }
0x1d7: {  	_ =	swait.ge [sflag:s5], $0x2800  }
0x1d8: {  	[sflag:s5] =	ssyncset.done $0x0  }
0x1d9: {  	[sflag:s5] =	ssyncadd.s32 $0xFFFFD800  }
0x1da: {  	_ =	swait.ge [sflag:s5], $0x2800  }
0x1db: {  	[sflag:s5] =	ssyncset.done $0x0  }
0x1dc: {  	[sflag:s5] =	ssyncadd.s32 $0xFFFFD800  }
0x1dd: {  	_ =	swait.ge [sflag:s5], $0x2800  }
0x1de: {  	[sflag:s5] =	ssyncset.done $0x0  }
0x1df: {  	[sflag:s5] =	ssyncadd.s32 $0xFFFFD800  }
0x1e0: {  	_ =	swait.ge [sflag:s5], $0x2800  }
0x1e1: {  	[sflag:s5] =	ssyncset.done $0x0  }
0x1e2: {  	[sflag:s5] =	ssyncadd.s32 $0xFFFFD800  }
0x1e3: {  	_ =	swait.ge [sflag:s5], $0x2800  }
0x1e4: {  	[sflag:s5] =	ssyncset.done $0x0  }
0x1e5: {  	[sflag:s5] =	ssyncadd.s32 $0xFFFFD800  }
0x1e6: {  	_ =	swait.ge [sflag:s5], $0x2800  }
0x1e7: {  	[sflag:s5] =	ssyncset.done $0x0  }
0x1e8: {  	[sflag:s5] =	ssyncadd.s32 $0xFFFFD800  }
0x1e9: {  	_ =	swait.ge [sflag:s5], $0x2800  }
0x1ea: {  	[sflag:s5] =	ssyncset.done $0x0  }
0x1eb: {  	[sflag:s5] =	ssyncadd.s32 $0xFFFFD800  }
0x1ec: {  	_ =	swait.ge [sflag:s5], $0x2800  }
0x1ed: {  	[sflag:s5] =	ssyncset.done $0x0  }
0x1ee: {  	[sflag:s5] =	ssyncadd.s32 $0xFFFFD800  }
0x1ef: {  	_ =	swait.ge [sflag:s5], $0x2800  }
0x1f0: {  	[sflag:s5] =	ssyncset.done $0x0  }
0x1f1: {  	[sflag:s5] =	ssyncadd.s32 $0xFFFFD800  }
0x1f2: {  	_ =	swait.ge [sflag:s5], $0x2800  }
0x1f3: {  	[sflag:s5] =	ssyncset.done $0x0  }
0x1f4: {  	[sflag:s5] =	ssyncadd.s32 $0xFFFFD800  }
0x1f5: {  	_ =	swait.ge [sflag:s5], $0x2800  }
0x1f6: {  	[sflag:s5] =	ssyncset.done $0x0  }
0x1f7: {  	[sflag:s5] =	ssyncadd.s32 $0xFFFFD800  }
0x1f8: {  	_ =	swait.ge [sflag:s5], $0x2800  }
0x1f9: {  	[sflag:s5] =	ssyncset.done $0x0  }
0x1fa: {  	[sflag:s5] =	ssyncadd.s32 $0xFFFFD800  }
0x1fb: {  	_ =	swait.ge [sflag:s5], $0x2800  }
0x1fc: {  	[sflag:s5] =	ssyncset.done $0x0  }
0x1fd: {  	[sflag:s5] =	ssyncadd.s32 $0xFFFFD800  }
0x1fe: {  	_ =	swait.ge [sflag:s5], $0x2800  }
0x1ff: {  	[sflag:s5] =	ssyncset.done $0x0  }
0x200: {  	[sflag:s5] =	ssyncadd.s32 $0xFFFFD800  }
0x201: {  	_ =	swait.ge [sflag:s5], $0x2800  }
0x202: {  	[sflag:s5] =	ssyncset.done $0x0  }
0x203: {  	[sflag:s5] =	ssyncadd.s32 $0xFFFFD800  }
0x204: {  	_ =	swait.ge [sflag:s5], $0x2800  }
0x205: {  	[sflag:s5] =	ssyncset.done $0x0  }
0x206: {  	[sflag:s5] =	ssyncadd.s32 $0xFFFFD800  }
0x207: {  	_ =	swait.ge [sflag:s5], $0x2800  }
0x208: {  	[sflag:s5] =	ssyncset.done $0x0  }
0x209: {  	[sflag:s5] =	ssyncadd.s32 $0xFFFFD800  }
0x20a: {  	_ =	swait.ge [sflag:s5], $0x2800  }
0x20b: {  	[sflag:s5] =	ssyncset.done $0x0  }
0x20c: {  	[sflag:s5] =	ssyncadd.s32 $0xFFFFD800  }
0x20d: {  	_ =	swait.ge [sflag:s5], $0x2800  }
0x20e: {  	[sflag:s5] =	ssyncset.done $0x0  }
0x20f: {  	[sflag:s5] =	ssyncadd.s32 $0xFFFFD800  }
0x210: {  	_ =	swait.ge [sflag:s5], $0x2800  }
0x211: {  	[sflag:s5] =	ssyncset.done $0x0  }
0x212: {  	[sflag:s5] =	ssyncadd.s32 $0xFFFFD800  }
0x213: {  	_ =	swait.ge [sflag:s5], $0x2800  }
0x214: {  	[sflag:s5] =	ssyncset.done $0x0  }
0x215: {  	[sflag:s5] =	ssyncadd.s32 $0xFFFFD800  }
0x216: {  	_ =	swait.ge [sflag:s5], $0x2800  }
0x217: {  	[sflag:s5] =	ssyncset.done $0x0  }
0x218: {  	[sflag:s5] =	ssyncadd.s32 $0xFFFFD800  }
0x219: {  	_ =	swait.ge [sflag:s5], $0x2800  }
0x21a: {  	[sflag:s5] =	ssyncset.done $0x0  }
0x21b: {  	[sflag:s5] =	ssyncadd.s32 $0xFFFFD800  }
0x21c: {  	_ =	swait.ge [sflag:s5], $0x2800  }
0x21d: {  	[sflag:s5] =	ssyncset.done $0x0  }
0x21e: {  	[sflag:s5] =	ssyncadd.s32 $0xFFFFD800  }
0x21f: {  	s11 =	stileid.u32;
	[bflag:$0x0] =	sbarrier.arrive $0xFFFF  }
0x220: {  	s9 =	sshll.u32 s11, $0x6;
	s16 =	rddreg [dreg:$0xa]  }
0x221: {  	s12 =	sor.u32 $0x1C03, s9;
	s19 =	rddreg [dreg:$0x18];
	s18 =	sshrl.u32 s16, $0x3  }
0x222: {  	[hbm:s19], [sflag:s12] =	dma.local [spmem:s18], $0x2800  }
0x223: {  	_ =	swait.ge [sflag:s4], $0x2800  }
0x224: {  	[sflag:s4] =	ssyncset.done $0x0  }
0x225: {  	[sflag:s4] =	ssyncadd.s32 $0xFFFFD800  }
0x226: {  	s10 =	simm.s32 $0x7000;
	[bflag:$0x0] =	sbarrier.arrive $0xFFFF  }
0x227: {  	[spmem:s16] =	stream.linear.scatter [tilespmem:s10], [sflag:$0x3], $0x1000, $0x38;
	[tilespmem:$0x1C000] =	vst v63  }
0x228: {  	_ =	swait.ge [sflag:s4], $0x1000  }
0x229: {  	[sflag:s4] =	ssyncset.done $0x0  }
0x22a: {  	s20 =	rddreg [dreg:$0xb];
	[sflag:s4] =	ssyncadd.s32 $0xFFFFF000  }
0x22b: {  	[spmem:s20] =	stream.linear.scatter [tilespmem:s10], [sflag:$0x3], $0x1000, $0x38;
	[tilespmem:$0x1C000] =	vst v63  }
0x22c: {  	_ =	swait.ge [sflag:s4], $0x1000  }
0x22d: {  	[sflag:s4] =	ssyncset.done $0x0  }
0x22e: {  	s21 =	rddreg [dreg:$0xc];
	[sflag:s4] =	ssyncadd.s32 $0xFFFFF000  }
0x22f: {  	[spmem:s21] =	stream.linear.scatter [tilespmem:s10], [sflag:$0x3], $0x1000, $0x38;
	[tilespmem:$0x1C000] =	vst v63  }
0x230: {  	_ =	swait.ge [sflag:s4], $0x1000  }
0x231: {  	[sflag:s4] =	ssyncset.done $0x0  }
0x232: {  	s23 =	rddreg [dreg:$0xd];
	[sflag:s4] =	ssyncadd.s32 $0xFFFFF000  }
0x233: {  	[spmem:s23] =	stream.linear.scatter [tilespmem:s10], [sflag:$0x3], $0x1000, $0x38;
	[tilespmem:$0x1C000] =	vst v63  }
0x234: {  	_ =	swait.ge [sflag:s4], $0x1000  }
0x235: {  	[sflag:s4] =	ssyncset.done $0x0  }
0x236: {  	s24 =	rddreg [dreg:$0xe];
	[sflag:s4] =	ssyncadd.s32 $0xFFFFF000  }
0x237: {  	[spmem:s24] =	stream.linear.scatter [tilespmem:s10], [sflag:$0x3], $0x1000, $0x38;
	[tilespmem:$0x1C000] =	vst v63  }
0x238: {  	_ =	swait.ge [sflag:s4], $0x1000  }
0x239: {  	[sflag:s4] =	ssyncset.done $0x0  }
0x23a: {  	s26 =	rddreg [dreg:$0xf];
	[sflag:s4] =	ssyncadd.s32 $0xFFFFF000  }
0x23b: {  	[spmem:s26] =	stream.linear.scatter [tilespmem:s10], [sflag:$0x3], $0x1000, $0x38;
	[tilespmem:$0x1C000] =	vst v63  }
0x23c: {  	_ =	swait.ge [sflag:s4], $0x1000  }
0x23d: {  	[sflag:s4] =	ssyncset.done $0x0  }
0x23e: {  	s0 =	rddreg [dreg:$0x10];
	[sflag:s4] =	ssyncadd.s32 $0xFFFFF000  }
0x23f: {  	[spmem:s0] =	stream.linear.scatter [tilespmem:s10], [sflag:$0x3], $0x1000, $0x38;
	[tilespmem:$0x1C000] =	vst v63  }
0x240: {  	_ =	swait.ge [sflag:s4], $0x1000  }
0x241: {  	[sflag:s4] =	ssyncset.done $0x0  }
0x242: {  	s3 =	rddreg [dreg:$0x11];
	[sflag:s4] =	ssyncadd.s32 $0xFFFFF000  }
0x243: {  	[spmem:s3] =	stream.linear.scatter [tilespmem:s10], [sflag:$0x3], $0x1000, $0x38;
	[tilespmem:$0x1C000] =	vst v63  }
0x244: {  	_ =	swait.ge [sflag:s4], $0x1000  }
0x245: {  	[sflag:s4] =	ssyncset.done $0x0  }
0x246: {  	s7 =	rddreg [dreg:$0x12];
	[sflag:s4] =	ssyncadd.s32 $0xFFFFF000  }
0x247: {  	[spmem:s7] =	stream.linear.scatter [tilespmem:s10], [sflag:$0x3], $0x1000, $0x38;
	[tilespmem:$0x1C000] =	vst v63  }
0x248: {  	_ =	swait.ge [sflag:s4], $0x1000  }
0x249: {  	[sflag:s4] =	ssyncset.done $0x0  }
0x24a: {  	s8 =	rddreg [dreg:$0x13];
	[sflag:s4] =	ssyncadd.s32 $0xFFFFF000  }
0x24b: {  	[spmem:s8] =	stream.linear.scatter [tilespmem:s10], [sflag:$0x3], $0x1000, $0x38;
	[tilespmem:$0x1C000] =	vst v63  }
0x24c: {  	_ =	swait.ge [sflag:s4], $0x1000  }
0x24d: {  	[sflag:s4] =	ssyncset.done $0x0  }
0x24e: {  	s11 =	rddreg [dreg:$0x15];
	[sflag:s4] =	ssyncadd.s32 $0xFFFFF000  }
0x24f: {  	[spmem:s11] =	stream.linear.scatter [tilespmem:s10], [sflag:$0x3], $0x1000, $0x38;
	[tilespmem:$0x1C000] =	vst v63  }
0x250: {  	_ =	swait.ge [sflag:s4], $0x1000  }
0x251: {  	[sflag:s4] =	ssyncset.done $0x0  }
0x252: {  	s14 =	smov.u32 s12;
	s12 =	rddreg [dreg:$0x16];
	[sflag:s4] =	ssyncadd.s32 $0xFFFFF000  }
0x253: {  	[spmem:s12] =	stream.linear.scatter [tilespmem:s10], [sflag:$0x3], $0x1000, $0x38;
	[tilespmem:$0x1C000] =	vst v63  }
0x254: {  	_ =	swait.ge [sflag:s4], $0x1000  }
0x255: {  	[sflag:s4] =	ssyncset.done $0x0  }
0x256: {  	s16 =	rddreg [dreg:$0x17];
	[sflag:s4] =	ssyncadd.s32 $0xFFFFF000  }
0x257: {  	[spmem:s16] =	stream.linear.scatter [tilespmem:s10], [sflag:$0x3], $0x1000, $0x38;
	[tilespmem:$0x1C000] =	vst v63  }
0x258: {  	_ =	swait.ge [sflag:s4], $0x1000  }
0x259: {  	[sflag:s4] =	ssyncset.done $0x0  }
0x25a: {  	s15 =	smov.u32 s18;
	s18 =	rddreg [dreg:$0x1a];
	[sflag:s4] =	ssyncadd.s32 $0xFFFFF000  }
0x25b: {  	[spmem:s18] =	stream.linear.scatter [tilespmem:s10], [sflag:$0x3], $0x1000, $0x38;
	[tilespmem:$0x1C000] =	vst v63  }
0x25c: {  	_ =	swait.ge [sflag:s4], $0x1000  }
0x25d: {  	[sflag:s4] =	ssyncset.done $0x0  }
0x25e: {  	s19 =	rddreg [dreg:$0x1b];
	[sflag:s4] =	ssyncadd.s32 $0xFFFFF000  }
0x25f: {  	[spmem:s19] =	stream.linear.scatter [tilespmem:s10], [sflag:$0x3], $0x1000, $0x38;
	[tilespmem:$0x1C000] =	vst v63  }
0x260: {  	_ =	swait.ge [sflag:s4], $0x1000  }
0x261: {  	[sflag:s4] =	ssyncset.done $0x0  }
0x262: {  	s20 =	rddreg [dreg:$0x1d];
	[sflag:s4] =	ssyncadd.s32 $0xFFFFF000  }
0x263: {  	[spmem:s20] =	stream.linear.scatter [tilespmem:s10], [sflag:$0x3], $0x1000, $0x38;
	[tilespmem:$0x1C000] =	vst v63  }
0x264: {  	_ =	swait.ge [sflag:s4], $0x1000  }
0x265: {  	[sflag:s4] =	ssyncset.done $0x0  }
0x266: {  	s21 =	rddreg [dreg:$0x1e];
	[sflag:s4] =	ssyncadd.s32 $0xFFFFF000  }
0x267: {  	[spmem:s21] =	stream.linear.scatter [tilespmem:s10], [sflag:$0x3], $0x1000, $0x38;
	[tilespmem:$0x1C000] =	vst v63  }
0x268: {  	_ =	swait.ge [sflag:s4], $0x1000  }
0x269: {  	[sflag:s4] =	ssyncset.done $0x0  }
0x26a: {  	s23 =	rddreg [dreg:$0x1f];
	[sflag:s4] =	ssyncadd.s32 $0xFFFFF000  }
0x26b: {  	[spmem:s23] =	stream.linear.scatter [tilespmem:s10], [sflag:$0x3], $0x1000, $0x38;
	[tilespmem:$0x1C000] =	vst v63  }
0x26c: {  	_ =	swait.ge [sflag:s4], $0x1000  }
0x26d: {  	s24 =	sld [smem:$0x7FC]  }
0x26e: {  	[sflag:s4] =	ssyncset.done $0x0  }
0x26f: {  	s13 =	simm.s32 $0x1C00;
	s28 =	simm.s32 $0x1880;
	[sflag:s4] =	ssyncadd.s32 $0xFFFFF000  }
0x270: {  	[spmem:s24] =	stream.linear.scatter [tilespmem:s10], [sflag:$0x3], $0x1000, $0x38;
	[tilespmem:$0x1C000] =	vst v63  }
0x271: {  	s29 =	simm.s32 $0x1900;
	s30 =	simm.s32 $0x1980;
	_ =	swait.ge [sflag:s4], $0x1000  }
0x272: {  	s31 =	simm.s32 $0x1A00;
	s9 =	simm.s32 $0x0;
	s26 =	sld [smem:$0x7FD]  }
0x273: {  	s0 =	simm.s32 $0x1B00;
	s3 =	simm.s32 $0x0;
	[sflag:s4] =	ssyncset.done $0x0  }
0x274: {  	s7 =	simm.s32 $0x1A80;
	s8 =	simm.s32 $0x1080;
	[sflag:s4] =	ssyncadd.s32 $0xFFFFF000  }
0x275: {  	[spmem:s26] =	stream.linear.scatter [tilespmem:s10], [sflag:$0x3], $0x1000, $0x38;
	[tilespmem:$0x1C000] =	vst v63  }
0x276: {  	s16 =	simm.s32 $0x1500;
	s18 =	simm.s32 $0x1580;
	_ =	swait.ge [sflag:s4], $0x1000  }
0x277: {  	s19 =	simm.s32 $0x1600;
	s20 =	simm.s32 $0x1680;
	[sflag:s4] =	ssyncset.done $0x0  }
0x278: {  	s21 =	simm.s32 $0x1000;
	s23 =	simm.s32 $0x1700;
	[sflag:s4] =	ssyncadd.s32 $0xFFFFF000  }
0x279: {  	s24 =	simm.s32 $0x1780;
	s26 =	simm.s32 $0x1800;
	[bflag:$0x0] =	sbarrier.arrive $0xFFFF  }
.LBB2_8:
0x27a: {  	s10 =	rddreg [dreg:$0x14]  }
0x27b: {  	s10 =	sadd.s32 s9, s10  }
0x27c: {  	s11 =	rddreg [dreg:$0x8];
	s10 =	sshll.u32 s10, $0x9  }
0x27d: {  	s11 =	sadd.s32 s11, s10  }
0x27e: {  	[tilespmem:s3], [sflag:$0x3] =	stream.linear.gather [hbm4b:s11+s3], $0xC80, $0x38;
	[tilespmem:$0x1C000] =	vst v63  }
0x27f: {  	_ =	swait.ge [sflag:s4], $0xC80  }
0x280: {  	[sflag:s4] =	ssyncset.done $0x0;
	s12 =	rddreg [dreg:$0x9]  }
0x281: {  	[sflag:s4] =	ssyncadd.s32 $0xFFFFF380;
	s10 =	sadd.s32 s12, s10  }
0x282: {  	[tilespmem:s21], [sflag:$0x3] =	stream.linear.gather [hbm4b:s10+s3], $0xC80, $0x38;
	[tilespmem:$0x1C000] =	vst v63  }
0x283: {  	_ =	swait.ge [sflag:s4], $0xC80  }
0x284: {  	[sflag:s4] =	ssyncset.done $0x0  }
0x285: {  	[sflag:s4] =	ssyncadd.s32 $0xFFFFF380  }
0x286: {  	[tilespmem:s25], [sflag:$0x1] =	stream.indirect.gather [hbm4b:s1+s22], $0x80, s3, s22, $0xb8;
	[tilespmem:$0x1C000] =	vst v63  }
0x287: {  	_ =	swait.ge [sflag:s6], $0x2800  }
0x288: {  	[sflag:s6] =	ssyncset.done $0x0  }
0x289: {  	s12 =	simm.s32 $0x80;
	[sflag:s6] =	ssyncadd.s32 $0xFFFFD800  }
0x28a: {  	[tilespmem:s17], [sflag:$0x1] =	stream.indirect.gather [hbm4b:s1+s22], $0x80, s12, s22, $0xb8;
	[tilespmem:$0x1C000] =	vst v63  }
0x28b: {  	_ = 	snop  }
0x28c: {  	[spmem:s2] =	stream.indirect.scatter.add.f32 [tilespmem:s25], [sflag:$0x2], $0x80, s21, s22, $0xb8;
	[tilespmem:$0x1C000] =	vst v63  }
0x28d: {  	_ =	swait.ge [sflag:s6], $0x2800  }
0x28e: {  	[sflag:s6] =	ssyncset.done $0x0  }
0x28f: {  	[sflag:s6] =	ssyncadd.s32 $0xFFFFD800  }
0x290: {  	_ =	swait.ge [sflag:s5], $0x2800  }
0x291: {  	[sflag:s5] =	ssyncset.done $0x0  }
0x292: {  	s11 =	simm.s32 $0x100;
	[sflag:s5] =	ssyncadd.s32 $0xFFFFD800  }
0x293: {  	[tilespmem:s25], [sflag:$0x1] =	stream.indirect.gather [hbm4b:s1+s22], $0x80, s11, s22, $0xb8;
	[tilespmem:$0x1C000] =	vst v63  }
0x294: {  	_ = 	snop  }
0x295: {  	[spmem:s2] =	stream.indirect.scatter.add.f32 [tilespmem:s17], [sflag:$0x2], $0x80, s8, s22, $0xb8;
	[tilespmem:$0x1C000] =	vst v63  }
0x296: {  	_ =	swait.ge [sflag:s6], $0x2800  }
0x297: {  	[sflag:s6] =	ssyncset.done $0x0  }
0x298: {  	[sflag:s6] =	ssyncadd.s32 $0xFFFFD800  }
0x299: {  	_ =	swait.ge [sflag:s5], $0x2800  }
0x29a: {  	[sflag:s5] =	ssyncset.done $0x0  }
0x29b: {  	s12 =	simm.s32 $0x180;
	[sflag:s5] =	ssyncadd.s32 $0xFFFFD800  }
0x29c: {  	[tilespmem:s17], [sflag:$0x1] =	stream.indirect.gather [hbm4b:s1+s22], $0x80, s12, s22, $0xb8;
	[tilespmem:$0x1C000] =	vst v63  }
0x29d: {  	s11 =	simm.s32 $0x1100  }
0x29e: {  	[spmem:s2] =	stream.indirect.scatter.add.f32 [tilespmem:s25], [sflag:$0x2], $0x80, s11, s22, $0xb8;
	[tilespmem:$0x1C000] =	vst v63  }
0x29f: {  	_ =	swait.ge [sflag:s6], $0x2800  }
0x2a0: {  	[sflag:s6] =	ssyncset.done $0x0  }
0x2a1: {  	[sflag:s6] =	ssyncadd.s32 $0xFFFFD800  }
0x2a2: {  	_ =	swait.ge [sflag:s5], $0x2800  }
0x2a3: {  	s10 =	simm.s32 $0xFFFFD800;
	[sflag:s5] =	ssyncset.done $0x0  }
0x2a4: {  	s12 =	simm.s32 $0x200;
	s11 =	simm.s32 $0x1180;
	[sflag:s5] =	ssyncadd.s32 $0xFFFFD800  }
0x2a5: {  	[tilespmem:s25], [sflag:$0x1] =	stream.indirect.gather [hbm4b:s1+s22], $0x80, s12, s22, $0xb8;
	[tilespmem:$0x1C000] =	vst v63  }
.LBB2_9:
0x2a6: {  	[spmem:s2] =	stream.indirect.scatter.add.f32 [tilespmem:s17], [sflag:$0x2], $0x80, s11, s22, $0xb8;
	[tilespmem:$0x1C000] =	vst v63  }
0x2a7: {  	s11 =	smov.u32 s10  }
0x2a8: {  	p0 =	sne.s32 s10, $0xFFFFFC00;
	s10 =	sadd.s32 $0x400, s10;
	_ =	swait.ge [sflag:s6], $0x2800  }
0x2a9: {  	[sflag:s6] =	ssyncset.done $0x0  }
0x2aa: {  	[sflag:s6] =	ssyncadd.s32 $0xFFFFD800  }
0x2ab: {  	_ =	swait.ge [sflag:s5], $0x2800  }
0x2ac: {  	s11 =	sshra.s32 s11, $0x2;
	[sflag:s5] =	ssyncset.done $0x0  }
0x2ad: {  	s12 =	sadd.s32 $0xC80, s11;
	[sflag:s5] =	ssyncadd.s32 $0xFFFFD800  }
0x2ae: {  	[tilespmem:s17], [sflag:$0x1] =	stream.indirect.gather [hbm4b:s1+s22], $0x80, s12, s22, $0xb8;
	[tilespmem:$0x1C000] =	vst v63  }
0x2af: {  	s12 =	sadd.s32 $0x1C00, s11  }
0x2b0: {  	[spmem:s2] =	stream.indirect.scatter.add.f32 [tilespmem:s25], [sflag:$0x2], $0x80, s12, s22, $0xb8;
	[tilespmem:$0x1C000] =	vst v63  }
0x2b1: {  	_ =	swait.ge [sflag:s6], $0x2800  }
0x2b2: {  	[sflag:s6] =	ssyncset.done $0x0  }
0x2b3: {  	[sflag:s6] =	ssyncadd.s32 $0xFFFFD800  }
.Ltmp3:
0x2b4: {  	_ =	swait.ge [sflag:s5], $0x2800;
	(pc) =	sbr.rel @p0 .LBB2_9-.Ltmp3, $4  }
0x2b5: {  	[sflag:s5] =	ssyncset.done $0x0  }
0x2b6: {  	s12 =	sadd.s32 $0xD00, s11;
	[sflag:s5] =	ssyncadd.s32 $0xFFFFD800  }
0x2b7: {  	[tilespmem:s25], [sflag:$0x1] =	stream.indirect.gather [hbm4b:s1+s22], $0x80, s12, s22, $0xb8;
	[tilespmem:$0x1C000] =	vst v63  }
0x2b8: {  	s11 =	sadd.s32 $0x1C80, s11  }
0x2b9: {  	[spmem:s2] =	stream.indirect.scatter.add.f32 [tilespmem:s17], [sflag:$0x2], $0x80, s11, s22, $0xb8;
	[tilespmem:$0x1C000] =	vst v63  }
0x2ba: {  	_ =	swait.ge [sflag:s6], $0x2800  }
0x2bb: {  	[sflag:s6] =	ssyncset.done $0x0  }
0x2bc: {  	[sflag:s6] =	ssyncadd.s32 $0xFFFFD800  }
0x2bd: {  	s9 =	sadd.s32 $0x1, s9;
	_ =	swait.ge [sflag:s5], $0x2800  }
0x2be: {  	p0 =	sne.s32 s9, $0x5;
	[sflag:s5] =	ssyncset.done $0x0  }
.Ltmp4:
0x2bf: {  	[sflag:s5] =	ssyncadd.s32 $0xFFFFD800;
	(pc) =	sbr.rel @p0 .LBB2_8-.Ltmp4, $4  }
0x2c0: {  	[spmem:s2] =	stream.indirect.scatter.add.f32 [tilespmem:s25], [sflag:$0x3], $0x80, s13, s22, $0xb8;
	[tilespmem:$0x1C000] =	vst v63  }
0x2c1: {  	_ =	swait.ge [sflag:s4], $0x2800  }
0x2c2: {  	[sflag:s4] =	ssyncset.done $0x0  }
0x2c3: {  	[sflag:s4] =	ssyncadd.s32 $0xFFFFD800  }
0x2c4: {  	[bflag:$0x0] =	sbarrier.arrive $0xFFFF  }
0x2c5: {  	s9 =	rddreg [dreg:$0x19]  }
0x2c6: {  	[hbm:s9], [sflag:s14] =	dma.local [spmem:s15], $0x2800  }
0x2c7: {  	_ =	swait.ge [sflag:s4], $0x2800  }
0x2c8: {  	s10 =	sld [smem:$0x7FB];
	_ =	sdelay $0x2  }
0x2c9: {  	s15 =	rddreg [dreg:$0x1c];
	s10 =	sadd.s32 $0x1, s10  }
0x2ca: {  	p0 =	sne.s32 s10, s15  }
.Ltmp5:
0x2cb: {  	_ = 	snop;
	(pc) =	sbr.rel @p0 .LBB2_1-.Ltmp5, $4  }
0x2cc: {  	_ = 	snop  }
0x2cd: {  	s11 =	simm.s32 $0x1280  }
0x2ce: {  	s12 =	simm.s32 $0x1300;
	s13 =	simm.s32 $0x1380;
	[sflag:s4] =	ssyncset.done $0x0  }
0x2cf: {  	s14 =	simm.s32 $0x1400;
	[sflag:s4] =	ssyncadd.s32 $0xFFFFD800;
	s15 =	simm.s32 $0x1480  }
0x2d0: {  	_ =	sfence.sel $0x180000  }
0x2d1: {  	[bflag:$0x0] =	sbarrier.arrive $0xFFFF  }
0x2d2: {  	_ =	strace $0x90000047  }
0x2d3: {  	s0 =	stileid.u32;
	[bflag:$0x2] =	sbarrier.arrive $0xFFFF  }
0x2d4: {  	p0 =	sne.s32 s0, $0x0;
	s0 =	rddreg [dreg:$0x3]  }
0x2d5: {  	s0 =	sadd.s32 @!p0 $0x100000, s0  }
0x2d6: {  	[sflag:s0] =	ssyncadd.tile.s32 @!p0 $0x1;
	_ =	shalt  }
.Lfunc_end2:
_tile_overlayer_lowered:
.L_overlay_start_2:
0x2d7: {  	(tag) =	ssettag $0x2  }
0x2d8: {  	s0 =	rddreg [dreg:$0x0];
	s2 =	stileid.u32  }
0x2d9: {  	s1 =	rddreg [dreg:$0x1];
	p0 =	sne.s32 s2, $0x0  }
0x2da: {  	s3 =	rddreg [dreg:$0x2];
	[bflag:$0x3] =	sbarrier.arrive $0xFFFF;
	s2 =	simm.s32 @!p0 $0x1C03  }
0x2db: {  	[timem:s3], [sflag:s2] =	dma.local @!p0 [hbm:s0], s1  }
0x2dc: {  	s0 =	simm.s32 @!p0 $0x3  }
0x2dd: {  	_ =	swait.ge @!p0 [sflag:s0], s1  }
0x2de: {  	s1 =	ssub.s32 @!p0 $0x0, s1;
	[sflag:s0] =	ssyncset.done @!p0 $0x0  }
0x2df: {  	[sflag:s0] =	ssyncadd.s32 @!p0 s1  }
0x2e0: {  	[bflag:$0x3] =	sbarrier.arrive $0xFFFF  }
0x2e1: {  	_ =	shalt  }

// kernel: kernel.9.cloned.1.call-start
scs
__scs_entry_jumppad:
0x0: {  	(pc) =	sbr.rel $0x88, $3  }
0x1: {  	(tag) =	ssettag $0x0;
	lr =	simm.s32 $0x1  }
0x2: {  	[smem:$0x3F97] =	sst lr;
	_ =	strace $0xD0000000  }
0x3: {  	_ = 	snop  }
0x4: {  	_ = 	snop  }
0x5: {  	_ = 	snop  }
0x6: {  	_ = 	snop  }
0x7: {  	_ = 	snop  }
__scs_overlays_trampoline_lowered:
0x8: {  	[smem:$0x3FA6] =	sst s0  }
0x9: {  	[smem:$0x3FA7] =	sst s1  }
0xa: {  	[smem:$0x3FA8] =	sst s2  }
0xb: {  	[smem:$0x3FA9] =	sst s3  }
0xc: {  	[smem:$0x3FAA] =	sst s4  }
0xd: {  	[smem:$0x3FAB] =	sst s5  }
0xe: {  	[smem:$0x3FAC] =	sst s6  }
0xf: {  	[smem:$0x3FAD] =	sst s7  }
0x10: {  	[smem:$0x3FAE] =	sst s8  }
0x11: {  	[smem:$0x3FAF] =	sst s9;
	s0 =	simm.s32 @!p0 $0x0  }
0x12: {  	s1 =	sld [smem:$0x3F95];
	s0 =	simm.s32 @p0 $0x1  }
0x13: {  	[smem:$0x3FB0] =	sst s0;
	s0 =	simm.s32 @!p1 $0x0  }
0x14: {  	s2 =	sld [smem:$0x3F94];
	s0 =	simm.s32 @p1 $0x1  }
0x15: {  	[smem:$0x3FB1] =	sst s0;
	s0 =	simm.s32 @!p2 $0x0  }
0x16: {  	s3 =	sld [smem:$0x3FDB];
	s0 =	simm.s32 @p2 $0x1  }
0x17: {  	s4 =	simm.s32 $0x1BF5;
	[smem:$0x3FB3] =	sst s0  }
0x18: {  	s0 =	sld [smem:$0x3F96];
	_ =	swait.ge [sflag:s4], $0x0  }
0x19: {  	s7 =	sld [smem:$0x3F97]  }
0x1a: {  	s8 =	sadd.s32 $0xFFFFE003, lr  }
0x1b: {  	s9 =	sadd.s32 $0xFFFFFEF7, lr;
	s5 =	simm.s32 $0xFFFFFFFF;
	p2 =	slt.u32 s8, $0xFFFFF086  }
0x1c: {  	p1 =	slt.u32 s9, $0xF7A;
	s5 =	simm.s32 @!p2 $0x0  }
0x1d: {  	s5 =	simm.s32 @p1 $0x1;
	p0 =	seq.s32 s7, s2  }
0x1e: {  	s7 =	smul.u32 @!p0 $0xF7A, s2;
	p2 =	seq.s32 @!p0 s5, $0x0  }
0x1f: {  	s9 =	smul.u32 $0xF7A, s1;
	s8 =	simm.s32 @!p0 $0x1BF5;
	p2 =	por !p2, p0  }
0x20: {  	[sflag:s8] =	ssyncset.s32 @!p0 $0xFFFFF086;
	s6 =	sadd.s32 @!p0 s3, s7;
	s7 =	simm.s32 @!p0 $0x108  }
0x21: {  	s3 =	sadd.s32 s3, s9;
	s6 =	sadd.s32 @!p0 $0x88, s6;
	s7 =	simm.s32 @p2 $0x1082  }
0x22: {  	[simem:s7], [sflag:s8] =	dma.local @!p0 [hbm:s6], $0xF7A  }
0x23: {  	s9 =	sor.u32 $0xD0000000, s2;
	s6 =	simm.s32 $0x108;
	_ =	swait.ge @!p0 [sflag:s8], $0x0  }
0x24: {  	s3 =	sadd.s32 $0x88, s3;
	s6 =	simm.s32 @!p1 $0x1082;
	[sflag:s4] =	ssyncset.s32 $0xFFFFF086  }
0x25: {  	[simem:s6], [sflag:s4] =	dma.local [hbm:s3], $0xF7A  }
0x26: {  	[smem:$0x3F97] =	sst s1;
	(tag) =	ssettag s2;
	_ =	strace s9  }
0x27: {  	s1 =	sld [smem:$0x3FA7]  }
0x28: {  	s2 =	sld [smem:$0x3FA8]  }
0x29: {  	s4 =	sld [smem:$0x3FAA]  }
0x2a: {  	p0 =	seq.s32 s5, $0x0;
	s5 =	sld [smem:$0x3FAB]  }
0x2b: {  	s6 =	sld [smem:$0x3FAC]  }
0x2c: {  	s7 =	sld [smem:$0x3FAD]  }
0x2d: {  	s3 =	simm.s32 $0x108;
	s8 =	sld [smem:$0x3FAE]  }
0x2e: {  	s3 =	simm.s32 @!p0 $0x1082;
	s9 =	sld [smem:$0x3FAF]  }
0x2f: {  	lr =	sadd.s32 s0, s3;
	s0 =	sld [smem:$0x3FA6]  }
0x30: {  	s3 =	sld [smem:$0x3FA9]  }
0x31: {  	[smem:$0x3FB2] =	sst s10  }
0x32: {  	s10 =	sld [smem:$0x3FB0];
	_ =	sdelay $0x3  }
0x33: {  	p0 =	seq.s32 s10, $0x1;
	s10 =	sld [smem:$0x3FB2];
	_ =	sdelay $0x3  }
0x34: {  	[smem:$0x3FB2] =	sst s10  }
0x35: {  	s10 =	sld [smem:$0x3FB1];
	_ =	sdelay $0x3  }
0x36: {  	p1 =	seq.s32 s10, $0x1;
	s10 =	sld [smem:$0x3FB2];
	_ =	sdelay $0x3  }
0x37: {  	[smem:$0x3FB2] =	sst s10  }
0x38: {  	s10 =	sld [smem:$0x3FB3]  }
0x39: {  	_ = 	snop;
	(pc) =	sbr.ind lr, $3  }
0x3a: {  	_ = 	snop  }
0x3b: {  	_ = 	snop  }
0x3c: {  	p2 =	seq.s32 s10, $0x1;
	s10 =	sld [smem:$0x3FB2]  }
0x3d: {  	_ =	shalt  }
0x3e: {  	_ =	shalt  }
0x3f: {  	_ =	shalt  }
0x40: {  	_ =	shalt  }
0x41: {  	_ =	shalt  }
0x42: {  	_ =	shalt  }
0x43: {  	_ =	shalt  }
0x44: {  	_ =	shalt  }
0x45: {  	_ =	shalt  }
0x46: {  	_ =	shalt  }
0x47: {  	_ =	shalt  }
0x48: {  	_ =	shalt  }
0x49: {  	_ =	shalt  }
0x4a: {  	_ =	shalt  }
0x4b: {  	_ =	shalt  }
0x4c: {  	_ =	shalt  }
0x4d: {  	_ =	shalt  }
0x4e: {  	_ =	shalt  }
0x4f: {  	_ =	shalt  }
0x50: {  	_ =	shalt  }
0x51: {  	_ =	shalt  }
0x52: {  	_ =	shalt  }
0x53: {  	_ =	shalt  }
0x54: {  	_ =	shalt  }
0x55: {  	_ =	shalt  }
0x56: {  	_ =	shalt  }
0x57: {  	_ =	shalt  }
0x58: {  	_ =	shalt  }
0x59: {  	_ =	shalt  }
0x5a: {  	_ =	shalt  }
0x5b: {  	_ =	shalt  }
0x5c: {  	_ =	shalt  }
0x5d: {  	_ =	shalt  }
0x5e: {  	_ =	shalt  }
0x5f: {  	_ =	shalt  }
0x60: {  	_ =	shalt  }
0x61: {  	_ =	shalt  }
0x62: {  	_ =	shalt  }
0x63: {  	_ =	shalt  }
0x64: {  	_ =	shalt  }
0x65: {  	_ =	shalt  }
0x66: {  	_ =	shalt  }
0x67: {  	_ =	shalt  }
0x68: {  	_ =	shalt  }
0x69: {  	_ =	shalt  }
0x6a: {  	_ =	shalt  }
0x6b: {  	_ =	shalt  }
0x6c: {  	_ =	shalt  }
0x6d: {  	_ =	shalt  }
0x6e: {  	_ =	shalt  }
0x6f: {  	_ =	shalt  }
0x70: {  	_ =	shalt  }
0x71: {  	_ =	shalt  }
0x72: {  	_ =	shalt  }
0x73: {  	_ =	shalt  }
0x74: {  	_ =	shalt  }
0x75: {  	_ =	shalt  }
0x76: {  	_ =	shalt  }
0x77: {  	_ =	shalt  }
0x78: {  	_ =	shalt  }
0x79: {  	_ =	shalt  }
0x7a: {  	_ =	shalt  }
0x7b: {  	_ =	shalt  }
0x7c: {  	_ =	shalt  }
0x7d: {  	_ =	shalt  }
0x7e: {  	_ =	shalt  }
0x7f: {  	_ =	shalt  }
0x80: {  	_ =	shalt  }
0x81: {  	_ =	shalt  }
0x82: {  	_ =	shalt  }
0x83: {  	_ =	shalt  }
0x84: {  	_ =	shalt  }
0x85: {  	_ =	shalt  }
0x86: {  	_ =	shalt  }
0x87: {  	_ =	shalt  }
.Lfunc_end0:
.L_simem_size_0:
called_computation.1_lowered:
.L_overlay_start_0:
0x88: {  	s2 =	sld [smem:$0x3FD9]  }
0x89: {  	s3 =	sld [smem:$0x3FFE];
	_ =	sdelay $0x1  }
0x8a: {  	s1 =	srdreg.scid  }
0x8b: {  	s0 =	sand.u32 $0x1, s1  }
0x8c: {  	s16 =	sshll.u32 s0, $0xA;
	s2 =	sadd.s32 s3, s2  }
0x8d: {  	s2 =	sadd.s32 s2, s16  }
0x8e: {  	[smem:$0x3FBE] =	sst s2  }
0x8f: {  	_ = 	snop  }
0x90: {  	(tm) =	ssettm $0x1  }
0x91: {  	s17 =	sld [smem:$0x3FFB];
	_ =	sdelay $0x3  }
0x92: {  	_ =	strace s17  }
0x93: {  	s2 =	sld [smem:$0x3FFC];
	_ =	sdelay $0x3  }
0x94: {  	_ =	strace s2  }
0x95: {  	s2 =	sld [smem:$0x3FFD];
	_ =	sdelay $0x3  }
0x96: {  	_ =	strace s2  }
0x97: {  	_ =	strace $0x8FFFFFFF  }
0x98: {  	s18 =	sld [smem:$0x3FDB];
	_ =	sdelay $0x1  }
0x99: {  	s19 =	simm.s32 $_scs_section_size  }
0x9a: {  	s4 =	simm.s32 $_size__tile_overlayer_lowered;
	s5 =	simm.s32 $_tile_overlayer_lowered  }
0x9b: {  	s22 =	simm.s32 $0x1BFF;
	s21 =	sshll.u32 s5, $0x1;
	s2 =	sadd.s32 s19, s18  }
0x9c: {  	s6 =	simm.s32 $0x0;
	s20 =	sshll.u32 s4, $0x1;
	s4 =	sadd.s32 s21, s2  }
0x9d: {  	[timem:s6], [sflag:s22] =	dma.local [hbm:s4], s20  }
0x9e: {  	_ =	swait.ge [sflag:s22], s20  }
0x9f: {  	s3 =	ssub.s32 $0x0, s20;
	[sflag:s22] =	ssyncset.done $0x0  }
0xa0: {  	[sflag:s22] =	ssyncadd.s32 s3;
	_ =	sdelay $0x1  }
0xa1: {  	s23 =	simm.s32 $0x1B8B  }
0xa2: {  	_ =	swait.ge [sflag:s23], $0x1  }
0xa3: {  	[sflag:s23] =	ssyncset.done $0x0  }
0xa4: {  	s25 =	simm.s32 $0x1B8E;
	s24 =	sld [smem:$0x3FFE];
	[sflag:s23] =	ssyncadd.s32 $0xFFFFFFFF  }
0xa5: {  	s26 =	simm.s32 $execute0_lowered;
	[smem:$0x3FD2] =	sst s25  }
0xa6: {  	s4 =	sshll.u32 s26, $0x1;
	_ =	strace $0x80000049;
	[dreg:$0x1] =	wrdreg $0xFFFFFFFF  }
0xa7: {  	s28 =	simm.s32 $_size_execute0_lowered;
	s2 =	sadd.s32 s2, s4;
	[dreg:$0x0] =	wrdreg $0x0  }
0xa8: {  	s4 =	sshll.u32 s28, $0x1;
	[dreg:$0x2] =	wrdreg s2  }
0xa9: {  	[dreg:$0x3] =	wrdreg s4  }
0xaa: {  	[dreg:$0x4] =	wrdreg $0xC0  }
0xab: {  	_ =	task [dreg:s6], $0x5FFFF  }
0xac: {  	[dreg:$0x1] =	wrdreg $0xFFFFFFFF  }
0xad: {  	[dreg:$0x0] =	wrdreg $0x60  }
0xae: {  	[dreg:$0x2] =	wrdreg s24  }
0xaf: {  	[dreg:$0x3] =	wrdreg $0x80000  }
0xb0: {  	[dreg:$0x4] =	wrdreg $0x9  }
0xb1: {  	_ =	task.clear_ibuf [dreg:s6], $0x5FFFF;
	_ =	strace $0x90000049  }
0xb2: {  	s29 =	simm.s32 $0x9;
	_ =	strace $0x8000004B  }
0xb3: {  	_ =	swait.ge [sflag:s29], $0x1  }
0xb4: {  	[sflag:s29] =	ssyncadd.s32 $0xFFFFFFFF  }
0xb5: {  	_ =	strace $0x9000004B  }
0xb6: {  	_ =	sfence  }
0xb7: {  	s30 =	sld [smem:$0x0];
	_ =	sdelay $0x2  }
0xb8: {  	s31 =	sshll.u32 s1, $0xD;
	s1 =	sshrl.u32 s1, $0x2  }
0xb9: {  	s3 =	sand.u32 $0x4000, s31;
	s1 =	sadd.s32 s1, s30  }
0xba: {  	s0 =	sor.u32 s3, s0;
	s1 =	sshll.u32 s1, $0x11  }
0xbb: {  	s0 =	sor.u32 s1, s0  }
0xbc: {  	s0 =	sadd.s32 $0x8F2B, s0  }
0xbd: {  	[sflag:s0] =	ssyncadd.remote.s32 $0x1  }
0xbe: {  	_ =	sfence.sel $0xFFFF  }
0xbf: {  	[dreg:$0x0] =	wrdreg $0xFFFFFFFF;
	(pc) =	sbr.abs _section_cstart, $3  }
0xc0: {  	[dreg:$0x1] =	wrdreg $0xFFFFFFFF  }
0xc1: {  	_ =	task.clear_ibuf [dreg:s6], $0x2FFFF;
	_ =	strace $0x9FFFFFFF  }
0xc2: {  	(tm) =	ssettm $0x7FFFFFFF  }
0xc3: {  	_ =	shalt  }
tec
execute0_lowered:
.L_overlay_start_1:
0x0: {  	(tag) =	ssettag $0x1  }
0x1: {  	s2 =	srdreg.scid;
	s12 =	stileid.u32  }
0x2: {  	s2 =	sand.u32 $0x1, s2;
	s7 =	smul.u32 $0x50000, s12  }
0x3: {  	s0 =	rddreg [dreg:$0x0];
	s8 =	ssub.s32 $0x2, s2  }
0x4: {  	s1 =	rddreg [dreg:$0x1];
	s9 =	sshrl.u32 s8, $0x1;
	s10 =	sshrl.u32 s7, $0x2  }
0x5: {  	s3 =	simm.s32 $0x0;
	s9 =	ssub.s32 s8, s9;
	s8 =	sadd.s32 s10, s1  }
0x6: {  	[smem:$0x7FF] =	sst s3;
	s10 =	sadd.s32 $0x1000, s8  }
0x7: {  	_ =	strace $0x8000004A;
	s14 =	sadd.s32 $0x2000, s8;
	[dreg:$0x3] =	wrdreg s10  }
0x8: {  	s15 =	sadd.s32 $0x3000, s8;
	[dreg:$0x4] =	wrdreg s14  }
0x9: {  	s16 =	sadd.s32 $0x4000, s8;
	[dreg:$0x5] =	wrdreg s15  }
0xa: {  	s17 =	sadd.s32 $0x5000, s8;
	[dreg:$0x6] =	wrdreg s16  }
0xb: {  	s4 =	sadd.s32 $0x3000, s0;
	s18 =	sadd.s32 $0x6000, s8;
	[dreg:$0x7] =	wrdreg s17  }
0xc: {  	s5 =	sadd.s32 $0x17000, s0;
	s19 =	sadd.s32 $0x7000, s8;
	[dreg:$0x8] =	wrdreg s18  }
0xd: {  	s6 =	sadd.s32 $0xF2200, s0;
	s20 =	sadd.s32 $0x8000, s8;
	[dreg:$0x9] =	wrdreg s19  }
0xe: {  	s23 =	smul.u32 $0x2800, s12;
	s21 =	sadd.s32 $0x9000, s8;
	[dreg:$0xa] =	wrdreg s20  }
0xf: {  	s31 =	smul.u32 $0xA, s12;
	s22 =	sadd.s32 $0xA000, s8;
	[dreg:$0xb] =	wrdreg s21  }
0x10: {  	s12 =	simm.s32 $0x2000;
	s11 =	sadd.s32 $0xB000, s8;
	[dreg:$0xc] =	wrdreg s22  }
0x11: {  	p0 =	seq.s32 s2, $0x1;
	s13 =	sadd.s32 $0xC000, s8;
	[dreg:$0xd] =	wrdreg s11  }
0x12: {  	s7 =	sadd.s32 $0xCB000, s0;
	s24 =	sadd.s32 $0xD000, s8;
	[dreg:$0xe] =	wrdreg s13  }
0x13: {  	s25 =	sadd.s32 $0xE000, s8;
	s26 =	sadd.s32 $0xF000, s8;
	[dreg:$0xf] =	wrdreg s24  }
0x14: {  	s28 =	sadd.s32 $0x11000, s8;
	s29 =	sadd.s32 $0x12000, s8;
	[dreg:$0x11] =	wrdreg s25  }
0x15: {  	s30 =	sadd.s32 $0x13000, s8;
	s10 =	simm.s32 $0x53000;
	[dreg:$0x12] =	wrdreg s26  }
0x16: {  	s25 =	smax.u32 s9, $0x1;
	s26 =	sadd.s32 $0x10000, s8;
	s9 =	simm.s32 $0x4  }
0x17: {  	s11 =	simm.s32 $0x50;
	s13 =	simm.s32 $0x1;
	s14 =	simm.s32 $0x80  }
.Ltmp0:
0x18: {  	s15 =	simm.s32 $0x4800;
	s16 =	simm.s32 $0x2;
	(pc) =	sbr.rel .LBB2_1-.Ltmp0, $4  }
0x19: {  	s17 =	simm.s32 $0x100;
	s18 =	simm.s32 $0x1080;
	s10 =	simm.s32 @!p0 $0x2B000  }
0x1a: {  	s19 =	simm.s32 $0x1C00;
	s20 =	simm.s32 $0x0;
	s0 =	sadd.s32 s10, s0  }
0x1b: {  	p0 =	sne.s32 s2, $0x0;
	s2 =	simm.s32 $0x3;
	s0 =	sadd.s32 s0, s23  }
0x1c: {  	v0 =	vimm.f32 $0.0e+00;
	s10 =	simm.s32 $0x1000;
	[dreg:$0x10] =	wrdreg s0;
	s0 =	simm.s32 $0x7000  }
.LBB2_12:
0x1d: {  	s21 =	stileid.u32;
	[bflag:$0x0] =	sbarrier.arrive $0xFFFF;
	s20 =	sadd.s32 $0x1, s20  }
0x1e: {  	s22 =	sshrl.u32 s8, $0x3;
	s21 =	sshll.u32 s21, $0x6;
	p1 =	sne.s32 s20, s25  }
.Ltmp1:
0x1f: {  	s23 =	rddreg [dreg:$0x10];
	s21 =	sor.u32 $0x1C03, s21;
	(pc) =	sbr.rel @!p1 .LBB2_13-.Ltmp1, $4  }
0x20: {  	[hbm:s23], [sflag:s21] =	dma.local [spmem:s22], $0x2800  }
0x21: {  	_ =	swait.ge [sflag:s2], $0x2800  }
0x22: {  	[sflag:s2] =	ssyncset.done $0x0  }
0x23: {  	[sflag:s2] =	ssyncadd.s32 $0xFFFFD800  }
.LBB2_1:
0x24: {  	s21 =	simm.s32 $0x0;
	s22 =	simm.s32 $0x200  }
.LBB2_2:
0x25: {  	p1 =	sne.s32 s22, $0x3E00;
	[tilespmem:s21+$0x7070] =	vst v0  }
0x26: {  	[tilespmem:s21+$0x7000] =	vst v0  }
0x27: {  	[tilespmem:s21+$0x7010] =	vst v0  }
.Ltmp2:
0x28: {  	[tilespmem:s21+$0x7020] =	vst v0;
	(pc) =	sbr.rel @p1 .LBB2_2-.Ltmp2, $4  }
0x29: {  	[tilespmem:s21+$0x7030] =	vst v0  }
0x2a: {  	[tilespmem:s21+$0x7040] =	vst v0  }
0x2b: {  	[tilespmem:s21+$0x7050] =	vst v0  }
0x2c: {  	[tilespmem:s21+$0x7060] =	vst v0;
	s21 =	sshra.s32 s22, $0x2;
	s22 =	sadd.s32 $0x200, s22  }
0x2d: {  	[tilespmem:s21+$0x7070] =	vst v0  }
0x2e: {  	[tilespmem:s21+$0x7000] =	vst v0  }
0x2f: {  	[tilespmem:s21+$0x7010] =	vst v0  }
0x30: {  	[tilespmem:s21+$0x7020] =	vst v0  }
0x31: {  	[tilespmem:s21+$0x7030] =	vst v0  }
0x32: {  	[tilespmem:s21+$0x7040] =	vst v0  }
0x33: {  	[tilespmem:s21+$0x7050] =	vst v0  }
0x34: {  	[tilespmem:s21+$0x7060] =	vst v0  }
0x35: {  	[spmem:s8] =	stream.linear.scatter [tilespmem:s0], [sflag:$0x3], $0x1000, $0x38;
	[tilespmem:$0x1C000] =	vst v63  }
0x36: {  	_ =	swait.ge [sflag:s2], $0x1000  }
0x37: {  	[sflag:s2] =	ssyncset.done $0x0  }
0x38: {  	s22 =	rddreg [dreg:$0x3];
	[sflag:s2] =	ssyncadd.s32 $0xFFFFF000  }
0x39: {  	[spmem:s22] =	stream.linear.scatter [tilespmem:s0], [sflag:$0x3], $0x1000, $0x38;
	[tilespmem:$0x1C000] =	vst v63  }
0x3a: {  	_ =	swait.ge [sflag:s2], $0x1000  }
0x3b: {  	[sflag:s2] =	ssyncset.done $0x0  }
0x3c: {  	s23 =	rddreg [dreg:$0x4];
	[sflag:s2] =	ssyncadd.s32 $0xFFFFF000  }
0x3d: {  	[spmem:s23] =	stream.linear.scatter [tilespmem:s0], [sflag:$0x3], $0x1000, $0x38;
	[tilespmem:$0x1C000] =	vst v63  }
0x3e: {  	_ =	swait.ge [sflag:s2], $0x1000  }
0x3f: {  	[sflag:s2] =	ssyncset.done $0x0  }
0x40: {  	s24 =	rddreg [dreg:$0x5];
	[sflag:s2] =	ssyncadd.s32 $0xFFFFF000  }
0x41: {  	[spmem:s24] =	stream.linear.scatter [tilespmem:s0], [sflag:$0x3], $0x1000, $0x38;
	[tilespmem:$0x1C000] =	vst v63  }
0x42: {  	_ =	swait.ge [sflag:s2], $0x1000  }
0x43: {  	[sflag:s2] =	ssyncset.done $0x0  }
0x44: {  	s22 =	rddreg [dreg:$0x6];
	[sflag:s2] =	ssyncadd.s32 $0xFFFFF000  }
0x45: {  	[spmem:s22] =	stream.linear.scatter [tilespmem:s0], [sflag:$0x3], $0x1000, $0x38;
	[tilespmem:$0x1C000] =	vst v63  }
0x46: {  	_ =	swait.ge [sflag:s2], $0x1000  }
0x47: {  	[sflag:s2] =	ssyncset.done $0x0  }
0x48: {  	s23 =	rddreg [dreg:$0x7];
	[sflag:s2] =	ssyncadd.s32 $0xFFFFF000  }
0x49: {  	[spmem:s23] =	stream.linear.scatter [tilespmem:s0], [sflag:$0x3], $0x1000, $0x38;
	[tilespmem:$0x1C000] =	vst v63  }
0x4a: {  	_ =	swait.ge [sflag:s2], $0x1000  }
0x4b: {  	[sflag:s2] =	ssyncset.done $0x0  }
0x4c: {  	s24 =	rddreg [dreg:$0x8];
	[sflag:s2] =	ssyncadd.s32 $0xFFFFF000  }
0x4d: {  	[spmem:s24] =	stream.linear.scatter [tilespmem:s0], [sflag:$0x3], $0x1000, $0x38;
	[tilespmem:$0x1C000] =	vst v63  }
0x4e: {  	_ =	swait.ge [sflag:s2], $0x1000  }
0x4f: {  	[sflag:s2] =	ssyncset.done $0x0  }
0x50: {  	s22 =	rddreg [dreg:$0x9];
	[sflag:s2] =	ssyncadd.s32 $0xFFFFF000  }
0x51: {  	[spmem:s22] =	stream.linear.scatter [tilespmem:s0], [sflag:$0x3], $0x1000, $0x38;
	[tilespmem:$0x1C000] =	vst v63  }
0x52: {  	_ =	swait.ge [sflag:s2], $0x1000  }
0x53: {  	[sflag:s2] =	ssyncset.done $0x0  }
0x54: {  	s23 =	rddreg [dreg:$0xa];
	[sflag:s2] =	ssyncadd.s32 $0xFFFFF000  }
0x55: {  	[spmem:s23] =	stream.linear.scatter [tilespmem:s0], [sflag:$0x3], $0x1000, $0x38;
	[tilespmem:$0x1C000] =	vst v63  }
0x56: {  	_ =	swait.ge [sflag:s2], $0x1000  }
0x57: {  	[sflag:s2] =	ssyncset.done $0x0  }
0x58: {  	s24 =	rddreg [dreg:$0xb];
	[sflag:s2] =	ssyncadd.s32 $0xFFFFF000  }
0x59: {  	[spmem:s24] =	stream.linear.scatter [tilespmem:s0], [sflag:$0x3], $0x1000, $0x38;
	[tilespmem:$0x1C000] =	vst v63  }
0x5a: {  	_ =	swait.ge [sflag:s2], $0x1000  }
0x5b: {  	[sflag:s2] =	ssyncset.done $0x0  }
0x5c: {  	s22 =	rddreg [dreg:$0xc];
	[sflag:s2] =	ssyncadd.s32 $0xFFFFF000  }
0x5d: {  	[spmem:s22] =	stream.linear.scatter [tilespmem:s0], [sflag:$0x3], $0x1000, $0x38;
	[tilespmem:$0x1C000] =	vst v63  }
0x5e: {  	_ =	swait.ge [sflag:s2], $0x1000  }
0x5f: {  	[sflag:s2] =	ssyncset.done $0x0  }
0x60: {  	s23 =	rddreg [dreg:$0xd];
	[sflag:s2] =	ssyncadd.s32 $0xFFFFF000  }
0x61: {  	[spmem:s23] =	stream.linear.scatter [tilespmem:s0], [sflag:$0x3], $0x1000, $0x38;
	[tilespmem:$0x1C000] =	vst v63  }
0x62: {  	_ =	swait.ge [sflag:s2], $0x1000  }
0x63: {  	[sflag:s2] =	ssyncset.done $0x0  }
0x64: {  	s24 =	rddreg [dreg:$0xe];
	[sflag:s2] =	ssyncadd.s32 $0xFFFFF000  }
0x65: {  	[spmem:s24] =	stream.linear.scatter [tilespmem:s0], [sflag:$0x3], $0x1000, $0x38;
	[tilespmem:$0x1C000] =	vst v63  }
0x66: {  	_ =	swait.ge [sflag:s2], $0x1000  }
0x67: {  	[sflag:s2] =	ssyncset.done $0x0  }
0x68: {  	s22 =	rddreg [dreg:$0xf];
	[sflag:s2] =	ssyncadd.s32 $0xFFFFF000  }
0x69: {  	[spmem:s22] =	stream.linear.scatter [tilespmem:s0], [sflag:$0x3], $0x1000, $0x38;
	[tilespmem:$0x1C000] =	vst v63  }
0x6a: {  	_ =	swait.ge [sflag:s2], $0x1000  }
0x6b: {  	[sflag:s2] =	ssyncset.done $0x0  }
0x6c: {  	s23 =	rddreg [dreg:$0x11];
	[sflag:s2] =	ssyncadd.s32 $0xFFFFF000  }
0x6d: {  	[spmem:s23] =	stream.linear.scatter [tilespmem:s0], [sflag:$0x3], $0x1000, $0x38;
	[tilespmem:$0x1C000] =	vst v63  }
0x6e: {  	_ =	swait.ge [sflag:s2], $0x1000  }
0x6f: {  	[sflag:s2] =	ssyncset.done $0x0  }
0x70: {  	s24 =	rddreg [dreg:$0x12];
	[sflag:s2] =	ssyncadd.s32 $0xFFFFF000  }
0x71: {  	[spmem:s24] =	stream.linear.scatter [tilespmem:s0], [sflag:$0x3], $0x1000, $0x38;
	[tilespmem:$0x1C000] =	vst v63  }
0x72: {  	_ =	swait.ge [sflag:s2], $0x1000  }
0x73: {  	[sflag:s2] =	ssyncset.done $0x0  }
0x74: {  	[sflag:s2] =	ssyncadd.s32 $0xFFFFF000  }
0x75: {  	[spmem:s26] =	stream.linear.scatter [tilespmem:s0], [sflag:$0x3], $0x1000, $0x38;
	[tilespmem:$0x1C000] =	vst v63  }
0x76: {  	_ =	swait.ge [sflag:s2], $0x1000  }
0x77: {  	[sflag:s2] =	ssyncset.done $0x0  }
0x78: {  	[sflag:s2] =	ssyncadd.s32 $0xFFFFF000  }
0x79: {  	[spmem:s28] =	stream.linear.scatter [tilespmem:s0], [sflag:$0x3], $0x1000, $0x38;
	[tilespmem:$0x1C000] =	vst v63  }
0x7a: {  	_ =	swait.ge [sflag:s2], $0x1000  }
0x7b: {  	[sflag:s2] =	ssyncset.done $0x0  }
0x7c: {  	[sflag:s2] =	ssyncadd.s32 $0xFFFFF000  }
0x7d: {  	[spmem:s29] =	stream.linear.scatter [tilespmem:s0], [sflag:$0x3], $0x1000, $0x38;
	[tilespmem:$0x1C000] =	vst v63  }
0x7e: {  	_ =	swait.ge [sflag:s2], $0x1000  }
0x7f: {  	[sflag:s2] =	ssyncset.done $0x0  }
0x80: {  	[sflag:s2] =	ssyncadd.s32 $0xFFFFF000  }
0x81: {  	[spmem:s30] =	stream.linear.scatter [tilespmem:s0], [sflag:$0x3], $0x1000, $0x38;
	[tilespmem:$0x1C000] =	vst v63  }
.Ltmp3:
0x82: {  	_ =	swait.ge [sflag:s2], $0x1000;
	(pc) =	sbr.rel .LBB2_4-.Ltmp3, $4  }
0x83: {  	[sflag:s2] =	ssyncset.done $0x0  }
0x84: {  	[sflag:s2] =	ssyncadd.s32 $0xFFFFF000  }
0x85: {  	[bflag:$0x0] =	sbarrier.arrive $0xFFFF  }
0x86: {  	s21 =	simm.s32 $0x0  }
.LBB2_7:
0x87: {  	[spmem:s1] =	stream.indirect.scatter.add.f32 [tilespmem:s15], [sflag:$0x2], $0x80, s23, s11, $0xb8;
	[tilespmem:$0x1C000] =	vst v63  }
0x88: {  	s22 =	simm.s32 $0x4  }
.LBB2_11:
0x89: {  	_ =	swait.ge [sflag:s13], $0x2800  }
0x8a: {  	[sflag:s13] =	ssyncset.done $0x0  }
0x8b: {  	[sflag:s13] =	ssyncadd.s32 $0xFFFFD800  }
0x8c: {  	s21 =	sadd.s32 $0x1, s21;
	_ =	swait.ge [sflag:s16], $0x2800  }
0x8d: {  	p1 =	sne.s32 s21, $0xA;
	[sflag:s16] =	ssyncset.done $0x0  }
.Ltmp4:
0x8e: {  	[sflag:s16] =	ssyncadd.s32 $0xFFFFD800;
	(pc) =	sbr.rel @!p1 .LBB2_12-.Ltmp4, $4  }
0x8f: {  	[spmem:s1] =	stream.indirect.scatter.add.f32 [tilespmem:s12], [sflag:s22], $0x80, s19, s11, $0xb8;
	[tilespmem:$0x1C000] =	vst v63  }
0x90: {  	_ =	swait.ge [sflag:s22], $0x2800  }
0x91: {  	[sflag:s22] =	ssyncset.done $0x0  }
0x92: {  	[sflag:s22] =	ssyncadd.s32 $0xFFFFD800  }
.LBB2_4:
0x93: {  	s22 =	sadd.s32 s31, s21  }
0x94: {  	s22 =	sshll.u32 s22, $0x9  }
0x95: {  	s23 =	sadd.s32 s4, s22  }
0x96: {  	[tilespmem:s3], [sflag:$0x4] =	stream.linear.gather [hbm4b:s23+s3], $0xC80, $0x38;
	[tilespmem:$0x1C000] =	vst v63  }
0x97: {  	_ =	swait.ge [sflag:s9], $0xC80  }
0x98: {  	[sflag:s9] =	ssyncset.done $0x0  }
.Ltmp5:
0x99: {  	s22 =	sadd.s32 s5, s22;
	[sflag:s9] =	ssyncadd.s32 $0xFFFFF380;
	(pc) =	sbr.rel @p0 .LBB2_8-.Ltmp5, $4  }
0x9a: {  	[tilespmem:s10], [sflag:$0x4] =	stream.linear.gather [hbm4b:s22+s3], $0xC80, $0x38;
	[tilespmem:$0x1C000] =	vst v63  }
0x9b: {  	_ =	swait.ge [sflag:s9], $0xC80  }
0x9c: {  	[sflag:s9] =	ssyncset.done $0x0  }
0x9d: {  	[sflag:s9] =	ssyncadd.s32 $0xFFFFF380  }
0x9e: {  	[tilespmem:s12], [sflag:$0x1] =	stream.indirect.gather [hbm4b:s6+s11], $0x80, s3, s11, $0xb8;
	[tilespmem:$0x1C000] =	vst v63  }
0x9f: {  	_ =	swait.ge [sflag:s13], $0x2800  }
0xa0: {  	[sflag:s13] =	ssyncset.done $0x0  }
0xa1: {  	[sflag:s13] =	ssyncadd.s32 $0xFFFFD800  }
0xa2: {  	[tilespmem:s15], [sflag:$0x1] =	stream.indirect.gather [hbm4b:s6+s11], $0x80, s14, s11, $0xb8;
	[tilespmem:$0x1C000] =	vst v63  }
0xa3: {  	_ = 	snop  }
0xa4: {  	[spmem:s1] =	stream.indirect.scatter.add.f32 [tilespmem:s12], [sflag:$0x2], $0x80, s10, s11, $0xb8;
	[tilespmem:$0x1C000] =	vst v63  }
0xa5: {  	_ =	swait.ge [sflag:s13], $0x2800  }
0xa6: {  	[sflag:s13] =	ssyncset.done $0x0  }
0xa7: {  	[sflag:s13] =	ssyncadd.s32 $0xFFFFD800  }
0xa8: {  	_ =	swait.ge [sflag:s16], $0x2800  }
0xa9: {  	[sflag:s16] =	ssyncset.done $0x0  }
0xaa: {  	[sflag:s16] =	ssyncadd.s32 $0xFFFFD800  }
0xab: {  	[tilespmem:s12], [sflag:$0x1] =	stream.indirect.gather [hbm4b:s6+s11], $0x80, s17, s11, $0xb8;
	[tilespmem:$0x1C000] =	vst v63  }
0xac: {  	_ = 	snop  }
0xad: {  	[spmem:s1] =	stream.indirect.scatter.add.f32 [tilespmem:s15], [sflag:$0x2], $0x80, s18, s11, $0xb8;
	[tilespmem:$0x1C000] =	vst v63  }
0xae: {  	_ =	swait.ge [sflag:s13], $0x2800  }
0xaf: {  	[sflag:s13] =	ssyncset.done $0x0  }
0xb0: {  	[sflag:s13] =	ssyncadd.s32 $0xFFFFD800  }
0xb1: {  	_ =	swait.ge [sflag:s16], $0x2800  }
0xb2: {  	[sflag:s16] =	ssyncset.done $0x0  }
0xb3: {  	s22 =	simm.s32 $0x180;
	[sflag:s16] =	ssyncadd.s32 $0xFFFFD800  }
0xb4: {  	[tilespmem:s15], [sflag:$0x1] =	stream.indirect.gather [hbm4b:s6+s11], $0x80, s22, s11, $0xb8;
	[tilespmem:$0x1C000] =	vst v63  }
0xb5: {  	s23 =	simm.s32 $0x1100  }
0xb6: {  	[spmem:s1] =	stream.indirect.scatter.add.f32 [tilespmem:s12], [sflag:$0x2], $0x80, s23, s11, $0xb8;
	[tilespmem:$0x1C000] =	vst v63  }
0xb7: {  	_ =	swait.ge [sflag:s13], $0x2800  }
0xb8: {  	p1 =	por $0x0, $0x0;
	[sflag:s13] =	ssyncset.done $0x0  }
.Ltmp6:
0xb9: {  	[sflag:s13] =	ssyncadd.s32 $0xFFFFD800;
	(pc) =	sbr.rel @p1 .LBB2_7-.Ltmp6, $4  }
0xba: {  	_ =	swait.ge [sflag:s16], $0x2800  }
0xbb: {  	s24 =	simm.s32 $0x200;
	[sflag:s16] =	ssyncset.done $0x0  }
0xbc: {  	s22 =	simm.s32 $0xFFFFD800;
	s23 =	simm.s32 $0x1180;
	[sflag:s16] =	ssyncadd.s32 $0xFFFFD800  }
0xbd: {  	[tilespmem:s12], [sflag:$0x1] =	stream.indirect.gather [hbm4b:s6+s11], $0x80, s24, s11, $0xb8;
	[tilespmem:$0x1C000] =	vst v63  }
.LBB2_6:
0xbe: {  	[spmem:s1] =	stream.indirect.scatter.add.f32 [tilespmem:s15], [sflag:$0x2], $0x80, s23, s11, $0xb8;
	[tilespmem:$0x1C000] =	vst v63  }
0xbf: {  	s23 =	smov.u32 s22  }
0xc0: {  	p1 =	seq.s32 s22, $0xFFFFFC00;
	s22 =	sadd.s32 $0x400, s22;
	_ =	swait.ge [sflag:s13], $0x2800  }
0xc1: {  	[sflag:s13] =	ssyncset.done $0x0  }
0xc2: {  	[sflag:s13] =	ssyncadd.s32 $0xFFFFD800  }
0xc3: {  	_ =	swait.ge [sflag:s16], $0x2800  }
0xc4: {  	s23 =	sshra.s32 s23, $0x2;
	[sflag:s16] =	ssyncset.done $0x0  }
0xc5: {  	s24 =	sadd.s32 $0xC80, s23;
	[sflag:s16] =	ssyncadd.s32 $0xFFFFD800  }
0xc6: {  	[tilespmem:s15], [sflag:$0x1] =	stream.indirect.gather [hbm4b:s6+s11], $0x80, s24, s11, $0xb8;
	[tilespmem:$0x1C000] =	vst v63  }
0xc7: {  	s24 =	sadd.s32 $0x1C00, s23  }
0xc8: {  	[spmem:s1] =	stream.indirect.scatter.add.f32 [tilespmem:s12], [sflag:$0x2], $0x80, s24, s11, $0xb8;
	[tilespmem:$0x1C000] =	vst v63  }
0xc9: {  	_ =	swait.ge [sflag:s13], $0x2800  }
0xca: {  	[sflag:s13] =	ssyncset.done $0x0  }
0xcb: {  	[sflag:s13] =	ssyncadd.s32 $0xFFFFD800  }
.Ltmp7:
0xcc: {  	_ =	swait.ge [sflag:s16], $0x2800;
	(pc) =	sbr.rel @!p1 .LBB2_6-.Ltmp7, $4  }
0xcd: {  	[sflag:s16] =	ssyncset.done $0x0  }
0xce: {  	s24 =	sadd.s32 $0xD00, s23;
	[sflag:s16] =	ssyncadd.s32 $0xFFFFD800  }
0xcf: {  	[tilespmem:s12], [sflag:$0x1] =	stream.indirect.gather [hbm4b:s6+s11], $0x80, s24, s11, $0xb8;
	[tilespmem:$0x1C000] =	vst v63  }
0xd0: {  	s23 =	sadd.s32 $0x1C80, s23  }
.Ltmp8:
0xd1: {  	_ = 	snop;
	(pc) =	sbr.rel .LBB2_7-.Ltmp8, $1  }
0xd2: {  	_ =	sdelay $0x3  }
.LBB2_8:
0xd3: {  	[tilespmem:s12], [sflag:$0x1] =	stream.indirect.gather [hbm4b:s7+s11], $0x80, s3, s11, $0xb8;
	[tilespmem:$0x1C000] =	vst v63  }
0xd4: {  	_ =	swait.ge [sflag:s13], $0x2800  }
0xd5: {  	[sflag:s13] =	ssyncset.done $0x0  }
0xd6: {  	[sflag:s13] =	ssyncadd.s32 $0xFFFFD800  }
0xd7: {  	[tilespmem:s15], [sflag:$0x1] =	stream.indirect.gather [hbm4b:s7+s11], $0x80, s14, s11, $0xb8;
	[tilespmem:$0x1C000] =	vst v63  }
0xd8: {  	_ = 	snop  }
0xd9: {  	[spmem:s1] =	stream.indirect.scatter.add.f32 [tilespmem:s12], [sflag:$0x2], $0x80, s10, s11, $0xb8;
	[tilespmem:$0x1C000] =	vst v63  }
0xda: {  	_ =	swait.ge [sflag:s13], $0x2800  }
0xdb: {  	[sflag:s13] =	ssyncset.done $0x0  }
0xdc: {  	[sflag:s13] =	ssyncadd.s32 $0xFFFFD800  }
0xdd: {  	_ =	swait.ge [sflag:s16], $0x2800  }
0xde: {  	[sflag:s16] =	ssyncset.done $0x0  }
0xdf: {  	[sflag:s16] =	ssyncadd.s32 $0xFFFFD800  }
0xe0: {  	[tilespmem:s12], [sflag:$0x1] =	stream.indirect.gather [hbm4b:s7+s11], $0x80, s17, s11, $0xb8;
	[tilespmem:$0x1C000] =	vst v63  }
0xe1: {  	_ = 	snop  }
0xe2: {  	[spmem:s1] =	stream.indirect.scatter.add.f32 [tilespmem:s15], [sflag:$0x2], $0x80, s18, s11, $0xb8;
	[tilespmem:$0x1C000] =	vst v63  }
0xe3: {  	_ =	swait.ge [sflag:s13], $0x2800  }
0xe4: {  	[sflag:s13] =	ssyncset.done $0x0  }
0xe5: {  	[sflag:s13] =	ssyncadd.s32 $0xFFFFD800  }
0xe6: {  	_ =	swait.ge [sflag:s16], $0x2800  }
0xe7: {  	[sflag:s16] =	ssyncset.done $0x0  }
0xe8: {  	s22 =	simm.s32 $0x180;
	[sflag:s16] =	ssyncadd.s32 $0xFFFFD800  }
0xe9: {  	[tilespmem:s15], [sflag:$0x1] =	stream.indirect.gather [hbm4b:s7+s11], $0x80, s22, s11, $0xb8;
	[tilespmem:$0x1C000] =	vst v63  }
0xea: {  	s23 =	simm.s32 $0x1100  }
0xeb: {  	[spmem:s1] =	stream.indirect.scatter.add.f32 [tilespmem:s12], [sflag:$0x2], $0x80, s23, s11, $0xb8;
	[tilespmem:$0x1C000] =	vst v63  }
0xec: {  	_ =	swait.ge [sflag:s13], $0x2800  }
0xed: {  	[sflag:s13] =	ssyncset.done $0x0  }
0xee: {  	[sflag:s13] =	ssyncadd.s32 $0xFFFFD800  }
0xef: {  	_ =	swait.ge [sflag:s16], $0x2800  }
0xf0: {  	s24 =	simm.s32 $0x200;
	[sflag:s16] =	ssyncset.done $0x0  }
0xf1: {  	s22 =	simm.s32 $0xFFFFD800;
	s23 =	simm.s32 $0x1180;
	[sflag:s16] =	ssyncadd.s32 $0xFFFFD800  }
0xf2: {  	[tilespmem:s12], [sflag:$0x1] =	stream.indirect.gather [hbm4b:s7+s11], $0x80, s24, s11, $0xb8;
	[tilespmem:$0x1C000] =	vst v63  }
.LBB2_9:
0xf3: {  	[spmem:s1] =	stream.indirect.scatter.add.f32 [tilespmem:s15], [sflag:$0x2], $0x80, s23, s11, $0xb8;
	[tilespmem:$0x1C000] =	vst v63  }
0xf4: {  	s23 =	smov.u32 s22  }
0xf5: {  	p1 =	sne.s32 s22, $0xFFFFFC00;
	s22 =	sadd.s32 $0x400, s22;
	_ =	swait.ge [sflag:s13], $0x2800  }
0xf6: {  	[sflag:s13] =	ssyncset.done $0x0  }
0xf7: {  	[sflag:s13] =	ssyncadd.s32 $0xFFFFD800  }
0xf8: {  	_ =	swait.ge [sflag:s16], $0x2800  }
0xf9: {  	s23 =	sshra.s32 s23, $0x2;
	[sflag:s16] =	ssyncset.done $0x0  }
0xfa: {  	s24 =	sadd.s32 $0xC80, s23;
	[sflag:s16] =	ssyncadd.s32 $0xFFFFD800  }
0xfb: {  	[tilespmem:s15], [sflag:$0x1] =	stream.indirect.gather [hbm4b:s7+s11], $0x80, s24, s11, $0xb8;
	[tilespmem:$0x1C000] =	vst v63  }
0xfc: {  	s24 =	sadd.s32 $0x1C00, s23  }
0xfd: {  	[spmem:s1] =	stream.indirect.scatter.add.f32 [tilespmem:s12], [sflag:$0x2], $0x80, s24, s11, $0xb8;
	[tilespmem:$0x1C000] =	vst v63  }
0xfe: {  	_ =	swait.ge [sflag:s13], $0x2800  }
0xff: {  	[sflag:s13] =	ssyncset.done $0x0  }
0x100: {  	[sflag:s13] =	ssyncadd.s32 $0xFFFFD800  }
.Ltmp9:
0x101: {  	_ =	swait.ge [sflag:s16], $0x2800;
	(pc) =	sbr.rel @p1 .LBB2_9-.Ltmp9, $4  }
0x102: {  	[sflag:s16] =	ssyncset.done $0x0  }
0x103: {  	s24 =	sadd.s32 $0xD00, s23;
	[sflag:s16] =	ssyncadd.s32 $0xFFFFD800  }
0x104: {  	[tilespmem:s12], [sflag:$0x1] =	stream.indirect.gather [hbm4b:s7+s11], $0x80, s24, s11, $0xb8;
	[tilespmem:$0x1C000] =	vst v63  }
0x105: {  	s23 =	sadd.s32 $0x1C80, s23  }
.Ltmp10:
0x106: {  	(pc) =	sbr.rel .LBB2_11-.Ltmp10, $3  }
0x107: {  	_ =	sdelay $0x1  }
0x108: {  	[spmem:s1] =	stream.indirect.scatter.add.f32 [tilespmem:s15], [sflag:$0x2], $0x80, s23, s11, $0xb8;
	[tilespmem:$0x1C000] =	vst v63  }
0x109: {  	s22 =	simm.s32 $0x3  }
.LBB2_13:
0x10a: {  	_ =	sfence.sel $0x180000  }
0x10b: {  	[bflag:$0x0] =	sbarrier.arrive $0xFFFF  }
0x10c: {  	_ =	strace $0x9000004A  }
0x10d: {  	s0 =	stileid.u32;
	[bflag:$0x2] =	sbarrier.arrive $0xFFFF  }
0x10e: {  	p0 =	sne.s32 s0, $0x0;
	s0 =	rddreg [dreg:$0x2]  }
0x10f: {  	s0 =	sadd.s32 @!p0 $0x100000, s0  }
0x110: {  	[sflag:s0] =	ssyncadd.tile.s32 @!p0 $0x1;
	_ =	shalt  }
.Lfunc_end2:
_tile_overlayer_lowered:
.L_overlay_start_2:
0x111: {  	(tag) =	ssettag $0x2  }
0x112: {  	s0 =	rddreg [dreg:$0x0];
	s2 =	stileid.u32  }
0x113: {  	s1 =	rddreg [dreg:$0x1];
	p0 =	sne.s32 s2, $0x0  }
0x114: {  	s3 =	rddreg [dreg:$0x2];
	[bflag:$0x3] =	sbarrier.arrive $0xFFFF;
	s2 =	simm.s32 @!p0 $0x1C03  }
0x115: {  	[timem:s3], [sflag:s2] =	dma.local @!p0 [hbm:s0], s1  }
0x116: {  	s0 =	simm.s32 @!p0 $0x3  }
0x117: {  	_ =	swait.ge @!p0 [sflag:s0], s1  }
0x118: {  	s1 =	ssub.s32 @!p0 $0x0, s1;
	[sflag:s0] =	ssyncset.done @!p0 $0x0  }
0x119: {  	[sflag:s0] =	ssyncadd.s32 @!p0 s1  }
0x11a: {  	[bflag:$0x3] =	sbarrier.arrive $0xFFFF  }
0x11b: {  	_ =	shalt  }

</sc_bundles>
